<compile_context>
chip_gen: v7x
topology: tpu7x:2x2x1
jax: 0.10.2.dev20260603
libtpu: 0.0.44.dev20260713+nightly
codegen_flags: <defaults>
</compile_context>

<pallas_src>
import jax
import jax.numpy as jnp
from jax import lax
from jax.experimental import pallas as pl
from jax.experimental.pallas import tpu as pltpu
from jax.experimental.pallas import tpu_sc as plsc

NC = 2
NS = 16
NW = NC * NS
N_PAD = 10240
RPT = N_PAD // NS
DW = 16


def _sc_mesh():
    return plsc.VectorSubcoreMesh(
        core_axis_name="c", subcore_axis_name="s", num_cores=NC, num_subcores=NS
    )


def _sc_aggregate(table, src_p, dst_p, ept0, ept1, k, with_deg=False):
    n, d = table.shape
    nstripe = RPT // k
    n0, n1 = ept0 // k, ept1 // k
    out_type = [jax.ShapeDtypeStruct((NC, N_PAD, d), jnp.float32)]
    scratch = [
        pltpu.VMEM((k,), jnp.int32),
        pltpu.VMEM((k,), jnp.int32),
        pltpu.VMEM((k,), jnp.int32),
        pltpu.VMEM((k,), jnp.int32),
        pltpu.VMEM((k, d), jnp.float32),
        pltpu.VMEM((k, d), jnp.float32),
        pltpu.VMEM_SHARED((N_PAD, d), jnp.float32),
        pltpu.SemaphoreType.DMA,
        pltpu.SemaphoreType.DMA,
    ]
    if with_deg:
        out_type.append(jax.ShapeDtypeStruct((NC, N_PAD, d), jnp.float32))

    def body(*refs):
        if with_deg:
            (table_h, src_h, dst_h, aggp, degp,
             srcv0, srcv1, dstv0, dstv1, rows0, rows1, acc, sem0, sem1) = refs
        else:
            (table_h, src_h, dst_h, aggp,
             srcv0, srcv1, dstv0, dstv1, rows0, rows1, acc, sem0, sem1) = refs
        srcv = (srcv0, srcv1)
        dstv = (dstv0, dstv1)
        rowsv = (rows0, rows1)
        sems = (sem0, sem1)
        c = lax.axis_index("c")
        s = lax.axis_index("s")
        r0 = s * RPT
        nchunks = jnp.where(c == 0, n0, n1)
        tile_base = jnp.where(c == 0, s * ept0, NS * ept0 + s * ept1)

        def fill(buf, nrows, val):
            vec = jnp.full((16,), val, jnp.float32)

            def fr(i, carry):
                for c16 in range(d // 16):
                    buf[i, pl.ds(16 * c16, 16)] = vec
                return carry

            lax.fori_loop(0, nrows, fr, 0)

        def zero_acc():
            fill(rows0, k, 0.0)
            for t in range(nstripe):
                pltpu.sync_copy(rows0, acc.at[pl.ds(r0 + t * k, k)])

        def writeback(out_h):
            for t in range(nstripe):
                pltpu.sync_copy(acc.at[pl.ds(r0 + t * k, k)], rows0)
                pltpu.sync_copy(rows0, out_h.at[c, pl.ds(r0 + t * k, k)])

        def load_idx(j, b, with_src):
            base = tile_base + j * k
            if with_src:
                pltpu.sync_copy(src_h.at[pl.ds(base, k)], srcv[b])
            pltpu.sync_copy(dst_h.at[pl.ds(base, k)], dstv[b])

        if with_deg:
            zero_acc()
            fill(rows1, k, 1.0)
            plsc.subcore_barrier()
            for b in range(2):
                load_idx(b, b, False)
                pltpu.async_copy(rows1, acc.at[dstv[b]], sems[b], add=True)

            def dstep(i, carry):
                for b in range(2):
                    j = 2 * i + b
                    pltpu.make_async_copy(rows1, acc.at[dstv[b]], sems[b]).wait()

                    @pl.when(j + 2 < nchunks)
                    def _():
                        load_idx(j + 2, b, False)
                        pltpu.async_copy(rows1, acc.at[dstv[b]], sems[b], add=True)

                return carry

            lax.fori_loop(0, nchunks // 2, dstep, 0)
            plsc.subcore_barrier()
            writeback(degp)
            plsc.subcore_barrier()

        zero_acc()
        plsc.subcore_barrier()
        for b in range(2):
            load_idx(b, b, True)
            pltpu.async_copy(table_h.at[srcv[b]], rowsv[b], sems[b])

        def step(i, carry):
            for b in range(2):
                j = 2 * i + b
                pltpu.make_async_copy(table_h.at[srcv[b]], rowsv[b], sems[b]).wait()
                pltpu.sync_copy(rowsv[b], acc.at[dstv[b]], add=True)

                @pl.when(j + 2 < nchunks)
                def _():
                    load_idx(j + 2, b, True)
                    pltpu.async_copy(table_h.at[srcv[b]], rowsv[b], sems[b])

            return carry

        lax.fori_loop(0, nchunks // 2, step, 0)
        plsc.subcore_barrier()
        writeback(aggp)

    ins = (table, src_p, dst_p)
    return pl.kernel(body, out_type=out_type, mesh=_sc_mesh(), scratch_types=scratch)(*ins)


def _sc_pair_gather(table, idx):
    n, d = table.shape
    b = idx.shape[0]
    k = 128
    per_w = b // NW
    chunks = per_w // k

    def body(table_h, idx_h, out_h, idxv, rows, sem):
        c = lax.axis_index("c")
        s = lax.axis_index("s")
        w = c * NS + s

        def step(j, carry):
            base = w * per_w + j * k
            pltpu.sync_copy(idx_h.at[pl.ds(base, k)], idxv)
            pltpu.async_copy(table_h.at[idxv], rows, sem).wait()
            pltpu.sync_copy(rows, out_h.at[pl.ds(base, k)])
            return carry

        lax.fori_loop(0, chunks, step, 0)

    return pl.kernel(
        body,
        out_type=jax.ShapeDtypeStruct((b, d), jnp.float32),
        mesh=_sc_mesh(),
        scratch_types=[
            pltpu.VMEM((k,), jnp.int32),
            pltpu.VMEM((k, d), jnp.float32),
            pltpu.SemaphoreType.DMA,
        ],
    )(table, idx)


_BLK = 512


def _tc_layer0(h, aggp, degp, Ws, Wn, b):
    n, d = h.shape
    hdim = Ws.shape[1]
    b2 = b.reshape(1, hdim)

    def body(h_ref, a_ref, d_ref, ws_ref, wn_ref, b_ref, o_ref, inv_ref):
        a = a_ref[...]
        agg = a[0] + a[1]
        dg = d_ref[...]
        inv = 1.0 / jnp.maximum((dg[0] + dg[1])[:, :1], 1.0)
        hn = agg * inv
        acc = jnp.dot(h_ref[...], ws_ref[...], preferred_element_type=jnp.float32)
        acc = acc + jnp.dot(hn, wn_ref[...], preferred_element_type=jnp.float32)
        o_ref[...] = jnp.maximum(acc + b_ref[...], 0.0)
        inv_ref[...] = jnp.broadcast_to(inv, (inv.shape[0], DW))

    return pl.pallas_call(
        body,
        grid=(pl.cdiv(N_PAD, _BLK),),
        in_specs=[
            pl.BlockSpec((_BLK, d), lambda i: (i, 0)),
            pl.BlockSpec((NC, _BLK, d), lambda i: (0, i, 0)),
            pl.BlockSpec((NC, _BLK, d), lambda i: (0, i, 0)),
            pl.BlockSpec((d, hdim), lambda i: (0, 0)),
            pl.BlockSpec((d, hdim), lambda i: (0, 0)),
            pl.BlockSpec((1, hdim), lambda i: (0, 0)),
        ],
        out_specs=[
            pl.BlockSpec((_BLK, hdim), lambda i: (i, 0)),
            pl.BlockSpec((_BLK, DW), lambda i: (i, 0)),
        ],
        out_shape=[
            jax.ShapeDtypeStruct((n, hdim), jnp.float32),
            jax.ShapeDtypeStruct((N_PAD, DW), jnp.float32),
        ],
    )(h, aggp, degp, Ws, Wn, b2)


def _tc_layer1(h, aggp, inv_deg, Ws, Wn, b):
    n, d = h.shape
    hdim = Ws.shape[1]
    b2 = b.reshape(1, hdim)

    def body(h_ref, a_ref, inv_ref, ws_ref, wn_ref, b_ref, o_ref):
        a = a_ref[...]
        agg = a[0] + a[1]
        inv = inv_ref[...][:, :1]
        hn = agg * inv
        acc = jnp.dot(h_ref[...], ws_ref[...], preferred_element_type=jnp.float32)
        acc = acc + jnp.dot(hn, wn_ref[...], preferred_element_type=jnp.float32)
        o_ref[...] = jnp.maximum(acc + b_ref[...], 0.0)

    return pl.pallas_call(
        body,
        grid=(pl.cdiv(n, _BLK),),
        in_specs=[
            pl.BlockSpec((_BLK, d), lambda i: (i, 0)),
            pl.BlockSpec((NC, _BLK, d), lambda i: (0, i, 0)),
            pl.BlockSpec((_BLK, DW), lambda i: (i, 0)),
            pl.BlockSpec((d, hdim), lambda i: (0, 0)),
            pl.BlockSpec((d, hdim), lambda i: (0, 0)),
            pl.BlockSpec((1, hdim), lambda i: (0, 0)),
        ],
        out_specs=pl.BlockSpec((_BLK, hdim), lambda i: (i, 0)),
        out_shape=jax.ShapeDtypeStruct((n, hdim), jnp.float32),
    )(h, aggp, inv_deg, Ws, Wn, b2)


def _tc_head(hx, p, W1a, W1b, W1c, bl1, W2p, bl2p):
    hdim = W1a.shape[0]
    cp = W2p.shape[1]
    nblk = p // _BLK
    bl1_2 = bl1.reshape(1, hdim)

    def body(h1_ref, h2_ref, wa_ref, wb_ref, wc_ref, b1_ref, w2_ref, b2_ref, o_ref):
        h1 = h1_ref[...]
        h2 = h2_ref[...]
        z = jnp.dot(h1, wa_ref[...], preferred_element_type=jnp.float32)
        z = z + jnp.dot(h2, wb_ref[...], preferred_element_type=jnp.float32)
        z = z + jnp.dot(jnp.abs(h1 - h2), wc_ref[...], preferred_element_type=jnp.float32)
        z = jnp.maximum(z + b1_ref[...], 0.0)
        o_ref[...] = jnp.dot(z, w2_ref[...], preferred_element_type=jnp.float32) + b2_ref[...]

    return pl.pallas_call(
        body,
        grid=(nblk,),
        in_specs=[
            pl.BlockSpec((_BLK, hdim), lambda i: (i, 0)),
            pl.BlockSpec((_BLK, hdim), lambda i: (i + nblk, 0)),
            pl.BlockSpec((hdim, hdim), lambda i: (0, 0)),
            pl.BlockSpec((hdim, hdim), lambda i: (0, 0)),
            pl.BlockSpec((hdim, hdim), lambda i: (0, 0)),
            pl.BlockSpec((1, hdim), lambda i: (0, 0)),
            pl.BlockSpec((hdim, cp), lambda i: (0, 0)),
            pl.BlockSpec((1, cp), lambda i: (0, 0)),
        ],
        out_specs=pl.BlockSpec((_BLK, cp), lambda i: (i, 0)),
        out_shape=jax.ShapeDtypeStruct((p, cp), jnp.float32),
    )(hx, hx, W1a, W1b, W1c, bl1_2, W2p, bl2p.reshape(1, cp))


def kernel(h, edge_index, x1, x2, Ws0, Wn0, b0, Ws1, Wn1, b1, W1, bl1, W2, bl2):
    n, d = h.shape
    e = edge_index.shape[1]
    p = x1.shape[0]
    hdim = Ws0.shape[1]
    c_out = W2.shape[1]

    def _split(f0):
        ept0 = max(256, int(round(e * f0 / NS / 256)) * 256)
        ept1 = (e - NS * ept0 + NS * 256 - 1) // (NS * 256) * 256
        return ept0, ept1

    ept0a, ept1a = _split(0.35)
    ept0b, ept1b = _split(0.35)
    def _pad_edges(pad):
        src_p = jnp.concatenate([edge_index[0], jnp.zeros((pad,), jnp.int32)])
        dst_p = jnp.concatenate(
            [edge_index[1], n + jnp.arange(pad, dtype=jnp.int32) % (N_PAD - n)]
        )
        return src_p, dst_p

    src_pa, dst_pa = _pad_edges(NS * (ept0a + ept1a) - e)
    src_pb, dst_pb = _pad_edges(NS * (ept0b + ept1b) - e)

    aggp0, degp = _sc_aggregate(h, src_pa, dst_pa, ept0a, ept1a, k=128, with_deg=True)
    h1, inv_deg = _tc_layer0(h, aggp0, degp, Ws0, Wn0, b0)
    (aggp1,) = _sc_aggregate(h1, src_pb, dst_pb, ept0b, ept1b, k=128)
    h2 = _tc_layer1(h1, aggp1, inv_deg, Ws1, Wn1, b1)

    hx = _sc_pair_gather(h2, jnp.concatenate([x1, x2]))

    W1a, W1b, W1c = W1[:hdim], W1[hdim : 2 * hdim], W1[2 * hdim :]
    cp = 8
    W2p = jnp.pad(W2, ((0, 0), (0, cp - c_out)))
    bl2p = jnp.pad(bl2, (0, cp - c_out))
    out = _tc_head(hx, p, W1a, W1b, W1c, bl1, W2p, bl2p)
    return out[:, :c_out]

# --- scband reference (transcript-rebuilt; emitter-appended) ---
"""Pipeline reference for scband-graph-sage-14190571946097 (READ-ONLY COPY).

The authoritative reference and input builder live on the scoring server;
editing this copy changes nothing except your own understanding.
"""

import jax, jax.numpy as jnp
import numpy as np

N = 10000
E = 320000
D = 128
H = 128
C = 2
P = 8192


def setup_inputs(seed: int = 0) -> dict:
    key = jax.random.key(seed)
    ks = jax.random.split(key, 16)
    h = jax.random.normal(ks[0], (N, D), dtype=jnp.float32)
    edge_index = jax.random.randint(ks[1], (2, E), 0, N, dtype=jnp.int32)
    x1 = jax.random.randint(ks[2], (P,), 0, N, dtype=jnp.int32)
    x2 = jax.random.randint(ks[3], (P,), 0, N, dtype=jnp.int32)
    # SAGEConv layer 0 (in_feats=D -> n_hidden=H): fc_self, fc_neigh, bias
    Ws0 = jax.random.normal(ks[4], (D, H), dtype=jnp.float32) * (1.0 / np.sqrt(D))
    Wn0 = jax.random.normal(ks[5], (D, H), dtype=jnp.float32) * (1.0 / np.sqrt(D))
    b0 = jnp.zeros((H,), dtype=jnp.float32)
    # SAGEConv layer 1 (H -> H)
    Ws1 = jax.random.normal(ks[6], (H, H), dtype=jnp.float32) * (1.0 / np.sqrt(H))
    Wn1 = jax.random.normal(ks[7], (H, H), dtype=jnp.float32) * (1.0 / np.sqrt(H))
    b1 = jnp.zeros((H,), dtype=jnp.float32)
    # linear1: (3*H -> H), linear2: (H -> C)
    W1 = jax.random.normal(ks[8], (3 * H, H), dtype=jnp.float32) * (1.0 / np.sqrt(3 * H))
    bl1 = jnp.zeros((H,), dtype=jnp.float32)
    W2 = jax.random.normal(ks[9], (H, C), dtype=jnp.float32) * (1.0 / np.sqrt(H))
    bl2 = jnp.zeros((C,), dtype=jnp.float32)
    return {"h": h, "edge_index": edge_index, "x1": x1, "x2": x2,
            "Ws0": Ws0, "Wn0": Wn0, "b0": b0,
            "Ws1": Ws1, "Wn1": Wn1, "b1": b1,
            "W1": W1, "bl1": bl1, "W2": W2, "bl2": bl2}


def _sage_layer(h, edge_index, Ws, Wn, b):
    # DGL SAGEConv, aggregator_type='mean', feat_drop=0, activation=relu
    src = edge_index[0]
    dst = edge_index[1]
    msg = jnp.take(h, src, axis=0)                      # gather src features per edge
    agg = jax.ops.segment_sum(msg, dst, num_segments=N) # scatter-add to dst
    deg = jax.ops.segment_sum(jnp.ones((edge_index.shape[1],), jnp.float32), dst, num_segments=N)
    h_neigh = agg / jnp.clip(deg, 1.0, None)[:, None]   # mean over incoming edges
    rst = h @ Ws + h_neigh @ Wn + b                     # fc_self + fc_neigh + bias
    return jax.nn.relu(rst)


def reference(h, edge_index, x1, x2, Ws0, Wn0, b0, Ws1, Wn1, b1, W1, bl1, W2, bl2):
    h = _sage_layer(h, edge_index, Ws0, Wn0, b0)
    h = _sage_layer(h, edge_index, Ws1, Wn1, b1)
    h1 = jnp.take(h, x1, axis=0)
    h2 = jnp.take(h, x2, axis=0)
    z = jnp.concatenate([h1, h2, jnp.abs(h1 - h2)], axis=1)
    z = jax.nn.relu(z @ W1 + bl1)
    # NOTE: dense1_bn is defined in __init__ but never applied in forward
    return z @ W2 + bl2

if __name__ == "__main__":
    import jax
    _d = setup_inputs()
    print(jax.jit(kernel)(*tuple(_d.values())))

</pallas_src>

<mosaic_0001>
#map = affine_map<(d0, d1) -> (0, 0)>
#map1 = affine_map<(d0, d1) -> (0)>
#map2 = affine_map<(d0, d1) -> (0, 0, 0)>
module attributes {stable_mosaic.version = 14 : i64} {
  func.func @body(%arg0: i32, %arg1: i32, %arg2: memref<10000x128xf32, #tpu.memory_space<hbm>>, %arg3: memref<323584xi32, #tpu.memory_space<hbm>>, %arg4: memref<323584xi32, #tpu.memory_space<hbm>>, %arg5: memref<2x10240x128xf32, #tpu.memory_space<hbm>>, %arg6: memref<2x10240x128xf32, #tpu.memory_space<hbm>>, %arg7: memref<128xi32, #tpu.memory_space<vmem>>, %arg8: memref<128xi32, #tpu.memory_space<vmem>>, %arg9: memref<128xi32, #tpu.memory_space<vmem>>, %arg10: memref<128xi32, #tpu.memory_space<vmem>>, %arg11: memref<128x128xf32, #tpu.memory_space<vmem>>, %arg12: memref<128x128xf32, #tpu.memory_space<vmem>>, %arg13: memref<10240x128xf32, #tpu.memory_space<vmem_shared>>, %arg14: memref<!tpu.dma_semaphore, #tpu.memory_space<semaphore_mem>>, %arg15: memref<!tpu.dma_semaphore, #tpu.memory_space<semaphore_mem>>) attributes {dimension_semantics = [#tpu.dimension_semantics<core_parallel>, #tpu.dimension_semantics<subcore_parallel>], iteration_bounds = array<i64: 2, 16>, scalar_prefetch = 0 : i64, scratch_operands = 9 : i64, tpu.core_type = #tpu.core_type<sc_vector_subcore>, window_params = [{transform_indices = #map}, {transform_indices = #map1}, {transform_indices = #map1}, {transform_indices = #map2}, {transform_indices = #map2}]} {
    %mul3A = arith.constant 640 : i32
    %mul3A_0 = arith.muli %arg1, %mul3A : i32
    %eq3A = arith.constant 0 : i32
    %eq3A_1 = arith.cmpi eq, %arg0, %eq3A : i32
    %jit3A = arith.constant 54 : i32
    %jit3A_2 = arith.constant 104 : i32
    %select_n3A = arith.select %eq3A_1, %jit3A, %jit3A_2 : i32
    %eq3A_3 = arith.constant 0 : i32
    %eq3A_4 = arith.cmpi eq, %arg0, %eq3A_3 : i32
    %mul3A_5 = arith.constant 6912 : i32
    %mul3A_6 = arith.muli %arg1, %mul3A_5 : i32
    %mul3A_7 = arith.constant 13312 : i32
    %mul3A_8 = arith.muli %arg1, %mul3A_7 : i32
    %add3A = arith.constant 110592 : i32
    %add3A_9 = arith.addi %add3A, %mul3A_8 : i32
    %select_n3A_10 = arith.select %eq3A_4, %mul3A_6, %add3A_9 : i32
    %broadcast_in_dim3A = arith.constant 0.000000e+00 : f32
    %broadcast_in_dim3A_11 = vector.broadcast %broadcast_in_dim3A : f32 to vector<16xf32>
    %scan3A = arith.constant 0 : i32
    %scan3A_12 = arith.constant 0 : i32
    %scan3A_13 = arith.constant 128 : i32
    %scan3A_14 = arith.addi %scan3A_12, %scan3A_13 : i32
    %scan3A_15 = arith.constant 1 : i32
    scf.for %scan3A_177 = %scan3A_12 to %scan3A_14 step %scan3A_15  : i32 {
      %swap3A = arith.index_cast %scan3A_177 : i32 to index
      %swap3A_178 = arith.constant 0 : index
      %swap3A_179 = tpu.vector_load %arg11[%swap3A, %swap3A_178] {strides = array<i32>} : memref<128x128xf32, #tpu.memory_space<vmem>>, vector<1x16xf32>,
      %swap3A_180 = vector.shape_cast %swap3A_179 : vector<1x16xf32> to vector<16xf32>
      %swap3A_181 = vector.shape_cast %broadcast_in_dim3A_11 : vector<16xf32> to vector<1x16xf32>
      tpu.vector_store %arg11[%swap3A, %swap3A_178], %swap3A_181 {strides = array<i32>} : memref<128x128xf32, #tpu.memory_space<vmem>>, vector<1x16xf32>,
      %swap3A_182 = arith.index_cast %scan3A_177 : i32 to index
      %swap3A_183 = arith.constant 16 : index
      %swap3A_184 = tpu.vector_load %arg11[%swap3A_182, %swap3A_183] {strides = array<i32>} : memref<128x128xf32, #tpu.memory_space<vmem>>, vector<1x16xf32>,
      %swap3A_185 = vector.shape_cast %swap3A_184 : vector<1x16xf32> to vector<16xf32>
      %swap3A_186 = vector.shape_cast %broadcast_in_dim3A_11 : vector<16xf32> to vector<1x16xf32>
      tpu.vector_store %arg11[%swap3A_182, %swap3A_183], %swap3A_186 {strides = array<i32>} : memref<128x128xf32, #tpu.memory_space<vmem>>, vector<1x16xf32>,
      %swap3A_187 = arith.index_cast %scan3A_177 : i32 to index
      %swap3A_188 = arith.constant 32 : index
      %swap3A_189 = tpu.vector_load %arg11[%swap3A_187, %swap3A_188] {strides = array<i32>} : memref<128x128xf32, #tpu.memory_space<vmem>>, vector<1x16xf32>,
      %swap3A_190 = vector.shape_cast %swap3A_189 : vector<1x16xf32> to vector<16xf32>
      %swap3A_191 = vector.shape_cast %broadcast_in_dim3A_11 : vector<16xf32> to vector<1x16xf32>
      tpu.vector_store %arg11[%swap3A_187, %swap3A_188], %swap3A_191 {strides = array<i32>} : memref<128x128xf32, #tpu.memory_space<vmem>>, vector<1x16xf32>,
      %swap3A_192 = arith.index_cast %scan3A_177 : i32 to index
      %swap3A_193 = arith.constant 48 : index
      %swap3A_194 = tpu.vector_load %arg11[%swap3A_192, %swap3A_193] {strides = array<i32>} : memref<128x128xf32, #tpu.memory_space<vmem>>, vector<1x16xf32>,
      %swap3A_195 = vector.shape_cast %swap3A_194 : vector<1x16xf32> to vector<16xf32>
      %swap3A_196 = vector.shape_cast %broadcast_in_dim3A_11 : vector<16xf32> to vector<1x16xf32>
      tpu.vector_store %arg11[%swap3A_192, %swap3A_193], %swap3A_196 {strides = array<i32>} : memref<128x128xf32, #tpu.memory_space<vmem>>, vector<1x16xf32>,
      %swap3A_197 = arith.index_cast %scan3A_177 : i32 to index
      %swap3A_198 = arith.constant 64 : index
      %swap3A_199 = tpu.vector_load %arg11[%swap3A_197, %swap3A_198] {strides = array<i32>} : memref<128x128xf32, #tpu.memory_space<vmem>>, vector<1x16xf32>,
      %swap3A_200 = vector.shape_cast %swap3A_199 : vector<1x16xf32> to vector<16xf32>
      %swap3A_201 = vector.shape_cast %broadcast_in_dim3A_11 : vector<16xf32> to vector<1x16xf32>
      tpu.vector_store %arg11[%swap3A_197, %swap3A_198], %swap3A_201 {strides = array<i32>} : memref<128x128xf32, #tpu.memory_space<vmem>>, vector<1x16xf32>,
      %swap3A_202 = arith.index_cast %scan3A_177 : i32 to index
      %swap3A_203 = arith.constant 80 : index
      %swap3A_204 = tpu.vector_load %arg11[%swap3A_202, %swap3A_203] {strides = array<i32>} : memref<128x128xf32, #tpu.memory_space<vmem>>, vector<1x16xf32>,
      %swap3A_205 = vector.shape_cast %swap3A_204 : vector<1x16xf32> to vector<16xf32>
      %swap3A_206 = vector.shape_cast %broadcast_in_dim3A_11 : vector<16xf32> to vector<1x16xf32>
      tpu.vector_store %arg11[%swap3A_202, %swap3A_203], %swap3A_206 {strides = array<i32>} : memref<128x128xf32, #tpu.memory_space<vmem>>, vector<1x16xf32>,
      %swap3A_207 = arith.index_cast %scan3A_177 : i32 to index
      %swap3A_208 = arith.constant 96 : index
      %swap3A_209 = tpu.vector_load %arg11[%swap3A_207, %swap3A_208] {strides = array<i32>} : memref<128x128xf32, #tpu.memory_space<vmem>>, vector<1x16xf32>,
      %swap3A_210 = vector.shape_cast %swap3A_209 : vector<1x16xf32> to vector<16xf32>
      %swap3A_211 = vector.shape_cast %broadcast_in_dim3A_11 : vector<16xf32> to vector<1x16xf32>
      tpu.vector_store %arg11[%swap3A_207, %swap3A_208], %swap3A_211 {strides = array<i32>} : memref<128x128xf32, #tpu.memory_space<vmem>>, vector<1x16xf32>,
      %swap3A_212 = arith.index_cast %scan3A_177 : i32 to index
      %swap3A_213 = arith.constant 112 : index
      %swap3A_214 = tpu.vector_load %arg11[%swap3A_212, %swap3A_213] {strides = array<i32>} : memref<128x128xf32, #tpu.memory_space<vmem>>, vector<1x16xf32>,
      %swap3A_215 = vector.shape_cast %swap3A_214 : vector<1x16xf32> to vector<16xf32>
      %swap3A_216 = vector.shape_cast %broadcast_in_dim3A_11 : vector<16xf32> to vector<1x16xf32>
      tpu.vector_store %arg11[%swap3A_212, %swap3A_213], %swap3A_216 {strides = array<i32>} : memref<128x128xf32, #tpu.memory_space<vmem>>, vector<1x16xf32>,
    }
    %scan3A_16 = arith.constant 128 : i32
    %add3A_17 = arith.constant 0 : i32
    %add3A_18 = arith.addi %mul3A_0, %add3A_17 : i32
    "tpu.region"() ({
      %run_scoped3A = tpu.sem_alloc : memref<!tpu.dma_semaphore, #tpu.memory_space<semaphore_mem>>
      %dma_start3A_177 = arith.constant 0 : i32
      %dma_start3A_178 = tpu.memref_slice %arg13[%add3A_18, %dma_start3A_177] : memref<10240x128xf32, #tpu.memory_space<vmem_shared>> -> memref<128x128xf32, #tpu.memory_space<vmem_shared>>
      %dma_start3A_179 = arith.constant 0 : i32
      %dma_start3A_180 = tpu.memref_slice %arg13[%add3A_18, %dma_start3A_179] : memref<10240x128xf32, #tpu.memory_space<vmem_shared>> -> memref<128x128xf32, #tpu.memory_space<vmem_shared>>
      tpu.enqueue_dma source(%arg11 : memref<128x128xf32, #tpu.memory_space<vmem>>) target(%dma_start3A_180 : memref<128x128xf32, #tpu.memory_space<vmem_shared>>) target_semaphore(%run_scoped3A : memref<!tpu.dma_semaphore, #tpu.memory_space<semaphore_mem>>)
      %dma_wait3A = arith.constant 0 : i32
      %dma_wait3A_181 = tpu.memref_slice %arg13[%add3A_18, %dma_wait3A] : memref<10240x128xf32, #tpu.memory_space<vmem_shared>> -> memref<128x128xf32, #tpu.memory_space<vmem_shared>>
      %dma_wait3A_182 = arith.constant 0 : i32
      %dma_wait3A_183 = tpu.memref_slice %arg13[%add3A_18, %dma_wait3A_182] : memref<10240x128xf32, #tpu.memory_space<vmem_shared>> -> memref<128x128xf32, #tpu.memory_space<vmem_shared>>
      tpu.wait_dma2 semaphore(%run_scoped3A : memref<!tpu.dma_semaphore, #tpu.memory_space<semaphore_mem>>) src(%arg11 : memref<128x128xf32, #tpu.memory_space<vmem>>) dst(%dma_wait3A_183 : memref<128x128xf32, #tpu.memory_space<vmem_shared>>)
      tpu.yield
    }) : () -> ()
    %add3A_19 = arith.constant 128 : i32
    %add3A_20 = arith.addi %mul3A_0, %add3A_19 : i32
    "tpu.region"() ({
      %run_scoped3A = tpu.sem_alloc : memref<!tpu.dma_semaphore, #tpu.memory_space<semaphore_mem>>
      %dma_start3A_177 = arith.constant 0 : i32
      %dma_start3A_178 = tpu.memref_slice %arg13[%add3A_20, %dma_start3A_177] : memref<10240x128xf32, #tpu.memory_space<vmem_shared>> -> memref<128x128xf32, #tpu.memory_space<vmem_shared>>
      %dma_start3A_179 = arith.constant 0 : i32
      %dma_start3A_180 = tpu.memref_slice %arg13[%add3A_20, %dma_start3A_179] : memref<10240x128xf32, #tpu.memory_space<vmem_shared>> -> memref<128x128xf32, #tpu.memory_space<vmem_shared>>
      tpu.enqueue_dma source(%arg11 : memref<128x128xf32, #tpu.memory_space<vmem>>) target(%dma_start3A_180 : memref<128x128xf32, #tpu.memory_space<vmem_shared>>) target_semaphore(%run_scoped3A : memref<!tpu.dma_semaphore, #tpu.memory_space<semaphore_mem>>)
      %dma_wait3A = arith.constant 0 : i32
      %dma_wait3A_181 = tpu.memref_slice %arg13[%add3A_20, %dma_wait3A] : memref<10240x128xf32, #tpu.memory_space<vmem_shared>> -> memref<128x128xf32, #tpu.memory_space<vmem_shared>>
      %dma_wait3A_182 = arith.constant 0 : i32
      %dma_wait3A_183 = tpu.memref_slice %arg13[%add3A_20, %dma_wait3A_182] : memref<10240x128xf32, #tpu.memory_space<vmem_shared>> -> memref<128x128xf32, #tpu.memory_space<vmem_shared>>
      tpu.wait_dma2 semaphore(%run_scoped3A : memref<!tpu.dma_semaphore, #tpu.memory_space<semaphore_mem>>) src(%arg11 : memref<128x128xf32, #tpu.memory_space<vmem>>) dst(%dma_wait3A_183 : memref<128x128xf32, #tpu.memory_space<vmem_shared>>)
      tpu.yield
    }) : () -> ()
    %add3A_21 = arith.constant 256 : i32
    %add3A_22 = arith.addi %mul3A_0, %add3A_21 : i32
    "tpu.region"() ({
      %run_scoped3A = tpu.sem_alloc : memref<!tpu.dma_semaphore, #tpu.memory_space<semaphore_mem>>
      %dma_start3A_177 = arith.constant 0 : i32
      %dma_start3A_178 = tpu.memref_slice %arg13[%add3A_22, %dma_start3A_177] : memref<10240x128xf32, #tpu.memory_space<vmem_shared>> -> memref<128x128xf32, #tpu.memory_space<vmem_shared>>
      %dma_start3A_179 = arith.constant 0 : i32
      %dma_start3A_180 = tpu.memref_slice %arg13[%add3A_22, %dma_start3A_179] : memref<10240x128xf32, #tpu.memory_space<vmem_shared>> -> memref<128x128xf32, #tpu.memory_space<vmem_shared>>
      tpu.enqueue_dma source(%arg11 : memref<128x128xf32, #tpu.memory_space<vmem>>) target(%dma_start3A_180 : memref<128x128xf32, #tpu.memory_space<vmem_shared>>) target_semaphore(%run_scoped3A : memref<!tpu.dma_semaphore, #tpu.memory_space<semaphore_mem>>)
      %dma_wait3A = arith.constant 0 : i32
      %dma_wait3A_181 = tpu.memref_slice %arg13[%add3A_22, %dma_wait3A] : memref<10240x128xf32, #tpu.memory_space<vmem_shared>> -> memref<128x128xf32, #tpu.memory_space<vmem_shared>>
      %dma_wait3A_182 = arith.constant 0 : i32
      %dma_wait3A_183 = tpu.memref_slice %arg13[%add3A_22, %dma_wait3A_182] : memref<10240x128xf32, #tpu.memory_space<vmem_shared>> -> memref<128x128xf32, #tpu.memory_space<vmem_shared>>
      tpu.wait_dma2 semaphore(%run_scoped3A : memref<!tpu.dma_semaphore, #tpu.memory_space<semaphore_mem>>) src(%arg11 : memref<128x128xf32, #tpu.memory_space<vmem>>) dst(%dma_wait3A_183 : memref<128x128xf32, #tpu.memory_space<vmem_shared>>)
      tpu.yield
    }) : () -> ()
    %add3A_23 = arith.constant 384 : i32
    %add3A_24 = arith.addi %mul3A_0, %add3A_23 : i32
    "tpu.region"() ({
      %run_scoped3A = tpu.sem_alloc : memref<!tpu.dma_semaphore, #tpu.memory_space<semaphore_mem>>
      %dma_start3A_177 = arith.constant 0 : i32
      %dma_start3A_178 = tpu.memref_slice %arg13[%add3A_24, %dma_start3A_177] : memref<10240x128xf32, #tpu.memory_space<vmem_shared>> -> memref<128x128xf32, #tpu.memory_space<vmem_shared>>
      %dma_start3A_179 = arith.constant 0 : i32
      %dma_start3A_180 = tpu.memref_slice %arg13[%add3A_24, %dma_start3A_179] : memref<10240x128xf32, #tpu.memory_space<vmem_shared>> -> memref<128x128xf32, #tpu.memory_space<vmem_shared>>
      tpu.enqueue_dma source(%arg11 : memref<128x128xf32, #tpu.memory_space<vmem>>) target(%dma_start3A_180 : memref<128x128xf32, #tpu.memory_space<vmem_shared>>) target_semaphore(%run_scoped3A : memref<!tpu.dma_semaphore, #tpu.memory_space<semaphore_mem>>)
      %dma_wait3A = arith.constant 0 : i32
      %dma_wait3A_181 = tpu.memref_slice %arg13[%add3A_24, %dma_wait3A] : memref<10240x128xf32, #tpu.memory_space<vmem_shared>> -> memref<128x128xf32, #tpu.memory_space<vmem_shared>>
      %dma_wait3A_182 = arith.constant 0 : i32
      %dma_wait3A_183 = tpu.memref_slice %arg13[%add3A_24, %dma_wait3A_182] : memref<10240x128xf32, #tpu.memory_space<vmem_shared>> -> memref<128x128xf32, #tpu.memory_space<vmem_shared>>
      tpu.wait_dma2 semaphore(%run_scoped3A : memref<!tpu.dma_semaphore, #tpu.memory_space<semaphore_mem>>) src(%arg11 : memref<128x128xf32, #tpu.memory_space<vmem>>) dst(%dma_wait3A_183 : memref<128x128xf32, #tpu.memory_space<vmem_shared>>)
      tpu.yield
    }) : () -> ()
    %add3A_25 = arith.constant 512 : i32
    %add3A_26 = arith.addi %mul3A_0, %add3A_25 : i32
    "tpu.region"() ({
      %run_scoped3A = tpu.sem_alloc : memref<!tpu.dma_semaphore, #tpu.memory_space<semaphore_mem>>
      %dma_start3A_177 = arith.constant 0 : i32
      %dma_start3A_178 = tpu.memref_slice %arg13[%add3A_26, %dma_start3A_177] : memref<10240x128xf32, #tpu.memory_space<vmem_shared>> -> memref<128x128xf32, #tpu.memory_space<vmem_shared>>
      %dma_start3A_179 = arith.constant 0 : i32
      %dma_start3A_180 = tpu.memref_slice %arg13[%add3A_26, %dma_start3A_179] : memref<10240x128xf32, #tpu.memory_space<vmem_shared>> -> memref<128x128xf32, #tpu.memory_space<vmem_shared>>
      tpu.enqueue_dma source(%arg11 : memref<128x128xf32, #tpu.memory_space<vmem>>) target(%dma_start3A_180 : memref<128x128xf32, #tpu.memory_space<vmem_shared>>) target_semaphore(%run_scoped3A : memref<!tpu.dma_semaphore, #tpu.memory_space<semaphore_mem>>)
      %dma_wait3A = arith.constant 0 : i32
      %dma_wait3A_181 = tpu.memref_slice %arg13[%add3A_26, %dma_wait3A] : memref<10240x128xf32, #tpu.memory_space<vmem_shared>> -> memref<128x128xf32, #tpu.memory_space<vmem_shared>>
      %dma_wait3A_182 = arith.constant 0 : i32
      %dma_wait3A_183 = tpu.memref_slice %arg13[%add3A_26, %dma_wait3A_182] : memref<10240x128xf32, #tpu.memory_space<vmem_shared>> -> memref<128x128xf32, #tpu.memory_space<vmem_shared>>
      tpu.wait_dma2 semaphore(%run_scoped3A : memref<!tpu.dma_semaphore, #tpu.memory_space<semaphore_mem>>) src(%arg11 : memref<128x128xf32, #tpu.memory_space<vmem>>) dst(%dma_wait3A_183 : memref<128x128xf32, #tpu.memory_space<vmem_shared>>)
      tpu.yield
    }) : () -> ()
    %broadcast_in_dim3A_27 = arith.constant 1.000000e+00 : f32
    %broadcast_in_dim3A_28 = vector.broadcast %broadcast_in_dim3A_27 : f32 to vector<16xf32>
    %scan3A_29 = arith.constant 0 : i32
    %scan3A_30 = arith.constant 0 : i32
    %scan3A_31 = arith.constant 128 : i32
    %scan3A_32 = arith.addi %scan3A_30, %scan3A_31 : i32
    %scan3A_33 = arith.constant 1 : i32
    scf.for %scan3A_177 = %scan3A_30 to %scan3A_32 step %scan3A_33  : i32 {
      %swap3A = arith.index_cast %scan3A_177 : i32 to index
      %swap3A_178 = arith.constant 0 : index
      %swap3A_179 = tpu.vector_load %arg12[%swap3A, %swap3A_178] {strides = array<i32>} : memref<128x128xf32, #tpu.memory_space<vmem>>, vector<1x16xf32>,
      %swap3A_180 = vector.shape_cast %swap3A_179 : vector<1x16xf32> to vector<16xf32>
      %swap3A_181 = vector.shape_cast %broadcast_in_dim3A_28 : vector<16xf32> to vector<1x16xf32>
      tpu.vector_store %arg12[%swap3A, %swap3A_178], %swap3A_181 {strides = array<i32>} : memref<128x128xf32, #tpu.memory_space<vmem>>, vector<1x16xf32>,
      %swap3A_182 = arith.index_cast %scan3A_177 : i32 to index
      %swap3A_183 = arith.constant 16 : index
      %swap3A_184 = tpu.vector_load %arg12[%swap3A_182, %swap3A_183] {strides = array<i32>} : memref<128x128xf32, #tpu.memory_space<vmem>>, vector<1x16xf32>,
      %swap3A_185 = vector.shape_cast %swap3A_184 : vector<1x16xf32> to vector<16xf32>
      %swap3A_186 = vector.shape_cast %broadcast_in_dim3A_28 : vector<16xf32> to vector<1x16xf32>
      tpu.vector_store %arg12[%swap3A_182, %swap3A_183], %swap3A_186 {strides = array<i32>} : memref<128x128xf32, #tpu.memory_space<vmem>>, vector<1x16xf32>,
      %swap3A_187 = arith.index_cast %scan3A_177 : i32 to index
      %swap3A_188 = arith.constant 32 : index
      %swap3A_189 = tpu.vector_load %arg12[%swap3A_187, %swap3A_188] {strides = array<i32>} : memref<128x128xf32, #tpu.memory_space<vmem>>, vector<1x16xf32>,
      %swap3A_190 = vector.shape_cast %swap3A_189 : vector<1x16xf32> to vector<16xf32>
      %swap3A_191 = vector.shape_cast %broadcast_in_dim3A_28 : vector<16xf32> to vector<1x16xf32>
      tpu.vector_store %arg12[%swap3A_187, %swap3A_188], %swap3A_191 {strides = array<i32>} : memref<128x128xf32, #tpu.memory_space<vmem>>, vector<1x16xf32>,
      %swap3A_192 = arith.index_cast %scan3A_177 : i32 to index
      %swap3A_193 = arith.constant 48 : index
      %swap3A_194 = tpu.vector_load %arg12[%swap3A_192, %swap3A_193] {strides = array<i32>} : memref<128x128xf32, #tpu.memory_space<vmem>>, vector<1x16xf32>,
      %swap3A_195 = vector.shape_cast %swap3A_194 : vector<1x16xf32> to vector<16xf32>
      %swap3A_196 = vector.shape_cast %broadcast_in_dim3A_28 : vector<16xf32> to vector<1x16xf32>
      tpu.vector_store %arg12[%swap3A_192, %swap3A_193], %swap3A_196 {strides = array<i32>} : memref<128x128xf32, #tpu.memory_space<vmem>>, vector<1x16xf32>,
      %swap3A_197 = arith.index_cast %scan3A_177 : i32 to index
      %swap3A_198 = arith.constant 64 : index
      %swap3A_199 = tpu.vector_load %arg12[%swap3A_197, %swap3A_198] {strides = array<i32>} : memref<128x128xf32, #tpu.memory_space<vmem>>, vector<1x16xf32>,
      %swap3A_200 = vector.shape_cast %swap3A_199 : vector<1x16xf32> to vector<16xf32>
      %swap3A_201 = vector.shape_cast %broadcast_in_dim3A_28 : vector<16xf32> to vector<1x16xf32>
      tpu.vector_store %arg12[%swap3A_197, %swap3A_198], %swap3A_201 {strides = array<i32>} : memref<128x128xf32, #tpu.memory_space<vmem>>, vector<1x16xf32>,
      %swap3A_202 = arith.index_cast %scan3A_177 : i32 to index
      %swap3A_203 = arith.constant 80 : index
      %swap3A_204 = tpu.vector_load %arg12[%swap3A_202, %swap3A_203] {strides = array<i32>} : memref<128x128xf32, #tpu.memory_space<vmem>>, vector<1x16xf32>,
      %swap3A_205 = vector.shape_cast %swap3A_204 : vector<1x16xf32> to vector<16xf32>
      %swap3A_206 = vector.shape_cast %broadcast_in_dim3A_28 : vector<16xf32> to vector<1x16xf32>
      tpu.vector_store %arg12[%swap3A_202, %swap3A_203], %swap3A_206 {strides = array<i32>} : memref<128x128xf32, #tpu.memory_space<vmem>>, vector<1x16xf32>,
      %swap3A_207 = arith.index_cast %scan3A_177 : i32 to index
      %swap3A_208 = arith.constant 96 : index
      %swap3A_209 = tpu.vector_load %arg12[%swap3A_207, %swap3A_208] {strides = array<i32>} : memref<128x128xf32, #tpu.memory_space<vmem>>, vector<1x16xf32>,
      %swap3A_210 = vector.shape_cast %swap3A_209 : vector<1x16xf32> to vector<16xf32>
      %swap3A_211 = vector.shape_cast %broadcast_in_dim3A_28 : vector<16xf32> to vector<1x16xf32>
      tpu.vector_store %arg12[%swap3A_207, %swap3A_208], %swap3A_211 {strides = array<i32>} : memref<128x128xf32, #tpu.memory_space<vmem>>, vector<1x16xf32>,
      %swap3A_212 = arith.index_cast %scan3A_177 : i32 to index
      %swap3A_213 = arith.constant 112 : index
      %swap3A_214 = tpu.vector_load %arg12[%swap3A_212, %swap3A_213] {strides = array<i32>} : memref<128x128xf32, #tpu.memory_space<vmem>>, vector<1x16xf32>,
      %swap3A_215 = vector.shape_cast %swap3A_214 : vector<1x16xf32> to vector<16xf32>
      %swap3A_216 = vector.shape_cast %broadcast_in_dim3A_28 : vector<16xf32> to vector<1x16xf32>
      tpu.vector_store %arg12[%swap3A_212, %swap3A_213], %swap3A_216 {strides = array<i32>} : memref<128x128xf32, #tpu.memory_space<vmem>>, vector<1x16xf32>,
    }
    %scan3A_34 = arith.constant 128 : i32
    %barrier3A = arith.constant 0 : index
    tpu.barrier barrier_id(%barrier3A)
    %add3A_35 = arith.constant 0 : i32
    %add3A_36 = arith.addi %select_n3A_10, %add3A_35 : i32
    "tpu.region"() ({
      %run_scoped3A = tpu.sem_alloc : memref<!tpu.dma_semaphore, #tpu.memory_space<semaphore_mem>>
      %dma_start3A_177 = tpu.memref_slice %arg4[%add3A_36] : memref<323584xi32, #tpu.memory_space<hbm>> -> memref<128xi32, #tpu.memory_space<hbm>>
      %dma_start3A_178 = tpu.memref_slice %arg4[%add3A_36] : memref<323584xi32, #tpu.memory_space<hbm>> -> memref<128xi32, #tpu.memory_space<hbm>>
      tpu.enqueue_dma source(%dma_start3A_178 : memref<128xi32, #tpu.memory_space<hbm>>) target(%arg9 : memref<128xi32, #tpu.memory_space<vmem>>) target_semaphore(%run_scoped3A : memref<!tpu.dma_semaphore, #tpu.memory_space<semaphore_mem>>)
      %dma_wait3A = tpu.memref_slice %arg4[%add3A_36] : memref<323584xi32, #tpu.memory_space<hbm>> -> memref<128xi32, #tpu.memory_space<hbm>>
      %dma_wait3A_179 = tpu.memref_slice %arg4[%add3A_36] : memref<323584xi32, #tpu.memory_space<hbm>> -> memref<128xi32, #tpu.memory_space<hbm>>
      tpu.wait_dma2 semaphore(%run_scoped3A : memref<!tpu.dma_semaphore, #tpu.memory_space<semaphore_mem>>) src(%dma_wait3A_179 : memref<128xi32, #tpu.memory_space<hbm>>) dst(%arg9 : memref<128xi32, #tpu.memory_space<vmem>>)
      tpu.yield
    }) : () -> ()
    %dma_start3A = arith.constant 0 : i32
    %dma_start3A_37 = arith.constant 0 : i32
    %dma_start3A_38 = tpu.memref_slice %arg13[%dma_start3A, %dma_start3A_37] : memref<10240x128xf32, #tpu.memory_space<vmem_shared>> -> memref<10240x128xf32, #tpu.memory_space<vmem_shared>>
    tpu.enqueue_indirect_dma source(%arg12 : memref<128x128xf32, #tpu.memory_space<vmem>>) target(%dma_start3A_38 : memref<10240x128xf32, #tpu.memory_space<vmem_shared>>) offsets(%arg9 : memref<128xi32, #tpu.memory_space<vmem>>) semaphore(%arg14 : memref<!tpu.dma_semaphore, #tpu.memory_space<semaphore_mem>>) {add = true}
    %add3A_39 = arith.constant 128 : i32
    %add3A_40 = arith.addi %select_n3A_10, %add3A_39 : i32
    "tpu.region"() ({
      %run_scoped3A = tpu.sem_alloc : memref<!tpu.dma_semaphore, #tpu.memory_space<semaphore_mem>>
      %dma_start3A_177 = tpu.memref_slice %arg4[%add3A_40] : memref<323584xi32, #tpu.memory_space<hbm>> -> memref<128xi32, #tpu.memory_space<hbm>>
      %dma_start3A_178 = tpu.memref_slice %arg4[%add3A_40] : memref<323584xi32, #tpu.memory_space<hbm>> -> memref<128xi32, #tpu.memory_space<hbm>>
      tpu.enqueue_dma source(%dma_start3A_178 : memref<128xi32, #tpu.memory_space<hbm>>) target(%arg10 : memref<128xi32, #tpu.memory_space<vmem>>) target_semaphore(%run_scoped3A : memref<!tpu.dma_semaphore, #tpu.memory_space<semaphore_mem>>)
      %dma_wait3A = tpu.memref_slice %arg4[%add3A_40] : memref<323584xi32, #tpu.memory_space<hbm>> -> memref<128xi32, #tpu.memory_space<hbm>>
      %dma_wait3A_179 = tpu.memref_slice %arg4[%add3A_40] : memref<323584xi32, #tpu.memory_space<hbm>> -> memref<128xi32, #tpu.memory_space<hbm>>
      tpu.wait_dma2 semaphore(%run_scoped3A : memref<!tpu.dma_semaphore, #tpu.memory_space<semaphore_mem>>) src(%dma_wait3A_179 : memref<128xi32, #tpu.memory_space<hbm>>) dst(%arg10 : memref<128xi32, #tpu.memory_space<vmem>>)
      tpu.yield
    }) : () -> ()
    %dma_start3A_41 = arith.constant 0 : i32
    %dma_start3A_42 = arith.constant 0 : i32
    %dma_start3A_43 = tpu.memref_slice %arg13[%dma_start3A_41, %dma_start3A_42] : memref<10240x128xf32, #tpu.memory_space<vmem_shared>> -> memref<10240x128xf32, #tpu.memory_space<vmem_shared>>
    tpu.enqueue_indirect_dma source(%arg12 : memref<128x128xf32, #tpu.memory_space<vmem>>) target(%dma_start3A_43 : memref<10240x128xf32, #tpu.memory_space<vmem_shared>>) offsets(%arg10 : memref<128xi32, #tpu.memory_space<vmem>>) semaphore(%arg15 : memref<!tpu.dma_semaphore, #tpu.memory_space<semaphore_mem>>) {add = true}
    %jit3A_44 = arith.constant 2 : i32
    %div3A = arith.divsi %select_n3A, %jit3A_44 : i32
    %sign3A = arith.constant 0 : i32
    %sign3A_45 = arith.cmpi sgt, %select_n3A, %sign3A : i32
    %sign3A_46 = arith.extui %sign3A_45 : i1 to i32
    %sign3A_47 = arith.constant 0 : i32
    %sign3A_48 = arith.cmpi slt, %select_n3A, %sign3A_47 : i32
    %sign3A_49 = arith.extui %sign3A_48 : i1 to i32
    %sign3A_50 = arith.subi %sign3A_46, %sign3A_49 : i32
    %sign3A_51 = arith.constant 0 : i32
    %sign3A_52 = arith.cmpi sgt, %jit3A_44, %sign3A_51 : i32
    %sign3A_53 = arith.extui %sign3A_52 : i1 to i32
    %sign3A_54 = arith.constant 0 : i32
    %sign3A_55 = arith.cmpi slt, %jit3A_44, %sign3A_54 : i32
    %sign3A_56 = arith.extui %sign3A_55 : i1 to i32
    %sign3A_57 = arith.subi %sign3A_53, %sign3A_56 : i32
    %ne3A = arith.cmpi ne, %sign3A_50, %sign3A_57 : i32
    %rem3A = arith.remsi %select_n3A, %jit3A_44 : i32
    %ne3A_58 = arith.constant 0 : i32
    %ne3A_59 = arith.cmpi ne, %rem3A, %ne3A_58 : i32
    %and3A = arith.andi %ne3A, %ne3A_59 : i1
    %sub3A = arith.constant 1 : i32
    %sub3A_60 = arith.subi %div3A, %sub3A : i32
    %select_n3A_61 = arith.select %and3A, %sub3A_60, %div3A : i32
    %while3A = arith.constant 0 : i32
    %while3A_62 = arith.constant 0 : i32
    %while3A_63 = arith.subi %select_n3A_61, %while3A_62 : i32
    %while3A_64 = arith.addi %while3A_62, %while3A_63 : i32
    %while3A_65 = arith.constant 1 : i32
    %while3A_66 = arith.divsi %while3A_63, %while3A_65 : i32
    %while3A_67 = arith.muli %while3A_66, %while3A_65 : i32
    %while3A_68 = arith.addi %while3A_62, %while3A_67 : i32
    %while3A_69 = arith.constant 1 : i32
    scf.for %while3A_177 = %while3A_62 to %while3A_68 step %while3A_69  : i32 {
      %mul3A_178 = arith.constant 2 : i32
      %mul3A_179 = arith.muli %mul3A_178, %while3A_177 : i32
      %add3A_180 = arith.constant 0 : i32
      %add3A_181 = arith.addi %mul3A_179, %add3A_180 : i32
      %dma_wait3A = arith.constant 0 : i32
      %dma_wait3A_182 = arith.constant 0 : i32
      %dma_wait3A_183 = tpu.memref_slice %arg13[%dma_wait3A, %dma_wait3A_182] : memref<10240x128xf32, #tpu.memory_space<vmem_shared>> -> memref<10240x128xf32, #tpu.memory_space<vmem_shared>>
      tpu.wait_indirect_dma semaphore(%arg14 : memref<!tpu.dma_semaphore, #tpu.memory_space<semaphore_mem>>) src(%arg12 : memref<128x128xf32, #tpu.memory_space<vmem>>) dst(%dma_wait3A_183 : memref<10240x128xf32, #tpu.memory_space<vmem_shared>>)
      %add3A_184 = arith.constant 2 : i32
      %add3A_185 = arith.addi %add3A_181, %add3A_184 : i32
      %lt3A = arith.cmpi slt, %add3A_185, %select_n3A : i32
      %convert_element_type3A = arith.extui %lt3A : i1 to i32
      %cond3A = arith.constant 0 : i32
      %cond3A_186 = arith.cmpi ne, %convert_element_type3A, %cond3A : i32
      scf.if %cond3A_186 {
        %add3A_200 = arith.constant 2 : i32
        %add3A_201 = arith.addi %add3A_181, %add3A_200 : i32
        %mul3A_202 = arith.constant 128 : i32
        %mul3A_203 = arith.muli %add3A_201, %mul3A_202 : i32
        %add3A_204 = arith.addi %select_n3A_10, %mul3A_203 : i32
        "tpu.region"() ({
          %run_scoped3A = tpu.sem_alloc : memref<!tpu.dma_semaphore, #tpu.memory_space<semaphore_mem>>
          %dma_start3A_208 = tpu.memref_slice %arg4[%add3A_204] : memref<323584xi32, #tpu.memory_space<hbm>> -> memref<128xi32, #tpu.memory_space<hbm>>
          %dma_start3A_209 = tpu.memref_slice %arg4[%add3A_204] : memref<323584xi32, #tpu.memory_space<hbm>> -> memref<128xi32, #tpu.memory_space<hbm>>
          tpu.enqueue_dma source(%dma_start3A_209 : memref<128xi32, #tpu.memory_space<hbm>>) target(%arg9 : memref<128xi32, #tpu.memory_space<vmem>>) target_semaphore(%run_scoped3A : memref<!tpu.dma_semaphore, #tpu.memory_space<semaphore_mem>>)
          %dma_wait3A_210 = tpu.memref_slice %arg4[%add3A_204] : memref<323584xi32, #tpu.memory_space<hbm>> -> memref<128xi32, #tpu.memory_space<hbm>>
          %dma_wait3A_211 = tpu.memref_slice %arg4[%add3A_204] : memref<323584xi32, #tpu.memory_space<hbm>> -> memref<128xi32, #tpu.memory_space<hbm>>
          tpu.wait_dma2 semaphore(%run_scoped3A : memref<!tpu.dma_semaphore, #tpu.memory_space<semaphore_mem>>) src(%dma_wait3A_211 : memref<128xi32, #tpu.memory_space<hbm>>) dst(%arg9 : memref<128xi32, #tpu.memory_space<vmem>>)
          tpu.yield
        }) : () -> ()
        %dma_start3A_205 = arith.constant 0 : i32
        %dma_start3A_206 = arith.constant 0 : i32
        %dma_start3A_207 = tpu.memref_slice %arg13[%dma_start3A_205, %dma_start3A_206] : memref<10240x128xf32, #tpu.memory_space<vmem_shared>> -> memref<10240x128xf32, #tpu.memory_space<vmem_shared>>
        tpu.enqueue_indirect_dma source(%arg12 : memref<128x128xf32, #tpu.memory_space<vmem>>) target(%dma_start3A_207 : memref<10240x128xf32, #tpu.memory_space<vmem_shared>>) offsets(%arg9 : memref<128xi32, #tpu.memory_space<vmem>>) semaphore(%arg14 : memref<!tpu.dma_semaphore, #tpu.memory_space<semaphore_mem>>) {add = true}
      } else {
      }
      %mul3A_187 = arith.constant 2 : i32
      %mul3A_188 = arith.muli %mul3A_187, %while3A_177 : i32
      %add3A_189 = arith.constant 1 : i32
      %add3A_190 = arith.addi %mul3A_188, %add3A_189 : i32
      %dma_wait3A_191 = arith.constant 0 : i32
      %dma_wait3A_192 = arith.constant 0 : i32
      %dma_wait3A_193 = tpu.memref_slice %arg13[%dma_wait3A_191, %dma_wait3A_192] : memref<10240x128xf32, #tpu.memory_space<vmem_shared>> -> memref<10240x128xf32, #tpu.memory_space<vmem_shared>>
      tpu.wait_indirect_dma semaphore(%arg15 : memref<!tpu.dma_semaphore, #tpu.memory_space<semaphore_mem>>) src(%arg12 : memref<128x128xf32, #tpu.memory_space<vmem>>) dst(%dma_wait3A_193 : memref<10240x128xf32, #tpu.memory_space<vmem_shared>>)
      %add3A_194 = arith.constant 2 : i32
      %add3A_195 = arith.addi %add3A_190, %add3A_194 : i32
      %lt3A_196 = arith.cmpi slt, %add3A_195, %select_n3A : i32
      %convert_element_type3A_197 = arith.extui %lt3A_196 : i1 to i32
      %cond3A_198 = arith.constant 0 : i32
      %cond3A_199 = arith.cmpi ne, %convert_element_type3A_197, %cond3A_198 : i32
      scf.if %cond3A_199 {
        %add3A_200 = arith.constant 2 : i32
        %add3A_201 = arith.addi %add3A_190, %add3A_200 : i32
        %mul3A_202 = arith.constant 128 : i32
        %mul3A_203 = arith.muli %add3A_201, %mul3A_202 : i32
        %add3A_204 = arith.addi %select_n3A_10, %mul3A_203 : i32
        "tpu.region"() ({
          %run_scoped3A = tpu.sem_alloc : memref<!tpu.dma_semaphore, #tpu.memory_space<semaphore_mem>>
          %dma_start3A_208 = tpu.memref_slice %arg4[%add3A_204] : memref<323584xi32, #tpu.memory_space<hbm>> -> memref<128xi32, #tpu.memory_space<hbm>>
          %dma_start3A_209 = tpu.memref_slice %arg4[%add3A_204] : memref<323584xi32, #tpu.memory_space<hbm>> -> memref<128xi32, #tpu.memory_space<hbm>>
          tpu.enqueue_dma source(%dma_start3A_209 : memref<128xi32, #tpu.memory_space<hbm>>) target(%arg10 : memref<128xi32, #tpu.memory_space<vmem>>) target_semaphore(%run_scoped3A : memref<!tpu.dma_semaphore, #tpu.memory_space<semaphore_mem>>)
          %dma_wait3A_210 = tpu.memref_slice %arg4[%add3A_204] : memref<323584xi32, #tpu.memory_space<hbm>> -> memref<128xi32, #tpu.memory_space<hbm>>
          %dma_wait3A_211 = tpu.memref_slice %arg4[%add3A_204] : memref<323584xi32, #tpu.memory_space<hbm>> -> memref<128xi32, #tpu.memory_space<hbm>>
          tpu.wait_dma2 semaphore(%run_scoped3A : memref<!tpu.dma_semaphore, #tpu.memory_space<semaphore_mem>>) src(%dma_wait3A_211 : memref<128xi32, #tpu.memory_space<hbm>>) dst(%arg10 : memref<128xi32, #tpu.memory_space<vmem>>)
          tpu.yield
        }) : () -> ()
        %dma_start3A_205 = arith.constant 0 : i32
        %dma_start3A_206 = arith.constant 0 : i32
        %dma_start3A_207 = tpu.memref_slice %arg13[%dma_start3A_205, %dma_start3A_206] : memref<10240x128xf32, #tpu.memory_space<vmem_shared>> -> memref<10240x128xf32, #tpu.memory_space<vmem_shared>>
        tpu.enqueue_indirect_dma source(%arg12 : memref<128x128xf32, #tpu.memory_space<vmem>>) target(%dma_start3A_207 : memref<10240x128xf32, #tpu.memory_space<vmem_shared>>) offsets(%arg10 : memref<128xi32, #tpu.memory_space<vmem>>) semaphore(%arg15 : memref<!tpu.dma_semaphore, #tpu.memory_space<semaphore_mem>>) {add = true}
      } else {
      }
    }
    %while3A_70 = arith.constant 1 : i32
    scf.for %while3A_177 = %while3A_68 to %while3A_64 step %while3A_70  : i32 {
      %mul3A_178 = arith.constant 2 : i32
      %mul3A_179 = arith.muli %mul3A_178, %while3A_177 : i32
      %add3A_180 = arith.constant 0 : i32
      %add3A_181 = arith.addi %mul3A_179, %add3A_180 : i32
      %dma_wait3A = arith.constant 0 : i32
      %dma_wait3A_182 = arith.constant 0 : i32
      %dma_wait3A_183 = tpu.memref_slice %arg13[%dma_wait3A, %dma_wait3A_182] : memref<10240x128xf32, #tpu.memory_space<vmem_shared>> -> memref<10240x128xf32, #tpu.memory_space<vmem_shared>>
      tpu.wait_indirect_dma semaphore(%arg14 : memref<!tpu.dma_semaphore, #tpu.memory_space<semaphore_mem>>) src(%arg12 : memref<128x128xf32, #tpu.memory_space<vmem>>) dst(%dma_wait3A_183 : memref<10240x128xf32, #tpu.memory_space<vmem_shared>>)
      %add3A_184 = arith.constant 2 : i32
      %add3A_185 = arith.addi %add3A_181, %add3A_184 : i32
      %lt3A = arith.cmpi slt, %add3A_185, %select_n3A : i32
      %convert_element_type3A = arith.extui %lt3A : i1 to i32
      %cond3A = arith.constant 0 : i32
      %cond3A_186 = arith.cmpi ne, %convert_element_type3A, %cond3A : i32
      scf.if %cond3A_186 {
        %add3A_200 = arith.constant 2 : i32
        %add3A_201 = arith.addi %add3A_181, %add3A_200 : i32
        %mul3A_202 = arith.constant 128 : i32
        %mul3A_203 = arith.muli %add3A_201, %mul3A_202 : i32
        %add3A_204 = arith.addi %select_n3A_10, %mul3A_203 : i32
        "tpu.region"() ({
          %run_scoped3A = tpu.sem_alloc : memref<!tpu.dma_semaphore, #tpu.memory_space<semaphore_mem>>
          %dma_start3A_208 = tpu.memref_slice %arg4[%add3A_204] : memref<323584xi32, #tpu.memory_space<hbm>> -> memref<128xi32, #tpu.memory_space<hbm>>
          %dma_start3A_209 = tpu.memref_slice %arg4[%add3A_204] : memref<323584xi32, #tpu.memory_space<hbm>> -> memref<128xi32, #tpu.memory_space<hbm>>
          tpu.enqueue_dma source(%dma_start3A_209 : memref<128xi32, #tpu.memory_space<hbm>>) target(%arg9 : memref<128xi32, #tpu.memory_space<vmem>>) target_semaphore(%run_scoped3A : memref<!tpu.dma_semaphore, #tpu.memory_space<semaphore_mem>>)
          %dma_wait3A_210 = tpu.memref_slice %arg4[%add3A_204] : memref<323584xi32, #tpu.memory_space<hbm>> -> memref<128xi32, #tpu.memory_space<hbm>>
          %dma_wait3A_211 = tpu.memref_slice %arg4[%add3A_204] : memref<323584xi32, #tpu.memory_space<hbm>> -> memref<128xi32, #tpu.memory_space<hbm>>
          tpu.wait_dma2 semaphore(%run_scoped3A : memref<!tpu.dma_semaphore, #tpu.memory_space<semaphore_mem>>) src(%dma_wait3A_211 : memref<128xi32, #tpu.memory_space<hbm>>) dst(%arg9 : memref<128xi32, #tpu.memory_space<vmem>>)
          tpu.yield
        }) : () -> ()
        %dma_start3A_205 = arith.constant 0 : i32
        %dma_start3A_206 = arith.constant 0 : i32
        %dma_start3A_207 = tpu.memref_slice %arg13[%dma_start3A_205, %dma_start3A_206] : memref<10240x128xf32, #tpu.memory_space<vmem_shared>> -> memref<10240x128xf32, #tpu.memory_space<vmem_shared>>
        tpu.enqueue_indirect_dma source(%arg12 : memref<128x128xf32, #tpu.memory_space<vmem>>) target(%dma_start3A_207 : memref<10240x128xf32, #tpu.memory_space<vmem_shared>>) offsets(%arg9 : memref<128xi32, #tpu.memory_space<vmem>>) semaphore(%arg14 : memref<!tpu.dma_semaphore, #tpu.memory_space<semaphore_mem>>) {add = true}
      } else {
      }
      %mul3A_187 = arith.constant 2 : i32
      %mul3A_188 = arith.muli %mul3A_187, %while3A_177 : i32
      %add3A_189 = arith.constant 1 : i32
      %add3A_190 = arith.addi %mul3A_188, %add3A_189 : i32
      %dma_wait3A_191 = arith.constant 0 : i32
      %dma_wait3A_192 = arith.constant 0 : i32
      %dma_wait3A_193 = tpu.memref_slice %arg13[%dma_wait3A_191, %dma_wait3A_192] : memref<10240x128xf32, #tpu.memory_space<vmem_shared>> -> memref<10240x128xf32, #tpu.memory_space<vmem_shared>>
      tpu.wait_indirect_dma semaphore(%arg15 : memref<!tpu.dma_semaphore, #tpu.memory_space<semaphore_mem>>) src(%arg12 : memref<128x128xf32, #tpu.memory_space<vmem>>) dst(%dma_wait3A_193 : memref<10240x128xf32, #tpu.memory_space<vmem_shared>>)
      %add3A_194 = arith.constant 2 : i32
      %add3A_195 = arith.addi %add3A_190, %add3A_194 : i32
      %lt3A_196 = arith.cmpi slt, %add3A_195, %select_n3A : i32
      %convert_element_type3A_197 = arith.extui %lt3A_196 : i1 to i32
      %cond3A_198 = arith.constant 0 : i32
      %cond3A_199 = arith.cmpi ne, %convert_element_type3A_197, %cond3A_198 : i32
      scf.if %cond3A_199 {
        %add3A_200 = arith.constant 2 : i32
        %add3A_201 = arith.addi %add3A_190, %add3A_200 : i32
        %mul3A_202 = arith.constant 128 : i32
        %mul3A_203 = arith.muli %add3A_201, %mul3A_202 : i32
        %add3A_204 = arith.addi %select_n3A_10, %mul3A_203 : i32
        "tpu.region"() ({
          %run_scoped3A = tpu.sem_alloc : memref<!tpu.dma_semaphore, #tpu.memory_space<semaphore_mem>>
          %dma_start3A_208 = tpu.memref_slice %arg4[%add3A_204] : memref<323584xi32, #tpu.memory_space<hbm>> -> memref<128xi32, #tpu.memory_space<hbm>>
          %dma_start3A_209 = tpu.memref_slice %arg4[%add3A_204] : memref<323584xi32, #tpu.memory_space<hbm>> -> memref<128xi32, #tpu.memory_space<hbm>>
          tpu.enqueue_dma source(%dma_start3A_209 : memref<128xi32, #tpu.memory_space<hbm>>) target(%arg10 : memref<128xi32, #tpu.memory_space<vmem>>) target_semaphore(%run_scoped3A : memref<!tpu.dma_semaphore, #tpu.memory_space<semaphore_mem>>)
          %dma_wait3A_210 = tpu.memref_slice %arg4[%add3A_204] : memref<323584xi32, #tpu.memory_space<hbm>> -> memref<128xi32, #tpu.memory_space<hbm>>
          %dma_wait3A_211 = tpu.memref_slice %arg4[%add3A_204] : memref<323584xi32, #tpu.memory_space<hbm>> -> memref<128xi32, #tpu.memory_space<hbm>>
          tpu.wait_dma2 semaphore(%run_scoped3A : memref<!tpu.dma_semaphore, #tpu.memory_space<semaphore_mem>>) src(%dma_wait3A_211 : memref<128xi32, #tpu.memory_space<hbm>>) dst(%arg10 : memref<128xi32, #tpu.memory_space<vmem>>)
          tpu.yield
        }) : () -> ()
        %dma_start3A_205 = arith.constant 0 : i32
        %dma_start3A_206 = arith.constant 0 : i32
        %dma_start3A_207 = tpu.memref_slice %arg13[%dma_start3A_205, %dma_start3A_206] : memref<10240x128xf32, #tpu.memory_space<vmem_shared>> -> memref<10240x128xf32, #tpu.memory_space<vmem_shared>>
        tpu.enqueue_indirect_dma source(%arg12 : memref<128x128xf32, #tpu.memory_space<vmem>>) target(%dma_start3A_207 : memref<10240x128xf32, #tpu.memory_space<vmem_shared>>) offsets(%arg10 : memref<128xi32, #tpu.memory_space<vmem>>) semaphore(%arg15 : memref<!tpu.dma_semaphore, #tpu.memory_space<semaphore_mem>>) {add = true}
      } else {
      }
    }
    %barrier3A_71 = arith.constant 0 : index
    tpu.barrier barrier_id(%barrier3A_71)
    %add3A_72 = arith.constant 0 : i32
    %add3A_73 = arith.addi %mul3A_0, %add3A_72 : i32
    "tpu.region"() ({
      %run_scoped3A = tpu.sem_alloc : memref<!tpu.dma_semaphore, #tpu.memory_space<semaphore_mem>>
      %dma_start3A_177 = arith.constant 0 : i32
      %dma_start3A_178 = tpu.memref_slice %arg13[%add3A_73, %dma_start3A_177] : memref<10240x128xf32, #tpu.memory_space<vmem_shared>> -> memref<128x128xf32, #tpu.memory_space<vmem_shared>>
      %dma_start3A_179 = arith.constant 0 : i32
      %dma_start3A_180 = tpu.memref_slice %arg13[%add3A_73, %dma_start3A_179] : memref<10240x128xf32, #tpu.memory_space<vmem_shared>> -> memref<128x128xf32, #tpu.memory_space<vmem_shared>>
      tpu.enqueue_dma source(%dma_start3A_180 : memref<128x128xf32, #tpu.memory_space<vmem_shared>>) target(%arg11 : memref<128x128xf32, #tpu.memory_space<vmem>>) target_semaphore(%run_scoped3A : memref<!tpu.dma_semaphore, #tpu.memory_space<semaphore_mem>>)
      %dma_wait3A = arith.constant 0 : i32
      %dma_wait3A_181 = tpu.memref_slice %arg13[%add3A_73, %dma_wait3A] : memref<10240x128xf32, #tpu.memory_space<vmem_shared>> -> memref<128x128xf32, #tpu.memory_space<vmem_shared>>
      %dma_wait3A_182 = arith.constant 0 : i32
      %dma_wait3A_183 = tpu.memref_slice %arg13[%add3A_73, %dma_wait3A_182] : memref<10240x128xf32, #tpu.memory_space<vmem_shared>> -> memref<128x128xf32, #tpu.memory_space<vmem_shared>>
      tpu.wait_dma2 semaphore(%run_scoped3A : memref<!tpu.dma_semaphore, #tpu.memory_space<semaphore_mem>>) src(%dma_wait3A_183 : memref<128x128xf32, #tpu.memory_space<vmem_shared>>) dst(%arg11 : memref<128x128xf32, #tpu.memory_space<vmem>>)
      tpu.yield
    }) : () -> ()
    %add3A_74 = arith.constant 0 : i32
    %add3A_75 = arith.addi %mul3A_0, %add3A_74 : i32
    "tpu.region"() ({
      %run_scoped3A = tpu.sem_alloc : memref<!tpu.dma_semaphore, #tpu.memory_space<semaphore_mem>>
      %dma_start3A_177 = arith.constant 0 : i32
      %dma_start3A_178 = tpu.memref_slice %arg6[%arg0, %add3A_75, %dma_start3A_177] : memref<2x10240x128xf32, #tpu.memory_space<hbm>> -> memref<1x128x128xf32, #tpu.memory_space<hbm>>
      %dma_start3A_179 = tpu.memref_squeeze %dma_start3A_178 : memref<1x128x128xf32, #tpu.memory_space<hbm>> -> memref<128x128xf32, #tpu.memory_space<hbm>>
      %dma_start3A_180 = arith.constant 0 : i32
      %dma_start3A_181 = tpu.memref_slice %arg6[%arg0, %add3A_75, %dma_start3A_180] : memref<2x10240x128xf32, #tpu.memory_space<hbm>> -> memref<1x128x128xf32, #tpu.memory_space<hbm>>
      %dma_start3A_182 = tpu.memref_squeeze %dma_start3A_181 : memref<1x128x128xf32, #tpu.memory_space<hbm>> -> memref<128x128xf32, #tpu.memory_space<hbm>>
      tpu.enqueue_dma source(%arg11 : memref<128x128xf32, #tpu.memory_space<vmem>>) target(%dma_start3A_182 : memref<128x128xf32, #tpu.memory_space<hbm>>) target_semaphore(%run_scoped3A : memref<!tpu.dma_semaphore, #tpu.memory_space<semaphore_mem>>)
      %dma_wait3A = arith.constant 0 : i32
      %dma_wait3A_183 = tpu.memref_slice %arg6[%arg0, %add3A_75, %dma_wait3A] : memref<2x10240x128xf32, #tpu.memory_space<hbm>> -> memref<1x128x128xf32, #tpu.memory_space<hbm>>
      %dma_wait3A_184 = tpu.memref_squeeze %dma_wait3A_183 : memref<1x128x128xf32, #tpu.memory_space<hbm>> -> memref<128x128xf32, #tpu.memory_space<hbm>>
      %dma_wait3A_185 = arith.constant 0 : i32
      %dma_wait3A_186 = tpu.memref_slice %arg6[%arg0, %add3A_75, %dma_wait3A_185] : memref<2x10240x128xf32, #tpu.memory_space<hbm>> -> memref<1x128x128xf32, #tpu.memory_space<hbm>>
      %dma_wait3A_187 = tpu.memref_squeeze %dma_wait3A_186 : memref<1x128x128xf32, #tpu.memory_space<hbm>> -> memref<128x128xf32, #tpu.memory_space<hbm>>
      tpu.wait_dma2 semaphore(%run_scoped3A : memref<!tpu.dma_semaphore, #tpu.memory_space<semaphore_mem>>) src(%arg11 : memref<128x128xf32, #tpu.memory_space<vmem>>) dst(%dma_wait3A_187 : memref<128x128xf32, #tpu.memory_space<hbm>>)
      tpu.yield
    }) : () -> ()
    %add3A_76 = arith.constant 128 : i32
    %add3A_77 = arith.addi %mul3A_0, %add3A_76 : i32
    "tpu.region"() ({
      %run_scoped3A = tpu.sem_alloc : memref<!tpu.dma_semaphore, #tpu.memory_space<semaphore_mem>>
      %dma_start3A_177 = arith.constant 0 : i32
      %dma_start3A_178 = tpu.memref_slice %arg13[%add3A_77, %dma_start3A_177] : memref<10240x128xf32, #tpu.memory_space<vmem_shared>> -> memref<128x128xf32, #tpu.memory_space<vmem_shared>>
      %dma_start3A_179 = arith.constant 0 : i32
      %dma_start3A_180 = tpu.memref_slice %arg13[%add3A_77, %dma_start3A_179] : memref<10240x128xf32, #tpu.memory_space<vmem_shared>> -> memref<128x128xf32, #tpu.memory_space<vmem_shared>>
      tpu.enqueue_dma source(%dma_start3A_180 : memref<128x128xf32, #tpu.memory_space<vmem_shared>>) target(%arg11 : memref<128x128xf32, #tpu.memory_space<vmem>>) target_semaphore(%run_scoped3A : memref<!tpu.dma_semaphore, #tpu.memory_space<semaphore_mem>>)
      %dma_wait3A = arith.constant 0 : i32
      %dma_wait3A_181 = tpu.memref_slice %arg13[%add3A_77, %dma_wait3A] : memref<10240x128xf32, #tpu.memory_space<vmem_shared>> -> memref<128x128xf32, #tpu.memory_space<vmem_shared>>
      %dma_wait3A_182 = arith.constant 0 : i32
      %dma_wait3A_183 = tpu.memref_slice %arg13[%add3A_77, %dma_wait3A_182] : memref<10240x128xf32, #tpu.memory_space<vmem_shared>> -> memref<128x128xf32, #tpu.memory_space<vmem_shared>>
      tpu.wait_dma2 semaphore(%run_scoped3A : memref<!tpu.dma_semaphore, #tpu.memory_space<semaphore_mem>>) src(%dma_wait3A_183 : memref<128x128xf32, #tpu.memory_space<vmem_shared>>) dst(%arg11 : memref<128x128xf32, #tpu.memory_space<vmem>>)
      tpu.yield
    }) : () -> ()
    %add3A_78 = arith.constant 128 : i32
    %add3A_79 = arith.addi %mul3A_0, %add3A_78 : i32
    "tpu.region"() ({
      %run_scoped3A = tpu.sem_alloc : memref<!tpu.dma_semaphore, #tpu.memory_space<semaphore_mem>>
      %dma_start3A_177 = arith.constant 0 : i32
      %dma_start3A_178 = tpu.memref_slice %arg6[%arg0, %add3A_79, %dma_start3A_177] : memref<2x10240x128xf32, #tpu.memory_space<hbm>> -> memref<1x128x128xf32, #tpu.memory_space<hbm>>
      %dma_start3A_179 = tpu.memref_squeeze %dma_start3A_178 : memref<1x128x128xf32, #tpu.memory_space<hbm>> -> memref<128x128xf32, #tpu.memory_space<hbm>>
      %dma_start3A_180 = arith.constant 0 : i32
      %dma_start3A_181 = tpu.memref_slice %arg6[%arg0, %add3A_79, %dma_start3A_180] : memref<2x10240x128xf32, #tpu.memory_space<hbm>> -> memref<1x128x128xf32, #tpu.memory_space<hbm>>
      %dma_start3A_182 = tpu.memref_squeeze %dma_start3A_181 : memref<1x128x128xf32, #tpu.memory_space<hbm>> -> memref<128x128xf32, #tpu.memory_space<hbm>>
      tpu.enqueue_dma source(%arg11 : memref<128x128xf32, #tpu.memory_space<vmem>>) target(%dma_start3A_182 : memref<128x128xf32, #tpu.memory_space<hbm>>) target_semaphore(%run_scoped3A : memref<!tpu.dma_semaphore, #tpu.memory_space<semaphore_mem>>)
      %dma_wait3A = arith.constant 0 : i32
      %dma_wait3A_183 = tpu.memref_slice %arg6[%arg0, %add3A_79, %dma_wait3A] : memref<2x10240x128xf32, #tpu.memory_space<hbm>> -> memref<1x128x128xf32, #tpu.memory_space<hbm>>
      %dma_wait3A_184 = tpu.memref_squeeze %dma_wait3A_183 : memref<1x128x128xf32, #tpu.memory_space<hbm>> -> memref<128x128xf32, #tpu.memory_space<hbm>>
      %dma_wait3A_185 = arith.constant 0 : i32
      %dma_wait3A_186 = tpu.memref_slice %arg6[%arg0, %add3A_79, %dma_wait3A_185] : memref<2x10240x128xf32, #tpu.memory_space<hbm>> -> memref<1x128x128xf32, #tpu.memory_space<hbm>>
      %dma_wait3A_187 = tpu.memref_squeeze %dma_wait3A_186 : memref<1x128x128xf32, #tpu.memory_space<hbm>> -> memref<128x128xf32, #tpu.memory_space<hbm>>
      tpu.wait_dma2 semaphore(%run_scoped3A : memref<!tpu.dma_semaphore, #tpu.memory_space<semaphore_mem>>) src(%arg11 : memref<128x128xf32, #tpu.memory_space<vmem>>) dst(%dma_wait3A_187 : memref<128x128xf32, #tpu.memory_space<hbm>>)
      tpu.yield
    }) : () -> ()
    %add3A_80 = arith.constant 256 : i32
    %add3A_81 = arith.addi %mul3A_0, %add3A_80 : i32
    "tpu.region"() ({
      %run_scoped3A = tpu.sem_alloc : memref<!tpu.dma_semaphore, #tpu.memory_space<semaphore_mem>>
      %dma_start3A_177 = arith.constant 0 : i32
      %dma_start3A_178 = tpu.memref_slice %arg13[%add3A_81, %dma_start3A_177] : memref<10240x128xf32, #tpu.memory_space<vmem_shared>> -> memref<128x128xf32, #tpu.memory_space<vmem_shared>>
      %dma_start3A_179 = arith.constant 0 : i32
      %dma_start3A_180 = tpu.memref_slice %arg13[%add3A_81, %dma_start3A_179] : memref<10240x128xf32, #tpu.memory_space<vmem_shared>> -> memref<128x128xf32, #tpu.memory_space<vmem_shared>>
      tpu.enqueue_dma source(%dma_start3A_180 : memref<128x128xf32, #tpu.memory_space<vmem_shared>>) target(%arg11 : memref<128x128xf32, #tpu.memory_space<vmem>>) target_semaphore(%run_scoped3A : memref<!tpu.dma_semaphore, #tpu.memory_space<semaphore_mem>>)
      %dma_wait3A = arith.constant 0 : i32
      %dma_wait3A_181 = tpu.memref_slice %arg13[%add3A_81, %dma_wait3A] : memref<10240x128xf32, #tpu.memory_space<vmem_shared>> -> memref<128x128xf32, #tpu.memory_space<vmem_shared>>
      %dma_wait3A_182 = arith.constant 0 : i32
      %dma_wait3A_183 = tpu.memref_slice %arg13[%add3A_81, %dma_wait3A_182] : memref<10240x128xf32, #tpu.memory_space<vmem_shared>> -> memref<128x128xf32, #tpu.memory_space<vmem_shared>>
      tpu.wait_dma2 semaphore(%run_scoped3A : memref<!tpu.dma_semaphore, #tpu.memory_space<semaphore_mem>>) src(%dma_wait3A_183 : memref<128x128xf32, #tpu.memory_space<vmem_shared>>) dst(%arg11 : memref<128x128xf32, #tpu.memory_space<vmem>>)
      tpu.yield
    }) : () -> ()
    %add3A_82 = arith.constant 256 : i32
    %add3A_83 = arith.addi %mul3A_0, %add3A_82 : i32
    "tpu.region"() ({
      %run_scoped3A = tpu.sem_alloc : memref<!tpu.dma_semaphore, #tpu.memory_space<semaphore_mem>>
      %dma_start3A_177 = arith.constant 0 : i32
      %dma_start3A_178 = tpu.memref_slice %arg6[%arg0, %add3A_83, %dma_start3A_177] : memref<2x10240x128xf32, #tpu.memory_space<hbm>> -> memref<1x128x128xf32, #tpu.memory_space<hbm>>
      %dma_start3A_179 = tpu.memref_squeeze %dma_start3A_178 : memref<1x128x128xf32, #tpu.memory_space<hbm>> -> memref<128x128xf32, #tpu.memory_space<hbm>>
      %dma_start3A_180 = arith.constant 0 : i32
      %dma_start3A_181 = tpu.memref_slice %arg6[%arg0, %add3A_83, %dma_start3A_180] : memref<2x10240x128xf32, #tpu.memory_space<hbm>> -> memref<1x128x128xf32, #tpu.memory_space<hbm>>
      %dma_start3A_182 = tpu.memref_squeeze %dma_start3A_181 : memref<1x128x128xf32, #tpu.memory_space<hbm>> -> memref<128x128xf32, #tpu.memory_space<hbm>>
      tpu.enqueue_dma source(%arg11 : memref<128x128xf32, #tpu.memory_space<vmem>>) target(%dma_start3A_182 : memref<128x128xf32, #tpu.memory_space<hbm>>) target_semaphore(%run_scoped3A : memref<!tpu.dma_semaphore, #tpu.memory_space<semaphore_mem>>)
      %dma_wait3A = arith.constant 0 : i32
      %dma_wait3A_183 = tpu.memref_slice %arg6[%arg0, %add3A_83, %dma_wait3A] : memref<2x10240x128xf32, #tpu.memory_space<hbm>> -> memref<1x128x128xf32, #tpu.memory_space<hbm>>
      %dma_wait3A_184 = tpu.memref_squeeze %dma_wait3A_183 : memref<1x128x128xf32, #tpu.memory_space<hbm>> -> memref<128x128xf32, #tpu.memory_space<hbm>>
      %dma_wait3A_185 = arith.constant 0 : i32
      %dma_wait3A_186 = tpu.memref_slice %arg6[%arg0, %add3A_83, %dma_wait3A_185] : memref<2x10240x128xf32, #tpu.memory_space<hbm>> -> memref<1x128x128xf32, #tpu.memory_space<hbm>>
      %dma_wait3A_187 = tpu.memref_squeeze %dma_wait3A_186 : memref<1x128x128xf32, #tpu.memory_space<hbm>> -> memref<128x128xf32, #tpu.memory_space<hbm>>
      tpu.wait_dma2 semaphore(%run_scoped3A : memref<!tpu.dma_semaphore, #tpu.memory_space<semaphore_mem>>) src(%arg11 : memref<128x128xf32, #tpu.memory_space<vmem>>) dst(%dma_wait3A_187 : memref<128x128xf32, #tpu.memory_space<hbm>>)
      tpu.yield
    }) : () -> ()
    %add3A_84 = arith.constant 384 : i32
    %add3A_85 = arith.addi %mul3A_0, %add3A_84 : i32
    "tpu.region"() ({
      %run_scoped3A = tpu.sem_alloc : memref<!tpu.dma_semaphore, #tpu.memory_space<semaphore_mem>>
      %dma_start3A_177 = arith.constant 0 : i32
      %dma_start3A_178 = tpu.memref_slice %arg13[%add3A_85, %dma_start3A_177] : memref<10240x128xf32, #tpu.memory_space<vmem_shared>> -> memref<128x128xf32, #tpu.memory_space<vmem_shared>>
      %dma_start3A_179 = arith.constant 0 : i32
      %dma_start3A_180 = tpu.memref_slice %arg13[%add3A_85, %dma_start3A_179] : memref<10240x128xf32, #tpu.memory_space<vmem_shared>> -> memref<128x128xf32, #tpu.memory_space<vmem_shared>>
      tpu.enqueue_dma source(%dma_start3A_180 : memref<128x128xf32, #tpu.memory_space<vmem_shared>>) target(%arg11 : memref<128x128xf32, #tpu.memory_space<vmem>>) target_semaphore(%run_scoped3A : memref<!tpu.dma_semaphore, #tpu.memory_space<semaphore_mem>>)
      %dma_wait3A = arith.constant 0 : i32
      %dma_wait3A_181 = tpu.memref_slice %arg13[%add3A_85, %dma_wait3A] : memref<10240x128xf32, #tpu.memory_space<vmem_shared>> -> memref<128x128xf32, #tpu.memory_space<vmem_shared>>
      %dma_wait3A_182 = arith.constant 0 : i32
      %dma_wait3A_183 = tpu.memref_slice %arg13[%add3A_85, %dma_wait3A_182] : memref<10240x128xf32, #tpu.memory_space<vmem_shared>> -> memref<128x128xf32, #tpu.memory_space<vmem_shared>>
      tpu.wait_dma2 semaphore(%run_scoped3A : memref<!tpu.dma_semaphore, #tpu.memory_space<semaphore_mem>>) src(%dma_wait3A_183 : memref<128x128xf32, #tpu.memory_space<vmem_shared>>) dst(%arg11 : memref<128x128xf32, #tpu.memory_space<vmem>>)
      tpu.yield
    }) : () -> ()
    %add3A_86 = arith.constant 384 : i32
    %add3A_87 = arith.addi %mul3A_0, %add3A_86 : i32
    "tpu.region"() ({
      %run_scoped3A = tpu.sem_alloc : memref<!tpu.dma_semaphore, #tpu.memory_space<semaphore_mem>>
      %dma_start3A_177 = arith.constant 0 : i32
      %dma_start3A_178 = tpu.memref_slice %arg6[%arg0, %add3A_87, %dma_start3A_177] : memref<2x10240x128xf32, #tpu.memory_space<hbm>> -> memref<1x128x128xf32, #tpu.memory_space<hbm>>
      %dma_start3A_179 = tpu.memref_squeeze %dma_start3A_178 : memref<1x128x128xf32, #tpu.memory_space<hbm>> -> memref<128x128xf32, #tpu.memory_space<hbm>>
      %dma_start3A_180 = arith.constant 0 : i32
      %dma_start3A_181 = tpu.memref_slice %arg6[%arg0, %add3A_87, %dma_start3A_180] : memref<2x10240x128xf32, #tpu.memory_space<hbm>> -> memref<1x128x128xf32, #tpu.memory_space<hbm>>
      %dma_start3A_182 = tpu.memref_squeeze %dma_start3A_181 : memref<1x128x128xf32, #tpu.memory_space<hbm>> -> memref<128x128xf32, #tpu.memory_space<hbm>>
      tpu.enqueue_dma source(%arg11 : memref<128x128xf32, #tpu.memory_space<vmem>>) target(%dma_start3A_182 : memref<128x128xf32, #tpu.memory_space<hbm>>) target_semaphore(%run_scoped3A : memref<!tpu.dma_semaphore, #tpu.memory_space<semaphore_mem>>)
      %dma_wait3A = arith.constant 0 : i32
      %dma_wait3A_183 = tpu.memref_slice %arg6[%arg0, %add3A_87, %dma_wait3A] : memref<2x10240x128xf32, #tpu.memory_space<hbm>> -> memref<1x128x128xf32, #tpu.memory_space<hbm>>
      %dma_wait3A_184 = tpu.memref_squeeze %dma_wait3A_183 : memref<1x128x128xf32, #tpu.memory_space<hbm>> -> memref<128x128xf32, #tpu.memory_space<hbm>>
      %dma_wait3A_185 = arith.constant 0 : i32
      %dma_wait3A_186 = tpu.memref_slice %arg6[%arg0, %add3A_87, %dma_wait3A_185] : memref<2x10240x128xf32, #tpu.memory_space<hbm>> -> memref<1x128x128xf32, #tpu.memory_space<hbm>>
      %dma_wait3A_187 = tpu.memref_squeeze %dma_wait3A_186 : memref<1x128x128xf32, #tpu.memory_space<hbm>> -> memref<128x128xf32, #tpu.memory_space<hbm>>
      tpu.wait_dma2 semaphore(%run_scoped3A : memref<!tpu.dma_semaphore, #tpu.memory_space<semaphore_mem>>) src(%arg11 : memref<128x128xf32, #tpu.memory_space<vmem>>) dst(%dma_wait3A_187 : memref<128x128xf32, #tpu.memory_space<hbm>>)
      tpu.yield
    }) : () -> ()
    %add3A_88 = arith.constant 512 : i32
    %add3A_89 = arith.addi %mul3A_0, %add3A_88 : i32
    "tpu.region"() ({
      %run_scoped3A = tpu.sem_alloc : memref<!tpu.dma_semaphore, #tpu.memory_space<semaphore_mem>>
      %dma_start3A_177 = arith.constant 0 : i32
      %dma_start3A_178 = tpu.memref_slice %arg13[%add3A_89, %dma_start3A_177] : memref<10240x128xf32, #tpu.memory_space<vmem_shared>> -> memref<128x128xf32, #tpu.memory_space<vmem_shared>>
      %dma_start3A_179 = arith.constant 0 : i32
      %dma_start3A_180 = tpu.memref_slice %arg13[%add3A_89, %dma_start3A_179] : memref<10240x128xf32, #tpu.memory_space<vmem_shared>> -> memref<128x128xf32, #tpu.memory_space<vmem_shared>>
      tpu.enqueue_dma source(%dma_start3A_180 : memref<128x128xf32, #tpu.memory_space<vmem_shared>>) target(%arg11 : memref<128x128xf32, #tpu.memory_space<vmem>>) target_semaphore(%run_scoped3A : memref<!tpu.dma_semaphore, #tpu.memory_space<semaphore_mem>>)
      %dma_wait3A = arith.constant 0 : i32
      %dma_wait3A_181 = tpu.memref_slice %arg13[%add3A_89, %dma_wait3A] : memref<10240x128xf32, #tpu.memory_space<vmem_shared>> -> memref<128x128xf32, #tpu.memory_space<vmem_shared>>
      %dma_wait3A_182 = arith.constant 0 : i32
      %dma_wait3A_183 = tpu.memref_slice %arg13[%add3A_89, %dma_wait3A_182] : memref<10240x128xf32, #tpu.memory_space<vmem_shared>> -> memref<128x128xf32, #tpu.memory_space<vmem_shared>>
      tpu.wait_dma2 semaphore(%run_scoped3A : memref<!tpu.dma_semaphore, #tpu.memory_space<semaphore_mem>>) src(%dma_wait3A_183 : memref<128x128xf32, #tpu.memory_space<vmem_shared>>) dst(%arg11 : memref<128x128xf32, #tpu.memory_space<vmem>>)
      tpu.yield
    }) : () -> ()
    %add3A_90 = arith.constant 512 : i32
    %add3A_91 = arith.addi %mul3A_0, %add3A_90 : i32
    "tpu.region"() ({
      %run_scoped3A = tpu.sem_alloc : memref<!tpu.dma_semaphore, #tpu.memory_space<semaphore_mem>>
      %dma_start3A_177 = arith.constant 0 : i32
      %dma_start3A_178 = tpu.memref_slice %arg6[%arg0, %add3A_91, %dma_start3A_177] : memref<2x10240x128xf32, #tpu.memory_space<hbm>> -> memref<1x128x128xf32, #tpu.memory_space<hbm>>
      %dma_start3A_179 = tpu.memref_squeeze %dma_start3A_178 : memref<1x128x128xf32, #tpu.memory_space<hbm>> -> memref<128x128xf32, #tpu.memory_space<hbm>>
      %dma_start3A_180 = arith.constant 0 : i32
      %dma_start3A_181 = tpu.memref_slice %arg6[%arg0, %add3A_91, %dma_start3A_180] : memref<2x10240x128xf32, #tpu.memory_space<hbm>> -> memref<1x128x128xf32, #tpu.memory_space<hbm>>
      %dma_start3A_182 = tpu.memref_squeeze %dma_start3A_181 : memref<1x128x128xf32, #tpu.memory_space<hbm>> -> memref<128x128xf32, #tpu.memory_space<hbm>>
      tpu.enqueue_dma source(%arg11 : memref<128x128xf32, #tpu.memory_space<vmem>>) target(%dma_start3A_182 : memref<128x128xf32, #tpu.memory_space<hbm>>) target_semaphore(%run_scoped3A : memref<!tpu.dma_semaphore, #tpu.memory_space<semaphore_mem>>)
      %dma_wait3A = arith.constant 0 : i32
      %dma_wait3A_183 = tpu.memref_slice %arg6[%arg0, %add3A_91, %dma_wait3A] : memref<2x10240x128xf32, #tpu.memory_space<hbm>> -> memref<1x128x128xf32, #tpu.memory_space<hbm>>
      %dma_wait3A_184 = tpu.memref_squeeze %dma_wait3A_183 : memref<1x128x128xf32, #tpu.memory_space<hbm>> -> memref<128x128xf32, #tpu.memory_space<hbm>>
      %dma_wait3A_185 = arith.constant 0 : i32
      %dma_wait3A_186 = tpu.memref_slice %arg6[%arg0, %add3A_91, %dma_wait3A_185] : memref<2x10240x128xf32, #tpu.memory_space<hbm>> -> memref<1x128x128xf32, #tpu.memory_space<hbm>>
      %dma_wait3A_187 = tpu.memref_squeeze %dma_wait3A_186 : memref<1x128x128xf32, #tpu.memory_space<hbm>> -> memref<128x128xf32, #tpu.memory_space<hbm>>
      tpu.wait_dma2 semaphore(%run_scoped3A : memref<!tpu.dma_semaphore, #tpu.memory_space<semaphore_mem>>) src(%arg11 : memref<128x128xf32, #tpu.memory_space<vmem>>) dst(%dma_wait3A_187 : memref<128x128xf32, #tpu.memory_space<hbm>>)
      tpu.yield
    }) : () -> ()
    %barrier3A_92 = arith.constant 0 : index
    tpu.barrier barrier_id(%barrier3A_92)
    %broadcast_in_dim3A_93 = arith.constant 0.000000e+00 : f32
    %broadcast_in_dim3A_94 = vector.broadcast %broadcast_in_dim3A_93 : f32 to vector<16xf32>
    %scan3A_95 = arith.constant 0 : i32
    %scan3A_96 = arith.constant 0 : i32
    %scan3A_97 = arith.constant 128 : i32
    %scan3A_98 = arith.addi %scan3A_96, %scan3A_97 : i32
    %scan3A_99 = arith.constant 1 : i32
    scf.for %scan3A_177 = %scan3A_96 to %scan3A_98 step %scan3A_99  : i32 {
      %swap3A = arith.index_cast %scan3A_177 : i32 to index
      %swap3A_178 = arith.constant 0 : index
      %swap3A_179 = tpu.vector_load %arg11[%swap3A, %swap3A_178] {strides = array<i32>} : memref<128x128xf32, #tpu.memory_space<vmem>>, vector<1x16xf32>,
      %swap3A_180 = vector.shape_cast %swap3A_179 : vector<1x16xf32> to vector<16xf32>
      %swap3A_181 = vector.shape_cast %broadcast_in_dim3A_94 : vector<16xf32> to vector<1x16xf32>
      tpu.vector_store %arg11[%swap3A, %swap3A_178], %swap3A_181 {strides = array<i32>} : memref<128x128xf32, #tpu.memory_space<vmem>>, vector<1x16xf32>,
      %swap3A_182 = arith.index_cast %scan3A_177 : i32 to index
      %swap3A_183 = arith.constant 16 : index
      %swap3A_184 = tpu.vector_load %arg11[%swap3A_182, %swap3A_183] {strides = array<i32>} : memref<128x128xf32, #tpu.memory_space<vmem>>, vector<1x16xf32>,
      %swap3A_185 = vector.shape_cast %swap3A_184 : vector<1x16xf32> to vector<16xf32>
      %swap3A_186 = vector.shape_cast %broadcast_in_dim3A_94 : vector<16xf32> to vector<1x16xf32>
      tpu.vector_store %arg11[%swap3A_182, %swap3A_183], %swap3A_186 {strides = array<i32>} : memref<128x128xf32, #tpu.memory_space<vmem>>, vector<1x16xf32>,
      %swap3A_187 = arith.index_cast %scan3A_177 : i32 to index
      %swap3A_188 = arith.constant 32 : index
      %swap3A_189 = tpu.vector_load %arg11[%swap3A_187, %swap3A_188] {strides = array<i32>} : memref<128x128xf32, #tpu.memory_space<vmem>>, vector<1x16xf32>,
      %swap3A_190 = vector.shape_cast %swap3A_189 : vector<1x16xf32> to vector<16xf32>
      %swap3A_191 = vector.shape_cast %broadcast_in_dim3A_94 : vector<16xf32> to vector<1x16xf32>
      tpu.vector_store %arg11[%swap3A_187, %swap3A_188], %swap3A_191 {strides = array<i32>} : memref<128x128xf32, #tpu.memory_space<vmem>>, vector<1x16xf32>,
      %swap3A_192 = arith.index_cast %scan3A_177 : i32 to index
      %swap3A_193 = arith.constant 48 : index
      %swap3A_194 = tpu.vector_load %arg11[%swap3A_192, %swap3A_193] {strides = array<i32>} : memref<128x128xf32, #tpu.memory_space<vmem>>, vector<1x16xf32>,
      %swap3A_195 = vector.shape_cast %swap3A_194 : vector<1x16xf32> to vector<16xf32>
      %swap3A_196 = vector.shape_cast %broadcast_in_dim3A_94 : vector<16xf32> to vector<1x16xf32>
      tpu.vector_store %arg11[%swap3A_192, %swap3A_193], %swap3A_196 {strides = array<i32>} : memref<128x128xf32, #tpu.memory_space<vmem>>, vector<1x16xf32>,
      %swap3A_197 = arith.index_cast %scan3A_177 : i32 to index
      %swap3A_198 = arith.constant 64 : index
      %swap3A_199 = tpu.vector_load %arg11[%swap3A_197, %swap3A_198] {strides = array<i32>} : memref<128x128xf32, #tpu.memory_space<vmem>>, vector<1x16xf32>,
      %swap3A_200 = vector.shape_cast %swap3A_199 : vector<1x16xf32> to vector<16xf32>
      %swap3A_201 = vector.shape_cast %broadcast_in_dim3A_94 : vector<16xf32> to vector<1x16xf32>
      tpu.vector_store %arg11[%swap3A_197, %swap3A_198], %swap3A_201 {strides = array<i32>} : memref<128x128xf32, #tpu.memory_space<vmem>>, vector<1x16xf32>,
      %swap3A_202 = arith.index_cast %scan3A_177 : i32 to index
      %swap3A_203 = arith.constant 80 : index
      %swap3A_204 = tpu.vector_load %arg11[%swap3A_202, %swap3A_203] {strides = array<i32>} : memref<128x128xf32, #tpu.memory_space<vmem>>, vector<1x16xf32>,
      %swap3A_205 = vector.shape_cast %swap3A_204 : vector<1x16xf32> to vector<16xf32>
      %swap3A_206 = vector.shape_cast %broadcast_in_dim3A_94 : vector<16xf32> to vector<1x16xf32>
      tpu.vector_store %arg11[%swap3A_202, %swap3A_203], %swap3A_206 {strides = array<i32>} : memref<128x128xf32, #tpu.memory_space<vmem>>, vector<1x16xf32>,
      %swap3A_207 = arith.index_cast %scan3A_177 : i32 to index
      %swap3A_208 = arith.constant 96 : index
      %swap3A_209 = tpu.vector_load %arg11[%swap3A_207, %swap3A_208] {strides = array<i32>} : memref<128x128xf32, #tpu.memory_space<vmem>>, vector<1x16xf32>,
      %swap3A_210 = vector.shape_cast %swap3A_209 : vector<1x16xf32> to vector<16xf32>
      %swap3A_211 = vector.shape_cast %broadcast_in_dim3A_94 : vector<16xf32> to vector<1x16xf32>
      tpu.vector_store %arg11[%swap3A_207, %swap3A_208], %swap3A_211 {strides = array<i32>} : memref<128x128xf32, #tpu.memory_space<vmem>>, vector<1x16xf32>,
      %swap3A_212 = arith.index_cast %scan3A_177 : i32 to index
      %swap3A_213 = arith.constant 112 : index
      %swap3A_214 = tpu.vector_load %arg11[%swap3A_212, %swap3A_213] {strides = array<i32>} : memref<128x128xf32, #tpu.memory_space<vmem>>, vector<1x16xf32>,
      %swap3A_215 = vector.shape_cast %swap3A_214 : vector<1x16xf32> to vector<16xf32>
      %swap3A_216 = vector.shape_cast %broadcast_in_dim3A_94 : vector<16xf32> to vector<1x16xf32>
      tpu.vector_store %arg11[%swap3A_212, %swap3A_213], %swap3A_216 {strides = array<i32>} : memref<128x128xf32, #tpu.memory_space<vmem>>, vector<1x16xf32>,
    }
    %scan3A_100 = arith.constant 128 : i32
    %add3A_101 = arith.constant 0 : i32
    %add3A_102 = arith.addi %mul3A_0, %add3A_101 : i32
    "tpu.region"() ({
      %run_scoped3A = tpu.sem_alloc : memref<!tpu.dma_semaphore, #tpu.memory_space<semaphore_mem>>
      %dma_start3A_177 = arith.constant 0 : i32
      %dma_start3A_178 = tpu.memref_slice %arg13[%add3A_102, %dma_start3A_177] : memref<10240x128xf32, #tpu.memory_space<vmem_shared>> -> memref<128x128xf32, #tpu.memory_space<vmem_shared>>
      %dma_start3A_179 = arith.constant 0 : i32
      %dma_start3A_180 = tpu.memref_slice %arg13[%add3A_102, %dma_start3A_179] : memref<10240x128xf32, #tpu.memory_space<vmem_shared>> -> memref<128x128xf32, #tpu.memory_space<vmem_shared>>
      tpu.enqueue_dma source(%arg11 : memref<128x128xf32, #tpu.memory_space<vmem>>) target(%dma_start3A_180 : memref<128x128xf32, #tpu.memory_space<vmem_shared>>) target_semaphore(%run_scoped3A : memref<!tpu.dma_semaphore, #tpu.memory_space<semaphore_mem>>)
      %dma_wait3A = arith.constant 0 : i32
      %dma_wait3A_181 = tpu.memref_slice %arg13[%add3A_102, %dma_wait3A] : memref<10240x128xf32, #tpu.memory_space<vmem_shared>> -> memref<128x128xf32, #tpu.memory_space<vmem_shared>>
      %dma_wait3A_182 = arith.constant 0 : i32
      %dma_wait3A_183 = tpu.memref_slice %arg13[%add3A_102, %dma_wait3A_182] : memref<10240x128xf32, #tpu.memory_space<vmem_shared>> -> memref<128x128xf32, #tpu.memory_space<vmem_shared>>
      tpu.wait_dma2 semaphore(%run_scoped3A : memref<!tpu.dma_semaphore, #tpu.memory_space<semaphore_mem>>) src(%arg11 : memref<128x128xf32, #tpu.memory_space<vmem>>) dst(%dma_wait3A_183 : memref<128x128xf32, #tpu.memory_space<vmem_shared>>)
      tpu.yield
    }) : () -> ()
    %add3A_103 = arith.constant 128 : i32
    %add3A_104 = arith.addi %mul3A_0, %add3A_103 : i32
    "tpu.region"() ({
      %run_scoped3A = tpu.sem_alloc : memref<!tpu.dma_semaphore, #tpu.memory_space<semaphore_mem>>
      %dma_start3A_177 = arith.constant 0 : i32
      %dma_start3A_178 = tpu.memref_slice %arg13[%add3A_104, %dma_start3A_177] : memref<10240x128xf32, #tpu.memory_space<vmem_shared>> -> memref<128x128xf32, #tpu.memory_space<vmem_shared>>
      %dma_start3A_179 = arith.constant 0 : i32
      %dma_start3A_180 = tpu.memref_slice %arg13[%add3A_104, %dma_start3A_179] : memref<10240x128xf32, #tpu.memory_space<vmem_shared>> -> memref<128x128xf32, #tpu.memory_space<vmem_shared>>
      tpu.enqueue_dma source(%arg11 : memref<128x128xf32, #tpu.memory_space<vmem>>) target(%dma_start3A_180 : memref<128x128xf32, #tpu.memory_space<vmem_shared>>) target_semaphore(%run_scoped3A : memref<!tpu.dma_semaphore, #tpu.memory_space<semaphore_mem>>)
      %dma_wait3A = arith.constant 0 : i32
      %dma_wait3A_181 = tpu.memref_slice %arg13[%add3A_104, %dma_wait3A] : memref<10240x128xf32, #tpu.memory_space<vmem_shared>> -> memref<128x128xf32, #tpu.memory_space<vmem_shared>>
      %dma_wait3A_182 = arith.constant 0 : i32
      %dma_wait3A_183 = tpu.memref_slice %arg13[%add3A_104, %dma_wait3A_182] : memref<10240x128xf32, #tpu.memory_space<vmem_shared>> -> memref<128x128xf32, #tpu.memory_space<vmem_shared>>
      tpu.wait_dma2 semaphore(%run_scoped3A : memref<!tpu.dma_semaphore, #tpu.memory_space<semaphore_mem>>) src(%arg11 : memref<128x128xf32, #tpu.memory_space<vmem>>) dst(%dma_wait3A_183 : memref<128x128xf32, #tpu.memory_space<vmem_shared>>)
      tpu.yield
    }) : () -> ()
    %add3A_105 = arith.constant 256 : i32
    %add3A_106 = arith.addi %mul3A_0, %add3A_105 : i32
    "tpu.region"() ({
      %run_scoped3A = tpu.sem_alloc : memref<!tpu.dma_semaphore, #tpu.memory_space<semaphore_mem>>
      %dma_start3A_177 = arith.constant 0 : i32
      %dma_start3A_178 = tpu.memref_slice %arg13[%add3A_106, %dma_start3A_177] : memref<10240x128xf32, #tpu.memory_space<vmem_shared>> -> memref<128x128xf32, #tpu.memory_space<vmem_shared>>
      %dma_start3A_179 = arith.constant 0 : i32
      %dma_start3A_180 = tpu.memref_slice %arg13[%add3A_106, %dma_start3A_179] : memref<10240x128xf32, #tpu.memory_space<vmem_shared>> -> memref<128x128xf32, #tpu.memory_space<vmem_shared>>
      tpu.enqueue_dma source(%arg11 : memref<128x128xf32, #tpu.memory_space<vmem>>) target(%dma_start3A_180 : memref<128x128xf32, #tpu.memory_space<vmem_shared>>) target_semaphore(%run_scoped3A : memref<!tpu.dma_semaphore, #tpu.memory_space<semaphore_mem>>)
      %dma_wait3A = arith.constant 0 : i32
      %dma_wait3A_181 = tpu.memref_slice %arg13[%add3A_106, %dma_wait3A] : memref<10240x128xf32, #tpu.memory_space<vmem_shared>> -> memref<128x128xf32, #tpu.memory_space<vmem_shared>>
      %dma_wait3A_182 = arith.constant 0 : i32
      %dma_wait3A_183 = tpu.memref_slice %arg13[%add3A_106, %dma_wait3A_182] : memref<10240x128xf32, #tpu.memory_space<vmem_shared>> -> memref<128x128xf32, #tpu.memory_space<vmem_shared>>
      tpu.wait_dma2 semaphore(%run_scoped3A : memref<!tpu.dma_semaphore, #tpu.memory_space<semaphore_mem>>) src(%arg11 : memref<128x128xf32, #tpu.memory_space<vmem>>) dst(%dma_wait3A_183 : memref<128x128xf32, #tpu.memory_space<vmem_shared>>)
      tpu.yield
    }) : () -> ()
    %add3A_107 = arith.constant 384 : i32
    %add3A_108 = arith.addi %mul3A_0, %add3A_107 : i32
    "tpu.region"() ({
      %run_scoped3A = tpu.sem_alloc : memref<!tpu.dma_semaphore, #tpu.memory_space<semaphore_mem>>
      %dma_start3A_177 = arith.constant 0 : i32
      %dma_start3A_178 = tpu.memref_slice %arg13[%add3A_108, %dma_start3A_177] : memref<10240x128xf32, #tpu.memory_space<vmem_shared>> -> memref<128x128xf32, #tpu.memory_space<vmem_shared>>
      %dma_start3A_179 = arith.constant 0 : i32
      %dma_start3A_180 = tpu.memref_slice %arg13[%add3A_108, %dma_start3A_179] : memref<10240x128xf32, #tpu.memory_space<vmem_shared>> -> memref<128x128xf32, #tpu.memory_space<vmem_shared>>
      tpu.enqueue_dma source(%arg11 : memref<128x128xf32, #tpu.memory_space<vmem>>) target(%dma_start3A_180 : memref<128x128xf32, #tpu.memory_space<vmem_shared>>) target_semaphore(%run_scoped3A : memref<!tpu.dma_semaphore, #tpu.memory_space<semaphore_mem>>)
      %dma_wait3A = arith.constant 0 : i32
      %dma_wait3A_181 = tpu.memref_slice %arg13[%add3A_108, %dma_wait3A] : memref<10240x128xf32, #tpu.memory_space<vmem_shared>> -> memref<128x128xf32, #tpu.memory_space<vmem_shared>>
      %dma_wait3A_182 = arith.constant 0 : i32
      %dma_wait3A_183 = tpu.memref_slice %arg13[%add3A_108, %dma_wait3A_182] : memref<10240x128xf32, #tpu.memory_space<vmem_shared>> -> memref<128x128xf32, #tpu.memory_space<vmem_shared>>
      tpu.wait_dma2 semaphore(%run_scoped3A : memref<!tpu.dma_semaphore, #tpu.memory_space<semaphore_mem>>) src(%arg11 : memref<128x128xf32, #tpu.memory_space<vmem>>) dst(%dma_wait3A_183 : memref<128x128xf32, #tpu.memory_space<vmem_shared>>)
      tpu.yield
    }) : () -> ()
    %add3A_109 = arith.constant 512 : i32
    %add3A_110 = arith.addi %mul3A_0, %add3A_109 : i32
    "tpu.region"() ({
      %run_scoped3A = tpu.sem_alloc : memref<!tpu.dma_semaphore, #tpu.memory_space<semaphore_mem>>
      %dma_start3A_177 = arith.constant 0 : i32
      %dma_start3A_178 = tpu.memref_slice %arg13[%add3A_110, %dma_start3A_177] : memref<10240x128xf32, #tpu.memory_space<vmem_shared>> -> memref<128x128xf32, #tpu.memory_space<vmem_shared>>
      %dma_start3A_179 = arith.constant 0 : i32
      %dma_start3A_180 = tpu.memref_slice %arg13[%add3A_110, %dma_start3A_179] : memref<10240x128xf32, #tpu.memory_space<vmem_shared>> -> memref<128x128xf32, #tpu.memory_space<vmem_shared>>
      tpu.enqueue_dma source(%arg11 : memref<128x128xf32, #tpu.memory_space<vmem>>) target(%dma_start3A_180 : memref<128x128xf32, #tpu.memory_space<vmem_shared>>) target_semaphore(%run_scoped3A : memref<!tpu.dma_semaphore, #tpu.memory_space<semaphore_mem>>)
      %dma_wait3A = arith.constant 0 : i32
      %dma_wait3A_181 = tpu.memref_slice %arg13[%add3A_110, %dma_wait3A] : memref<10240x128xf32, #tpu.memory_space<vmem_shared>> -> memref<128x128xf32, #tpu.memory_space<vmem_shared>>
      %dma_wait3A_182 = arith.constant 0 : i32
      %dma_wait3A_183 = tpu.memref_slice %arg13[%add3A_110, %dma_wait3A_182] : memref<10240x128xf32, #tpu.memory_space<vmem_shared>> -> memref<128x128xf32, #tpu.memory_space<vmem_shared>>
      tpu.wait_dma2 semaphore(%run_scoped3A : memref<!tpu.dma_semaphore, #tpu.memory_space<semaphore_mem>>) src(%arg11 : memref<128x128xf32, #tpu.memory_space<vmem>>) dst(%dma_wait3A_183 : memref<128x128xf32, #tpu.memory_space<vmem_shared>>)
      tpu.yield
    }) : () -> ()
    %barrier3A_111 = arith.constant 0 : index
    tpu.barrier barrier_id(%barrier3A_111)
    %add3A_112 = arith.constant 0 : i32
    %add3A_113 = arith.addi %select_n3A_10, %add3A_112 : i32
    "tpu.region"() ({
      %run_scoped3A = tpu.sem_alloc : memref<!tpu.dma_semaphore, #tpu.memory_space<semaphore_mem>>
      %dma_start3A_177 = tpu.memref_slice %arg3[%add3A_113] : memref<323584xi32, #tpu.memory_space<hbm>> -> memref<128xi32, #tpu.memory_space<hbm>>
      %dma_start3A_178 = tpu.memref_slice %arg3[%add3A_113] : memref<323584xi32, #tpu.memory_space<hbm>> -> memref<128xi32, #tpu.memory_space<hbm>>
      tpu.enqueue_dma source(%dma_start3A_178 : memref<128xi32, #tpu.memory_space<hbm>>) target(%arg7 : memref<128xi32, #tpu.memory_space<vmem>>) target_semaphore(%run_scoped3A : memref<!tpu.dma_semaphore, #tpu.memory_space<semaphore_mem>>)
      %dma_wait3A = tpu.memref_slice %arg3[%add3A_113] : memref<323584xi32, #tpu.memory_space<hbm>> -> memref<128xi32, #tpu.memory_space<hbm>>
      %dma_wait3A_179 = tpu.memref_slice %arg3[%add3A_113] : memref<323584xi32, #tpu.memory_space<hbm>> -> memref<128xi32, #tpu.memory_space<hbm>>
      tpu.wait_dma2 semaphore(%run_scoped3A : memref<!tpu.dma_semaphore, #tpu.memory_space<semaphore_mem>>) src(%dma_wait3A_179 : memref<128xi32, #tpu.memory_space<hbm>>) dst(%arg7 : memref<128xi32, #tpu.memory_space<vmem>>)
      tpu.yield
    }) : () -> ()
    "tpu.region"() ({
      %run_scoped3A = tpu.sem_alloc : memref<!tpu.dma_semaphore, #tpu.memory_space<semaphore_mem>>
      %dma_start3A_177 = tpu.memref_slice %arg4[%add3A_113] : memref<323584xi32, #tpu.memory_space<hbm>> -> memref<128xi32, #tpu.memory_space<hbm>>
      %dma_start3A_178 = tpu.memref_slice %arg4[%add3A_113] : memref<323584xi32, #tpu.memory_space<hbm>> -> memref<128xi32, #tpu.memory_space<hbm>>
      tpu.enqueue_dma source(%dma_start3A_178 : memref<128xi32, #tpu.memory_space<hbm>>) target(%arg9 : memref<128xi32, #tpu.memory_space<vmem>>) target_semaphore(%run_scoped3A : memref<!tpu.dma_semaphore, #tpu.memory_space<semaphore_mem>>)
      %dma_wait3A = tpu.memref_slice %arg4[%add3A_113] : memref<323584xi32, #tpu.memory_space<hbm>> -> memref<128xi32, #tpu.memory_space<hbm>>
      %dma_wait3A_179 = tpu.memref_slice %arg4[%add3A_113] : memref<323584xi32, #tpu.memory_space<hbm>> -> memref<128xi32, #tpu.memory_space<hbm>>
      tpu.wait_dma2 semaphore(%run_scoped3A : memref<!tpu.dma_semaphore, #tpu.memory_space<semaphore_mem>>) src(%dma_wait3A_179 : memref<128xi32, #tpu.memory_space<hbm>>) dst(%arg9 : memref<128xi32, #tpu.memory_space<vmem>>)
      tpu.yield
    }) : () -> ()
    %dma_start3A_114 = arith.constant 0 : i32
    %dma_start3A_115 = arith.constant 0 : i32
    %dma_start3A_116 = tpu.memref_slice %arg2[%dma_start3A_114, %dma_start3A_115] : memref<10000x128xf32, #tpu.memory_space<hbm>> -> memref<10000x128xf32, #tpu.memory_space<hbm>>
    tpu.enqueue_indirect_dma source(%dma_start3A_116 : memref<10000x128xf32, #tpu.memory_space<hbm>>) target(%arg11 : memref<128x128xf32, #tpu.memory_space<vmem>>) offsets(%arg7 : memref<128xi32, #tpu.memory_space<vmem>>) semaphore(%arg14 : memref<!tpu.dma_semaphore, #tpu.memory_space<semaphore_mem>>)
    %add3A_117 = arith.constant 128 : i32
    %add3A_118 = arith.addi %select_n3A_10, %add3A_117 : i32
    "tpu.region"() ({
      %run_scoped3A = tpu.sem_alloc : memref<!tpu.dma_semaphore, #tpu.memory_space<semaphore_mem>>
      %dma_start3A_177 = tpu.memref_slice %arg3[%add3A_118] : memref<323584xi32, #tpu.memory_space<hbm>> -> memref<128xi32, #tpu.memory_space<hbm>>
      %dma_start3A_178 = tpu.memref_slice %arg3[%add3A_118] : memref<323584xi32, #tpu.memory_space<hbm>> -> memref<128xi32, #tpu.memory_space<hbm>>
      tpu.enqueue_dma source(%dma_start3A_178 : memref<128xi32, #tpu.memory_space<hbm>>) target(%arg8 : memref<128xi32, #tpu.memory_space<vmem>>) target_semaphore(%run_scoped3A : memref<!tpu.dma_semaphore, #tpu.memory_space<semaphore_mem>>)
      %dma_wait3A = tpu.memref_slice %arg3[%add3A_118] : memref<323584xi32, #tpu.memory_space<hbm>> -> memref<128xi32, #tpu.memory_space<hbm>>
      %dma_wait3A_179 = tpu.memref_slice %arg3[%add3A_118] : memref<323584xi32, #tpu.memory_space<hbm>> -> memref<128xi32, #tpu.memory_space<hbm>>
      tpu.wait_dma2 semaphore(%run_scoped3A : memref<!tpu.dma_semaphore, #tpu.memory_space<semaphore_mem>>) src(%dma_wait3A_179 : memref<128xi32, #tpu.memory_space<hbm>>) dst(%arg8 : memref<128xi32, #tpu.memory_space<vmem>>)
      tpu.yield
    }) : () -> ()
    "tpu.region"() ({
      %run_scoped3A = tpu.sem_alloc : memref<!tpu.dma_semaphore, #tpu.memory_space<semaphore_mem>>
      %dma_start3A_177 = tpu.memref_slice %arg4[%add3A_118] : memref<323584xi32, #tpu.memory_space<hbm>> -> memref<128xi32, #tpu.memory_space<hbm>>
      %dma_start3A_178 = tpu.memref_slice %arg4[%add3A_118] : memref<323584xi32, #tpu.memory_space<hbm>> -> memref<128xi32, #tpu.memory_space<hbm>>
      tpu.enqueue_dma source(%dma_start3A_178 : memref<128xi32, #tpu.memory_space<hbm>>) target(%arg10 : memref<128xi32, #tpu.memory_space<vmem>>) target_semaphore(%run_scoped3A : memref<!tpu.dma_semaphore, #tpu.memory_space<semaphore_mem>>)
      %dma_wait3A = tpu.memref_slice %arg4[%add3A_118] : memref<323584xi32, #tpu.memory_space<hbm>> -> memref<128xi32, #tpu.memory_space<hbm>>
      %dma_wait3A_179 = tpu.memref_slice %arg4[%add3A_118] : memref<323584xi32, #tpu.memory_space<hbm>> -> memref<128xi32, #tpu.memory_space<hbm>>
      tpu.wait_dma2 semaphore(%run_scoped3A : memref<!tpu.dma_semaphore, #tpu.memory_space<semaphore_mem>>) src(%dma_wait3A_179 : memref<128xi32, #tpu.memory_space<hbm>>) dst(%arg10 : memref<128xi32, #tpu.memory_space<vmem>>)
      tpu.yield
    }) : () -> ()
    %dma_start3A_119 = arith.constant 0 : i32
    %dma_start3A_120 = arith.constant 0 : i32
    %dma_start3A_121 = tpu.memref_slice %arg2[%dma_start3A_119, %dma_start3A_120] : memref<10000x128xf32, #tpu.memory_space<hbm>> -> memref<10000x128xf32, #tpu.memory_space<hbm>>
    tpu.enqueue_indirect_dma source(%dma_start3A_121 : memref<10000x128xf32, #tpu.memory_space<hbm>>) target(%arg12 : memref<128x128xf32, #tpu.memory_space<vmem>>) offsets(%arg8 : memref<128xi32, #tpu.memory_space<vmem>>) semaphore(%arg15 : memref<!tpu.dma_semaphore, #tpu.memory_space<semaphore_mem>>)
    %jit3A_122 = arith.constant 2 : i32
    %div3A_123 = arith.divsi %select_n3A, %jit3A_122 : i32
    %sign3A_124 = arith.constant 0 : i32
    %sign3A_125 = arith.cmpi sgt, %select_n3A, %sign3A_124 : i32
    %sign3A_126 = arith.extui %sign3A_125 : i1 to i32
    %sign3A_127 = arith.constant 0 : i32
    %sign3A_128 = arith.cmpi slt, %select_n3A, %sign3A_127 : i32
    %sign3A_129 = arith.extui %sign3A_128 : i1 to i32
    %sign3A_130 = arith.subi %sign3A_126, %sign3A_129 : i32
    %sign3A_131 = arith.constant 0 : i32
    %sign3A_132 = arith.cmpi sgt, %jit3A_122, %sign3A_131 : i32
    %sign3A_133 = arith.extui %sign3A_132 : i1 to i32
    %sign3A_134 = arith.constant 0 : i32
    %sign3A_135 = arith.cmpi slt, %jit3A_122, %sign3A_134 : i32
    %sign3A_136 = arith.extui %sign3A_135 : i1 to i32
    %sign3A_137 = arith.subi %sign3A_133, %sign3A_136 : i32
    %ne3A_138 = arith.cmpi ne, %sign3A_130, %sign3A_137 : i32
    %rem3A_139 = arith.remsi %select_n3A, %jit3A_122 : i32
    %ne3A_140 = arith.constant 0 : i32
    %ne3A_141 = arith.cmpi ne, %rem3A_139, %ne3A_140 : i32
    %and3A_142 = arith.andi %ne3A_138, %ne3A_141 : i1
    %sub3A_143 = arith.constant 1 : i32
    %sub3A_144 = arith.subi %div3A_123, %sub3A_143 : i32
    %select_n3A_145 = arith.select %and3A_142, %sub3A_144, %div3A_123 : i32
    %while3A_146 = arith.constant 0 : i32
    %while3A_147 = arith.constant 0 : i32
    %while3A_148 = arith.subi %select_n3A_145, %while3A_147 : i32
    %while3A_149 = arith.addi %while3A_147, %while3A_148 : i32
    %while3A_150 = arith.constant 1 : i32
    %while3A_151 = arith.divsi %while3A_148, %while3A_150 : i32
    %while3A_152 = arith.muli %while3A_151, %while3A_150 : i32
    %while3A_153 = arith.addi %while3A_147, %while3A_152 : i32
    %while3A_154 = arith.constant 1 : i32
    scf.for %while3A_177 = %while3A_147 to %while3A_153 step %while3A_154  : i32 {
      %mul3A_178 = arith.constant 2 : i32
      %mul3A_179 = arith.muli %mul3A_178, %while3A_177 : i32
      %add3A_180 = arith.constant 0 : i32
      %add3A_181 = arith.addi %mul3A_179, %add3A_180 : i32
      %dma_wait3A = arith.constant 0 : i32
      %dma_wait3A_182 = arith.constant 0 : i32
      %dma_wait3A_183 = tpu.memref_slice %arg2[%dma_wait3A, %dma_wait3A_182] : memref<10000x128xf32, #tpu.memory_space<hbm>> -> memref<10000x128xf32, #tpu.memory_space<hbm>>
      tpu.wait_indirect_dma semaphore(%arg14 : memref<!tpu.dma_semaphore, #tpu.memory_space<semaphore_mem>>) src(%dma_wait3A_183 : memref<10000x128xf32, #tpu.memory_space<hbm>>) dst(%arg11 : memref<128x128xf32, #tpu.memory_space<vmem>>)
      "tpu.region"() ({
        %run_scoped3A = tpu.sem_alloc : memref<!tpu.dma_semaphore, #tpu.memory_space<semaphore_mem>>
        %dma_start3A_200 = arith.constant 0 : i32
        %dma_start3A_201 = arith.constant 0 : i32
        %dma_start3A_202 = tpu.memref_slice %arg13[%dma_start3A_200, %dma_start3A_201] : memref<10240x128xf32, #tpu.memory_space<vmem_shared>> -> memref<10240x128xf32, #tpu.memory_space<vmem_shared>>
        tpu.enqueue_indirect_dma source(%arg11 : memref<128x128xf32, #tpu.memory_space<vmem>>) target(%dma_start3A_202 : memref<10240x128xf32, #tpu.memory_space<vmem_shared>>) offsets(%arg9 : memref<128xi32, #tpu.memory_space<vmem>>) semaphore(%run_scoped3A : memref<!tpu.dma_semaphore, #tpu.memory_space<semaphore_mem>>) {add = true}
        %dma_wait3A_203 = arith.constant 0 : i32
        %dma_wait3A_204 = arith.constant 0 : i32
        %dma_wait3A_205 = tpu.memref_slice %arg13[%dma_wait3A_203, %dma_wait3A_204] : memref<10240x128xf32, #tpu.memory_space<vmem_shared>> -> memref<10240x128xf32, #tpu.memory_space<vmem_shared>>
        tpu.wait_indirect_dma semaphore(%run_scoped3A : memref<!tpu.dma_semaphore, #tpu.memory_space<semaphore_mem>>) src(%arg11 : memref<128x128xf32, #tpu.memory_space<vmem>>) dst(%dma_wait3A_205 : memref<10240x128xf32, #tpu.memory_space<vmem_shared>>)
        tpu.yield
      }) : () -> ()
      %add3A_184 = arith.constant 2 : i32
      %add3A_185 = arith.addi %add3A_181, %add3A_184 : i32
      %lt3A = arith.cmpi slt, %add3A_185, %select_n3A : i32
      %convert_element_type3A = arith.extui %lt3A : i1 to i32
      %cond3A = arith.constant 0 : i32
      %cond3A_186 = arith.cmpi ne, %convert_element_type3A, %cond3A : i32
      scf.if %cond3A_186 {
        %add3A_200 = arith.constant 2 : i32
        %add3A_201 = arith.addi %add3A_181, %add3A_200 : i32
        %mul3A_202 = arith.constant 128 : i32
        %mul3A_203 = arith.muli %add3A_201, %mul3A_202 : i32
        %add3A_204 = arith.addi %select_n3A_10, %mul3A_203 : i32
        "tpu.region"() ({
          %run_scoped3A = tpu.sem_alloc : memref<!tpu.dma_semaphore, #tpu.memory_space<semaphore_mem>>
          %dma_start3A_208 = tpu.memref_slice %arg3[%add3A_204] : memref<323584xi32, #tpu.memory_space<hbm>> -> memref<128xi32, #tpu.memory_space<hbm>>
          %dma_start3A_209 = tpu.memref_slice %arg3[%add3A_204] : memref<323584xi32, #tpu.memory_space<hbm>> -> memref<128xi32, #tpu.memory_space<hbm>>
          tpu.enqueue_dma source(%dma_start3A_209 : memref<128xi32, #tpu.memory_space<hbm>>) target(%arg7 : memref<128xi32, #tpu.memory_space<vmem>>) target_semaphore(%run_scoped3A : memref<!tpu.dma_semaphore, #tpu.memory_space<semaphore_mem>>)
          %dma_wait3A_210 = tpu.memref_slice %arg3[%add3A_204] : memref<323584xi32, #tpu.memory_space<hbm>> -> memref<128xi32, #tpu.memory_space<hbm>>
          %dma_wait3A_211 = tpu.memref_slice %arg3[%add3A_204] : memref<323584xi32, #tpu.memory_space<hbm>> -> memref<128xi32, #tpu.memory_space<hbm>>
          tpu.wait_dma2 semaphore(%run_scoped3A : memref<!tpu.dma_semaphore, #tpu.memory_space<semaphore_mem>>) src(%dma_wait3A_211 : memref<128xi32, #tpu.memory_space<hbm>>) dst(%arg7 : memref<128xi32, #tpu.memory_space<vmem>>)
          tpu.yield
        }) : () -> ()
        "tpu.region"() ({
          %run_scoped3A = tpu.sem_alloc : memref<!tpu.dma_semaphore, #tpu.memory_space<semaphore_mem>>
          %dma_start3A_208 = tpu.memref_slice %arg4[%add3A_204] : memref<323584xi32, #tpu.memory_space<hbm>> -> memref<128xi32, #tpu.memory_space<hbm>>
          %dma_start3A_209 = tpu.memref_slice %arg4[%add3A_204] : memref<323584xi32, #tpu.memory_space<hbm>> -> memref<128xi32, #tpu.memory_space<hbm>>
          tpu.enqueue_dma source(%dma_start3A_209 : memref<128xi32, #tpu.memory_space<hbm>>) target(%arg9 : memref<128xi32, #tpu.memory_space<vmem>>) target_semaphore(%run_scoped3A : memref<!tpu.dma_semaphore, #tpu.memory_space<semaphore_mem>>)
          %dma_wait3A_210 = tpu.memref_slice %arg4[%add3A_204] : memref<323584xi32, #tpu.memory_space<hbm>> -> memref<128xi32, #tpu.memory_space<hbm>>
          %dma_wait3A_211 = tpu.memref_slice %arg4[%add3A_204] : memref<323584xi32, #tpu.memory_space<hbm>> -> memref<128xi32, #tpu.memory_space<hbm>>
          tpu.wait_dma2 semaphore(%run_scoped3A : memref<!tpu.dma_semaphore, #tpu.memory_space<semaphore_mem>>) src(%dma_wait3A_211 : memref<128xi32, #tpu.memory_space<hbm>>) dst(%arg9 : memref<128xi32, #tpu.memory_space<vmem>>)
          tpu.yield
        }) : () -> ()
        %dma_start3A_205 = arith.constant 0 : i32
        %dma_start3A_206 = arith.constant 0 : i32
        %dma_start3A_207 = tpu.memref_slice %arg2[%dma_start3A_205, %dma_start3A_206] : memref<10000x128xf32, #tpu.memory_space<hbm>> -> memref<10000x128xf32, #tpu.memory_space<hbm>>
        tpu.enqueue_indirect_dma source(%dma_start3A_207 : memref<10000x128xf32, #tpu.memory_space<hbm>>) target(%arg11 : memref<128x128xf32, #tpu.memory_space<vmem>>) offsets(%arg7 : memref<128xi32, #tpu.memory_space<vmem>>) semaphore(%arg14 : memref<!tpu.dma_semaphore, #tpu.memory_space<semaphore_mem>>)
      } else {
      }
      %mul3A_187 = arith.constant 2 : i32
      %mul3A_188 = arith.muli %mul3A_187, %while3A_177 : i32
      %add3A_189 = arith.constant 1 : i32
      %add3A_190 = arith.addi %mul3A_188, %add3A_189 : i32
      %dma_wait3A_191 = arith.constant 0 : i32
      %dma_wait3A_192 = arith.constant 0 : i32
      %dma_wait3A_193 = tpu.memref_slice %arg2[%dma_wait3A_191, %dma_wait3A_192] : memref<10000x128xf32, #tpu.memory_space<hbm>> -> memref<10000x128xf32, #tpu.memory_space<hbm>>
      tpu.wait_indirect_dma semaphore(%arg15 : memref<!tpu.dma_semaphore, #tpu.memory_space<semaphore_mem>>) src(%dma_wait3A_193 : memref<10000x128xf32, #tpu.memory_space<hbm>>) dst(%arg12 : memref<128x128xf32, #tpu.memory_space<vmem>>)
      "tpu.region"() ({
        %run_scoped3A = tpu.sem_alloc : memref<!tpu.dma_semaphore, #tpu.memory_space<semaphore_mem>>
        %dma_start3A_200 = arith.constant 0 : i32
        %dma_start3A_201 = arith.constant 0 : i32
        %dma_start3A_202 = tpu.memref_slice %arg13[%dma_start3A_200, %dma_start3A_201] : memref<10240x128xf32, #tpu.memory_space<vmem_shared>> -> memref<10240x128xf32, #tpu.memory_space<vmem_shared>>
        tpu.enqueue_indirect_dma source(%arg12 : memref<128x128xf32, #tpu.memory_space<vmem>>) target(%dma_start3A_202 : memref<10240x128xf32, #tpu.memory_space<vmem_shared>>) offsets(%arg10 : memref<128xi32, #tpu.memory_space<vmem>>) semaphore(%run_scoped3A : memref<!tpu.dma_semaphore, #tpu.memory_space<semaphore_mem>>) {add = true}
        %dma_wait3A_203 = arith.constant 0 : i32
        %dma_wait3A_204 = arith.constant 0 : i32
        %dma_wait3A_205 = tpu.memref_slice %arg13[%dma_wait3A_203, %dma_wait3A_204] : memref<10240x128xf32, #tpu.memory_space<vmem_shared>> -> memref<10240x128xf32, #tpu.memory_space<vmem_shared>>
        tpu.wait_indirect_dma semaphore(%run_scoped3A : memref<!tpu.dma_semaphore, #tpu.memory_space<semaphore_mem>>) src(%arg12 : memref<128x128xf32, #tpu.memory_space<vmem>>) dst(%dma_wait3A_205 : memref<10240x128xf32, #tpu.memory_space<vmem_shared>>)
        tpu.yield
      }) : () -> ()
      %add3A_194 = arith.constant 2 : i32
      %add3A_195 = arith.addi %add3A_190, %add3A_194 : i32
      %lt3A_196 = arith.cmpi slt, %add3A_195, %select_n3A : i32
      %convert_element_type3A_197 = arith.extui %lt3A_196 : i1 to i32
      %cond3A_198 = arith.constant 0 : i32
      %cond3A_199 = arith.cmpi ne, %convert_element_type3A_197, %cond3A_198 : i32
      scf.if %cond3A_199 {
        %add3A_200 = arith.constant 2 : i32
        %add3A_201 = arith.addi %add3A_190, %add3A_200 : i32
        %mul3A_202 = arith.constant 128 : i32
        %mul3A_203 = arith.muli %add3A_201, %mul3A_202 : i32
        %add3A_204 = arith.addi %select_n3A_10, %mul3A_203 : i32
        "tpu.region"() ({
          %run_scoped3A = tpu.sem_alloc : memref<!tpu.dma_semaphore, #tpu.memory_space<semaphore_mem>>
          %dma_start3A_208 = tpu.memref_slice %arg3[%add3A_204] : memref<323584xi32, #tpu.memory_space<hbm>> -> memref<128xi32, #tpu.memory_space<hbm>>
          %dma_start3A_209 = tpu.memref_slice %arg3[%add3A_204] : memref<323584xi32, #tpu.memory_space<hbm>> -> memref<128xi32, #tpu.memory_space<hbm>>
          tpu.enqueue_dma source(%dma_start3A_209 : memref<128xi32, #tpu.memory_space<hbm>>) target(%arg8 : memref<128xi32, #tpu.memory_space<vmem>>) target_semaphore(%run_scoped3A : memref<!tpu.dma_semaphore, #tpu.memory_space<semaphore_mem>>)
          %dma_wait3A_210 = tpu.memref_slice %arg3[%add3A_204] : memref<323584xi32, #tpu.memory_space<hbm>> -> memref<128xi32, #tpu.memory_space<hbm>>
          %dma_wait3A_211 = tpu.memref_slice %arg3[%add3A_204] : memref<323584xi32, #tpu.memory_space<hbm>> -> memref<128xi32, #tpu.memory_space<hbm>>
          tpu.wait_dma2 semaphore(%run_scoped3A : memref<!tpu.dma_semaphore, #tpu.memory_space<semaphore_mem>>) src(%dma_wait3A_211 : memref<128xi32, #tpu.memory_space<hbm>>) dst(%arg8 : memref<128xi32, #tpu.memory_space<vmem>>)
          tpu.yield
        }) : () -> ()
        "tpu.region"() ({
          %run_scoped3A = tpu.sem_alloc : memref<!tpu.dma_semaphore, #tpu.memory_space<semaphore_mem>>
          %dma_start3A_208 = tpu.memref_slice %arg4[%add3A_204] : memref<323584xi32, #tpu.memory_space<hbm>> -> memref<128xi32, #tpu.memory_space<hbm>>
          %dma_start3A_209 = tpu.memref_slice %arg4[%add3A_204] : memref<323584xi32, #tpu.memory_space<hbm>> -> memref<128xi32, #tpu.memory_space<hbm>>
          tpu.enqueue_dma source(%dma_start3A_209 : memref<128xi32, #tpu.memory_space<hbm>>) target(%arg10 : memref<128xi32, #tpu.memory_space<vmem>>) target_semaphore(%run_scoped3A : memref<!tpu.dma_semaphore, #tpu.memory_space<semaphore_mem>>)
          %dma_wait3A_210 = tpu.memref_slice %arg4[%add3A_204] : memref<323584xi32, #tpu.memory_space<hbm>> -> memref<128xi32, #tpu.memory_space<hbm>>
          %dma_wait3A_211 = tpu.memref_slice %arg4[%add3A_204] : memref<323584xi32, #tpu.memory_space<hbm>> -> memref<128xi32, #tpu.memory_space<hbm>>
          tpu.wait_dma2 semaphore(%run_scoped3A : memref<!tpu.dma_semaphore, #tpu.memory_space<semaphore_mem>>) src(%dma_wait3A_211 : memref<128xi32, #tpu.memory_space<hbm>>) dst(%arg10 : memref<128xi32, #tpu.memory_space<vmem>>)
          tpu.yield
        }) : () -> ()
        %dma_start3A_205 = arith.constant 0 : i32
        %dma_start3A_206 = arith.constant 0 : i32
        %dma_start3A_207 = tpu.memref_slice %arg2[%dma_start3A_205, %dma_start3A_206] : memref<10000x128xf32, #tpu.memory_space<hbm>> -> memref<10000x128xf32, #tpu.memory_space<hbm>>
        tpu.enqueue_indirect_dma source(%dma_start3A_207 : memref<10000x128xf32, #tpu.memory_space<hbm>>) target(%arg12 : memref<128x128xf32, #tpu.memory_space<vmem>>) offsets(%arg8 : memref<128xi32, #tpu.memory_space<vmem>>) semaphore(%arg15 : memref<!tpu.dma_semaphore, #tpu.memory_space<semaphore_mem>>)
      } else {
      }
    }
    %while3A_155 = arith.constant 1 : i32
    scf.for %while3A_177 = %while3A_153 to %while3A_149 step %while3A_155  : i32 {
      %mul3A_178 = arith.constant 2 : i32
      %mul3A_179 = arith.muli %mul3A_178, %while3A_177 : i32
      %add3A_180 = arith.constant 0 : i32
      %add3A_181 = arith.addi %mul3A_179, %add3A_180 : i32
      %dma_wait3A = arith.constant 0 : i32
      %dma_wait3A_182 = arith.constant 0 : i32
      %dma_wait3A_183 = tpu.memref_slice %arg2[%dma_wait3A, %dma_wait3A_182] : memref<10000x128xf32, #tpu.memory_space<hbm>> -> memref<10000x128xf32, #tpu.memory_space<hbm>>
      tpu.wait_indirect_dma semaphore(%arg14 : memref<!tpu.dma_semaphore, #tpu.memory_space<semaphore_mem>>) src(%dma_wait3A_183 : memref<10000x128xf32, #tpu.memory_space<hbm>>) dst(%arg11 : memref<128x128xf32, #tpu.memory_space<vmem>>)
      "tpu.region"() ({
        %run_scoped3A = tpu.sem_alloc : memref<!tpu.dma_semaphore, #tpu.memory_space<semaphore_mem>>
        %dma_start3A_200 = arith.constant 0 : i32
        %dma_start3A_201 = arith.constant 0 : i32
        %dma_start3A_202 = tpu.memref_slice %arg13[%dma_start3A_200, %dma_start3A_201] : memref<10240x128xf32, #tpu.memory_space<vmem_shared>> -> memref<10240x128xf32, #tpu.memory_space<vmem_shared>>
        tpu.enqueue_indirect_dma source(%arg11 : memref<128x128xf32, #tpu.memory_space<vmem>>) target(%dma_start3A_202 : memref<10240x128xf32, #tpu.memory_space<vmem_shared>>) offsets(%arg9 : memref<128xi32, #tpu.memory_space<vmem>>) semaphore(%run_scoped3A : memref<!tpu.dma_semaphore, #tpu.memory_space<semaphore_mem>>) {add = true}
        %dma_wait3A_203 = arith.constant 0 : i32
        %dma_wait3A_204 = arith.constant 0 : i32
        %dma_wait3A_205 = tpu.memref_slice %arg13[%dma_wait3A_203, %dma_wait3A_204] : memref<10240x128xf32, #tpu.memory_space<vmem_shared>> -> memref<10240x128xf32, #tpu.memory_space<vmem_shared>>
        tpu.wait_indirect_dma semaphore(%run_scoped3A : memref<!tpu.dma_semaphore, #tpu.memory_space<semaphore_mem>>) src(%arg11 : memref<128x128xf32, #tpu.memory_space<vmem>>) dst(%dma_wait3A_205 : memref<10240x128xf32, #tpu.memory_space<vmem_shared>>)
        tpu.yield
      }) : () -> ()
      %add3A_184 = arith.constant 2 : i32
      %add3A_185 = arith.addi %add3A_181, %add3A_184 : i32
      %lt3A = arith.cmpi slt, %add3A_185, %select_n3A : i32
      %convert_element_type3A = arith.extui %lt3A : i1 to i32
      %cond3A = arith.constant 0 : i32
      %cond3A_186 = arith.cmpi ne, %convert_element_type3A, %cond3A : i32
      scf.if %cond3A_186 {
        %add3A_200 = arith.constant 2 : i32
        %add3A_201 = arith.addi %add3A_181, %add3A_200 : i32
        %mul3A_202 = arith.constant 128 : i32
        %mul3A_203 = arith.muli %add3A_201, %mul3A_202 : i32
        %add3A_204 = arith.addi %select_n3A_10, %mul3A_203 : i32
        "tpu.region"() ({
          %run_scoped3A = tpu.sem_alloc : memref<!tpu.dma_semaphore, #tpu.memory_space<semaphore_mem>>
          %dma_start3A_208 = tpu.memref_slice %arg3[%add3A_204] : memref<323584xi32, #tpu.memory_space<hbm>> -> memref<128xi32, #tpu.memory_space<hbm>>
          %dma_start3A_209 = tpu.memref_slice %arg3[%add3A_204] : memref<323584xi32, #tpu.memory_space<hbm>> -> memref<128xi32, #tpu.memory_space<hbm>>
          tpu.enqueue_dma source(%dma_start3A_209 : memref<128xi32, #tpu.memory_space<hbm>>) target(%arg7 : memref<128xi32, #tpu.memory_space<vmem>>) target_semaphore(%run_scoped3A : memref<!tpu.dma_semaphore, #tpu.memory_space<semaphore_mem>>)
          %dma_wait3A_210 = tpu.memref_slice %arg3[%add3A_204] : memref<323584xi32, #tpu.memory_space<hbm>> -> memref<128xi32, #tpu.memory_space<hbm>>
          %dma_wait3A_211 = tpu.memref_slice %arg3[%add3A_204] : memref<323584xi32, #tpu.memory_space<hbm>> -> memref<128xi32, #tpu.memory_space<hbm>>
          tpu.wait_dma2 semaphore(%run_scoped3A : memref<!tpu.dma_semaphore, #tpu.memory_space<semaphore_mem>>) src(%dma_wait3A_211 : memref<128xi32, #tpu.memory_space<hbm>>) dst(%arg7 : memref<128xi32, #tpu.memory_space<vmem>>)
          tpu.yield
        }) : () -> ()
        "tpu.region"() ({
          %run_scoped3A = tpu.sem_alloc : memref<!tpu.dma_semaphore, #tpu.memory_space<semaphore_mem>>
          %dma_start3A_208 = tpu.memref_slice %arg4[%add3A_204] : memref<323584xi32, #tpu.memory_space<hbm>> -> memref<128xi32, #tpu.memory_space<hbm>>
          %dma_start3A_209 = tpu.memref_slice %arg4[%add3A_204] : memref<323584xi32, #tpu.memory_space<hbm>> -> memref<128xi32, #tpu.memory_space<hbm>>
          tpu.enqueue_dma source(%dma_start3A_209 : memref<128xi32, #tpu.memory_space<hbm>>) target(%arg9 : memref<128xi32, #tpu.memory_space<vmem>>) target_semaphore(%run_scoped3A : memref<!tpu.dma_semaphore, #tpu.memory_space<semaphore_mem>>)
          %dma_wait3A_210 = tpu.memref_slice %arg4[%add3A_204] : memref<323584xi32, #tpu.memory_space<hbm>> -> memref<128xi32, #tpu.memory_space<hbm>>
          %dma_wait3A_211 = tpu.memref_slice %arg4[%add3A_204] : memref<323584xi32, #tpu.memory_space<hbm>> -> memref<128xi32, #tpu.memory_space<hbm>>
          tpu.wait_dma2 semaphore(%run_scoped3A : memref<!tpu.dma_semaphore, #tpu.memory_space<semaphore_mem>>) src(%dma_wait3A_211 : memref<128xi32, #tpu.memory_space<hbm>>) dst(%arg9 : memref<128xi32, #tpu.memory_space<vmem>>)
          tpu.yield
        }) : () -> ()
        %dma_start3A_205 = arith.constant 0 : i32
        %dma_start3A_206 = arith.constant 0 : i32
        %dma_start3A_207 = tpu.memref_slice %arg2[%dma_start3A_205, %dma_start3A_206] : memref<10000x128xf32, #tpu.memory_space<hbm>> -> memref<10000x128xf32, #tpu.memory_space<hbm>>
        tpu.enqueue_indirect_dma source(%dma_start3A_207 : memref<10000x128xf32, #tpu.memory_space<hbm>>) target(%arg11 : memref<128x128xf32, #tpu.memory_space<vmem>>) offsets(%arg7 : memref<128xi32, #tpu.memory_space<vmem>>) semaphore(%arg14 : memref<!tpu.dma_semaphore, #tpu.memory_space<semaphore_mem>>)
      } else {
      }
      %mul3A_187 = arith.constant 2 : i32
      %mul3A_188 = arith.muli %mul3A_187, %while3A_177 : i32
      %add3A_189 = arith.constant 1 : i32
      %add3A_190 = arith.addi %mul3A_188, %add3A_189 : i32
      %dma_wait3A_191 = arith.constant 0 : i32
      %dma_wait3A_192 = arith.constant 0 : i32
      %dma_wait3A_193 = tpu.memref_slice %arg2[%dma_wait3A_191, %dma_wait3A_192] : memref<10000x128xf32, #tpu.memory_space<hbm>> -> memref<10000x128xf32, #tpu.memory_space<hbm>>
      tpu.wait_indirect_dma semaphore(%arg15 : memref<!tpu.dma_semaphore, #tpu.memory_space<semaphore_mem>>) src(%dma_wait3A_193 : memref<10000x128xf32, #tpu.memory_space<hbm>>) dst(%arg12 : memref<128x128xf32, #tpu.memory_space<vmem>>)
      "tpu.region"() ({
        %run_scoped3A = tpu.sem_alloc : memref<!tpu.dma_semaphore, #tpu.memory_space<semaphore_mem>>
        %dma_start3A_200 = arith.constant 0 : i32
        %dma_start3A_201 = arith.constant 0 : i32
        %dma_start3A_202 = tpu.memref_slice %arg13[%dma_start3A_200, %dma_start3A_201] : memref<10240x128xf32, #tpu.memory_space<vmem_shared>> -> memref<10240x128xf32, #tpu.memory_space<vmem_shared>>
        tpu.enqueue_indirect_dma source(%arg12 : memref<128x128xf32, #tpu.memory_space<vmem>>) target(%dma_start3A_202 : memref<10240x128xf32, #tpu.memory_space<vmem_shared>>) offsets(%arg10 : memref<128xi32, #tpu.memory_space<vmem>>) semaphore(%run_scoped3A : memref<!tpu.dma_semaphore, #tpu.memory_space<semaphore_mem>>) {add = true}
        %dma_wait3A_203 = arith.constant 0 : i32
        %dma_wait3A_204 = arith.constant 0 : i32
        %dma_wait3A_205 = tpu.memref_slice %arg13[%dma_wait3A_203, %dma_wait3A_204] : memref<10240x128xf32, #tpu.memory_space<vmem_shared>> -> memref<10240x128xf32, #tpu.memory_space<vmem_shared>>
        tpu.wait_indirect_dma semaphore(%run_scoped3A : memref<!tpu.dma_semaphore, #tpu.memory_space<semaphore_mem>>) src(%arg12 : memref<128x128xf32, #tpu.memory_space<vmem>>) dst(%dma_wait3A_205 : memref<10240x128xf32, #tpu.memory_space<vmem_shared>>)
        tpu.yield
      }) : () -> ()
      %add3A_194 = arith.constant 2 : i32
      %add3A_195 = arith.addi %add3A_190, %add3A_194 : i32
      %lt3A_196 = arith.cmpi slt, %add3A_195, %select_n3A : i32
      %convert_element_type3A_197 = arith.extui %lt3A_196 : i1 to i32
      %cond3A_198 = arith.constant 0 : i32
      %cond3A_199 = arith.cmpi ne, %convert_element_type3A_197, %cond3A_198 : i32
      scf.if %cond3A_199 {
        %add3A_200 = arith.constant 2 : i32
        %add3A_201 = arith.addi %add3A_190, %add3A_200 : i32
        %mul3A_202 = arith.constant 128 : i32
        %mul3A_203 = arith.muli %add3A_201, %mul3A_202 : i32
        %add3A_204 = arith.addi %select_n3A_10, %mul3A_203 : i32
        "tpu.region"() ({
          %run_scoped3A = tpu.sem_alloc : memref<!tpu.dma_semaphore, #tpu.memory_space<semaphore_mem>>
          %dma_start3A_208 = tpu.memref_slice %arg3[%add3A_204] : memref<323584xi32, #tpu.memory_space<hbm>> -> memref<128xi32, #tpu.memory_space<hbm>>
          %dma_start3A_209 = tpu.memref_slice %arg3[%add3A_204] : memref<323584xi32, #tpu.memory_space<hbm>> -> memref<128xi32, #tpu.memory_space<hbm>>
          tpu.enqueue_dma source(%dma_start3A_209 : memref<128xi32, #tpu.memory_space<hbm>>) target(%arg8 : memref<128xi32, #tpu.memory_space<vmem>>) target_semaphore(%run_scoped3A : memref<!tpu.dma_semaphore, #tpu.memory_space<semaphore_mem>>)
          %dma_wait3A_210 = tpu.memref_slice %arg3[%add3A_204] : memref<323584xi32, #tpu.memory_space<hbm>> -> memref<128xi32, #tpu.memory_space<hbm>>
          %dma_wait3A_211 = tpu.memref_slice %arg3[%add3A_204] : memref<323584xi32, #tpu.memory_space<hbm>> -> memref<128xi32, #tpu.memory_space<hbm>>
          tpu.wait_dma2 semaphore(%run_scoped3A : memref<!tpu.dma_semaphore, #tpu.memory_space<semaphore_mem>>) src(%dma_wait3A_211 : memref<128xi32, #tpu.memory_space<hbm>>) dst(%arg8 : memref<128xi32, #tpu.memory_space<vmem>>)
          tpu.yield
        }) : () -> ()
        "tpu.region"() ({
          %run_scoped3A = tpu.sem_alloc : memref<!tpu.dma_semaphore, #tpu.memory_space<semaphore_mem>>
          %dma_start3A_208 = tpu.memref_slice %arg4[%add3A_204] : memref<323584xi32, #tpu.memory_space<hbm>> -> memref<128xi32, #tpu.memory_space<hbm>>
          %dma_start3A_209 = tpu.memref_slice %arg4[%add3A_204] : memref<323584xi32, #tpu.memory_space<hbm>> -> memref<128xi32, #tpu.memory_space<hbm>>
          tpu.enqueue_dma source(%dma_start3A_209 : memref<128xi32, #tpu.memory_space<hbm>>) target(%arg10 : memref<128xi32, #tpu.memory_space<vmem>>) target_semaphore(%run_scoped3A : memref<!tpu.dma_semaphore, #tpu.memory_space<semaphore_mem>>)
          %dma_wait3A_210 = tpu.memref_slice %arg4[%add3A_204] : memref<323584xi32, #tpu.memory_space<hbm>> -> memref<128xi32, #tpu.memory_space<hbm>>
          %dma_wait3A_211 = tpu.memref_slice %arg4[%add3A_204] : memref<323584xi32, #tpu.memory_space<hbm>> -> memref<128xi32, #tpu.memory_space<hbm>>
          tpu.wait_dma2 semaphore(%run_scoped3A : memref<!tpu.dma_semaphore, #tpu.memory_space<semaphore_mem>>) src(%dma_wait3A_211 : memref<128xi32, #tpu.memory_space<hbm>>) dst(%arg10 : memref<128xi32, #tpu.memory_space<vmem>>)
          tpu.yield
        }) : () -> ()
        %dma_start3A_205 = arith.constant 0 : i32
        %dma_start3A_206 = arith.constant 0 : i32
        %dma_start3A_207 = tpu.memref_slice %arg2[%dma_start3A_205, %dma_start3A_206] : memref<10000x128xf32, #tpu.memory_space<hbm>> -> memref<10000x128xf32, #tpu.memory_space<hbm>>
        tpu.enqueue_indirect_dma source(%dma_start3A_207 : memref<10000x128xf32, #tpu.memory_space<hbm>>) target(%arg12 : memref<128x128xf32, #tpu.memory_space<vmem>>) offsets(%arg8 : memref<128xi32, #tpu.memory_space<vmem>>) semaphore(%arg15 : memref<!tpu.dma_semaphore, #tpu.memory_space<semaphore_mem>>)
      } else {
      }
    }
    %barrier3A_156 = arith.constant 0 : index
    tpu.barrier barrier_id(%barrier3A_156)
    %add3A_157 = arith.constant 0 : i32
    %add3A_158 = arith.addi %mul3A_0, %add3A_157 : i32
    "tpu.region"() ({
      %run_scoped3A = tpu.sem_alloc : memref<!tpu.dma_semaphore, #tpu.memory_space<semaphore_mem>>
      %dma_start3A_177 = arith.constant 0 : i32
      %dma_start3A_178 = tpu.memref_slice %arg13[%add3A_158, %dma_start3A_177] : memref<10240x128xf32, #tpu.memory_space<vmem_shared>> -> memref<128x128xf32, #tpu.memory_space<vmem_shared>>
      %dma_start3A_179 = arith.constant 0 : i32
      %dma_start3A_180 = tpu.memref_slice %arg13[%add3A_158, %dma_start3A_179] : memref<10240x128xf32, #tpu.memory_space<vmem_shared>> -> memref<128x128xf32, #tpu.memory_space<vmem_shared>>
      tpu.enqueue_dma source(%dma_start3A_180 : memref<128x128xf32, #tpu.memory_space<vmem_shared>>) target(%arg11 : memref<128x128xf32, #tpu.memory_space<vmem>>) target_semaphore(%run_scoped3A : memref<!tpu.dma_semaphore, #tpu.memory_space<semaphore_mem>>)
      %dma_wait3A = arith.constant 0 : i32
      %dma_wait3A_181 = tpu.memref_slice %arg13[%add3A_158, %dma_wait3A] : memref<10240x128xf32, #tpu.memory_space<vmem_shared>> -> memref<128x128xf32, #tpu.memory_space<vmem_shared>>
      %dma_wait3A_182 = arith.constant 0 : i32
      %dma_wait3A_183 = tpu.memref_slice %arg13[%add3A_158, %dma_wait3A_182] : memref<10240x128xf32, #tpu.memory_space<vmem_shared>> -> memref<128x128xf32, #tpu.memory_space<vmem_shared>>
      tpu.wait_dma2 semaphore(%run_scoped3A : memref<!tpu.dma_semaphore, #tpu.memory_space<semaphore_mem>>) src(%dma_wait3A_183 : memref<128x128xf32, #tpu.memory_space<vmem_shared>>) dst(%arg11 : memref<128x128xf32, #tpu.memory_space<vmem>>)
      tpu.yield
    }) : () -> ()
    %add3A_159 = arith.constant 0 : i32
    %add3A_160 = arith.addi %mul3A_0, %add3A_159 : i32
    "tpu.region"() ({
      %run_scoped3A = tpu.sem_alloc : memref<!tpu.dma_semaphore, #tpu.memory_space<semaphore_mem>>
      %dma_start3A_177 = arith.constant 0 : i32
      %dma_start3A_178 = tpu.memref_slice %arg5[%arg0, %add3A_160, %dma_start3A_177] : memref<2x10240x128xf32, #tpu.memory_space<hbm>> -> memref<1x128x128xf32, #tpu.memory_space<hbm>>
      %dma_start3A_179 = tpu.memref_squeeze %dma_start3A_178 : memref<1x128x128xf32, #tpu.memory_space<hbm>> -> memref<128x128xf32, #tpu.memory_space<hbm>>
      %dma_start3A_180 = arith.constant 0 : i32
      %dma_start3A_181 = tpu.memref_slice %arg5[%arg0, %add3A_160, %dma_start3A_180] : memref<2x10240x128xf32, #tpu.memory_space<hbm>> -> memref<1x128x128xf32, #tpu.memory_space<hbm>>
      %dma_start3A_182 = tpu.memref_squeeze %dma_start3A_181 : memref<1x128x128xf32, #tpu.memory_space<hbm>> -> memref<128x128xf32, #tpu.memory_space<hbm>>
      tpu.enqueue_dma source(%arg11 : memref<128x128xf32, #tpu.memory_space<vmem>>) target(%dma_start3A_182 : memref<128x128xf32, #tpu.memory_space<hbm>>) target_semaphore(%run_scoped3A : memref<!tpu.dma_semaphore, #tpu.memory_space<semaphore_mem>>)
      %dma_wait3A = arith.constant 0 : i32
      %dma_wait3A_183 = tpu.memref_slice %arg5[%arg0, %add3A_160, %dma_wait3A] : memref<2x10240x128xf32, #tpu.memory_space<hbm>> -> memref<1x128x128xf32, #tpu.memory_space<hbm>>
      %dma_wait3A_184 = tpu.memref_squeeze %dma_wait3A_183 : memref<1x128x128xf32, #tpu.memory_space<hbm>> -> memref<128x128xf32, #tpu.memory_space<hbm>>
      %dma_wait3A_185 = arith.constant 0 : i32
      %dma_wait3A_186 = tpu.memref_slice %arg5[%arg0, %add3A_160, %dma_wait3A_185] : memref<2x10240x128xf32, #tpu.memory_space<hbm>> -> memref<1x128x128xf32, #tpu.memory_space<hbm>>
      %dma_wait3A_187 = tpu.memref_squeeze %dma_wait3A_186 : memref<1x128x128xf32, #tpu.memory_space<hbm>> -> memref<128x128xf32, #tpu.memory_space<hbm>>
      tpu.wait_dma2 semaphore(%run_scoped3A : memref<!tpu.dma_semaphore, #tpu.memory_space<semaphore_mem>>) src(%arg11 : memref<128x128xf32, #tpu.memory_space<vmem>>) dst(%dma_wait3A_187 : memref<128x128xf32, #tpu.memory_space<hbm>>)
      tpu.yield
    }) : () -> ()
    %add3A_161 = arith.constant 128 : i32
    %add3A_162 = arith.addi %mul3A_0, %add3A_161 : i32
    "tpu.region"() ({
      %run_scoped3A = tpu.sem_alloc : memref<!tpu.dma_semaphore, #tpu.memory_space<semaphore_mem>>
      %dma_start3A_177 = arith.constant 0 : i32
      %dma_start3A_178 = tpu.memref_slice %arg13[%add3A_162, %dma_start3A_177] : memref<10240x128xf32, #tpu.memory_space<vmem_shared>> -> memref<128x128xf32, #tpu.memory_space<vmem_shared>>
      %dma_start3A_179 = arith.constant 0 : i32
      %dma_start3A_180 = tpu.memref_slice %arg13[%add3A_162, %dma_start3A_179] : memref<10240x128xf32, #tpu.memory_space<vmem_shared>> -> memref<128x128xf32, #tpu.memory_space<vmem_shared>>
      tpu.enqueue_dma source(%dma_start3A_180 : memref<128x128xf32, #tpu.memory_space<vmem_shared>>) target(%arg11 : memref<128x128xf32, #tpu.memory_space<vmem>>) target_semaphore(%run_scoped3A : memref<!tpu.dma_semaphore, #tpu.memory_space<semaphore_mem>>)
      %dma_wait3A = arith.constant 0 : i32
      %dma_wait3A_181 = tpu.memref_slice %arg13[%add3A_162, %dma_wait3A] : memref<10240x128xf32, #tpu.memory_space<vmem_shared>> -> memref<128x128xf32, #tpu.memory_space<vmem_shared>>
      %dma_wait3A_182 = arith.constant 0 : i32
      %dma_wait3A_183 = tpu.memref_slice %arg13[%add3A_162, %dma_wait3A_182] : memref<10240x128xf32, #tpu.memory_space<vmem_shared>> -> memref<128x128xf32, #tpu.memory_space<vmem_shared>>
      tpu.wait_dma2 semaphore(%run_scoped3A : memref<!tpu.dma_semaphore, #tpu.memory_space<semaphore_mem>>) src(%dma_wait3A_183 : memref<128x128xf32, #tpu.memory_space<vmem_shared>>) dst(%arg11 : memref<128x128xf32, #tpu.memory_space<vmem>>)
      tpu.yield
    }) : () -> ()
    %add3A_163 = arith.constant 128 : i32
    %add3A_164 = arith.addi %mul3A_0, %add3A_163 : i32
    "tpu.region"() ({
      %run_scoped3A = tpu.sem_alloc : memref<!tpu.dma_semaphore, #tpu.memory_space<semaphore_mem>>
      %dma_start3A_177 = arith.constant 0 : i32
      %dma_start3A_178 = tpu.memref_slice %arg5[%arg0, %add3A_164, %dma_start3A_177] : memref<2x10240x128xf32, #tpu.memory_space<hbm>> -> memref<1x128x128xf32, #tpu.memory_space<hbm>>
      %dma_start3A_179 = tpu.memref_squeeze %dma_start3A_178 : memref<1x128x128xf32, #tpu.memory_space<hbm>> -> memref<128x128xf32, #tpu.memory_space<hbm>>
      %dma_start3A_180 = arith.constant 0 : i32
      %dma_start3A_181 = tpu.memref_slice %arg5[%arg0, %add3A_164, %dma_start3A_180] : memref<2x10240x128xf32, #tpu.memory_space<hbm>> -> memref<1x128x128xf32, #tpu.memory_space<hbm>>
      %dma_start3A_182 = tpu.memref_squeeze %dma_start3A_181 : memref<1x128x128xf32, #tpu.memory_space<hbm>> -> memref<128x128xf32, #tpu.memory_space<hbm>>
      tpu.enqueue_dma source(%arg11 : memref<128x128xf32, #tpu.memory_space<vmem>>) target(%dma_start3A_182 : memref<128x128xf32, #tpu.memory_space<hbm>>) target_semaphore(%run_scoped3A : memref<!tpu.dma_semaphore, #tpu.memory_space<semaphore_mem>>)
      %dma_wait3A = arith.constant 0 : i32
      %dma_wait3A_183 = tpu.memref_slice %arg5[%arg0, %add3A_164, %dma_wait3A] : memref<2x10240x128xf32, #tpu.memory_space<hbm>> -> memref<1x128x128xf32, #tpu.memory_space<hbm>>
      %dma_wait3A_184 = tpu.memref_squeeze %dma_wait3A_183 : memref<1x128x128xf32, #tpu.memory_space<hbm>> -> memref<128x128xf32, #tpu.memory_space<hbm>>
      %dma_wait3A_185 = arith.constant 0 : i32
      %dma_wait3A_186 = tpu.memref_slice %arg5[%arg0, %add3A_164, %dma_wait3A_185] : memref<2x10240x128xf32, #tpu.memory_space<hbm>> -> memref<1x128x128xf32, #tpu.memory_space<hbm>>
      %dma_wait3A_187 = tpu.memref_squeeze %dma_wait3A_186 : memref<1x128x128xf32, #tpu.memory_space<hbm>> -> memref<128x128xf32, #tpu.memory_space<hbm>>
      tpu.wait_dma2 semaphore(%run_scoped3A : memref<!tpu.dma_semaphore, #tpu.memory_space<semaphore_mem>>) src(%arg11 : memref<128x128xf32, #tpu.memory_space<vmem>>) dst(%dma_wait3A_187 : memref<128x128xf32, #tpu.memory_space<hbm>>)
      tpu.yield
    }) : () -> ()
    %add3A_165 = arith.constant 256 : i32
    %add3A_166 = arith.addi %mul3A_0, %add3A_165 : i32
    "tpu.region"() ({
      %run_scoped3A = tpu.sem_alloc : memref<!tpu.dma_semaphore, #tpu.memory_space<semaphore_mem>>
      %dma_start3A_177 = arith.constant 0 : i32
      %dma_start3A_178 = tpu.memref_slice %arg13[%add3A_166, %dma_start3A_177] : memref<10240x128xf32, #tpu.memory_space<vmem_shared>> -> memref<128x128xf32, #tpu.memory_space<vmem_shared>>
      %dma_start3A_179 = arith.constant 0 : i32
      %dma_start3A_180 = tpu.memref_slice %arg13[%add3A_166, %dma_start3A_179] : memref<10240x128xf32, #tpu.memory_space<vmem_shared>> -> memref<128x128xf32, #tpu.memory_space<vmem_shared>>
      tpu.enqueue_dma source(%dma_start3A_180 : memref<128x128xf32, #tpu.memory_space<vmem_shared>>) target(%arg11 : memref<128x128xf32, #tpu.memory_space<vmem>>) target_semaphore(%run_scoped3A : memref<!tpu.dma_semaphore, #tpu.memory_space<semaphore_mem>>)
      %dma_wait3A = arith.constant 0 : i32
      %dma_wait3A_181 = tpu.memref_slice %arg13[%add3A_166, %dma_wait3A] : memref<10240x128xf32, #tpu.memory_space<vmem_shared>> -> memref<128x128xf32, #tpu.memory_space<vmem_shared>>
      %dma_wait3A_182 = arith.constant 0 : i32
      %dma_wait3A_183 = tpu.memref_slice %arg13[%add3A_166, %dma_wait3A_182] : memref<10240x128xf32, #tpu.memory_space<vmem_shared>> -> memref<128x128xf32, #tpu.memory_space<vmem_shared>>
      tpu.wait_dma2 semaphore(%run_scoped3A : memref<!tpu.dma_semaphore, #tpu.memory_space<semaphore_mem>>) src(%dma_wait3A_183 : memref<128x128xf32, #tpu.memory_space<vmem_shared>>) dst(%arg11 : memref<128x128xf32, #tpu.memory_space<vmem>>)
      tpu.yield
    }) : () -> ()
    %add3A_167 = arith.constant 256 : i32
    %add3A_168 = arith.addi %mul3A_0, %add3A_167 : i32
    "tpu.region"() ({
      %run_scoped3A = tpu.sem_alloc : memref<!tpu.dma_semaphore, #tpu.memory_space<semaphore_mem>>
      %dma_start3A_177 = arith.constant 0 : i32
      %dma_start3A_178 = tpu.memref_slice %arg5[%arg0, %add3A_168, %dma_start3A_177] : memref<2x10240x128xf32, #tpu.memory_space<hbm>> -> memref<1x128x128xf32, #tpu.memory_space<hbm>>
      %dma_start3A_179 = tpu.memref_squeeze %dma_start3A_178 : memref<1x128x128xf32, #tpu.memory_space<hbm>> -> memref<128x128xf32, #tpu.memory_space<hbm>>
      %dma_start3A_180 = arith.constant 0 : i32
      %dma_start3A_181 = tpu.memref_slice %arg5[%arg0, %add3A_168, %dma_start3A_180] : memref<2x10240x128xf32, #tpu.memory_space<hbm>> -> memref<1x128x128xf32, #tpu.memory_space<hbm>>
      %dma_start3A_182 = tpu.memref_squeeze %dma_start3A_181 : memref<1x128x128xf32, #tpu.memory_space<hbm>> -> memref<128x128xf32, #tpu.memory_space<hbm>>
      tpu.enqueue_dma source(%arg11 : memref<128x128xf32, #tpu.memory_space<vmem>>) target(%dma_start3A_182 : memref<128x128xf32, #tpu.memory_space<hbm>>) target_semaphore(%run_scoped3A : memref<!tpu.dma_semaphore, #tpu.memory_space<semaphore_mem>>)
      %dma_wait3A = arith.constant 0 : i32
      %dma_wait3A_183 = tpu.memref_slice %arg5[%arg0, %add3A_168, %dma_wait3A] : memref<2x10240x128xf32, #tpu.memory_space<hbm>> -> memref<1x128x128xf32, #tpu.memory_space<hbm>>
      %dma_wait3A_184 = tpu.memref_squeeze %dma_wait3A_183 : memref<1x128x128xf32, #tpu.memory_space<hbm>> -> memref<128x128xf32, #tpu.memory_space<hbm>>
      %dma_wait3A_185 = arith.constant 0 : i32
      %dma_wait3A_186 = tpu.memref_slice %arg5[%arg0, %add3A_168, %dma_wait3A_185] : memref<2x10240x128xf32, #tpu.memory_space<hbm>> -> memref<1x128x128xf32, #tpu.memory_space<hbm>>
      %dma_wait3A_187 = tpu.memref_squeeze %dma_wait3A_186 : memref<1x128x128xf32, #tpu.memory_space<hbm>> -> memref<128x128xf32, #tpu.memory_space<hbm>>
      tpu.wait_dma2 semaphore(%run_scoped3A : memref<!tpu.dma_semaphore, #tpu.memory_space<semaphore_mem>>) src(%arg11 : memref<128x128xf32, #tpu.memory_space<vmem>>) dst(%dma_wait3A_187 : memref<128x128xf32, #tpu.memory_space<hbm>>)
      tpu.yield
    }) : () -> ()
    %add3A_169 = arith.constant 384 : i32
    %add3A_170 = arith.addi %mul3A_0, %add3A_169 : i32
    "tpu.region"() ({
      %run_scoped3A = tpu.sem_alloc : memref<!tpu.dma_semaphore, #tpu.memory_space<semaphore_mem>>
      %dma_start3A_177 = arith.constant 0 : i32
      %dma_start3A_178 = tpu.memref_slice %arg13[%add3A_170, %dma_start3A_177] : memref<10240x128xf32, #tpu.memory_space<vmem_shared>> -> memref<128x128xf32, #tpu.memory_space<vmem_shared>>
      %dma_start3A_179 = arith.constant 0 : i32
      %dma_start3A_180 = tpu.memref_slice %arg13[%add3A_170, %dma_start3A_179] : memref<10240x128xf32, #tpu.memory_space<vmem_shared>> -> memref<128x128xf32, #tpu.memory_space<vmem_shared>>
      tpu.enqueue_dma source(%dma_start3A_180 : memref<128x128xf32, #tpu.memory_space<vmem_shared>>) target(%arg11 : memref<128x128xf32, #tpu.memory_space<vmem>>) target_semaphore(%run_scoped3A : memref<!tpu.dma_semaphore, #tpu.memory_space<semaphore_mem>>)
      %dma_wait3A = arith.constant 0 : i32
      %dma_wait3A_181 = tpu.memref_slice %arg13[%add3A_170, %dma_wait3A] : memref<10240x128xf32, #tpu.memory_space<vmem_shared>> -> memref<128x128xf32, #tpu.memory_space<vmem_shared>>
      %dma_wait3A_182 = arith.constant 0 : i32
      %dma_wait3A_183 = tpu.memref_slice %arg13[%add3A_170, %dma_wait3A_182] : memref<10240x128xf32, #tpu.memory_space<vmem_shared>> -> memref<128x128xf32, #tpu.memory_space<vmem_shared>>
      tpu.wait_dma2 semaphore(%run_scoped3A : memref<!tpu.dma_semaphore, #tpu.memory_space<semaphore_mem>>) src(%dma_wait3A_183 : memref<128x128xf32, #tpu.memory_space<vmem_shared>>) dst(%arg11 : memref<128x128xf32, #tpu.memory_space<vmem>>)
      tpu.yield
    }) : () -> ()
    %add3A_171 = arith.constant 384 : i32
    %add3A_172 = arith.addi %mul3A_0, %add3A_171 : i32
    "tpu.region"() ({
      %run_scoped3A = tpu.sem_alloc : memref<!tpu.dma_semaphore, #tpu.memory_space<semaphore_mem>>
      %dma_start3A_177 = arith.constant 0 : i32
      %dma_start3A_178 = tpu.memref_slice %arg5[%arg0, %add3A_172, %dma_start3A_177] : memref<2x10240x128xf32, #tpu.memory_space<hbm>> -> memref<1x128x128xf32, #tpu.memory_space<hbm>>
      %dma_start3A_179 = tpu.memref_squeeze %dma_start3A_178 : memref<1x128x128xf32, #tpu.memory_space<hbm>> -> memref<128x128xf32, #tpu.memory_space<hbm>>
      %dma_start3A_180 = arith.constant 0 : i32
      %dma_start3A_181 = tpu.memref_slice %arg5[%arg0, %add3A_172, %dma_start3A_180] : memref<2x10240x128xf32, #tpu.memory_space<hbm>> -> memref<1x128x128xf32, #tpu.memory_space<hbm>>
      %dma_start3A_182 = tpu.memref_squeeze %dma_start3A_181 : memref<1x128x128xf32, #tpu.memory_space<hbm>> -> memref<128x128xf32, #tpu.memory_space<hbm>>
      tpu.enqueue_dma source(%arg11 : memref<128x128xf32, #tpu.memory_space<vmem>>) target(%dma_start3A_182 : memref<128x128xf32, #tpu.memory_space<hbm>>) target_semaphore(%run_scoped3A : memref<!tpu.dma_semaphore, #tpu.memory_space<semaphore_mem>>)
      %dma_wait3A = arith.constant 0 : i32
      %dma_wait3A_183 = tpu.memref_slice %arg5[%arg0, %add3A_172, %dma_wait3A] : memref<2x10240x128xf32, #tpu.memory_space<hbm>> -> memref<1x128x128xf32, #tpu.memory_space<hbm>>
      %dma_wait3A_184 = tpu.memref_squeeze %dma_wait3A_183 : memref<1x128x128xf32, #tpu.memory_space<hbm>> -> memref<128x128xf32, #tpu.memory_space<hbm>>
      %dma_wait3A_185 = arith.constant 0 : i32
      %dma_wait3A_186 = tpu.memref_slice %arg5[%arg0, %add3A_172, %dma_wait3A_185] : memref<2x10240x128xf32, #tpu.memory_space<hbm>> -> memref<1x128x128xf32, #tpu.memory_space<hbm>>
      %dma_wait3A_187 = tpu.memref_squeeze %dma_wait3A_186 : memref<1x128x128xf32, #tpu.memory_space<hbm>> -> memref<128x128xf32, #tpu.memory_space<hbm>>
      tpu.wait_dma2 semaphore(%run_scoped3A : memref<!tpu.dma_semaphore, #tpu.memory_space<semaphore_mem>>) src(%arg11 : memref<128x128xf32, #tpu.memory_space<vmem>>) dst(%dma_wait3A_187 : memref<128x128xf32, #tpu.memory_space<hbm>>)
      tpu.yield
    }) : () -> ()
    %add3A_173 = arith.constant 512 : i32
    %add3A_174 = arith.addi %mul3A_0, %add3A_173 : i32
    "tpu.region"() ({
      %run_scoped3A = tpu.sem_alloc : memref<!tpu.dma_semaphore, #tpu.memory_space<semaphore_mem>>
      %dma_start3A_177 = arith.constant 0 : i32
      %dma_start3A_178 = tpu.memref_slice %arg13[%add3A_174, %dma_start3A_177] : memref<10240x128xf32, #tpu.memory_space<vmem_shared>> -> memref<128x128xf32, #tpu.memory_space<vmem_shared>>
      %dma_start3A_179 = arith.constant 0 : i32
      %dma_start3A_180 = tpu.memref_slice %arg13[%add3A_174, %dma_start3A_179] : memref<10240x128xf32, #tpu.memory_space<vmem_shared>> -> memref<128x128xf32, #tpu.memory_space<vmem_shared>>
      tpu.enqueue_dma source(%dma_start3A_180 : memref<128x128xf32, #tpu.memory_space<vmem_shared>>) target(%arg11 : memref<128x128xf32, #tpu.memory_space<vmem>>) target_semaphore(%run_scoped3A : memref<!tpu.dma_semaphore, #tpu.memory_space<semaphore_mem>>)
      %dma_wait3A = arith.constant 0 : i32
      %dma_wait3A_181 = tpu.memref_slice %arg13[%add3A_174, %dma_wait3A] : memref<10240x128xf32, #tpu.memory_space<vmem_shared>> -> memref<128x128xf32, #tpu.memory_space<vmem_shared>>
      %dma_wait3A_182 = arith.constant 0 : i32
      %dma_wait3A_183 = tpu.memref_slice %arg13[%add3A_174, %dma_wait3A_182] : memref<10240x128xf32, #tpu.memory_space<vmem_shared>> -> memref<128x128xf32, #tpu.memory_space<vmem_shared>>
      tpu.wait_dma2 semaphore(%run_scoped3A : memref<!tpu.dma_semaphore, #tpu.memory_space<semaphore_mem>>) src(%dma_wait3A_183 : memref<128x128xf32, #tpu.memory_space<vmem_shared>>) dst(%arg11 : memref<128x128xf32, #tpu.memory_space<vmem>>)
      tpu.yield
    }) : () -> ()
    %add3A_175 = arith.constant 512 : i32
    %add3A_176 = arith.addi %mul3A_0, %add3A_175 : i32
    "tpu.region"() ({
      %run_scoped3A = tpu.sem_alloc : memref<!tpu.dma_semaphore, #tpu.memory_space<semaphore_mem>>
      %dma_start3A_177 = arith.constant 0 : i32
      %dma_start3A_178 = tpu.memref_slice %arg5[%arg0, %add3A_176, %dma_start3A_177] : memref<2x10240x128xf32, #tpu.memory_space<hbm>> -> memref<1x128x128xf32, #tpu.memory_space<hbm>>
      %dma_start3A_179 = tpu.memref_squeeze %dma_start3A_178 : memref<1x128x128xf32, #tpu.memory_space<hbm>> -> memref<128x128xf32, #tpu.memory_space<hbm>>
      %dma_start3A_180 = arith.constant 0 : i32
      %dma_start3A_181 = tpu.memref_slice %arg5[%arg0, %add3A_176, %dma_start3A_180] : memref<2x10240x128xf32, #tpu.memory_space<hbm>> -> memref<1x128x128xf32, #tpu.memory_space<hbm>>
      %dma_start3A_182 = tpu.memref_squeeze %dma_start3A_181 : memref<1x128x128xf32, #tpu.memory_space<hbm>> -> memref<128x128xf32, #tpu.memory_space<hbm>>
      tpu.enqueue_dma source(%arg11 : memref<128x128xf32, #tpu.memory_space<vmem>>) target(%dma_start3A_182 : memref<128x128xf32, #tpu.memory_space<hbm>>) target_semaphore(%run_scoped3A : memref<!tpu.dma_semaphore, #tpu.memory_space<semaphore_mem>>)
      %dma_wait3A = arith.constant 0 : i32
      %dma_wait3A_183 = tpu.memref_slice %arg5[%arg0, %add3A_176, %dma_wait3A] : memref<2x10240x128xf32, #tpu.memory_space<hbm>> -> memref<1x128x128xf32, #tpu.memory_space<hbm>>
      %dma_wait3A_184 = tpu.memref_squeeze %dma_wait3A_183 : memref<1x128x128xf32, #tpu.memory_space<hbm>> -> memref<128x128xf32, #tpu.memory_space<hbm>>
      %dma_wait3A_185 = arith.constant 0 : i32
      %dma_wait3A_186 = tpu.memref_slice %arg5[%arg0, %add3A_176, %dma_wait3A_185] : memref<2x10240x128xf32, #tpu.memory_space<hbm>> -> memref<1x128x128xf32, #tpu.memory_space<hbm>>
      %dma_wait3A_187 = tpu.memref_squeeze %dma_wait3A_186 : memref<1x128x128xf32, #tpu.memory_space<hbm>> -> memref<128x128xf32, #tpu.memory_space<hbm>>
      tpu.wait_dma2 semaphore(%run_scoped3A : memref<!tpu.dma_semaphore, #tpu.memory_space<semaphore_mem>>) src(%arg11 : memref<128x128xf32, #tpu.memory_space<vmem>>) dst(%dma_wait3A_187 : memref<128x128xf32, #tpu.memory_space<hbm>>)
      tpu.yield
    }) : () -> ()
    return
  }
}

#map = affine_map<(d0, d1) -> (0, 0)>
#map1 = affine_map<(d0, d1) -> (0)>
module attributes {stable_mosaic.version = 14 : i64} {
  func.func @body(%arg0: i32, %arg1: i32, %arg2: memref<10000x128xf32, #tpu.memory_space<hbm>>, %arg3: memref<16384xi32, #tpu.memory_space<hbm>>, %arg4: memref<16384x128xf32, #tpu.memory_space<hbm>>, %arg5: memref<128xi32, #tpu.memory_space<vmem>>, %arg6: memref<128x128xf32, #tpu.memory_space<vmem>>, %arg7: memref<!tpu.dma_semaphore, #tpu.memory_space<semaphore_mem>>) attributes {dimension_semantics = [#tpu.dimension_semantics<core_parallel>, #tpu.dimension_semantics<subcore_parallel>], iteration_bounds = array<i64: 2, 16>, scalar_prefetch = 0 : i64, scratch_operands = 3 : i64, tpu.core_type = #tpu.core_type<sc_vector_subcore>, window_params = [{transform_indices = #map}, {transform_indices = #map1}, {transform_indices = #map}]} {
    %mul3A = arith.constant 16 : i32
    %mul3A_0 = arith.muli %arg0, %mul3A : i32
    %add3A = arith.addi %mul3A_0, %arg1 : i32
    %scan3A = arith.constant 0 : i32
    %scan3A_1 = arith.constant 0 : i32
    %scan3A_2 = arith.constant 4 : i32
    %scan3A_3 = arith.addi %scan3A_1, %scan3A_2 : i32
    %scan3A_4 = arith.constant 1 : i32
    scf.for %scan3A_6 = %scan3A_1 to %scan3A_3 step %scan3A_4  : i32 {
      %mul3A_7 = arith.constant 512 : i32
      %mul3A_8 = arith.muli %add3A, %mul3A_7 : i32
      %mul3A_9 = arith.constant 128 : i32
      %mul3A_10 = arith.muli %scan3A_6, %mul3A_9 : i32
      %add3A_11 = arith.addi %mul3A_8, %mul3A_10 : i32
      "tpu.region"() ({
        %run_scoped3A = tpu.sem_alloc : memref<!tpu.dma_semaphore, #tpu.memory_space<semaphore_mem>>
        %dma_start3A_16 = tpu.memref_slice %arg3[%add3A_11] : memref<16384xi32, #tpu.memory_space<hbm>> -> memref<128xi32, #tpu.memory_space<hbm>>
        %dma_start3A_17 = tpu.memref_slice %arg3[%add3A_11] : memref<16384xi32, #tpu.memory_space<hbm>> -> memref<128xi32, #tpu.memory_space<hbm>>
        tpu.enqueue_dma source(%dma_start3A_17 : memref<128xi32, #tpu.memory_space<hbm>>) target(%arg5 : memref<128xi32, #tpu.memory_space<vmem>>) target_semaphore(%run_scoped3A : memref<!tpu.dma_semaphore, #tpu.memory_space<semaphore_mem>>)
        %dma_wait3A_18 = tpu.memref_slice %arg3[%add3A_11] : memref<16384xi32, #tpu.memory_space<hbm>> -> memref<128xi32, #tpu.memory_space<hbm>>
        %dma_wait3A_19 = tpu.memref_slice %arg3[%add3A_11] : memref<16384xi32, #tpu.memory_space<hbm>> -> memref<128xi32, #tpu.memory_space<hbm>>
        tpu.wait_dma2 semaphore(%run_scoped3A : memref<!tpu.dma_semaphore, #tpu.memory_space<semaphore_mem>>) src(%dma_wait3A_19 : memref<128xi32, #tpu.memory_space<hbm>>) dst(%arg5 : memref<128xi32, #tpu.memory_space<vmem>>)
        tpu.yield
      }) : () -> ()
      %dma_start3A = arith.constant 0 : i32
      %dma_start3A_12 = arith.constant 0 : i32
      %dma_start3A_13 = tpu.memref_slice %arg2[%dma_start3A, %dma_start3A_12] : memref<10000x128xf32, #tpu.memory_space<hbm>> -> memref<10000x128xf32, #tpu.memory_space<hbm>>
      tpu.enqueue_indirect_dma source(%dma_start3A_13 : memref<10000x128xf32, #tpu.memory_space<hbm>>) target(%arg6 : memref<128x128xf32, #tpu.memory_space<vmem>>) offsets(%arg5 : memref<128xi32, #tpu.memory_space<vmem>>) semaphore(%arg7 : memref<!tpu.dma_semaphore, #tpu.memory_space<semaphore_mem>>)
      %dma_wait3A = arith.constant 0 : i32
      %dma_wait3A_14 = arith.constant 0 : i32
      %dma_wait3A_15 = tpu.memref_slice %arg2[%dma_wait3A, %dma_wait3A_14] : memref<10000x128xf32, #tpu.memory_space<hbm>> -> memref<10000x128xf32, #tpu.memory_space<hbm>>
      tpu.wait_indirect_dma semaphore(%arg7 : memref<!tpu.dma_semaphore, #tpu.memory_space<semaphore_mem>>) src(%dma_wait3A_15 : memref<10000x128xf32, #tpu.memory_space<hbm>>) dst(%arg6 : memref<128x128xf32, #tpu.memory_space<vmem>>)
      "tpu.region"() ({
        %run_scoped3A = tpu.sem_alloc : memref<!tpu.dma_semaphore, #tpu.memory_space<semaphore_mem>>
        %dma_start3A_16 = arith.constant 0 : i32
        %dma_start3A_17 = tpu.memref_slice %arg4[%add3A_11, %dma_start3A_16] : memref<16384x128xf32, #tpu.memory_space<hbm>> -> memref<128x128xf32, #tpu.memory_space<hbm>>
        %dma_start3A_18 = arith.constant 0 : i32
        %dma_start3A_19 = tpu.memref_slice %arg4[%add3A_11, %dma_start3A_18] : memref<16384x128xf32, #tpu.memory_space<hbm>> -> memref<128x128xf32, #tpu.memory_space<hbm>>
        tpu.enqueue_dma source(%arg6 : memref<128x128xf32, #tpu.memory_space<vmem>>) target(%dma_start3A_19 : memref<128x128xf32, #tpu.memory_space<hbm>>) target_semaphore(%run_scoped3A : memref<!tpu.dma_semaphore, #tpu.memory_space<semaphore_mem>>)
        %dma_wait3A_20 = arith.constant 0 : i32
        %dma_wait3A_21 = tpu.memref_slice %arg4[%add3A_11, %dma_wait3A_20] : memref<16384x128xf32, #tpu.memory_space<hbm>> -> memref<128x128xf32, #tpu.memory_space<hbm>>
        %dma_wait3A_22 = arith.constant 0 : i32
        %dma_wait3A_23 = tpu.memref_slice %arg4[%add3A_11, %dma_wait3A_22] : memref<16384x128xf32, #tpu.memory_space<hbm>> -> memref<128x128xf32, #tpu.memory_space<hbm>>
        tpu.wait_dma2 semaphore(%run_scoped3A : memref<!tpu.dma_semaphore, #tpu.memory_space<semaphore_mem>>) src(%arg6 : memref<128x128xf32, #tpu.memory_space<vmem>>) dst(%dma_wait3A_23 : memref<128x128xf32, #tpu.memory_space<hbm>>)
        tpu.yield
      }) : () -> ()
    }
    %scan3A_5 = arith.constant 4 : i32
    return
  }
}

#map = affine_map<(d0, d1) -> (0, 0)>
#map1 = affine_map<(d0, d1) -> (0)>
#map2 = affine_map<(d0, d1) -> (0, 0, 0)>
module attributes {stable_mosaic.version = 14 : i64} {
  func.func @body(%arg0: i32, %arg1: i32, %arg2: memref<10000x128xf32, #tpu.memory_space<hbm>>, %arg3: memref<323584xi32, #tpu.memory_space<hbm>>, %arg4: memref<323584xi32, #tpu.memory_space<hbm>>, %arg5: memref<2x10240x128xf32, #tpu.memory_space<hbm>>, %arg6: memref<128xi32, #tpu.memory_space<vmem>>, %arg7: memref<128xi32, #tpu.memory_space<vmem>>, %arg8: memref<128xi32, #tpu.memory_space<vmem>>, %arg9: memref<128xi32, #tpu.memory_space<vmem>>, %arg10: memref<128x128xf32, #tpu.memory_space<vmem>>, %arg11: memref<128x128xf32, #tpu.memory_space<vmem>>, %arg12: memref<10240x128xf32, #tpu.memory_space<vmem_shared>>, %arg13: memref<!tpu.dma_semaphore, #tpu.memory_space<semaphore_mem>>, %arg14: memref<!tpu.dma_semaphore, #tpu.memory_space<semaphore_mem>>) attributes {dimension_semantics = [#tpu.dimension_semantics<core_parallel>, #tpu.dimension_semantics<subcore_parallel>], iteration_bounds = array<i64: 2, 16>, scalar_prefetch = 0 : i64, scratch_operands = 9 : i64, tpu.core_type = #tpu.core_type<sc_vector_subcore>, window_params = [{transform_indices = #map}, {transform_indices = #map1}, {transform_indices = #map1}, {transform_indices = #map2}]} {
    %mul3A = arith.constant 640 : i32
    %mul3A_0 = arith.muli %arg1, %mul3A : i32
    %eq3A = arith.constant 0 : i32
    %eq3A_1 = arith.cmpi eq, %arg0, %eq3A : i32
    %jit3A = arith.constant 54 : i32
    %jit3A_2 = arith.constant 104 : i32
    %select_n3A = arith.select %eq3A_1, %jit3A, %jit3A_2 : i32
    %eq3A_3 = arith.constant 0 : i32
    %eq3A_4 = arith.cmpi eq, %arg0, %eq3A_3 : i32
    %mul3A_5 = arith.constant 6912 : i32
    %mul3A_6 = arith.muli %arg1, %mul3A_5 : i32
    %mul3A_7 = arith.constant 13312 : i32
    %mul3A_8 = arith.muli %arg1, %mul3A_7 : i32
    %add3A = arith.constant 110592 : i32
    %add3A_9 = arith.addi %add3A, %mul3A_8 : i32
    %select_n3A_10 = arith.select %eq3A_4, %mul3A_6, %add3A_9 : i32
    %broadcast_in_dim3A = arith.constant 0.000000e+00 : f32
    %broadcast_in_dim3A_11 = vector.broadcast %broadcast_in_dim3A : f32 to vector<16xf32>
    %scan3A = arith.constant 0 : i32
    %scan3A_12 = arith.constant 0 : i32
    %scan3A_13 = arith.constant 128 : i32
    %scan3A_14 = arith.addi %scan3A_12, %scan3A_13 : i32
    %scan3A_15 = arith.constant 1 : i32
    scf.for %scan3A_84 = %scan3A_12 to %scan3A_14 step %scan3A_15  : i32 {
      %swap3A = arith.index_cast %scan3A_84 : i32 to index
      %swap3A_85 = arith.constant 0 : index
      %swap3A_86 = tpu.vector_load %arg10[%swap3A, %swap3A_85] {strides = array<i32>} : memref<128x128xf32, #tpu.memory_space<vmem>>, vector<1x16xf32>,
      %swap3A_87 = vector.shape_cast %swap3A_86 : vector<1x16xf32> to vector<16xf32>
      %swap3A_88 = vector.shape_cast %broadcast_in_dim3A_11 : vector<16xf32> to vector<1x16xf32>
      tpu.vector_store %arg10[%swap3A, %swap3A_85], %swap3A_88 {strides = array<i32>} : memref<128x128xf32, #tpu.memory_space<vmem>>, vector<1x16xf32>,
      %swap3A_89 = arith.index_cast %scan3A_84 : i32 to index
      %swap3A_90 = arith.constant 16 : index
      %swap3A_91 = tpu.vector_load %arg10[%swap3A_89, %swap3A_90] {strides = array<i32>} : memref<128x128xf32, #tpu.memory_space<vmem>>, vector<1x16xf32>,
      %swap3A_92 = vector.shape_cast %swap3A_91 : vector<1x16xf32> to vector<16xf32>
      %swap3A_93 = vector.shape_cast %broadcast_in_dim3A_11 : vector<16xf32> to vector<1x16xf32>
      tpu.vector_store %arg10[%swap3A_89, %swap3A_90], %swap3A_93 {strides = array<i32>} : memref<128x128xf32, #tpu.memory_space<vmem>>, vector<1x16xf32>,
      %swap3A_94 = arith.index_cast %scan3A_84 : i32 to index
      %swap3A_95 = arith.constant 32 : index
      %swap3A_96 = tpu.vector_load %arg10[%swap3A_94, %swap3A_95] {strides = array<i32>} : memref<128x128xf32, #tpu.memory_space<vmem>>, vector<1x16xf32>,
      %swap3A_97 = vector.shape_cast %swap3A_96 : vector<1x16xf32> to vector<16xf32>
      %swap3A_98 = vector.shape_cast %broadcast_in_dim3A_11 : vector<16xf32> to vector<1x16xf32>
      tpu.vector_store %arg10[%swap3A_94, %swap3A_95], %swap3A_98 {strides = array<i32>} : memref<128x128xf32, #tpu.memory_space<vmem>>, vector<1x16xf32>,
      %swap3A_99 = arith.index_cast %scan3A_84 : i32 to index
      %swap3A_100 = arith.constant 48 : index
      %swap3A_101 = tpu.vector_load %arg10[%swap3A_99, %swap3A_100] {strides = array<i32>} : memref<128x128xf32, #tpu.memory_space<vmem>>, vector<1x16xf32>,
      %swap3A_102 = vector.shape_cast %swap3A_101 : vector<1x16xf32> to vector<16xf32>
      %swap3A_103 = vector.shape_cast %broadcast_in_dim3A_11 : vector<16xf32> to vector<1x16xf32>
      tpu.vector_store %arg10[%swap3A_99, %swap3A_100], %swap3A_103 {strides = array<i32>} : memref<128x128xf32, #tpu.memory_space<vmem>>, vector<1x16xf32>,
      %swap3A_104 = arith.index_cast %scan3A_84 : i32 to index
      %swap3A_105 = arith.constant 64 : index
      %swap3A_106 = tpu.vector_load %arg10[%swap3A_104, %swap3A_105] {strides = array<i32>} : memref<128x128xf32, #tpu.memory_space<vmem>>, vector<1x16xf32>,
      %swap3A_107 = vector.shape_cast %swap3A_106 : vector<1x16xf32> to vector<16xf32>
      %swap3A_108 = vector.shape_cast %broadcast_in_dim3A_11 : vector<16xf32> to vector<1x16xf32>
      tpu.vector_store %arg10[%swap3A_104, %swap3A_105], %swap3A_108 {strides = array<i32>} : memref<128x128xf32, #tpu.memory_space<vmem>>, vector<1x16xf32>,
      %swap3A_109 = arith.index_cast %scan3A_84 : i32 to index
      %swap3A_110 = arith.constant 80 : index
      %swap3A_111 = tpu.vector_load %arg10[%swap3A_109, %swap3A_110] {strides = array<i32>} : memref<128x128xf32, #tpu.memory_space<vmem>>, vector<1x16xf32>,
      %swap3A_112 = vector.shape_cast %swap3A_111 : vector<1x16xf32> to vector<16xf32>
      %swap3A_113 = vector.shape_cast %broadcast_in_dim3A_11 : vector<16xf32> to vector<1x16xf32>
      tpu.vector_store %arg10[%swap3A_109, %swap3A_110], %swap3A_113 {strides = array<i32>} : memref<128x128xf32, #tpu.memory_space<vmem>>, vector<1x16xf32>,
      %swap3A_114 = arith.index_cast %scan3A_84 : i32 to index
      %swap3A_115 = arith.constant 96 : index
      %swap3A_116 = tpu.vector_load %arg10[%swap3A_114, %swap3A_115] {strides = array<i32>} : memref<128x128xf32, #tpu.memory_space<vmem>>, vector<1x16xf32>,
      %swap3A_117 = vector.shape_cast %swap3A_116 : vector<1x16xf32> to vector<16xf32>
      %swap3A_118 = vector.shape_cast %broadcast_in_dim3A_11 : vector<16xf32> to vector<1x16xf32>
      tpu.vector_store %arg10[%swap3A_114, %swap3A_115], %swap3A_118 {strides = array<i32>} : memref<128x128xf32, #tpu.memory_space<vmem>>, vector<1x16xf32>,
      %swap3A_119 = arith.index_cast %scan3A_84 : i32 to index
      %swap3A_120 = arith.constant 112 : index
      %swap3A_121 = tpu.vector_load %arg10[%swap3A_119, %swap3A_120] {strides = array<i32>} : memref<128x128xf32, #tpu.memory_space<vmem>>, vector<1x16xf32>,
      %swap3A_122 = vector.shape_cast %swap3A_121 : vector<1x16xf32> to vector<16xf32>
      %swap3A_123 = vector.shape_cast %broadcast_in_dim3A_11 : vector<16xf32> to vector<1x16xf32>
      tpu.vector_store %arg10[%swap3A_119, %swap3A_120], %swap3A_123 {strides = array<i32>} : memref<128x128xf32, #tpu.memory_space<vmem>>, vector<1x16xf32>,
    }
    %scan3A_16 = arith.constant 128 : i32
    %add3A_17 = arith.constant 0 : i32
    %add3A_18 = arith.addi %mul3A_0, %add3A_17 : i32
    "tpu.region"() ({
      %run_scoped3A = tpu.sem_alloc : memref<!tpu.dma_semaphore, #tpu.memory_space<semaphore_mem>>
      %dma_start3A_84 = arith.constant 0 : i32
      %dma_start3A_85 = tpu.memref_slice %arg12[%add3A_18, %dma_start3A_84] : memref<10240x128xf32, #tpu.memory_space<vmem_shared>> -> memref<128x128xf32, #tpu.memory_space<vmem_shared>>
      %dma_start3A_86 = arith.constant 0 : i32
      %dma_start3A_87 = tpu.memref_slice %arg12[%add3A_18, %dma_start3A_86] : memref<10240x128xf32, #tpu.memory_space<vmem_shared>> -> memref<128x128xf32, #tpu.memory_space<vmem_shared>>
      tpu.enqueue_dma source(%arg10 : memref<128x128xf32, #tpu.memory_space<vmem>>) target(%dma_start3A_87 : memref<128x128xf32, #tpu.memory_space<vmem_shared>>) target_semaphore(%run_scoped3A : memref<!tpu.dma_semaphore, #tpu.memory_space<semaphore_mem>>)
      %dma_wait3A = arith.constant 0 : i32
      %dma_wait3A_88 = tpu.memref_slice %arg12[%add3A_18, %dma_wait3A] : memref<10240x128xf32, #tpu.memory_space<vmem_shared>> -> memref<128x128xf32, #tpu.memory_space<vmem_shared>>
      %dma_wait3A_89 = arith.constant 0 : i32
      %dma_wait3A_90 = tpu.memref_slice %arg12[%add3A_18, %dma_wait3A_89] : memref<10240x128xf32, #tpu.memory_space<vmem_shared>> -> memref<128x128xf32, #tpu.memory_space<vmem_shared>>
      tpu.wait_dma2 semaphore(%run_scoped3A : memref<!tpu.dma_semaphore, #tpu.memory_space<semaphore_mem>>) src(%arg10 : memref<128x128xf32, #tpu.memory_space<vmem>>) dst(%dma_wait3A_90 : memref<128x128xf32, #tpu.memory_space<vmem_shared>>)
      tpu.yield
    }) : () -> ()
    %add3A_19 = arith.constant 128 : i32
    %add3A_20 = arith.addi %mul3A_0, %add3A_19 : i32
    "tpu.region"() ({
      %run_scoped3A = tpu.sem_alloc : memref<!tpu.dma_semaphore, #tpu.memory_space<semaphore_mem>>
      %dma_start3A_84 = arith.constant 0 : i32
      %dma_start3A_85 = tpu.memref_slice %arg12[%add3A_20, %dma_start3A_84] : memref<10240x128xf32, #tpu.memory_space<vmem_shared>> -> memref<128x128xf32, #tpu.memory_space<vmem_shared>>
      %dma_start3A_86 = arith.constant 0 : i32
      %dma_start3A_87 = tpu.memref_slice %arg12[%add3A_20, %dma_start3A_86] : memref<10240x128xf32, #tpu.memory_space<vmem_shared>> -> memref<128x128xf32, #tpu.memory_space<vmem_shared>>
      tpu.enqueue_dma source(%arg10 : memref<128x128xf32, #tpu.memory_space<vmem>>) target(%dma_start3A_87 : memref<128x128xf32, #tpu.memory_space<vmem_shared>>) target_semaphore(%run_scoped3A : memref<!tpu.dma_semaphore, #tpu.memory_space<semaphore_mem>>)
      %dma_wait3A = arith.constant 0 : i32
      %dma_wait3A_88 = tpu.memref_slice %arg12[%add3A_20, %dma_wait3A] : memref<10240x128xf32, #tpu.memory_space<vmem_shared>> -> memref<128x128xf32, #tpu.memory_space<vmem_shared>>
      %dma_wait3A_89 = arith.constant 0 : i32
      %dma_wait3A_90 = tpu.memref_slice %arg12[%add3A_20, %dma_wait3A_89] : memref<10240x128xf32, #tpu.memory_space<vmem_shared>> -> memref<128x128xf32, #tpu.memory_space<vmem_shared>>
      tpu.wait_dma2 semaphore(%run_scoped3A : memref<!tpu.dma_semaphore, #tpu.memory_space<semaphore_mem>>) src(%arg10 : memref<128x128xf32, #tpu.memory_space<vmem>>) dst(%dma_wait3A_90 : memref<128x128xf32, #tpu.memory_space<vmem_shared>>)
      tpu.yield
    }) : () -> ()
    %add3A_21 = arith.constant 256 : i32
    %add3A_22 = arith.addi %mul3A_0, %add3A_21 : i32
    "tpu.region"() ({
      %run_scoped3A = tpu.sem_alloc : memref<!tpu.dma_semaphore, #tpu.memory_space<semaphore_mem>>
      %dma_start3A_84 = arith.constant 0 : i32
      %dma_start3A_85 = tpu.memref_slice %arg12[%add3A_22, %dma_start3A_84] : memref<10240x128xf32, #tpu.memory_space<vmem_shared>> -> memref<128x128xf32, #tpu.memory_space<vmem_shared>>
      %dma_start3A_86 = arith.constant 0 : i32
      %dma_start3A_87 = tpu.memref_slice %arg12[%add3A_22, %dma_start3A_86] : memref<10240x128xf32, #tpu.memory_space<vmem_shared>> -> memref<128x128xf32, #tpu.memory_space<vmem_shared>>
      tpu.enqueue_dma source(%arg10 : memref<128x128xf32, #tpu.memory_space<vmem>>) target(%dma_start3A_87 : memref<128x128xf32, #tpu.memory_space<vmem_shared>>) target_semaphore(%run_scoped3A : memref<!tpu.dma_semaphore, #tpu.memory_space<semaphore_mem>>)
      %dma_wait3A = arith.constant 0 : i32
      %dma_wait3A_88 = tpu.memref_slice %arg12[%add3A_22, %dma_wait3A] : memref<10240x128xf32, #tpu.memory_space<vmem_shared>> -> memref<128x128xf32, #tpu.memory_space<vmem_shared>>
      %dma_wait3A_89 = arith.constant 0 : i32
      %dma_wait3A_90 = tpu.memref_slice %arg12[%add3A_22, %dma_wait3A_89] : memref<10240x128xf32, #tpu.memory_space<vmem_shared>> -> memref<128x128xf32, #tpu.memory_space<vmem_shared>>
      tpu.wait_dma2 semaphore(%run_scoped3A : memref<!tpu.dma_semaphore, #tpu.memory_space<semaphore_mem>>) src(%arg10 : memref<128x128xf32, #tpu.memory_space<vmem>>) dst(%dma_wait3A_90 : memref<128x128xf32, #tpu.memory_space<vmem_shared>>)
      tpu.yield
    }) : () -> ()
    %add3A_23 = arith.constant 384 : i32
    %add3A_24 = arith.addi %mul3A_0, %add3A_23 : i32
    "tpu.region"() ({
      %run_scoped3A = tpu.sem_alloc : memref<!tpu.dma_semaphore, #tpu.memory_space<semaphore_mem>>
      %dma_start3A_84 = arith.constant 0 : i32
      %dma_start3A_85 = tpu.memref_slice %arg12[%add3A_24, %dma_start3A_84] : memref<10240x128xf32, #tpu.memory_space<vmem_shared>> -> memref<128x128xf32, #tpu.memory_space<vmem_shared>>
      %dma_start3A_86 = arith.constant 0 : i32
      %dma_start3A_87 = tpu.memref_slice %arg12[%add3A_24, %dma_start3A_86] : memref<10240x128xf32, #tpu.memory_space<vmem_shared>> -> memref<128x128xf32, #tpu.memory_space<vmem_shared>>
      tpu.enqueue_dma source(%arg10 : memref<128x128xf32, #tpu.memory_space<vmem>>) target(%dma_start3A_87 : memref<128x128xf32, #tpu.memory_space<vmem_shared>>) target_semaphore(%run_scoped3A : memref<!tpu.dma_semaphore, #tpu.memory_space<semaphore_mem>>)
      %dma_wait3A = arith.constant 0 : i32
      %dma_wait3A_88 = tpu.memref_slice %arg12[%add3A_24, %dma_wait3A] : memref<10240x128xf32, #tpu.memory_space<vmem_shared>> -> memref<128x128xf32, #tpu.memory_space<vmem_shared>>
      %dma_wait3A_89 = arith.constant 0 : i32
      %dma_wait3A_90 = tpu.memref_slice %arg12[%add3A_24, %dma_wait3A_89] : memref<10240x128xf32, #tpu.memory_space<vmem_shared>> -> memref<128x128xf32, #tpu.memory_space<vmem_shared>>
      tpu.wait_dma2 semaphore(%run_scoped3A : memref<!tpu.dma_semaphore, #tpu.memory_space<semaphore_mem>>) src(%arg10 : memref<128x128xf32, #tpu.memory_space<vmem>>) dst(%dma_wait3A_90 : memref<128x128xf32, #tpu.memory_space<vmem_shared>>)
      tpu.yield
    }) : () -> ()
    %add3A_25 = arith.constant 512 : i32
    %add3A_26 = arith.addi %mul3A_0, %add3A_25 : i32
    "tpu.region"() ({
      %run_scoped3A = tpu.sem_alloc : memref<!tpu.dma_semaphore, #tpu.memory_space<semaphore_mem>>
      %dma_start3A_84 = arith.constant 0 : i32
      %dma_start3A_85 = tpu.memref_slice %arg12[%add3A_26, %dma_start3A_84] : memref<10240x128xf32, #tpu.memory_space<vmem_shared>> -> memref<128x128xf32, #tpu.memory_space<vmem_shared>>
      %dma_start3A_86 = arith.constant 0 : i32
      %dma_start3A_87 = tpu.memref_slice %arg12[%add3A_26, %dma_start3A_86] : memref<10240x128xf32, #tpu.memory_space<vmem_shared>> -> memref<128x128xf32, #tpu.memory_space<vmem_shared>>
      tpu.enqueue_dma source(%arg10 : memref<128x128xf32, #tpu.memory_space<vmem>>) target(%dma_start3A_87 : memref<128x128xf32, #tpu.memory_space<vmem_shared>>) target_semaphore(%run_scoped3A : memref<!tpu.dma_semaphore, #tpu.memory_space<semaphore_mem>>)
      %dma_wait3A = arith.constant 0 : i32
      %dma_wait3A_88 = tpu.memref_slice %arg12[%add3A_26, %dma_wait3A] : memref<10240x128xf32, #tpu.memory_space<vmem_shared>> -> memref<128x128xf32, #tpu.memory_space<vmem_shared>>
      %dma_wait3A_89 = arith.constant 0 : i32
      %dma_wait3A_90 = tpu.memref_slice %arg12[%add3A_26, %dma_wait3A_89] : memref<10240x128xf32, #tpu.memory_space<vmem_shared>> -> memref<128x128xf32, #tpu.memory_space<vmem_shared>>
      tpu.wait_dma2 semaphore(%run_scoped3A : memref<!tpu.dma_semaphore, #tpu.memory_space<semaphore_mem>>) src(%arg10 : memref<128x128xf32, #tpu.memory_space<vmem>>) dst(%dma_wait3A_90 : memref<128x128xf32, #tpu.memory_space<vmem_shared>>)
      tpu.yield
    }) : () -> ()
    %barrier3A = arith.constant 0 : index
    tpu.barrier barrier_id(%barrier3A)
    %add3A_27 = arith.constant 0 : i32
    %add3A_28 = arith.addi %select_n3A_10, %add3A_27 : i32
    "tpu.region"() ({
      %run_scoped3A = tpu.sem_alloc : memref<!tpu.dma_semaphore, #tpu.memory_space<semaphore_mem>>
      %dma_start3A_84 = tpu.memref_slice %arg3[%add3A_28] : memref<323584xi32, #tpu.memory_space<hbm>> -> memref<128xi32, #tpu.memory_space<hbm>>
      %dma_start3A_85 = tpu.memref_slice %arg3[%add3A_28] : memref<323584xi32, #tpu.memory_space<hbm>> -> memref<128xi32, #tpu.memory_space<hbm>>
      tpu.enqueue_dma source(%dma_start3A_85 : memref<128xi32, #tpu.memory_space<hbm>>) target(%arg6 : memref<128xi32, #tpu.memory_space<vmem>>) target_semaphore(%run_scoped3A : memref<!tpu.dma_semaphore, #tpu.memory_space<semaphore_mem>>)
      %dma_wait3A = tpu.memref_slice %arg3[%add3A_28] : memref<323584xi32, #tpu.memory_space<hbm>> -> memref<128xi32, #tpu.memory_space<hbm>>
      %dma_wait3A_86 = tpu.memref_slice %arg3[%add3A_28] : memref<323584xi32, #tpu.memory_space<hbm>> -> memref<128xi32, #tpu.memory_space<hbm>>
      tpu.wait_dma2 semaphore(%run_scoped3A : memref<!tpu.dma_semaphore, #tpu.memory_space<semaphore_mem>>) src(%dma_wait3A_86 : memref<128xi32, #tpu.memory_space<hbm>>) dst(%arg6 : memref<128xi32, #tpu.memory_space<vmem>>)
      tpu.yield
    }) : () -> ()
    "tpu.region"() ({
      %run_scoped3A = tpu.sem_alloc : memref<!tpu.dma_semaphore, #tpu.memory_space<semaphore_mem>>
      %dma_start3A_84 = tpu.memref_slice %arg4[%add3A_28] : memref<323584xi32, #tpu.memory_space<hbm>> -> memref<128xi32, #tpu.memory_space<hbm>>
      %dma_start3A_85 = tpu.memref_slice %arg4[%add3A_28] : memref<323584xi32, #tpu.memory_space<hbm>> -> memref<128xi32, #tpu.memory_space<hbm>>
      tpu.enqueue_dma source(%dma_start3A_85 : memref<128xi32, #tpu.memory_space<hbm>>) target(%arg8 : memref<128xi32, #tpu.memory_space<vmem>>) target_semaphore(%run_scoped3A : memref<!tpu.dma_semaphore, #tpu.memory_space<semaphore_mem>>)
      %dma_wait3A = tpu.memref_slice %arg4[%add3A_28] : memref<323584xi32, #tpu.memory_space<hbm>> -> memref<128xi32, #tpu.memory_space<hbm>>
      %dma_wait3A_86 = tpu.memref_slice %arg4[%add3A_28] : memref<323584xi32, #tpu.memory_space<hbm>> -> memref<128xi32, #tpu.memory_space<hbm>>
      tpu.wait_dma2 semaphore(%run_scoped3A : memref<!tpu.dma_semaphore, #tpu.memory_space<semaphore_mem>>) src(%dma_wait3A_86 : memref<128xi32, #tpu.memory_space<hbm>>) dst(%arg8 : memref<128xi32, #tpu.memory_space<vmem>>)
      tpu.yield
    }) : () -> ()
    %dma_start3A = arith.constant 0 : i32
    %dma_start3A_29 = arith.constant 0 : i32
    %dma_start3A_30 = tpu.memref_slice %arg2[%dma_start3A, %dma_start3A_29] : memref<10000x128xf32, #tpu.memory_space<hbm>> -> memref<10000x128xf32, #tpu.memory_space<hbm>>
    tpu.enqueue_indirect_dma source(%dma_start3A_30 : memref<10000x128xf32, #tpu.memory_space<hbm>>) target(%arg10 : memref<128x128xf32, #tpu.memory_space<vmem>>) offsets(%arg6 : memref<128xi32, #tpu.memory_space<vmem>>) semaphore(%arg13 : memref<!tpu.dma_semaphore, #tpu.memory_space<semaphore_mem>>)
    %add3A_31 = arith.constant 128 : i32
    %add3A_32 = arith.addi %select_n3A_10, %add3A_31 : i32
    "tpu.region"() ({
      %run_scoped3A = tpu.sem_alloc : memref<!tpu.dma_semaphore, #tpu.memory_space<semaphore_mem>>
      %dma_start3A_84 = tpu.memref_slice %arg3[%add3A_32] : memref<323584xi32, #tpu.memory_space<hbm>> -> memref<128xi32, #tpu.memory_space<hbm>>
      %dma_start3A_85 = tpu.memref_slice %arg3[%add3A_32] : memref<323584xi32, #tpu.memory_space<hbm>> -> memref<128xi32, #tpu.memory_space<hbm>>
      tpu.enqueue_dma source(%dma_start3A_85 : memref<128xi32, #tpu.memory_space<hbm>>) target(%arg7 : memref<128xi32, #tpu.memory_space<vmem>>) target_semaphore(%run_scoped3A : memref<!tpu.dma_semaphore, #tpu.memory_space<semaphore_mem>>)
      %dma_wait3A = tpu.memref_slice %arg3[%add3A_32] : memref<323584xi32, #tpu.memory_space<hbm>> -> memref<128xi32, #tpu.memory_space<hbm>>
      %dma_wait3A_86 = tpu.memref_slice %arg3[%add3A_32] : memref<323584xi32, #tpu.memory_space<hbm>> -> memref<128xi32, #tpu.memory_space<hbm>>
      tpu.wait_dma2 semaphore(%run_scoped3A : memref<!tpu.dma_semaphore, #tpu.memory_space<semaphore_mem>>) src(%dma_wait3A_86 : memref<128xi32, #tpu.memory_space<hbm>>) dst(%arg7 : memref<128xi32, #tpu.memory_space<vmem>>)
      tpu.yield
    }) : () -> ()
    "tpu.region"() ({
      %run_scoped3A = tpu.sem_alloc : memref<!tpu.dma_semaphore, #tpu.memory_space<semaphore_mem>>
      %dma_start3A_84 = tpu.memref_slice %arg4[%add3A_32] : memref<323584xi32, #tpu.memory_space<hbm>> -> memref<128xi32, #tpu.memory_space<hbm>>
      %dma_start3A_85 = tpu.memref_slice %arg4[%add3A_32] : memref<323584xi32, #tpu.memory_space<hbm>> -> memref<128xi32, #tpu.memory_space<hbm>>
      tpu.enqueue_dma source(%dma_start3A_85 : memref<128xi32, #tpu.memory_space<hbm>>) target(%arg9 : memref<128xi32, #tpu.memory_space<vmem>>) target_semaphore(%run_scoped3A : memref<!tpu.dma_semaphore, #tpu.memory_space<semaphore_mem>>)
      %dma_wait3A = tpu.memref_slice %arg4[%add3A_32] : memref<323584xi32, #tpu.memory_space<hbm>> -> memref<128xi32, #tpu.memory_space<hbm>>
      %dma_wait3A_86 = tpu.memref_slice %arg4[%add3A_32] : memref<323584xi32, #tpu.memory_space<hbm>> -> memref<128xi32, #tpu.memory_space<hbm>>
      tpu.wait_dma2 semaphore(%run_scoped3A : memref<!tpu.dma_semaphore, #tpu.memory_space<semaphore_mem>>) src(%dma_wait3A_86 : memref<128xi32, #tpu.memory_space<hbm>>) dst(%arg9 : memref<128xi32, #tpu.memory_space<vmem>>)
      tpu.yield
    }) : () -> ()
    %dma_start3A_33 = arith.constant 0 : i32
    %dma_start3A_34 = arith.constant 0 : i32
    %dma_start3A_35 = tpu.memref_slice %arg2[%dma_start3A_33, %dma_start3A_34] : memref<10000x128xf32, #tpu.memory_space<hbm>> -> memref<10000x128xf32, #tpu.memory_space<hbm>>
    tpu.enqueue_indirect_dma source(%dma_start3A_35 : memref<10000x128xf32, #tpu.memory_space<hbm>>) target(%arg11 : memref<128x128xf32, #tpu.memory_space<vmem>>) offsets(%arg7 : memref<128xi32, #tpu.memory_space<vmem>>) semaphore(%arg14 : memref<!tpu.dma_semaphore, #tpu.memory_space<semaphore_mem>>)
    %jit3A_36 = arith.constant 2 : i32
    %div3A = arith.divsi %select_n3A, %jit3A_36 : i32
    %sign3A = arith.constant 0 : i32
    %sign3A_37 = arith.cmpi sgt, %select_n3A, %sign3A : i32
    %sign3A_38 = arith.extui %sign3A_37 : i1 to i32
    %sign3A_39 = arith.constant 0 : i32
    %sign3A_40 = arith.cmpi slt, %select_n3A, %sign3A_39 : i32
    %sign3A_41 = arith.extui %sign3A_40 : i1 to i32
    %sign3A_42 = arith.subi %sign3A_38, %sign3A_41 : i32
    %sign3A_43 = arith.constant 0 : i32
    %sign3A_44 = arith.cmpi sgt, %jit3A_36, %sign3A_43 : i32
    %sign3A_45 = arith.extui %sign3A_44 : i1 to i32
    %sign3A_46 = arith.constant 0 : i32
    %sign3A_47 = arith.cmpi slt, %jit3A_36, %sign3A_46 : i32
    %sign3A_48 = arith.extui %sign3A_47 : i1 to i32
    %sign3A_49 = arith.subi %sign3A_45, %sign3A_48 : i32
    %ne3A = arith.cmpi ne, %sign3A_42, %sign3A_49 : i32
    %rem3A = arith.remsi %select_n3A, %jit3A_36 : i32
    %ne3A_50 = arith.constant 0 : i32
    %ne3A_51 = arith.cmpi ne, %rem3A, %ne3A_50 : i32
    %and3A = arith.andi %ne3A, %ne3A_51 : i1
    %sub3A = arith.constant 1 : i32
    %sub3A_52 = arith.subi %div3A, %sub3A : i32
    %select_n3A_53 = arith.select %and3A, %sub3A_52, %div3A : i32
    %while3A = arith.constant 0 : i32
    %while3A_54 = arith.constant 0 : i32
    %while3A_55 = arith.subi %select_n3A_53, %while3A_54 : i32
    %while3A_56 = arith.addi %while3A_54, %while3A_55 : i32
    %while3A_57 = arith.constant 1 : i32
    %while3A_58 = arith.divsi %while3A_55, %while3A_57 : i32
    %while3A_59 = arith.muli %while3A_58, %while3A_57 : i32
    %while3A_60 = arith.addi %while3A_54, %while3A_59 : i32
    %while3A_61 = arith.constant 1 : i32
    scf.for %while3A_84 = %while3A_54 to %while3A_60 step %while3A_61  : i32 {
      %mul3A_85 = arith.constant 2 : i32
      %mul3A_86 = arith.muli %mul3A_85, %while3A_84 : i32
      %add3A_87 = arith.constant 0 : i32
      %add3A_88 = arith.addi %mul3A_86, %add3A_87 : i32
      %dma_wait3A = arith.constant 0 : i32
      %dma_wait3A_89 = arith.constant 0 : i32
      %dma_wait3A_90 = tpu.memref_slice %arg2[%dma_wait3A, %dma_wait3A_89] : memref<10000x128xf32, #tpu.memory_space<hbm>> -> memref<10000x128xf32, #tpu.memory_space<hbm>>
      tpu.wait_indirect_dma semaphore(%arg13 : memref<!tpu.dma_semaphore, #tpu.memory_space<semaphore_mem>>) src(%dma_wait3A_90 : memref<10000x128xf32, #tpu.memory_space<hbm>>) dst(%arg10 : memref<128x128xf32, #tpu.memory_space<vmem>>)
      "tpu.region"() ({
        %run_scoped3A = tpu.sem_alloc : memref<!tpu.dma_semaphore, #tpu.memory_space<semaphore_mem>>
        %dma_start3A_107 = arith.constant 0 : i32
        %dma_start3A_108 = arith.constant 0 : i32
        %dma_start3A_109 = tpu.memref_slice %arg12[%dma_start3A_107, %dma_start3A_108] : memref<10240x128xf32, #tpu.memory_space<vmem_shared>> -> memref<10240x128xf32, #tpu.memory_space<vmem_shared>>
        tpu.enqueue_indirect_dma source(%arg10 : memref<128x128xf32, #tpu.memory_space<vmem>>) target(%dma_start3A_109 : memref<10240x128xf32, #tpu.memory_space<vmem_shared>>) offsets(%arg8 : memref<128xi32, #tpu.memory_space<vmem>>) semaphore(%run_scoped3A : memref<!tpu.dma_semaphore, #tpu.memory_space<semaphore_mem>>) {add = true}
        %dma_wait3A_110 = arith.constant 0 : i32
        %dma_wait3A_111 = arith.constant 0 : i32
        %dma_wait3A_112 = tpu.memref_slice %arg12[%dma_wait3A_110, %dma_wait3A_111] : memref<10240x128xf32, #tpu.memory_space<vmem_shared>> -> memref<10240x128xf32, #tpu.memory_space<vmem_shared>>
        tpu.wait_indirect_dma semaphore(%run_scoped3A : memref<!tpu.dma_semaphore, #tpu.memory_space<semaphore_mem>>) src(%arg10 : memref<128x128xf32, #tpu.memory_space<vmem>>) dst(%dma_wait3A_112 : memref<10240x128xf32, #tpu.memory_space<vmem_shared>>)
        tpu.yield
      }) : () -> ()
      %add3A_91 = arith.constant 2 : i32
      %add3A_92 = arith.addi %add3A_88, %add3A_91 : i32
      %lt3A = arith.cmpi slt, %add3A_92, %select_n3A : i32
      %convert_element_type3A = arith.extui %lt3A : i1 to i32
      %cond3A = arith.constant 0 : i32
      %cond3A_93 = arith.cmpi ne, %convert_element_type3A, %cond3A : i32
      scf.if %cond3A_93 {
        %add3A_107 = arith.constant 2 : i32
        %add3A_108 = arith.addi %add3A_88, %add3A_107 : i32
        %mul3A_109 = arith.constant 128 : i32
        %mul3A_110 = arith.muli %add3A_108, %mul3A_109 : i32
        %add3A_111 = arith.addi %select_n3A_10, %mul3A_110 : i32
        "tpu.region"() ({
          %run_scoped3A = tpu.sem_alloc : memref<!tpu.dma_semaphore, #tpu.memory_space<semaphore_mem>>
          %dma_start3A_115 = tpu.memref_slice %arg3[%add3A_111] : memref<323584xi32, #tpu.memory_space<hbm>> -> memref<128xi32, #tpu.memory_space<hbm>>
          %dma_start3A_116 = tpu.memref_slice %arg3[%add3A_111] : memref<323584xi32, #tpu.memory_space<hbm>> -> memref<128xi32, #tpu.memory_space<hbm>>
          tpu.enqueue_dma source(%dma_start3A_116 : memref<128xi32, #tpu.memory_space<hbm>>) target(%arg6 : memref<128xi32, #tpu.memory_space<vmem>>) target_semaphore(%run_scoped3A : memref<!tpu.dma_semaphore, #tpu.memory_space<semaphore_mem>>)
          %dma_wait3A_117 = tpu.memref_slice %arg3[%add3A_111] : memref<323584xi32, #tpu.memory_space<hbm>> -> memref<128xi32, #tpu.memory_space<hbm>>
          %dma_wait3A_118 = tpu.memref_slice %arg3[%add3A_111] : memref<323584xi32, #tpu.memory_space<hbm>> -> memref<128xi32, #tpu.memory_space<hbm>>
          tpu.wait_dma2 semaphore(%run_scoped3A : memref<!tpu.dma_semaphore, #tpu.memory_space<semaphore_mem>>) src(%dma_wait3A_118 : memref<128xi32, #tpu.memory_space<hbm>>) dst(%arg6 : memref<128xi32, #tpu.memory_space<vmem>>)
          tpu.yield
        }) : () -> ()
        "tpu.region"() ({
          %run_scoped3A = tpu.sem_alloc : memref<!tpu.dma_semaphore, #tpu.memory_space<semaphore_mem>>
          %dma_start3A_115 = tpu.memref_slice %arg4[%add3A_111] : memref<323584xi32, #tpu.memory_space<hbm>> -> memref<128xi32, #tpu.memory_space<hbm>>
          %dma_start3A_116 = tpu.memref_slice %arg4[%add3A_111] : memref<323584xi32, #tpu.memory_space<hbm>> -> memref<128xi32, #tpu.memory_space<hbm>>
          tpu.enqueue_dma source(%dma_start3A_116 : memref<128xi32, #tpu.memory_space<hbm>>) target(%arg8 : memref<128xi32, #tpu.memory_space<vmem>>) target_semaphore(%run_scoped3A : memref<!tpu.dma_semaphore, #tpu.memory_space<semaphore_mem>>)
          %dma_wait3A_117 = tpu.memref_slice %arg4[%add3A_111] : memref<323584xi32, #tpu.memory_space<hbm>> -> memref<128xi32, #tpu.memory_space<hbm>>
          %dma_wait3A_118 = tpu.memref_slice %arg4[%add3A_111] : memref<323584xi32, #tpu.memory_space<hbm>> -> memref<128xi32, #tpu.memory_space<hbm>>
          tpu.wait_dma2 semaphore(%run_scoped3A : memref<!tpu.dma_semaphore, #tpu.memory_space<semaphore_mem>>) src(%dma_wait3A_118 : memref<128xi32, #tpu.memory_space<hbm>>) dst(%arg8 : memref<128xi32, #tpu.memory_space<vmem>>)
          tpu.yield
        }) : () -> ()
        %dma_start3A_112 = arith.constant 0 : i32
        %dma_start3A_113 = arith.constant 0 : i32
        %dma_start3A_114 = tpu.memref_slice %arg2[%dma_start3A_112, %dma_start3A_113] : memref<10000x128xf32, #tpu.memory_space<hbm>> -> memref<10000x128xf32, #tpu.memory_space<hbm>>
        tpu.enqueue_indirect_dma source(%dma_start3A_114 : memref<10000x128xf32, #tpu.memory_space<hbm>>) target(%arg10 : memref<128x128xf32, #tpu.memory_space<vmem>>) offsets(%arg6 : memref<128xi32, #tpu.memory_space<vmem>>) semaphore(%arg13 : memref<!tpu.dma_semaphore, #tpu.memory_space<semaphore_mem>>)
      } else {
      }
      %mul3A_94 = arith.constant 2 : i32
      %mul3A_95 = arith.muli %mul3A_94, %while3A_84 : i32
      %add3A_96 = arith.constant 1 : i32
      %add3A_97 = arith.addi %mul3A_95, %add3A_96 : i32
      %dma_wait3A_98 = arith.constant 0 : i32
      %dma_wait3A_99 = arith.constant 0 : i32
      %dma_wait3A_100 = tpu.memref_slice %arg2[%dma_wait3A_98, %dma_wait3A_99] : memref<10000x128xf32, #tpu.memory_space<hbm>> -> memref<10000x128xf32, #tpu.memory_space<hbm>>
      tpu.wait_indirect_dma semaphore(%arg14 : memref<!tpu.dma_semaphore, #tpu.memory_space<semaphore_mem>>) src(%dma_wait3A_100 : memref<10000x128xf32, #tpu.memory_space<hbm>>) dst(%arg11 : memref<128x128xf32, #tpu.memory_space<vmem>>)
      "tpu.region"() ({
        %run_scoped3A = tpu.sem_alloc : memref<!tpu.dma_semaphore, #tpu.memory_space<semaphore_mem>>
        %dma_start3A_107 = arith.constant 0 : i32
        %dma_start3A_108 = arith.constant 0 : i32
        %dma_start3A_109 = tpu.memref_slice %arg12[%dma_start3A_107, %dma_start3A_108] : memref<10240x128xf32, #tpu.memory_space<vmem_shared>> -> memref<10240x128xf32, #tpu.memory_space<vmem_shared>>
        tpu.enqueue_indirect_dma source(%arg11 : memref<128x128xf32, #tpu.memory_space<vmem>>) target(%dma_start3A_109 : memref<10240x128xf32, #tpu.memory_space<vmem_shared>>) offsets(%arg9 : memref<128xi32, #tpu.memory_space<vmem>>) semaphore(%run_scoped3A : memref<!tpu.dma_semaphore, #tpu.memory_space<semaphore_mem>>) {add = true}
        %dma_wait3A_110 = arith.constant 0 : i32
        %dma_wait3A_111 = arith.constant 0 : i32
        %dma_wait3A_112 = tpu.memref_slice %arg12[%dma_wait3A_110, %dma_wait3A_111] : memref<10240x128xf32, #tpu.memory_space<vmem_shared>> -> memref<10240x128xf32, #tpu.memory_space<vmem_shared>>
        tpu.wait_indirect_dma semaphore(%run_scoped3A : memref<!tpu.dma_semaphore, #tpu.memory_space<semaphore_mem>>) src(%arg11 : memref<128x128xf32, #tpu.memory_space<vmem>>) dst(%dma_wait3A_112 : memref<10240x128xf32, #tpu.memory_space<vmem_shared>>)
        tpu.yield
      }) : () -> ()
      %add3A_101 = arith.constant 2 : i32
      %add3A_102 = arith.addi %add3A_97, %add3A_101 : i32
      %lt3A_103 = arith.cmpi slt, %add3A_102, %select_n3A : i32
      %convert_element_type3A_104 = arith.extui %lt3A_103 : i1 to i32
      %cond3A_105 = arith.constant 0 : i32
      %cond3A_106 = arith.cmpi ne, %convert_element_type3A_104, %cond3A_105 : i32
      scf.if %cond3A_106 {
        %add3A_107 = arith.constant 2 : i32
        %add3A_108 = arith.addi %add3A_97, %add3A_107 : i32
        %mul3A_109 = arith.constant 128 : i32
        %mul3A_110 = arith.muli %add3A_108, %mul3A_109 : i32
        %add3A_111 = arith.addi %select_n3A_10, %mul3A_110 : i32
        "tpu.region"() ({
          %run_scoped3A = tpu.sem_alloc : memref<!tpu.dma_semaphore, #tpu.memory_space<semaphore_mem>>
          %dma_start3A_115 = tpu.memref_slice %arg3[%add3A_111] : memref<323584xi32, #tpu.memory_space<hbm>> -> memref<128xi32, #tpu.memory_space<hbm>>
          %dma_start3A_116 = tpu.memref_slice %arg3[%add3A_111] : memref<323584xi32, #tpu.memory_space<hbm>> -> memref<128xi32, #tpu.memory_space<hbm>>
          tpu.enqueue_dma source(%dma_start3A_116 : memref<128xi32, #tpu.memory_space<hbm>>) target(%arg7 : memref<128xi32, #tpu.memory_space<vmem>>) target_semaphore(%run_scoped3A : memref<!tpu.dma_semaphore, #tpu.memory_space<semaphore_mem>>)
          %dma_wait3A_117 = tpu.memref_slice %arg3[%add3A_111] : memref<323584xi32, #tpu.memory_space<hbm>> -> memref<128xi32, #tpu.memory_space<hbm>>
          %dma_wait3A_118 = tpu.memref_slice %arg3[%add3A_111] : memref<323584xi32, #tpu.memory_space<hbm>> -> memref<128xi32, #tpu.memory_space<hbm>>
          tpu.wait_dma2 semaphore(%run_scoped3A : memref<!tpu.dma_semaphore, #tpu.memory_space<semaphore_mem>>) src(%dma_wait3A_118 : memref<128xi32, #tpu.memory_space<hbm>>) dst(%arg7 : memref<128xi32, #tpu.memory_space<vmem>>)
          tpu.yield
        }) : () -> ()
        "tpu.region"() ({
          %run_scoped3A = tpu.sem_alloc : memref<!tpu.dma_semaphore, #tpu.memory_space<semaphore_mem>>
          %dma_start3A_115 = tpu.memref_slice %arg4[%add3A_111] : memref<323584xi32, #tpu.memory_space<hbm>> -> memref<128xi32, #tpu.memory_space<hbm>>
          %dma_start3A_116 = tpu.memref_slice %arg4[%add3A_111] : memref<323584xi32, #tpu.memory_space<hbm>> -> memref<128xi32, #tpu.memory_space<hbm>>
          tpu.enqueue_dma source(%dma_start3A_116 : memref<128xi32, #tpu.memory_space<hbm>>) target(%arg9 : memref<128xi32, #tpu.memory_space<vmem>>) target_semaphore(%run_scoped3A : memref<!tpu.dma_semaphore, #tpu.memory_space<semaphore_mem>>)
          %dma_wait3A_117 = tpu.memref_slice %arg4[%add3A_111] : memref<323584xi32, #tpu.memory_space<hbm>> -> memref<128xi32, #tpu.memory_space<hbm>>
          %dma_wait3A_118 = tpu.memref_slice %arg4[%add3A_111] : memref<323584xi32, #tpu.memory_space<hbm>> -> memref<128xi32, #tpu.memory_space<hbm>>
          tpu.wait_dma2 semaphore(%run_scoped3A : memref<!tpu.dma_semaphore, #tpu.memory_space<semaphore_mem>>) src(%dma_wait3A_118 : memref<128xi32, #tpu.memory_space<hbm>>) dst(%arg9 : memref<128xi32, #tpu.memory_space<vmem>>)
          tpu.yield
        }) : () -> ()
        %dma_start3A_112 = arith.constant 0 : i32
        %dma_start3A_113 = arith.constant 0 : i32
        %dma_start3A_114 = tpu.memref_slice %arg2[%dma_start3A_112, %dma_start3A_113] : memref<10000x128xf32, #tpu.memory_space<hbm>> -> memref<10000x128xf32, #tpu.memory_space<hbm>>
        tpu.enqueue_indirect_dma source(%dma_start3A_114 : memref<10000x128xf32, #tpu.memory_space<hbm>>) target(%arg11 : memref<128x128xf32, #tpu.memory_space<vmem>>) offsets(%arg7 : memref<128xi32, #tpu.memory_space<vmem>>) semaphore(%arg14 : memref<!tpu.dma_semaphore, #tpu.memory_space<semaphore_mem>>)
      } else {
      }
    }
    %while3A_62 = arith.constant 1 : i32
    scf.for %while3A_84 = %while3A_60 to %while3A_56 step %while3A_62  : i32 {
      %mul3A_85 = arith.constant 2 : i32
      %mul3A_86 = arith.muli %mul3A_85, %while3A_84 : i32
      %add3A_87 = arith.constant 0 : i32
      %add3A_88 = arith.addi %mul3A_86, %add3A_87 : i32
      %dma_wait3A = arith.constant 0 : i32
      %dma_wait3A_89 = arith.constant 0 : i32
      %dma_wait3A_90 = tpu.memref_slice %arg2[%dma_wait3A, %dma_wait3A_89] : memref<10000x128xf32, #tpu.memory_space<hbm>> -> memref<10000x128xf32, #tpu.memory_space<hbm>>
      tpu.wait_indirect_dma semaphore(%arg13 : memref<!tpu.dma_semaphore, #tpu.memory_space<semaphore_mem>>) src(%dma_wait3A_90 : memref<10000x128xf32, #tpu.memory_space<hbm>>) dst(%arg10 : memref<128x128xf32, #tpu.memory_space<vmem>>)
      "tpu.region"() ({
        %run_scoped3A = tpu.sem_alloc : memref<!tpu.dma_semaphore, #tpu.memory_space<semaphore_mem>>
        %dma_start3A_107 = arith.constant 0 : i32
        %dma_start3A_108 = arith.constant 0 : i32
        %dma_start3A_109 = tpu.memref_slice %arg12[%dma_start3A_107, %dma_start3A_108] : memref<10240x128xf32, #tpu.memory_space<vmem_shared>> -> memref<10240x128xf32, #tpu.memory_space<vmem_shared>>
        tpu.enqueue_indirect_dma source(%arg10 : memref<128x128xf32, #tpu.memory_space<vmem>>) target(%dma_start3A_109 : memref<10240x128xf32, #tpu.memory_space<vmem_shared>>) offsets(%arg8 : memref<128xi32, #tpu.memory_space<vmem>>) semaphore(%run_scoped3A : memref<!tpu.dma_semaphore, #tpu.memory_space<semaphore_mem>>) {add = true}
        %dma_wait3A_110 = arith.constant 0 : i32
        %dma_wait3A_111 = arith.constant 0 : i32
        %dma_wait3A_112 = tpu.memref_slice %arg12[%dma_wait3A_110, %dma_wait3A_111] : memref<10240x128xf32, #tpu.memory_space<vmem_shared>> -> memref<10240x128xf32, #tpu.memory_space<vmem_shared>>
        tpu.wait_indirect_dma semaphore(%run_scoped3A : memref<!tpu.dma_semaphore, #tpu.memory_space<semaphore_mem>>) src(%arg10 : memref<128x128xf32, #tpu.memory_space<vmem>>) dst(%dma_wait3A_112 : memref<10240x128xf32, #tpu.memory_space<vmem_shared>>)
        tpu.yield
      }) : () -> ()
      %add3A_91 = arith.constant 2 : i32
      %add3A_92 = arith.addi %add3A_88, %add3A_91 : i32
      %lt3A = arith.cmpi slt, %add3A_92, %select_n3A : i32
      %convert_element_type3A = arith.extui %lt3A : i1 to i32
      %cond3A = arith.constant 0 : i32
      %cond3A_93 = arith.cmpi ne, %convert_element_type3A, %cond3A : i32
      scf.if %cond3A_93 {
        %add3A_107 = arith.constant 2 : i32
        %add3A_108 = arith.addi %add3A_88, %add3A_107 : i32
        %mul3A_109 = arith.constant 128 : i32
        %mul3A_110 = arith.muli %add3A_108, %mul3A_109 : i32
        %add3A_111 = arith.addi %select_n3A_10, %mul3A_110 : i32
        "tpu.region"() ({
          %run_scoped3A = tpu.sem_alloc : memref<!tpu.dma_semaphore, #tpu.memory_space<semaphore_mem>>
          %dma_start3A_115 = tpu.memref_slice %arg3[%add3A_111] : memref<323584xi32, #tpu.memory_space<hbm>> -> memref<128xi32, #tpu.memory_space<hbm>>
          %dma_start3A_116 = tpu.memref_slice %arg3[%add3A_111] : memref<323584xi32, #tpu.memory_space<hbm>> -> memref<128xi32, #tpu.memory_space<hbm>>
          tpu.enqueue_dma source(%dma_start3A_116 : memref<128xi32, #tpu.memory_space<hbm>>) target(%arg6 : memref<128xi32, #tpu.memory_space<vmem>>) target_semaphore(%run_scoped3A : memref<!tpu.dma_semaphore, #tpu.memory_space<semaphore_mem>>)
          %dma_wait3A_117 = tpu.memref_slice %arg3[%add3A_111] : memref<323584xi32, #tpu.memory_space<hbm>> -> memref<128xi32, #tpu.memory_space<hbm>>
          %dma_wait3A_118 = tpu.memref_slice %arg3[%add3A_111] : memref<323584xi32, #tpu.memory_space<hbm>> -> memref<128xi32, #tpu.memory_space<hbm>>
          tpu.wait_dma2 semaphore(%run_scoped3A : memref<!tpu.dma_semaphore, #tpu.memory_space<semaphore_mem>>) src(%dma_wait3A_118 : memref<128xi32, #tpu.memory_space<hbm>>) dst(%arg6 : memref<128xi32, #tpu.memory_space<vmem>>)
          tpu.yield
        }) : () -> ()
        "tpu.region"() ({
          %run_scoped3A = tpu.sem_alloc : memref<!tpu.dma_semaphore, #tpu.memory_space<semaphore_mem>>
          %dma_start3A_115 = tpu.memref_slice %arg4[%add3A_111] : memref<323584xi32, #tpu.memory_space<hbm>> -> memref<128xi32, #tpu.memory_space<hbm>>
          %dma_start3A_116 = tpu.memref_slice %arg4[%add3A_111] : memref<323584xi32, #tpu.memory_space<hbm>> -> memref<128xi32, #tpu.memory_space<hbm>>
          tpu.enqueue_dma source(%dma_start3A_116 : memref<128xi32, #tpu.memory_space<hbm>>) target(%arg8 : memref<128xi32, #tpu.memory_space<vmem>>) target_semaphore(%run_scoped3A : memref<!tpu.dma_semaphore, #tpu.memory_space<semaphore_mem>>)
          %dma_wait3A_117 = tpu.memref_slice %arg4[%add3A_111] : memref<323584xi32, #tpu.memory_space<hbm>> -> memref<128xi32, #tpu.memory_space<hbm>>
          %dma_wait3A_118 = tpu.memref_slice %arg4[%add3A_111] : memref<323584xi32, #tpu.memory_space<hbm>> -> memref<128xi32, #tpu.memory_space<hbm>>
          tpu.wait_dma2 semaphore(%run_scoped3A : memref<!tpu.dma_semaphore, #tpu.memory_space<semaphore_mem>>) src(%dma_wait3A_118 : memref<128xi32, #tpu.memory_space<hbm>>) dst(%arg8 : memref<128xi32, #tpu.memory_space<vmem>>)
          tpu.yield
        }) : () -> ()
        %dma_start3A_112 = arith.constant 0 : i32
        %dma_start3A_113 = arith.constant 0 : i32
        %dma_start3A_114 = tpu.memref_slice %arg2[%dma_start3A_112, %dma_start3A_113] : memref<10000x128xf32, #tpu.memory_space<hbm>> -> memref<10000x128xf32, #tpu.memory_space<hbm>>
        tpu.enqueue_indirect_dma source(%dma_start3A_114 : memref<10000x128xf32, #tpu.memory_space<hbm>>) target(%arg10 : memref<128x128xf32, #tpu.memory_space<vmem>>) offsets(%arg6 : memref<128xi32, #tpu.memory_space<vmem>>) semaphore(%arg13 : memref<!tpu.dma_semaphore, #tpu.memory_space<semaphore_mem>>)
      } else {
      }
      %mul3A_94 = arith.constant 2 : i32
      %mul3A_95 = arith.muli %mul3A_94, %while3A_84 : i32
      %add3A_96 = arith.constant 1 : i32
      %add3A_97 = arith.addi %mul3A_95, %add3A_96 : i32
      %dma_wait3A_98 = arith.constant 0 : i32
      %dma_wait3A_99 = arith.constant 0 : i32
      %dma_wait3A_100 = tpu.memref_slice %arg2[%dma_wait3A_98, %dma_wait3A_99] : memref<10000x128xf32, #tpu.memory_space<hbm>> -> memref<10000x128xf32, #tpu.memory_space<hbm>>
      tpu.wait_indirect_dma semaphore(%arg14 : memref<!tpu.dma_semaphore, #tpu.memory_space<semaphore_mem>>) src(%dma_wait3A_100 : memref<10000x128xf32, #tpu.memory_space<hbm>>) dst(%arg11 : memref<128x128xf32, #tpu.memory_space<vmem>>)
      "tpu.region"() ({
        %run_scoped3A = tpu.sem_alloc : memref<!tpu.dma_semaphore, #tpu.memory_space<semaphore_mem>>
        %dma_start3A_107 = arith.constant 0 : i32
        %dma_start3A_108 = arith.constant 0 : i32
        %dma_start3A_109 = tpu.memref_slice %arg12[%dma_start3A_107, %dma_start3A_108] : memref<10240x128xf32, #tpu.memory_space<vmem_shared>> -> memref<10240x128xf32, #tpu.memory_space<vmem_shared>>
        tpu.enqueue_indirect_dma source(%arg11 : memref<128x128xf32, #tpu.memory_space<vmem>>) target(%dma_start3A_109 : memref<10240x128xf32, #tpu.memory_space<vmem_shared>>) offsets(%arg9 : memref<128xi32, #tpu.memory_space<vmem>>) semaphore(%run_scoped3A : memref<!tpu.dma_semaphore, #tpu.memory_space<semaphore_mem>>) {add = true}
        %dma_wait3A_110 = arith.constant 0 : i32
        %dma_wait3A_111 = arith.constant 0 : i32
        %dma_wait3A_112 = tpu.memref_slice %arg12[%dma_wait3A_110, %dma_wait3A_111] : memref<10240x128xf32, #tpu.memory_space<vmem_shared>> -> memref<10240x128xf32, #tpu.memory_space<vmem_shared>>
        tpu.wait_indirect_dma semaphore(%run_scoped3A : memref<!tpu.dma_semaphore, #tpu.memory_space<semaphore_mem>>) src(%arg11 : memref<128x128xf32, #tpu.memory_space<vmem>>) dst(%dma_wait3A_112 : memref<10240x128xf32, #tpu.memory_space<vmem_shared>>)
        tpu.yield
      }) : () -> ()
      %add3A_101 = arith.constant 2 : i32
      %add3A_102 = arith.addi %add3A_97, %add3A_101 : i32
      %lt3A_103 = arith.cmpi slt, %add3A_102, %select_n3A : i32
      %convert_element_type3A_104 = arith.extui %lt3A_103 : i1 to i32
      %cond3A_105 = arith.constant 0 : i32
      %cond3A_106 = arith.cmpi ne, %convert_element_type3A_104, %cond3A_105 : i32
      scf.if %cond3A_106 {
        %add3A_107 = arith.constant 2 : i32
        %add3A_108 = arith.addi %add3A_97, %add3A_107 : i32
        %mul3A_109 = arith.constant 128 : i32
        %mul3A_110 = arith.muli %add3A_108, %mul3A_109 : i32
        %add3A_111 = arith.addi %select_n3A_10, %mul3A_110 : i32
        "tpu.region"() ({
          %run_scoped3A = tpu.sem_alloc : memref<!tpu.dma_semaphore, #tpu.memory_space<semaphore_mem>>
          %dma_start3A_115 = tpu.memref_slice %arg3[%add3A_111] : memref<323584xi32, #tpu.memory_space<hbm>> -> memref<128xi32, #tpu.memory_space<hbm>>
          %dma_start3A_116 = tpu.memref_slice %arg3[%add3A_111] : memref<323584xi32, #tpu.memory_space<hbm>> -> memref<128xi32, #tpu.memory_space<hbm>>
          tpu.enqueue_dma source(%dma_start3A_116 : memref<128xi32, #tpu.memory_space<hbm>>) target(%arg7 : memref<128xi32, #tpu.memory_space<vmem>>) target_semaphore(%run_scoped3A : memref<!tpu.dma_semaphore, #tpu.memory_space<semaphore_mem>>)
          %dma_wait3A_117 = tpu.memref_slice %arg3[%add3A_111] : memref<323584xi32, #tpu.memory_space<hbm>> -> memref<128xi32, #tpu.memory_space<hbm>>
          %dma_wait3A_118 = tpu.memref_slice %arg3[%add3A_111] : memref<323584xi32, #tpu.memory_space<hbm>> -> memref<128xi32, #tpu.memory_space<hbm>>
          tpu.wait_dma2 semaphore(%run_scoped3A : memref<!tpu.dma_semaphore, #tpu.memory_space<semaphore_mem>>) src(%dma_wait3A_118 : memref<128xi32, #tpu.memory_space<hbm>>) dst(%arg7 : memref<128xi32, #tpu.memory_space<vmem>>)
          tpu.yield
        }) : () -> ()
        "tpu.region"() ({
          %run_scoped3A = tpu.sem_alloc : memref<!tpu.dma_semaphore, #tpu.memory_space<semaphore_mem>>
          %dma_start3A_115 = tpu.memref_slice %arg4[%add3A_111] : memref<323584xi32, #tpu.memory_space<hbm>> -> memref<128xi32, #tpu.memory_space<hbm>>
          %dma_start3A_116 = tpu.memref_slice %arg4[%add3A_111] : memref<323584xi32, #tpu.memory_space<hbm>> -> memref<128xi32, #tpu.memory_space<hbm>>
          tpu.enqueue_dma source(%dma_start3A_116 : memref<128xi32, #tpu.memory_space<hbm>>) target(%arg9 : memref<128xi32, #tpu.memory_space<vmem>>) target_semaphore(%run_scoped3A : memref<!tpu.dma_semaphore, #tpu.memory_space<semaphore_mem>>)
          %dma_wait3A_117 = tpu.memref_slice %arg4[%add3A_111] : memref<323584xi32, #tpu.memory_space<hbm>> -> memref<128xi32, #tpu.memory_space<hbm>>
          %dma_wait3A_118 = tpu.memref_slice %arg4[%add3A_111] : memref<323584xi32, #tpu.memory_space<hbm>> -> memref<128xi32, #tpu.memory_space<hbm>>
          tpu.wait_dma2 semaphore(%run_scoped3A : memref<!tpu.dma_semaphore, #tpu.memory_space<semaphore_mem>>) src(%dma_wait3A_118 : memref<128xi32, #tpu.memory_space<hbm>>) dst(%arg9 : memref<128xi32, #tpu.memory_space<vmem>>)
          tpu.yield
        }) : () -> ()
        %dma_start3A_112 = arith.constant 0 : i32
        %dma_start3A_113 = arith.constant 0 : i32
        %dma_start3A_114 = tpu.memref_slice %arg2[%dma_start3A_112, %dma_start3A_113] : memref<10000x128xf32, #tpu.memory_space<hbm>> -> memref<10000x128xf32, #tpu.memory_space<hbm>>
        tpu.enqueue_indirect_dma source(%dma_start3A_114 : memref<10000x128xf32, #tpu.memory_space<hbm>>) target(%arg11 : memref<128x128xf32, #tpu.memory_space<vmem>>) offsets(%arg7 : memref<128xi32, #tpu.memory_space<vmem>>) semaphore(%arg14 : memref<!tpu.dma_semaphore, #tpu.memory_space<semaphore_mem>>)
      } else {
      }
    }
    %barrier3A_63 = arith.constant 0 : index
    tpu.barrier barrier_id(%barrier3A_63)
    %add3A_64 = arith.constant 0 : i32
    %add3A_65 = arith.addi %mul3A_0, %add3A_64 : i32
    "tpu.region"() ({
      %run_scoped3A = tpu.sem_alloc : memref<!tpu.dma_semaphore, #tpu.memory_space<semaphore_mem>>
      %dma_start3A_84 = arith.constant 0 : i32
      %dma_start3A_85 = tpu.memref_slice %arg12[%add3A_65, %dma_start3A_84] : memref<10240x128xf32, #tpu.memory_space<vmem_shared>> -> memref<128x128xf32, #tpu.memory_space<vmem_shared>>
      %dma_start3A_86 = arith.constant 0 : i32
      %dma_start3A_87 = tpu.memref_slice %arg12[%add3A_65, %dma_start3A_86] : memref<10240x128xf32, #tpu.memory_space<vmem_shared>> -> memref<128x128xf32, #tpu.memory_space<vmem_shared>>
      tpu.enqueue_dma source(%dma_start3A_87 : memref<128x128xf32, #tpu.memory_space<vmem_shared>>) target(%arg10 : memref<128x128xf32, #tpu.memory_space<vmem>>) target_semaphore(%run_scoped3A : memref<!tpu.dma_semaphore, #tpu.memory_space<semaphore_mem>>)
      %dma_wait3A = arith.constant 0 : i32
      %dma_wait3A_88 = tpu.memref_slice %arg12[%add3A_65, %dma_wait3A] : memref<10240x128xf32, #tpu.memory_space<vmem_shared>> -> memref<128x128xf32, #tpu.memory_space<vmem_shared>>
      %dma_wait3A_89 = arith.constant 0 : i32
      %dma_wait3A_90 = tpu.memref_slice %arg12[%add3A_65, %dma_wait3A_89] : memref<10240x128xf32, #tpu.memory_space<vmem_shared>> -> memref<128x128xf32, #tpu.memory_space<vmem_shared>>
      tpu.wait_dma2 semaphore(%run_scoped3A : memref<!tpu.dma_semaphore, #tpu.memory_space<semaphore_mem>>) src(%dma_wait3A_90 : memref<128x128xf32, #tpu.memory_space<vmem_shared>>) dst(%arg10 : memref<128x128xf32, #tpu.memory_space<vmem>>)
      tpu.yield
    }) : () -> ()
    %add3A_66 = arith.constant 0 : i32
    %add3A_67 = arith.addi %mul3A_0, %add3A_66 : i32
    "tpu.region"() ({
      %run_scoped3A = tpu.sem_alloc : memref<!tpu.dma_semaphore, #tpu.memory_space<semaphore_mem>>
      %dma_start3A_84 = arith.constant 0 : i32
      %dma_start3A_85 = tpu.memref_slice %arg5[%arg0, %add3A_67, %dma_start3A_84] : memref<2x10240x128xf32, #tpu.memory_space<hbm>> -> memref<1x128x128xf32, #tpu.memory_space<hbm>>
      %dma_start3A_86 = tpu.memref_squeeze %dma_start3A_85 : memref<1x128x128xf32, #tpu.memory_space<hbm>> -> memref<128x128xf32, #tpu.memory_space<hbm>>
      %dma_start3A_87 = arith.constant 0 : i32
      %dma_start3A_88 = tpu.memref_slice %arg5[%arg0, %add3A_67, %dma_start3A_87] : memref<2x10240x128xf32, #tpu.memory_space<hbm>> -> memref<1x128x128xf32, #tpu.memory_space<hbm>>
      %dma_start3A_89 = tpu.memref_squeeze %dma_start3A_88 : memref<1x128x128xf32, #tpu.memory_space<hbm>> -> memref<128x128xf32, #tpu.memory_space<hbm>>
      tpu.enqueue_dma source(%arg10 : memref<128x128xf32, #tpu.memory_space<vmem>>) target(%dma_start3A_89 : memref<128x128xf32, #tpu.memory_space<hbm>>) target_semaphore(%run_scoped3A : memref<!tpu.dma_semaphore, #tpu.memory_space<semaphore_mem>>)
      %dma_wait3A = arith.constant 0 : i32
      %dma_wait3A_90 = tpu.memref_slice %arg5[%arg0, %add3A_67, %dma_wait3A] : memref<2x10240x128xf32, #tpu.memory_space<hbm>> -> memref<1x128x128xf32, #tpu.memory_space<hbm>>
      %dma_wait3A_91 = tpu.memref_squeeze %dma_wait3A_90 : memref<1x128x128xf32, #tpu.memory_space<hbm>> -> memref<128x128xf32, #tpu.memory_space<hbm>>
      %dma_wait3A_92 = arith.constant 0 : i32
      %dma_wait3A_93 = tpu.memref_slice %arg5[%arg0, %add3A_67, %dma_wait3A_92] : memref<2x10240x128xf32, #tpu.memory_space<hbm>> -> memref<1x128x128xf32, #tpu.memory_space<hbm>>
      %dma_wait3A_94 = tpu.memref_squeeze %dma_wait3A_93 : memref<1x128x128xf32, #tpu.memory_space<hbm>> -> memref<128x128xf32, #tpu.memory_space<hbm>>
      tpu.wait_dma2 semaphore(%run_scoped3A : memref<!tpu.dma_semaphore, #tpu.memory_space<semaphore_mem>>) src(%arg10 : memref<128x128xf32, #tpu.memory_space<vmem>>) dst(%dma_wait3A_94 : memref<128x128xf32, #tpu.memory_space<hbm>>)
      tpu.yield
    }) : () -> ()
    %add3A_68 = arith.constant 128 : i32
    %add3A_69 = arith.addi %mul3A_0, %add3A_68 : i32
    "tpu.region"() ({
      %run_scoped3A = tpu.sem_alloc : memref<!tpu.dma_semaphore, #tpu.memory_space<semaphore_mem>>
      %dma_start3A_84 = arith.constant 0 : i32
      %dma_start3A_85 = tpu.memref_slice %arg12[%add3A_69, %dma_start3A_84] : memref<10240x128xf32, #tpu.memory_space<vmem_shared>> -> memref<128x128xf32, #tpu.memory_space<vmem_shared>>
      %dma_start3A_86 = arith.constant 0 : i32
      %dma_start3A_87 = tpu.memref_slice %arg12[%add3A_69, %dma_start3A_86] : memref<10240x128xf32, #tpu.memory_space<vmem_shared>> -> memref<128x128xf32, #tpu.memory_space<vmem_shared>>
      tpu.enqueue_dma source(%dma_start3A_87 : memref<128x128xf32, #tpu.memory_space<vmem_shared>>) target(%arg10 : memref<128x128xf32, #tpu.memory_space<vmem>>) target_semaphore(%run_scoped3A : memref<!tpu.dma_semaphore, #tpu.memory_space<semaphore_mem>>)
      %dma_wait3A = arith.constant 0 : i32
      %dma_wait3A_88 = tpu.memref_slice %arg12[%add3A_69, %dma_wait3A] : memref<10240x128xf32, #tpu.memory_space<vmem_shared>> -> memref<128x128xf32, #tpu.memory_space<vmem_shared>>
      %dma_wait3A_89 = arith.constant 0 : i32
      %dma_wait3A_90 = tpu.memref_slice %arg12[%add3A_69, %dma_wait3A_89] : memref<10240x128xf32, #tpu.memory_space<vmem_shared>> -> memref<128x128xf32, #tpu.memory_space<vmem_shared>>
      tpu.wait_dma2 semaphore(%run_scoped3A : memref<!tpu.dma_semaphore, #tpu.memory_space<semaphore_mem>>) src(%dma_wait3A_90 : memref<128x128xf32, #tpu.memory_space<vmem_shared>>) dst(%arg10 : memref<128x128xf32, #tpu.memory_space<vmem>>)
      tpu.yield
    }) : () -> ()
    %add3A_70 = arith.constant 128 : i32
    %add3A_71 = arith.addi %mul3A_0, %add3A_70 : i32
    "tpu.region"() ({
      %run_scoped3A = tpu.sem_alloc : memref<!tpu.dma_semaphore, #tpu.memory_space<semaphore_mem>>
      %dma_start3A_84 = arith.constant 0 : i32
      %dma_start3A_85 = tpu.memref_slice %arg5[%arg0, %add3A_71, %dma_start3A_84] : memref<2x10240x128xf32, #tpu.memory_space<hbm>> -> memref<1x128x128xf32, #tpu.memory_space<hbm>>
      %dma_start3A_86 = tpu.memref_squeeze %dma_start3A_85 : memref<1x128x128xf32, #tpu.memory_space<hbm>> -> memref<128x128xf32, #tpu.memory_space<hbm>>
      %dma_start3A_87 = arith.constant 0 : i32
      %dma_start3A_88 = tpu.memref_slice %arg5[%arg0, %add3A_71, %dma_start3A_87] : memref<2x10240x128xf32, #tpu.memory_space<hbm>> -> memref<1x128x128xf32, #tpu.memory_space<hbm>>
      %dma_start3A_89 = tpu.memref_squeeze %dma_start3A_88 : memref<1x128x128xf32, #tpu.memory_space<hbm>> -> memref<128x128xf32, #tpu.memory_space<hbm>>
      tpu.enqueue_dma source(%arg10 : memref<128x128xf32, #tpu.memory_space<vmem>>) target(%dma_start3A_89 : memref<128x128xf32, #tpu.memory_space<hbm>>) target_semaphore(%run_scoped3A : memref<!tpu.dma_semaphore, #tpu.memory_space<semaphore_mem>>)
      %dma_wait3A = arith.constant 0 : i32
      %dma_wait3A_90 = tpu.memref_slice %arg5[%arg0, %add3A_71, %dma_wait3A] : memref<2x10240x128xf32, #tpu.memory_space<hbm>> -> memref<1x128x128xf32, #tpu.memory_space<hbm>>
      %dma_wait3A_91 = tpu.memref_squeeze %dma_wait3A_90 : memref<1x128x128xf32, #tpu.memory_space<hbm>> -> memref<128x128xf32, #tpu.memory_space<hbm>>
      %dma_wait3A_92 = arith.constant 0 : i32
      %dma_wait3A_93 = tpu.memref_slice %arg5[%arg0, %add3A_71, %dma_wait3A_92] : memref<2x10240x128xf32, #tpu.memory_space<hbm>> -> memref<1x128x128xf32, #tpu.memory_space<hbm>>
      %dma_wait3A_94 = tpu.memref_squeeze %dma_wait3A_93 : memref<1x128x128xf32, #tpu.memory_space<hbm>> -> memref<128x128xf32, #tpu.memory_space<hbm>>
      tpu.wait_dma2 semaphore(%run_scoped3A : memref<!tpu.dma_semaphore, #tpu.memory_space<semaphore_mem>>) src(%arg10 : memref<128x128xf32, #tpu.memory_space<vmem>>) dst(%dma_wait3A_94 : memref<128x128xf32, #tpu.memory_space<hbm>>)
      tpu.yield
    }) : () -> ()
    %add3A_72 = arith.constant 256 : i32
    %add3A_73 = arith.addi %mul3A_0, %add3A_72 : i32
    "tpu.region"() ({
      %run_scoped3A = tpu.sem_alloc : memref<!tpu.dma_semaphore, #tpu.memory_space<semaphore_mem>>
      %dma_start3A_84 = arith.constant 0 : i32
      %dma_start3A_85 = tpu.memref_slice %arg12[%add3A_73, %dma_start3A_84] : memref<10240x128xf32, #tpu.memory_space<vmem_shared>> -> memref<128x128xf32, #tpu.memory_space<vmem_shared>>
      %dma_start3A_86 = arith.constant 0 : i32
      %dma_start3A_87 = tpu.memref_slice %arg12[%add3A_73, %dma_start3A_86] : memref<10240x128xf32, #tpu.memory_space<vmem_shared>> -> memref<128x128xf32, #tpu.memory_space<vmem_shared>>
      tpu.enqueue_dma source(%dma_start3A_87 : memref<128x128xf32, #tpu.memory_space<vmem_shared>>) target(%arg10 : memref<128x128xf32, #tpu.memory_space<vmem>>) target_semaphore(%run_scoped3A : memref<!tpu.dma_semaphore, #tpu.memory_space<semaphore_mem>>)
      %dma_wait3A = arith.constant 0 : i32
      %dma_wait3A_88 = tpu.memref_slice %arg12[%add3A_73, %dma_wait3A] : memref<10240x128xf32, #tpu.memory_space<vmem_shared>> -> memref<128x128xf32, #tpu.memory_space<vmem_shared>>
      %dma_wait3A_89 = arith.constant 0 : i32
      %dma_wait3A_90 = tpu.memref_slice %arg12[%add3A_73, %dma_wait3A_89] : memref<10240x128xf32, #tpu.memory_space<vmem_shared>> -> memref<128x128xf32, #tpu.memory_space<vmem_shared>>
      tpu.wait_dma2 semaphore(%run_scoped3A : memref<!tpu.dma_semaphore, #tpu.memory_space<semaphore_mem>>) src(%dma_wait3A_90 : memref<128x128xf32, #tpu.memory_space<vmem_shared>>) dst(%arg10 : memref<128x128xf32, #tpu.memory_space<vmem>>)
      tpu.yield
    }) : () -> ()
    %add3A_74 = arith.constant 256 : i32
    %add3A_75 = arith.addi %mul3A_0, %add3A_74 : i32
    "tpu.region"() ({
      %run_scoped3A = tpu.sem_alloc : memref<!tpu.dma_semaphore, #tpu.memory_space<semaphore_mem>>
      %dma_start3A_84 = arith.constant 0 : i32
      %dma_start3A_85 = tpu.memref_slice %arg5[%arg0, %add3A_75, %dma_start3A_84] : memref<2x10240x128xf32, #tpu.memory_space<hbm>> -> memref<1x128x128xf32, #tpu.memory_space<hbm>>
      %dma_start3A_86 = tpu.memref_squeeze %dma_start3A_85 : memref<1x128x128xf32, #tpu.memory_space<hbm>> -> memref<128x128xf32, #tpu.memory_space<hbm>>
      %dma_start3A_87 = arith.constant 0 : i32
      %dma_start3A_88 = tpu.memref_slice %arg5[%arg0, %add3A_75, %dma_start3A_87] : memref<2x10240x128xf32, #tpu.memory_space<hbm>> -> memref<1x128x128xf32, #tpu.memory_space<hbm>>
      %dma_start3A_89 = tpu.memref_squeeze %dma_start3A_88 : memref<1x128x128xf32, #tpu.memory_space<hbm>> -> memref<128x128xf32, #tpu.memory_space<hbm>>
      tpu.enqueue_dma source(%arg10 : memref<128x128xf32, #tpu.memory_space<vmem>>) target(%dma_start3A_89 : memref<128x128xf32, #tpu.memory_space<hbm>>) target_semaphore(%run_scoped3A : memref<!tpu.dma_semaphore, #tpu.memory_space<semaphore_mem>>)
      %dma_wait3A = arith.constant 0 : i32
      %dma_wait3A_90 = tpu.memref_slice %arg5[%arg0, %add3A_75, %dma_wait3A] : memref<2x10240x128xf32, #tpu.memory_space<hbm>> -> memref<1x128x128xf32, #tpu.memory_space<hbm>>
      %dma_wait3A_91 = tpu.memref_squeeze %dma_wait3A_90 : memref<1x128x128xf32, #tpu.memory_space<hbm>> -> memref<128x128xf32, #tpu.memory_space<hbm>>
      %dma_wait3A_92 = arith.constant 0 : i32
      %dma_wait3A_93 = tpu.memref_slice %arg5[%arg0, %add3A_75, %dma_wait3A_92] : memref<2x10240x128xf32, #tpu.memory_space<hbm>> -> memref<1x128x128xf32, #tpu.memory_space<hbm>>
      %dma_wait3A_94 = tpu.memref_squeeze %dma_wait3A_93 : memref<1x128x128xf32, #tpu.memory_space<hbm>> -> memref<128x128xf32, #tpu.memory_space<hbm>>
      tpu.wait_dma2 semaphore(%run_scoped3A : memref<!tpu.dma_semaphore, #tpu.memory_space<semaphore_mem>>) src(%arg10 : memref<128x128xf32, #tpu.memory_space<vmem>>) dst(%dma_wait3A_94 : memref<128x128xf32, #tpu.memory_space<hbm>>)
      tpu.yield
    }) : () -> ()
    %add3A_76 = arith.constant 384 : i32
    %add3A_77 = arith.addi %mul3A_0, %add3A_76 : i32
    "tpu.region"() ({
      %run_scoped3A = tpu.sem_alloc : memref<!tpu.dma_semaphore, #tpu.memory_space<semaphore_mem>>
      %dma_start3A_84 = arith.constant 0 : i32
      %dma_start3A_85 = tpu.memref_slice %arg12[%add3A_77, %dma_start3A_84] : memref<10240x128xf32, #tpu.memory_space<vmem_shared>> -> memref<128x128xf32, #tpu.memory_space<vmem_shared>>
      %dma_start3A_86 = arith.constant 0 : i32
      %dma_start3A_87 = tpu.memref_slice %arg12[%add3A_77, %dma_start3A_86] : memref<10240x128xf32, #tpu.memory_space<vmem_shared>> -> memref<128x128xf32, #tpu.memory_space<vmem_shared>>
      tpu.enqueue_dma source(%dma_start3A_87 : memref<128x128xf32, #tpu.memory_space<vmem_shared>>) target(%arg10 : memref<128x128xf32, #tpu.memory_space<vmem>>) target_semaphore(%run_scoped3A : memref<!tpu.dma_semaphore, #tpu.memory_space<semaphore_mem>>)
      %dma_wait3A = arith.constant 0 : i32
      %dma_wait3A_88 = tpu.memref_slice %arg12[%add3A_77, %dma_wait3A] : memref<10240x128xf32, #tpu.memory_space<vmem_shared>> -> memref<128x128xf32, #tpu.memory_space<vmem_shared>>
      %dma_wait3A_89 = arith.constant 0 : i32
      %dma_wait3A_90 = tpu.memref_slice %arg12[%add3A_77, %dma_wait3A_89] : memref<10240x128xf32, #tpu.memory_space<vmem_shared>> -> memref<128x128xf32, #tpu.memory_space<vmem_shared>>
      tpu.wait_dma2 semaphore(%run_scoped3A : memref<!tpu.dma_semaphore, #tpu.memory_space<semaphore_mem>>) src(%dma_wait3A_90 : memref<128x128xf32, #tpu.memory_space<vmem_shared>>) dst(%arg10 : memref<128x128xf32, #tpu.memory_space<vmem>>)
      tpu.yield
    }) : () -> ()
    %add3A_78 = arith.constant 384 : i32
    %add3A_79 = arith.addi %mul3A_0, %add3A_78 : i32
    "tpu.region"() ({
      %run_scoped3A = tpu.sem_alloc : memref<!tpu.dma_semaphore, #tpu.memory_space<semaphore_mem>>
      %dma_start3A_84 = arith.constant 0 : i32
      %dma_start3A_85 = tpu.memref_slice %arg5[%arg0, %add3A_79, %dma_start3A_84] : memref<2x10240x128xf32, #tpu.memory_space<hbm>> -> memref<1x128x128xf32, #tpu.memory_space<hbm>>
      %dma_start3A_86 = tpu.memref_squeeze %dma_start3A_85 : memref<1x128x128xf32, #tpu.memory_space<hbm>> -> memref<128x128xf32, #tpu.memory_space<hbm>>
      %dma_start3A_87 = arith.constant 0 : i32
      %dma_start3A_88 = tpu.memref_slice %arg5[%arg0, %add3A_79, %dma_start3A_87] : memref<2x10240x128xf32, #tpu.memory_space<hbm>> -> memref<1x128x128xf32, #tpu.memory_space<hbm>>
      %dma_start3A_89 = tpu.memref_squeeze %dma_start3A_88 : memref<1x128x128xf32, #tpu.memory_space<hbm>> -> memref<128x128xf32, #tpu.memory_space<hbm>>
      tpu.enqueue_dma source(%arg10 : memref<128x128xf32, #tpu.memory_space<vmem>>) target(%dma_start3A_89 : memref<128x128xf32, #tpu.memory_space<hbm>>) target_semaphore(%run_scoped3A : memref<!tpu.dma_semaphore, #tpu.memory_space<semaphore_mem>>)
      %dma_wait3A = arith.constant 0 : i32
      %dma_wait3A_90 = tpu.memref_slice %arg5[%arg0, %add3A_79, %dma_wait3A] : memref<2x10240x128xf32, #tpu.memory_space<hbm>> -> memref<1x128x128xf32, #tpu.memory_space<hbm>>
      %dma_wait3A_91 = tpu.memref_squeeze %dma_wait3A_90 : memref<1x128x128xf32, #tpu.memory_space<hbm>> -> memref<128x128xf32, #tpu.memory_space<hbm>>
      %dma_wait3A_92 = arith.constant 0 : i32
      %dma_wait3A_93 = tpu.memref_slice %arg5[%arg0, %add3A_79, %dma_wait3A_92] : memref<2x10240x128xf32, #tpu.memory_space<hbm>> -> memref<1x128x128xf32, #tpu.memory_space<hbm>>
      %dma_wait3A_94 = tpu.memref_squeeze %dma_wait3A_93 : memref<1x128x128xf32, #tpu.memory_space<hbm>> -> memref<128x128xf32, #tpu.memory_space<hbm>>
      tpu.wait_dma2 semaphore(%run_scoped3A : memref<!tpu.dma_semaphore, #tpu.memory_space<semaphore_mem>>) src(%arg10 : memref<128x128xf32, #tpu.memory_space<vmem>>) dst(%dma_wait3A_94 : memref<128x128xf32, #tpu.memory_space<hbm>>)
      tpu.yield
    }) : () -> ()
    %add3A_80 = arith.constant 512 : i32
    %add3A_81 = arith.addi %mul3A_0, %add3A_80 : i32
    "tpu.region"() ({
      %run_scoped3A = tpu.sem_alloc : memref<!tpu.dma_semaphore, #tpu.memory_space<semaphore_mem>>
      %dma_start3A_84 = arith.constant 0 : i32
      %dma_start3A_85 = tpu.memref_slice %arg12[%add3A_81, %dma_start3A_84] : memref<10240x128xf32, #tpu.memory_space<vmem_shared>> -> memref<128x128xf32, #tpu.memory_space<vmem_shared>>
      %dma_start3A_86 = arith.constant 0 : i32
      %dma_start3A_87 = tpu.memref_slice %arg12[%add3A_81, %dma_start3A_86] : memref<10240x128xf32, #tpu.memory_space<vmem_shared>> -> memref<128x128xf32, #tpu.memory_space<vmem_shared>>
      tpu.enqueue_dma source(%dma_start3A_87 : memref<128x128xf32, #tpu.memory_space<vmem_shared>>) target(%arg10 : memref<128x128xf32, #tpu.memory_space<vmem>>) target_semaphore(%run_scoped3A : memref<!tpu.dma_semaphore, #tpu.memory_space<semaphore_mem>>)
      %dma_wait3A = arith.constant 0 : i32
      %dma_wait3A_88 = tpu.memref_slice %arg12[%add3A_81, %dma_wait3A] : memref<10240x128xf32, #tpu.memory_space<vmem_shared>> -> memref<128x128xf32, #tpu.memory_space<vmem_shared>>
      %dma_wait3A_89 = arith.constant 0 : i32
      %dma_wait3A_90 = tpu.memref_slice %arg12[%add3A_81, %dma_wait3A_89] : memref<10240x128xf32, #tpu.memory_space<vmem_shared>> -> memref<128x128xf32, #tpu.memory_space<vmem_shared>>
      tpu.wait_dma2 semaphore(%run_scoped3A : memref<!tpu.dma_semaphore, #tpu.memory_space<semaphore_mem>>) src(%dma_wait3A_90 : memref<128x128xf32, #tpu.memory_space<vmem_shared>>) dst(%arg10 : memref<128x128xf32, #tpu.memory_space<vmem>>)
      tpu.yield
    }) : () -> ()
    %add3A_82 = arith.constant 512 : i32
    %add3A_83 = arith.addi %mul3A_0, %add3A_82 : i32
    "tpu.region"() ({
      %run_scoped3A = tpu.sem_alloc : memref<!tpu.dma_semaphore, #tpu.memory_space<semaphore_mem>>
      %dma_start3A_84 = arith.constant 0 : i32
      %dma_start3A_85 = tpu.memref_slice %arg5[%arg0, %add3A_83, %dma_start3A_84] : memref<2x10240x128xf32, #tpu.memory_space<hbm>> -> memref<1x128x128xf32, #tpu.memory_space<hbm>>
      %dma_start3A_86 = tpu.memref_squeeze %dma_start3A_85 : memref<1x128x128xf32, #tpu.memory_space<hbm>> -> memref<128x128xf32, #tpu.memory_space<hbm>>
      %dma_start3A_87 = arith.constant 0 : i32
      %dma_start3A_88 = tpu.memref_slice %arg5[%arg0, %add3A_83, %dma_start3A_87] : memref<2x10240x128xf32, #tpu.memory_space<hbm>> -> memref<1x128x128xf32, #tpu.memory_space<hbm>>
      %dma_start3A_89 = tpu.memref_squeeze %dma_start3A_88 : memref<1x128x128xf32, #tpu.memory_space<hbm>> -> memref<128x128xf32, #tpu.memory_space<hbm>>
      tpu.enqueue_dma source(%arg10 : memref<128x128xf32, #tpu.memory_space<vmem>>) target(%dma_start3A_89 : memref<128x128xf32, #tpu.memory_space<hbm>>) target_semaphore(%run_scoped3A : memref<!tpu.dma_semaphore, #tpu.memory_space<semaphore_mem>>)
      %dma_wait3A = arith.constant 0 : i32
      %dma_wait3A_90 = tpu.memref_slice %arg5[%arg0, %add3A_83, %dma_wait3A] : memref<2x10240x128xf32, #tpu.memory_space<hbm>> -> memref<1x128x128xf32, #tpu.memory_space<hbm>>
      %dma_wait3A_91 = tpu.memref_squeeze %dma_wait3A_90 : memref<1x128x128xf32, #tpu.memory_space<hbm>> -> memref<128x128xf32, #tpu.memory_space<hbm>>
      %dma_wait3A_92 = arith.constant 0 : i32
      %dma_wait3A_93 = tpu.memref_slice %arg5[%arg0, %add3A_83, %dma_wait3A_92] : memref<2x10240x128xf32, #tpu.memory_space<hbm>> -> memref<1x128x128xf32, #tpu.memory_space<hbm>>
      %dma_wait3A_94 = tpu.memref_squeeze %dma_wait3A_93 : memref<1x128x128xf32, #tpu.memory_space<hbm>> -> memref<128x128xf32, #tpu.memory_space<hbm>>
      tpu.wait_dma2 semaphore(%run_scoped3A : memref<!tpu.dma_semaphore, #tpu.memory_space<semaphore_mem>>) src(%arg10 : memref<128x128xf32, #tpu.memory_space<vmem>>) dst(%dma_wait3A_94 : memref<128x128xf32, #tpu.memory_space<hbm>>)
      tpu.yield
    }) : () -> ()
    return
  }
}

module attributes {stable_mosaic.version = 14 : i64} {
  func.func @body(%arg0: i32, %arg1: memref<512x128xf32, #tpu.memory_space<vmem>>, %arg2: memref<2x512x128xf32, #tpu.memory_space<vmem>>, %arg3: memref<512x16xf32, #tpu.memory_space<vmem>>, %arg4: memref<128x128xf32, #tpu.memory_space<vmem>>, %arg5: memref<128x128xf32, #tpu.memory_space<vmem>>, %arg6: memref<1x128xf32, #tpu.memory_space<vmem>>, %arg7: memref<512x128xf32, #tpu.memory_space<vmem>>) attributes {dimension_semantics = [#tpu.dimension_semantics<arbitrary>], iteration_bounds = array<i64: 20>, scalar_prefetch = 0 : i64, scratch_operands = 0 : i64, tpu.core_type = #tpu.core_type<tc>, window_params = [{transform_indices = @transform_0, window_bounds = array<i64: 512, 128>}, {transform_indices = @transform_1, window_bounds = array<i64: 2, 512, 128>}, {transform_indices = @transform_2, window_bounds = array<i64: 512, 16>}, {pipeline_mode = #tpu.pipeline_mode<synchronous>, transform_indices = @transform_3, window_bounds = array<i64: 128, 128>}, {pipeline_mode = #tpu.pipeline_mode<synchronous>, transform_indices = @transform_4, window_bounds = array<i64: 128, 128>}, {pipeline_mode = #tpu.pipeline_mode<synchronous>, transform_indices = @transform_5, window_bounds = array<i64: 1, 128>}, {transform_indices = @transform_6, window_bounds = array<i64: 512, 128>}]} {
    %get3A = arith.constant 0 : index
    %get3A_0 = arith.constant 0 : index
    %get3A_1 = arith.constant 0 : index
    %get3A_2 = vector.load %arg2[%get3A, %get3A_0, %get3A_1] : memref<2x512x128xf32, #tpu.memory_space<vmem>>, vector<2x512x128xf32>
    %slice3A = vector.extract_strided_slice %get3A_2 {offsets = [0, 0, 0], sizes = [1, 512, 128], strides = [1, 1, 1]} : vector<2x512x128xf32> to vector<1x512x128xf32>
    %squeeze3A = vector.shape_cast %slice3A : vector<1x512x128xf32> to vector<512x128xf32>
    %slice3A_3 = vector.extract_strided_slice %get3A_2 {offsets = [1, 0, 0], sizes = [1, 512, 128], strides = [1, 1, 1]} : vector<2x512x128xf32> to vector<1x512x128xf32>
    %squeeze3A_4 = vector.shape_cast %slice3A_3 : vector<1x512x128xf32> to vector<512x128xf32>
    %add3A = arith.addf %squeeze3A, %squeeze3A_4 : vector<512x128xf32>
    %get3A_5 = arith.constant 0 : index
    %get3A_6 = arith.constant 0 : index
    %get3A_7 = vector.load %arg3[%get3A_5, %get3A_6] : memref<512x16xf32, #tpu.memory_space<vmem>>, vector<512x16xf32>
    %slice3A_8 = vector.extract_strided_slice %get3A_7 {offsets = [0, 0], sizes = [512, 1], strides = [1, 1]} : vector<512x16xf32> to vector<512x1xf32>
    %mul3A = vector.broadcast %slice3A_8 : vector<512x1xf32> to vector<512x128xf32>
    %mul3A_9 = arith.mulf %add3A, %mul3A : vector<512x128xf32>
    %get3A_10 = arith.constant 0 : index
    %get3A_11 = arith.constant 0 : index
    %get3A_12 = vector.load %arg1[%get3A_10, %get3A_11] : memref<512x128xf32, #tpu.memory_space<vmem>>, vector<512x128xf32>
    %get3A_13 = arith.constant 0 : index
    %get3A_14 = arith.constant 0 : index
    %get3A_15 = vector.load %arg4[%get3A_13, %get3A_14] : memref<128x128xf32, #tpu.memory_space<vmem>>, vector<128x128xf32>
    %dot_general3A = arith.constant dense<0.000000e+00> : vector<512x128xf32>
    %dot_general3A_16 = tpu.matmul %get3A_12, %get3A_15, %dot_general3A {dimension_numbers = #tpu.dot_dimension_numbers<[1], [0], [0], [1], [0, 0, 1, 1], [], []>, transpose_lhs_hint = false} : vector<512x128xf32>, vector<128x128xf32>, vector<512x128xf32> -> vector<512x128xf32>
    %get3A_17 = arith.constant 0 : index
    %get3A_18 = arith.constant 0 : index
    %get3A_19 = vector.load %arg5[%get3A_17, %get3A_18] : memref<128x128xf32, #tpu.memory_space<vmem>>, vector<128x128xf32>
    %dot_general3A_20 = arith.constant dense<0.000000e+00> : vector<512x128xf32>
    %dot_general3A_21 = tpu.matmul %mul3A_9, %get3A_19, %dot_general3A_20 {dimension_numbers = #tpu.dot_dimension_numbers<[1], [0], [0], [1], [0, 0, 1, 1], [], []>, transpose_lhs_hint = false} : vector<512x128xf32>, vector<128x128xf32>, vector<512x128xf32> -> vector<512x128xf32>
    %add3A_22 = arith.addf %dot_general3A_16, %dot_general3A_21 : vector<512x128xf32>
    %get3A_23 = arith.constant 0 : index
    %get3A_24 = arith.constant 0 : index
    %get3A_25 = vector.load %arg6[%get3A_23, %get3A_24] : memref<1x128xf32, #tpu.memory_space<vmem>>, vector<1x128xf32>
    %add3A_26 = vector.broadcast %get3A_25 : vector<1x128xf32> to vector<512x128xf32>
    %add3A_27 = arith.addf %add3A_22, %add3A_26 : vector<512x128xf32>
    %max3A = arith.constant 0.000000e+00 : f32
    %max3A_28 = vector.broadcast %max3A : f32 to vector<512x128xf32>
    %max3A_29 = arith.maximumf %add3A_27, %max3A_28 : vector<512x128xf32>
    %swap3A = arith.constant 0 : index
    %swap3A_30 = arith.constant 0 : index
    %swap3A_31 = vector.load %arg7[%swap3A, %swap3A_30] : memref<512x128xf32, #tpu.memory_space<vmem>>, vector<512x128xf32>
    tpu.vector_store %arg7[%swap3A, %swap3A_30], %max3A_29 {strides = array<i32>} : memref<512x128xf32, #tpu.memory_space<vmem>>, vector<512x128xf32>,
    return
  }
  func.func @transform_0(%arg0: i32) -> (i32, i32) {
    %c0_i32 = arith.constant 0 : i32
    %c0_i32_0 = arith.constant 0 : i32
    return %arg0, %c0_i32 : i32, i32
  }
  func.func @transform_1(%arg0: i32) -> (i32, i32, i32) {
    %c0_i32 = arith.constant 0 : i32
    %c0_i32_0 = arith.constant 0 : i32
    %c0_i32_1 = arith.constant 0 : i32
    return %c0_i32, %arg0, %c0_i32_0 : i32, i32, i32
  }
  func.func @transform_2(%arg0: i32) -> (i32, i32) {
    %c0_i32 = arith.constant 0 : i32
    %c0_i32_0 = arith.constant 0 : i32
    return %arg0, %c0_i32 : i32, i32
  }
  func.func @transform_3(%arg0: i32) -> (i32, i32) {
    %c0_i32 = arith.constant 0 : i32
    %c0_i32_0 = arith.constant 0 : i32
    %c0_i32_1 = arith.constant 0 : i32
    return %c0_i32, %c0_i32_0 : i32, i32
  }
  func.func @transform_4(%arg0: i32) -> (i32, i32) {
    %c0_i32 = arith.constant 0 : i32
    %c0_i32_0 = arith.constant 0 : i32
    %c0_i32_1 = arith.constant 0 : i32
    return %c0_i32, %c0_i32_0 : i32, i32
  }
  func.func @transform_5(%arg0: i32) -> (i32, i32) {
    %c0_i32 = arith.constant 0 : i32
    %c0_i32_0 = arith.constant 0 : i32
    %c0_i32_1 = arith.constant 0 : i32
    return %c0_i32, %c0_i32_0 : i32, i32
  }
  func.func @transform_6(%arg0: i32) -> (i32, i32) {
    %c0_i32 = arith.constant 0 : i32
    %c0_i32_0 = arith.constant 0 : i32
    return %arg0, %c0_i32 : i32, i32
  }
}

module attributes {stable_mosaic.version = 14 : i64} {
  func.func @body(%arg0: i32, %arg1: memref<512x128xf32, #tpu.memory_space<vmem>>, %arg2: memref<2x512x128xf32, #tpu.memory_space<vmem>>, %arg3: memref<2x512x128xf32, #tpu.memory_space<vmem>>, %arg4: memref<128x128xf32, #tpu.memory_space<vmem>>, %arg5: memref<128x128xf32, #tpu.memory_space<vmem>>, %arg6: memref<1x128xf32, #tpu.memory_space<vmem>>, %arg7: memref<512x128xf32, #tpu.memory_space<vmem>>, %arg8: memref<512x16xf32, #tpu.memory_space<vmem>>) attributes {dimension_semantics = [#tpu.dimension_semantics<arbitrary>], iteration_bounds = array<i64: 20>, scalar_prefetch = 0 : i64, scratch_operands = 0 : i64, tpu.core_type = #tpu.core_type<tc>, window_params = [{transform_indices = @transform_0, window_bounds = array<i64: 512, 128>}, {transform_indices = @transform_1, window_bounds = array<i64: 2, 512, 128>}, {transform_indices = @transform_2, window_bounds = array<i64: 2, 512, 128>}, {pipeline_mode = #tpu.pipeline_mode<synchronous>, transform_indices = @transform_3, window_bounds = array<i64: 128, 128>}, {pipeline_mode = #tpu.pipeline_mode<synchronous>, transform_indices = @transform_4, window_bounds = array<i64: 128, 128>}, {pipeline_mode = #tpu.pipeline_mode<synchronous>, transform_indices = @transform_5, window_bounds = array<i64: 1, 128>}, {transform_indices = @transform_6, window_bounds = array<i64: 512, 128>}, {transform_indices = @transform_7, window_bounds = array<i64: 512, 16>}]} {
    %get3A = arith.constant 0 : index
    %get3A_0 = arith.constant 0 : index
    %get3A_1 = arith.constant 0 : index
    %get3A_2 = vector.load %arg2[%get3A, %get3A_0, %get3A_1] : memref<2x512x128xf32, #tpu.memory_space<vmem>>, vector<2x512x128xf32>
    %slice3A = vector.extract_strided_slice %get3A_2 {offsets = [0, 0, 0], sizes = [1, 512, 128], strides = [1, 1, 1]} : vector<2x512x128xf32> to vector<1x512x128xf32>
    %squeeze3A = vector.shape_cast %slice3A : vector<1x512x128xf32> to vector<512x128xf32>
    %slice3A_3 = vector.extract_strided_slice %get3A_2 {offsets = [1, 0, 0], sizes = [1, 512, 128], strides = [1, 1, 1]} : vector<2x512x128xf32> to vector<1x512x128xf32>
    %squeeze3A_4 = vector.shape_cast %slice3A_3 : vector<1x512x128xf32> to vector<512x128xf32>
    %add3A = arith.addf %squeeze3A, %squeeze3A_4 : vector<512x128xf32>
    %get3A_5 = arith.constant 0 : index
    %get3A_6 = arith.constant 0 : index
    %get3A_7 = arith.constant 0 : index
    %get3A_8 = vector.load %arg3[%get3A_5, %get3A_6, %get3A_7] : memref<2x512x128xf32, #tpu.memory_space<vmem>>, vector<2x512x128xf32>
    %slice3A_9 = vector.extract_strided_slice %get3A_8 {offsets = [0, 0, 0], sizes = [1, 512, 128], strides = [1, 1, 1]} : vector<2x512x128xf32> to vector<1x512x128xf32>
    %squeeze3A_10 = vector.shape_cast %slice3A_9 : vector<1x512x128xf32> to vector<512x128xf32>
    %slice3A_11 = vector.extract_strided_slice %get3A_8 {offsets = [1, 0, 0], sizes = [1, 512, 128], strides = [1, 1, 1]} : vector<2x512x128xf32> to vector<1x512x128xf32>
    %squeeze3A_12 = vector.shape_cast %slice3A_11 : vector<1x512x128xf32> to vector<512x128xf32>
    %add3A_13 = arith.addf %squeeze3A_10, %squeeze3A_12 : vector<512x128xf32>
    %slice3A_14 = vector.extract_strided_slice %add3A_13 {offsets = [0, 0], sizes = [512, 1], strides = [1, 1]} : vector<512x128xf32> to vector<512x1xf32>
    %max3A = arith.constant 1.000000e+00 : f32
    %max3A_15 = vector.broadcast %max3A : f32 to vector<512x1xf32>
    %max3A_16 = arith.maximumf %slice3A_14, %max3A_15 : vector<512x1xf32>
    %div3A = arith.constant 1.000000e+00 : f32
    %div3A_17 = vector.broadcast %div3A : f32 to vector<512x1xf32>
    %div3A_18 = arith.divf %div3A_17, %max3A_16 : vector<512x1xf32>
    %mul3A = vector.broadcast %div3A_18 : vector<512x1xf32> to vector<512x128xf32>
    %mul3A_19 = arith.mulf %add3A, %mul3A : vector<512x128xf32>
    %get3A_20 = arith.constant 0 : index
    %get3A_21 = arith.constant 0 : index
    %get3A_22 = vector.load %arg1[%get3A_20, %get3A_21] : memref<512x128xf32, #tpu.memory_space<vmem>>, vector<512x128xf32>
    %get3A_23 = arith.constant 0 : index
    %get3A_24 = arith.constant 0 : index
    %get3A_25 = vector.load %arg4[%get3A_23, %get3A_24] : memref<128x128xf32, #tpu.memory_space<vmem>>, vector<128x128xf32>
    %dot_general3A = arith.constant dense<0.000000e+00> : vector<512x128xf32>
    %dot_general3A_26 = tpu.matmul %get3A_22, %get3A_25, %dot_general3A {dimension_numbers = #tpu.dot_dimension_numbers<[1], [0], [0], [1], [0, 0, 1, 1], [], []>, transpose_lhs_hint = false} : vector<512x128xf32>, vector<128x128xf32>, vector<512x128xf32> -> vector<512x128xf32>
    %get3A_27 = arith.constant 0 : index
    %get3A_28 = arith.constant 0 : index
    %get3A_29 = vector.load %arg5[%get3A_27, %get3A_28] : memref<128x128xf32, #tpu.memory_space<vmem>>, vector<128x128xf32>
    %dot_general3A_30 = arith.constant dense<0.000000e+00> : vector<512x128xf32>
    %dot_general3A_31 = tpu.matmul %mul3A_19, %get3A_29, %dot_general3A_30 {dimension_numbers = #tpu.dot_dimension_numbers<[1], [0], [0], [1], [0, 0, 1, 1], [], []>, transpose_lhs_hint = false} : vector<512x128xf32>, vector<128x128xf32>, vector<512x128xf32> -> vector<512x128xf32>
    %add3A_32 = arith.addf %dot_general3A_26, %dot_general3A_31 : vector<512x128xf32>
    %get3A_33 = arith.constant 0 : index
    %get3A_34 = arith.constant 0 : index
    %get3A_35 = vector.load %arg6[%get3A_33, %get3A_34] : memref<1x128xf32, #tpu.memory_space<vmem>>, vector<1x128xf32>
    %add3A_36 = vector.broadcast %get3A_35 : vector<1x128xf32> to vector<512x128xf32>
    %add3A_37 = arith.addf %add3A_32, %add3A_36 : vector<512x128xf32>
    %max3A_38 = arith.constant 0.000000e+00 : f32
    %max3A_39 = vector.broadcast %max3A_38 : f32 to vector<512x128xf32>
    %max3A_40 = arith.maximumf %add3A_37, %max3A_39 : vector<512x128xf32>
    %swap3A = arith.constant 0 : index
    %swap3A_41 = arith.constant 0 : index
    %swap3A_42 = vector.load %arg7[%swap3A, %swap3A_41] : memref<512x128xf32, #tpu.memory_space<vmem>>, vector<512x128xf32>
    tpu.vector_store %arg7[%swap3A, %swap3A_41], %max3A_40 {strides = array<i32>} : memref<512x128xf32, #tpu.memory_space<vmem>>, vector<512x128xf32>,
    %broadcast_in_dim3A = vector.shape_cast %div3A_18 : vector<512x1xf32> to vector<512x1xf32>
    %broadcast_in_dim3A_43 = vector.broadcast %broadcast_in_dim3A : vector<512x1xf32> to vector<512x16xf32>
    %swap3A_44 = arith.constant 0 : index
    %swap3A_45 = arith.constant 0 : index
    %swap3A_46 = vector.load %arg8[%swap3A_44, %swap3A_45] : memref<512x16xf32, #tpu.memory_space<vmem>>, vector<512x16xf32>
    tpu.vector_store %arg8[%swap3A_44, %swap3A_45], %broadcast_in_dim3A_43 {strides = array<i32>} : memref<512x16xf32, #tpu.memory_space<vmem>>, vector<512x16xf32>,
    return
  }
  func.func @transform_0(%arg0: i32) -> (i32, i32) {
    %c0_i32 = arith.constant 0 : i32
    %c0_i32_0 = arith.constant 0 : i32
    return %arg0, %c0_i32 : i32, i32
  }
  func.func @transform_1(%arg0: i32) -> (i32, i32, i32) {
    %c0_i32 = arith.constant 0 : i32
    %c0_i32_0 = arith.constant 0 : i32
    %c0_i32_1 = arith.constant 0 : i32
    return %c0_i32, %arg0, %c0_i32_0 : i32, i32, i32
  }
  func.func @transform_2(%arg0: i32) -> (i32, i32, i32) {
    %c0_i32 = arith.constant 0 : i32
    %c0_i32_0 = arith.constant 0 : i32
    %c0_i32_1 = arith.constant 0 : i32
    return %c0_i32, %arg0, %c0_i32_0 : i32, i32, i32
  }
  func.func @transform_3(%arg0: i32) -> (i32, i32) {
    %c0_i32 = arith.constant 0 : i32
    %c0_i32_0 = arith.constant 0 : i32
    %c0_i32_1 = arith.constant 0 : i32
    return %c0_i32, %c0_i32_0 : i32, i32
  }
  func.func @transform_4(%arg0: i32) -> (i32, i32) {
    %c0_i32 = arith.constant 0 : i32
    %c0_i32_0 = arith.constant 0 : i32
    %c0_i32_1 = arith.constant 0 : i32
    return %c0_i32, %c0_i32_0 : i32, i32
  }
  func.func @transform_5(%arg0: i32) -> (i32, i32) {
    %c0_i32 = arith.constant 0 : i32
    %c0_i32_0 = arith.constant 0 : i32
    %c0_i32_1 = arith.constant 0 : i32
    return %c0_i32, %c0_i32_0 : i32, i32
  }
  func.func @transform_6(%arg0: i32) -> (i32, i32) {
    %c0_i32 = arith.constant 0 : i32
    %c0_i32_0 = arith.constant 0 : i32
    return %arg0, %c0_i32 : i32, i32
  }
  func.func @transform_7(%arg0: i32) -> (i32, i32) {
    %c0_i32 = arith.constant 0 : i32
    %c0_i32_0 = arith.constant 0 : i32
    return %arg0, %c0_i32 : i32, i32
  }
}

module attributes {stable_mosaic.version = 14 : i64} {
  func.func @body(%arg0: i32, %arg1: memref<512x128xf32, #tpu.memory_space<vmem>>, %arg2: memref<512x128xf32, #tpu.memory_space<vmem>>, %arg3: memref<128x128xf32, #tpu.memory_space<vmem>>, %arg4: memref<128x128xf32, #tpu.memory_space<vmem>>, %arg5: memref<128x128xf32, #tpu.memory_space<vmem>>, %arg6: memref<1x128xf32, #tpu.memory_space<vmem>>, %arg7: memref<128x8xf32, #tpu.memory_space<vmem>>, %arg8: memref<1x8xf32, #tpu.memory_space<vmem>>, %arg9: memref<512x8xf32, #tpu.memory_space<vmem>>) attributes {dimension_semantics = [#tpu.dimension_semantics<arbitrary>], iteration_bounds = array<i64: 16>, scalar_prefetch = 0 : i64, scratch_operands = 0 : i64, tpu.core_type = #tpu.core_type<tc>, window_params = [{transform_indices = @transform_0, window_bounds = array<i64: 512, 128>}, {transform_indices = @transform_1, window_bounds = array<i64: 512, 128>}, {pipeline_mode = #tpu.pipeline_mode<synchronous>, transform_indices = @transform_2, window_bounds = array<i64: 128, 128>}, {pipeline_mode = #tpu.pipeline_mode<synchronous>, transform_indices = @transform_3, window_bounds = array<i64: 128, 128>}, {pipeline_mode = #tpu.pipeline_mode<synchronous>, transform_indices = @transform_4, window_bounds = array<i64: 128, 128>}, {pipeline_mode = #tpu.pipeline_mode<synchronous>, transform_indices = @transform_5, window_bounds = array<i64: 1, 128>}, {pipeline_mode = #tpu.pipeline_mode<synchronous>, transform_indices = @transform_6, window_bounds = array<i64: 128, 8>}, {pipeline_mode = #tpu.pipeline_mode<synchronous>, transform_indices = @transform_7, window_bounds = array<i64: 1, 8>}, {transform_indices = @transform_8, window_bounds = array<i64: 512, 8>}]} {
    %get3A = arith.constant 0 : index
    %get3A_0 = arith.constant 0 : index
    %get3A_1 = vector.load %arg1[%get3A, %get3A_0] : memref<512x128xf32, #tpu.memory_space<vmem>>, vector<512x128xf32>
    %get3A_2 = arith.constant 0 : index
    %get3A_3 = arith.constant 0 : index
    %get3A_4 = vector.load %arg2[%get3A_2, %get3A_3] : memref<512x128xf32, #tpu.memory_space<vmem>>, vector<512x128xf32>
    %get3A_5 = arith.constant 0 : index
    %get3A_6 = arith.constant 0 : index
    %get3A_7 = vector.load %arg3[%get3A_5, %get3A_6] : memref<128x128xf32, #tpu.memory_space<vmem>>, vector<128x128xf32>
    %dot_general3A = arith.constant dense<0.000000e+00> : vector<512x128xf32>
    %dot_general3A_8 = tpu.matmul %get3A_1, %get3A_7, %dot_general3A {dimension_numbers = #tpu.dot_dimension_numbers<[1], [0], [0], [1], [0, 0, 1, 1], [], []>, transpose_lhs_hint = false} : vector<512x128xf32>, vector<128x128xf32>, vector<512x128xf32> -> vector<512x128xf32>
    %get3A_9 = arith.constant 0 : index
    %get3A_10 = arith.constant 0 : index
    %get3A_11 = vector.load %arg4[%get3A_9, %get3A_10] : memref<128x128xf32, #tpu.memory_space<vmem>>, vector<128x128xf32>
    %dot_general3A_12 = arith.constant dense<0.000000e+00> : vector<512x128xf32>
    %dot_general3A_13 = tpu.matmul %get3A_4, %get3A_11, %dot_general3A_12 {dimension_numbers = #tpu.dot_dimension_numbers<[1], [0], [0], [1], [0, 0, 1, 1], [], []>, transpose_lhs_hint = false} : vector<512x128xf32>, vector<128x128xf32>, vector<512x128xf32> -> vector<512x128xf32>
    %add3A = arith.addf %dot_general3A_8, %dot_general3A_13 : vector<512x128xf32>
    %sub3A = arith.subf %get3A_1, %get3A_4 : vector<512x128xf32>
    %abs3A = math.absf %sub3A : vector<512x128xf32>
    %get3A_14 = arith.constant 0 : index
    %get3A_15 = arith.constant 0 : index
    %get3A_16 = vector.load %arg5[%get3A_14, %get3A_15] : memref<128x128xf32, #tpu.memory_space<vmem>>, vector<128x128xf32>
    %dot_general3A_17 = arith.constant dense<0.000000e+00> : vector<512x128xf32>
    %dot_general3A_18 = tpu.matmul %abs3A, %get3A_16, %dot_general3A_17 {dimension_numbers = #tpu.dot_dimension_numbers<[1], [0], [0], [1], [0, 0, 1, 1], [], []>, transpose_lhs_hint = false} : vector<512x128xf32>, vector<128x128xf32>, vector<512x128xf32> -> vector<512x128xf32>
    %add3A_19 = arith.addf %add3A, %dot_general3A_18 : vector<512x128xf32>
    %get3A_20 = arith.constant 0 : index
    %get3A_21 = arith.constant 0 : index
    %get3A_22 = vector.load %arg6[%get3A_20, %get3A_21] : memref<1x128xf32, #tpu.memory_space<vmem>>, vector<1x128xf32>
    %add3A_23 = vector.broadcast %get3A_22 : vector<1x128xf32> to vector<512x128xf32>
    %add3A_24 = arith.addf %add3A_19, %add3A_23 : vector<512x128xf32>
    %max3A = arith.constant 0.000000e+00 : f32
    %max3A_25 = vector.broadcast %max3A : f32 to vector<512x128xf32>
    %max3A_26 = arith.maximumf %add3A_24, %max3A_25 : vector<512x128xf32>
    %get3A_27 = arith.constant 0 : index
    %get3A_28 = arith.constant 0 : index
    %get3A_29 = vector.load %arg7[%get3A_27, %get3A_28] : memref<128x8xf32, #tpu.memory_space<vmem>>, vector<128x8xf32>
    %dot_general3A_30 = arith.constant dense<0.000000e+00> : vector<512x8xf32>
    %dot_general3A_31 = tpu.matmul %max3A_26, %get3A_29, %dot_general3A_30 {dimension_numbers = #tpu.dot_dimension_numbers<[1], [0], [0], [1], [0, 0, 1, 1], [], []>, transpose_lhs_hint = false} : vector<512x128xf32>, vector<128x8xf32>, vector<512x8xf32> -> vector<512x8xf32>
    %get3A_32 = arith.constant 0 : index
    %get3A_33 = arith.constant 0 : index
    %get3A_34 = vector.load %arg8[%get3A_32, %get3A_33] : memref<1x8xf32, #tpu.memory_space<vmem>>, vector<1x8xf32>
    %add3A_35 = vector.broadcast %get3A_34 : vector<1x8xf32> to vector<512x8xf32>
    %add3A_36 = arith.addf %dot_general3A_31, %add3A_35 : vector<512x8xf32>
    %swap3A = arith.constant 0 : index
    %swap3A_37 = arith.constant 0 : index
    %swap3A_38 = vector.load %arg9[%swap3A, %swap3A_37] : memref<512x8xf32, #tpu.memory_space<vmem>>, vector<512x8xf32>
    tpu.vector_store %arg9[%swap3A, %swap3A_37], %add3A_36 {strides = array<i32>} : memref<512x8xf32, #tpu.memory_space<vmem>>, vector<512x8xf32>,
    return
  }
  func.func @transform_0(%arg0: i32) -> (i32, i32) {
    %c0_i32 = arith.constant 0 : i32
    %c0_i32_0 = arith.constant 0 : i32
    return %arg0, %c0_i32 : i32, i32
  }
  func.func @transform_1(%arg0: i32) -> (i32, i32) {
    %add3A = arith.constant 16 : i32
    %add3A_0 = arith.addi %arg0, %add3A : i32
    %c0_i32 = arith.constant 0 : i32
    %c0_i32_1 = arith.constant 0 : i32
    return %add3A_0, %c0_i32 : i32, i32
  }
  func.func @transform_2(%arg0: i32) -> (i32, i32) {
    %c0_i32 = arith.constant 0 : i32
    %c0_i32_0 = arith.constant 0 : i32
    %c0_i32_1 = arith.constant 0 : i32
    return %c0_i32, %c0_i32_0 : i32, i32
  }
  func.func @transform_3(%arg0: i32) -> (i32, i32) {
    %c0_i32 = arith.constant 0 : i32
    %c0_i32_0 = arith.constant 0 : i32
    %c0_i32_1 = arith.constant 0 : i32
    return %c0_i32, %c0_i32_0 : i32, i32
  }
  func.func @transform_4(%arg0: i32) -> (i32, i32) {
    %c0_i32 = arith.constant 0 : i32
    %c0_i32_0 = arith.constant 0 : i32
    %c0_i32_1 = arith.constant 0 : i32
    return %c0_i32, %c0_i32_0 : i32, i32
  }
  func.func @transform_5(%arg0: i32) -> (i32, i32) {
    %c0_i32 = arith.constant 0 : i32
    %c0_i32_0 = arith.constant 0 : i32
    %c0_i32_1 = arith.constant 0 : i32
    return %c0_i32, %c0_i32_0 : i32, i32
  }
  func.func @transform_6(%arg0: i32) -> (i32, i32) {
    %c0_i32 = arith.constant 0 : i32
    %c0_i32_0 = arith.constant 0 : i32
    %c0_i32_1 = arith.constant 0 : i32
    return %c0_i32, %c0_i32_0 : i32, i32
  }
  func.func @transform_7(%arg0: i32) -> (i32, i32) {
    %c0_i32 = arith.constant 0 : i32
    %c0_i32_0 = arith.constant 0 : i32
    %c0_i32_1 = arith.constant 0 : i32
    return %c0_i32, %c0_i32_0 : i32, i32
  }
  func.func @transform_8(%arg0: i32) -> (i32, i32) {
    %c0_i32 = arith.constant 0 : i32
    %c0_i32_0 = arith.constant 0 : i32
    return %arg0, %c0_i32 : i32, i32
  }
}

</mosaic_0001>

<sc_bundles>
// kernel: kernel.11.cloned.1.call-start
scs
__scs_entry_jumppad:
0x0: {  	(pc) =	sbr.rel $0x88, $3  }
0x1: {  	(tag) =	ssettag $0x0;
	lr =	simm.s32 $0x1  }
0x2: {  	[smem:$0x3F93] =	sst lr;
	_ =	strace $0xD0000000  }
0x3: {  	_ = 	snop  }
0x4: {  	_ = 	snop  }
0x5: {  	_ = 	snop  }
0x6: {  	_ = 	snop  }
0x7: {  	_ = 	snop  }
__scs_overlays_trampoline_lowered:
0x8: {  	[smem:$0x3FA2] =	sst s0  }
0x9: {  	[smem:$0x3FA3] =	sst s1  }
0xa: {  	[smem:$0x3FA4] =	sst s2  }
0xb: {  	[smem:$0x3FA5] =	sst s3  }
0xc: {  	[smem:$0x3FA6] =	sst s4  }
0xd: {  	[smem:$0x3FA7] =	sst s5  }
0xe: {  	[smem:$0x3FA8] =	sst s6  }
0xf: {  	[smem:$0x3FA9] =	sst s7  }
0x10: {  	[smem:$0x3FAA] =	sst s8  }
0x11: {  	[smem:$0x3FAB] =	sst s9;
	s0 =	simm.s32 @!p0 $0x0  }
0x12: {  	s1 =	sld [smem:$0x3F91];
	s0 =	simm.s32 @p0 $0x1  }
0x13: {  	[smem:$0x3FAC] =	sst s0;
	s0 =	simm.s32 @!p1 $0x0  }
0x14: {  	s2 =	sld [smem:$0x3F90];
	s0 =	simm.s32 @p1 $0x1  }
0x15: {  	[smem:$0x3FAD] =	sst s0;
	s0 =	simm.s32 @!p2 $0x0  }
0x16: {  	s3 =	sld [smem:$0x3FDB];
	s0 =	simm.s32 @p2 $0x1  }
0x17: {  	s4 =	simm.s32 $0x1BF5;
	[smem:$0x3FAF] =	sst s0  }
0x18: {  	s0 =	sld [smem:$0x3F92];
	_ =	swait.ge [sflag:s4], $0x0  }
0x19: {  	s7 =	sld [smem:$0x3F93]  }
0x1a: {  	s8 =	sadd.s32 $0xFFFFE003, lr  }
0x1b: {  	s9 =	sadd.s32 $0xFFFFFEF7, lr;
	s5 =	simm.s32 $0xFFFFFFFF;
	p2 =	slt.u32 s8, $0xFFFFF086  }
0x1c: {  	p1 =	slt.u32 s9, $0xF7A;
	s5 =	simm.s32 @!p2 $0x0  }
0x1d: {  	s5 =	simm.s32 @p1 $0x1;
	p0 =	seq.s32 s7, s2  }
0x1e: {  	s7 =	smul.u32 @!p0 $0xF7A, s2;
	p2 =	seq.s32 @!p0 s5, $0x0  }
0x1f: {  	s9 =	smul.u32 $0xF7A, s1;
	s8 =	simm.s32 @!p0 $0x1BF5;
	p2 =	por !p2, p0  }
0x20: {  	[sflag:s8] =	ssyncset.s32 @!p0 $0xFFFFF086;
	s6 =	sadd.s32 @!p0 s3, s7;
	s7 =	simm.s32 @!p0 $0x108  }
0x21: {  	s3 =	sadd.s32 s3, s9;
	s6 =	sadd.s32 @!p0 $0x88, s6;
	s7 =	simm.s32 @p2 $0x1082  }
0x22: {  	[simem:s7], [sflag:s8] =	dma.local @!p0 [hbm:s6], $0xF7A  }
0x23: {  	s9 =	sor.u32 $0xD0000000, s2;
	s6 =	simm.s32 $0x108;
	_ =	swait.ge @!p0 [sflag:s8], $0x0  }
0x24: {  	s3 =	sadd.s32 $0x88, s3;
	s6 =	simm.s32 @!p1 $0x1082;
	[sflag:s4] =	ssyncset.s32 $0xFFFFF086  }
0x25: {  	[simem:s6], [sflag:s4] =	dma.local [hbm:s3], $0xF7A  }
0x26: {  	[smem:$0x3F93] =	sst s1;
	(tag) =	ssettag s2;
	_ =	strace s9  }
0x27: {  	s1 =	sld [smem:$0x3FA3]  }
0x28: {  	s2 =	sld [smem:$0x3FA4]  }
0x29: {  	s4 =	sld [smem:$0x3FA6]  }
0x2a: {  	p0 =	seq.s32 s5, $0x0;
	s5 =	sld [smem:$0x3FA7]  }
0x2b: {  	s6 =	sld [smem:$0x3FA8]  }
0x2c: {  	s7 =	sld [smem:$0x3FA9]  }
0x2d: {  	s3 =	simm.s32 $0x108;
	s8 =	sld [smem:$0x3FAA]  }
0x2e: {  	s3 =	simm.s32 @!p0 $0x1082;
	s9 =	sld [smem:$0x3FAB]  }
0x2f: {  	lr =	sadd.s32 s0, s3;
	s0 =	sld [smem:$0x3FA2]  }
0x30: {  	s3 =	sld [smem:$0x3FA5]  }
0x31: {  	[smem:$0x3FAE] =	sst s10  }
0x32: {  	s10 =	sld [smem:$0x3FAC];
	_ =	sdelay $0x3  }
0x33: {  	p0 =	seq.s32 s10, $0x1;
	s10 =	sld [smem:$0x3FAE];
	_ =	sdelay $0x3  }
0x34: {  	[smem:$0x3FAE] =	sst s10  }
0x35: {  	s10 =	sld [smem:$0x3FAD];
	_ =	sdelay $0x3  }
0x36: {  	p1 =	seq.s32 s10, $0x1;
	s10 =	sld [smem:$0x3FAE];
	_ =	sdelay $0x3  }
0x37: {  	[smem:$0x3FAE] =	sst s10  }
0x38: {  	s10 =	sld [smem:$0x3FAF]  }
0x39: {  	_ = 	snop;
	(pc) =	sbr.ind lr, $3  }
0x3a: {  	_ = 	snop  }
0x3b: {  	_ = 	snop  }
0x3c: {  	p2 =	seq.s32 s10, $0x1;
	s10 =	sld [smem:$0x3FAE]  }
0x3d: {  	_ =	shalt  }
0x3e: {  	_ =	shalt  }
0x3f: {  	_ =	shalt  }
0x40: {  	_ =	shalt  }
0x41: {  	_ =	shalt  }
0x42: {  	_ =	shalt  }
0x43: {  	_ =	shalt  }
0x44: {  	_ =	shalt  }
0x45: {  	_ =	shalt  }
0x46: {  	_ =	shalt  }
0x47: {  	_ =	shalt  }
0x48: {  	_ =	shalt  }
0x49: {  	_ =	shalt  }
0x4a: {  	_ =	shalt  }
0x4b: {  	_ =	shalt  }
0x4c: {  	_ =	shalt  }
0x4d: {  	_ =	shalt  }
0x4e: {  	_ =	shalt  }
0x4f: {  	_ =	shalt  }
0x50: {  	_ =	shalt  }
0x51: {  	_ =	shalt  }
0x52: {  	_ =	shalt  }
0x53: {  	_ =	shalt  }
0x54: {  	_ =	shalt  }
0x55: {  	_ =	shalt  }
0x56: {  	_ =	shalt  }
0x57: {  	_ =	shalt  }
0x58: {  	_ =	shalt  }
0x59: {  	_ =	shalt  }
0x5a: {  	_ =	shalt  }
0x5b: {  	_ =	shalt  }
0x5c: {  	_ =	shalt  }
0x5d: {  	_ =	shalt  }
0x5e: {  	_ =	shalt  }
0x5f: {  	_ =	shalt  }
0x60: {  	_ =	shalt  }
0x61: {  	_ =	shalt  }
0x62: {  	_ =	shalt  }
0x63: {  	_ =	shalt  }
0x64: {  	_ =	shalt  }
0x65: {  	_ =	shalt  }
0x66: {  	_ =	shalt  }
0x67: {  	_ =	shalt  }
0x68: {  	_ =	shalt  }
0x69: {  	_ =	shalt  }
0x6a: {  	_ =	shalt  }
0x6b: {  	_ =	shalt  }
0x6c: {  	_ =	shalt  }
0x6d: {  	_ =	shalt  }
0x6e: {  	_ =	shalt  }
0x6f: {  	_ =	shalt  }
0x70: {  	_ =	shalt  }
0x71: {  	_ =	shalt  }
0x72: {  	_ =	shalt  }
0x73: {  	_ =	shalt  }
0x74: {  	_ =	shalt  }
0x75: {  	_ =	shalt  }
0x76: {  	_ =	shalt  }
0x77: {  	_ =	shalt  }
0x78: {  	_ =	shalt  }
0x79: {  	_ =	shalt  }
0x7a: {  	_ =	shalt  }
0x7b: {  	_ =	shalt  }
0x7c: {  	_ =	shalt  }
0x7d: {  	_ =	shalt  }
0x7e: {  	_ =	shalt  }
0x7f: {  	_ =	shalt  }
0x80: {  	_ =	shalt  }
0x81: {  	_ =	shalt  }
0x82: {  	_ =	shalt  }
0x83: {  	_ =	shalt  }
0x84: {  	_ =	shalt  }
0x85: {  	_ =	shalt  }
0x86: {  	_ =	shalt  }
0x87: {  	_ =	shalt  }
.Lfunc_end0:
.L_simem_size_0:
called_computation.1_lowered:
.L_overlay_start_0:
0x88: {  	s2 =	sld [smem:$0x3FD9]  }
0x89: {  	s3 =	sld [smem:$0x3FFE];
	_ =	sdelay $0x1  }
0x8a: {  	s1 =	srdreg.scid  }
0x8b: {  	s0 =	sand.u32 $0x1, s1  }
0x8c: {  	s16 =	sshll.u32 s0, $0xA;
	s2 =	sadd.s32 s3, s2  }
0x8d: {  	s2 =	sadd.s32 s2, s16  }
0x8e: {  	[smem:$0x3FBA] =	sst s2  }
0x8f: {  	_ = 	snop  }
0x90: {  	(tm) =	ssettm $0x1  }
0x91: {  	s17 =	sld [smem:$0x3FFB];
	_ =	sdelay $0x3  }
0x92: {  	_ =	strace s17  }
0x93: {  	s2 =	sld [smem:$0x3FFC];
	_ =	sdelay $0x3  }
0x94: {  	_ =	strace s2  }
0x95: {  	s2 =	sld [smem:$0x3FFD];
	_ =	sdelay $0x3  }
0x96: {  	_ =	strace s2  }
0x97: {  	_ =	strace $0x8FFFFFFF  }
0x98: {  	s18 =	sld [smem:$0x3FDB];
	_ =	sdelay $0x1  }
0x99: {  	s19 =	simm.s32 $_scs_section_size  }
0x9a: {  	s4 =	simm.s32 $_size__tile_overlayer_lowered;
	s5 =	simm.s32 $_tile_overlayer_lowered  }
0x9b: {  	s22 =	simm.s32 $0x1BFF;
	s21 =	sshll.u32 s5, $0x1;
	s2 =	sadd.s32 s19, s18  }
0x9c: {  	s6 =	simm.s32 $0x0;
	s20 =	sshll.u32 s4, $0x1;
	s4 =	sadd.s32 s21, s2  }
0x9d: {  	[timem:s6], [sflag:s22] =	dma.local [hbm:s4], s20  }
0x9e: {  	_ =	swait.ge [sflag:s22], s20  }
0x9f: {  	s3 =	ssub.s32 $0x0, s20;
	[sflag:s22] =	ssyncset.done $0x0  }
0xa0: {  	[sflag:s22] =	ssyncadd.s32 s3;
	_ =	sdelay $0x1  }
0xa1: {  	s23 =	simm.s32 $0x1B8B  }
0xa2: {  	_ =	swait.ge [sflag:s23], $0x1  }
0xa3: {  	[sflag:s23] =	ssyncset.done $0x0  }
0xa4: {  	s25 =	simm.s32 $0x1B8E;
	s24 =	sld [smem:$0x3FFE];
	[sflag:s23] =	ssyncadd.s32 $0xFFFFFFFF  }
0xa5: {  	s26 =	simm.s32 $execute0_lowered;
	[smem:$0x3FD2] =	sst s25  }
0xa6: {  	s4 =	sshll.u32 s26, $0x1;
	_ =	strace $0x80000049;
	[dreg:$0x1] =	wrdreg $0xFFFFFFFF  }
0xa7: {  	s28 =	simm.s32 $_size_execute0_lowered;
	s2 =	sadd.s32 s2, s4;
	[dreg:$0x0] =	wrdreg $0x0  }
0xa8: {  	s4 =	sshll.u32 s28, $0x1;
	[dreg:$0x2] =	wrdreg s2  }
0xa9: {  	[dreg:$0x3] =	wrdreg s4  }
0xaa: {  	[dreg:$0x4] =	wrdreg $0xC0  }
0xab: {  	_ =	task [dreg:s6], $0x5FFFF  }
0xac: {  	[dreg:$0x1] =	wrdreg $0xFFFFFFFF  }
0xad: {  	[dreg:$0x0] =	wrdreg $0x60  }
0xae: {  	[dreg:$0x2] =	wrdreg s24  }
0xaf: {  	[dreg:$0x3] =	wrdreg $0x82000  }
0xb0: {  	[dreg:$0x4] =	wrdreg $0x9  }
0xb1: {  	_ =	task.clear_ibuf [dreg:s6], $0x5FFFF;
	_ =	strace $0x90000049  }
0xb2: {  	s29 =	simm.s32 $0x9;
	_ =	strace $0x8000004B  }
0xb3: {  	_ =	swait.ge [sflag:s29], $0x1  }
0xb4: {  	[sflag:s29] =	ssyncadd.s32 $0xFFFFFFFF  }
0xb5: {  	_ =	strace $0x9000004B  }
0xb6: {  	_ =	sfence  }
0xb7: {  	s30 =	sld [smem:$0x0];
	_ =	sdelay $0x2  }
0xb8: {  	s31 =	sshll.u32 s1, $0xD;
	s1 =	sshrl.u32 s1, $0x2  }
0xb9: {  	s3 =	sand.u32 $0x4000, s31;
	s1 =	sadd.s32 s1, s30  }
0xba: {  	s0 =	sor.u32 s3, s0;
	s1 =	sshll.u32 s1, $0x11  }
0xbb: {  	s0 =	sor.u32 s1, s0  }
0xbc: {  	s0 =	sadd.s32 $0x8F2B, s0  }
0xbd: {  	[sflag:s0] =	ssyncadd.remote.s32 $0x1  }
0xbe: {  	_ =	sfence.sel $0xFFFF  }
0xbf: {  	[dreg:$0x0] =	wrdreg $0xFFFFFFFF;
	(pc) =	sbr.abs _section_cstart, $3  }
0xc0: {  	[dreg:$0x1] =	wrdreg $0xFFFFFFFF  }
0xc1: {  	_ =	task.clear_ibuf [dreg:s6], $0x2FFFF;
	_ =	strace $0x9FFFFFFF  }
0xc2: {  	(tm) =	ssettm $0x7FFFFFFF  }
0xc3: {  	_ =	shalt  }
tec
execute0_lowered:
.L_overlay_start_1:
0x0: {  	(tag) =	ssettag $0x1  }
0x1: {  	s0 =	rddreg [dreg:$0x0]  }
0x2: {  	s1 =	rddreg [dreg:$0x1];
	s3 =	simm.s32 $0x0;
	s2 =	srdreg.scid  }
0x3: {  	s15 =	stileid.u32;
	s30 =	simm.s32 $0x200;
	s31 =	simm.s32 $0x100  }
0x4: {  	[smem:$0x7FF] =	sst s3;
	s4 =	sadd.s32 $0xD800, s0;
	s5 =	smul.u32 $0x1B00, s15  }
0x5: {  	s2 =	sand.u32 $0x1, s2;
	s6 =	sadd.s32 $0x3A00, s0;
	s8 =	smul.u32 $0x3400, s15  }
0x6: {  	s9 =	sadd.s32 $0x3E800, s0;
	s11 =	smul.u32 $0x14000, s15;
	_ =	strace $0x8000004A  }
0x7: {  	s7 =	ssub.s32 $0x2, s2;
	p0 =	seq.s32 s2, $0x0;
	s2 =	smul.u32 $0x140000, s2  }
0x8: {  	s10 =	sshrl.u32 s7, $0x1;
	s8 =	sadd.s32 $0x1B000, s8;
	s13 =	sadd.s32 $0xC000, s11  }
0x9: {  	s22 =	sadd.s32 $0x10000, s11;
	s7 =	ssub.s32 s7, s10;
	s8 =	smov.u32 @p0 s5  }
0xa: {  	s5 =	sadd.s32 $0x4000, s11;
	s10 =	sadd.s32 $0x8000, s11;
	s11 =	sadd.s32 s11, s2  }
0xb: {  	s16 =	sadd.s32 s2, s13;
	s8 =	sshrl.u32 s8, $0x3;
	s11 =	sshrl.u32 s11, $0x3  }
0xc: {  	s18 =	sshrl.u32 s16, $0x3;
	s16 =	simm.s32 $0x36;
	s12 =	sor.u32 $0x10, s8  }
0xd: {  	s14 =	sadd.s32 s4, s8;
	s11 =	sadd.s32 s9, s11;
	s19 =	sadd.s32 s9, s18  }
0xe: {  	s20 =	sadd.s32 $0x50, s8;
	s21 =	sadd.s32 $0x20, s8;
	s25 =	sadd.s32 $0x40, s8  }
0xf: {  	s18 =	smul.u32 $0x50000, s15;
	s16 =	simm.s32 @!p0 $0x68;
	[dreg:$0x4] =	wrdreg s14  }
0x10: {  	s26 =	sadd.s32 s4, s12;
	s12 =	sadd.s32 s6, s12;
	[dreg:$0x7] =	wrdreg s11  }
0x11: {  	s14 =	sadd.s32 s2, s10;
	[dreg:$0xa] =	wrdreg s19;
	s24 =	sadd.s32 s21, s4  }
0x12: {  	s23 =	sadd.s32 s25, s4;
	s19 =	sadd.s32 s5, s1;
	[dreg:$0x5] =	wrdreg s26  }
0x13: {  	[dreg:$0x6] =	wrdreg s12;
	s12 =	sadd.s32 s2, s5;
	s17 =	sshrl.u32 s14, $0x3  }
0x14: {  	s2 =	sadd.s32 s2, s22;
	[dreg:$0x3] =	wrdreg s24;
	s26 =	sadd.s32 s6, s8  }
0x15: {  	s8 =	sadd.s32 $0x30, s8;
	s22 =	sadd.s32 s22, s1;
	s24 =	smax.u32 s7, $0x1  }
0x16: {  	s29 =	sadd.s32 $0xFFFFFFE0, s23;
	s5 =	simm.s32 $0x1;
	s7 =	simm.s32 $0x2  }
0x17: {  	s11 =	sshrl.u32 s12, $0x3;
	s2 =	sshrl.u32 s2, $0x3;
	s12 =	sadd.s32 s21, s6  }
0x18: {  	[dreg:$0xc] =	wrdreg s26;
	s14 =	sadd.s32 s8, s6;
	s15 =	sadd.s32 s8, s4  }
0x19: {  	s8 =	sshrl.u32 s18, $0x2;
	s21 =	sadd.s32 s13, s1;
	s13 =	sshll.u32 s16, $0x4  }
0x1a: {  	[dreg:$0xd] =	wrdreg s24;
	s11 =	sadd.s32 s9, s11;
	s2 =	sadd.s32 s9, s2  }
0x1b: {  	s18 =	sadd.s32 s8, s1;
	s24 =	sadd.s32 $0xFFFFFFE0, s13;
	[dreg:$0x8] =	wrdreg s11  }
0x1c: {  	s8 =	simm.s32 $0x0;
	s11 =	sadd.s32 s9, s17;
	[dreg:$0xb] =	wrdreg s2  }
0x1d: {  	s2 =	sadd.s32 s20, s6;
	s9 =	sadd.s32 s25, s6;
	s17 =	sadd.s32 $0x17600, s0  }
0x1e: {  	s0 =	simm.s32 $0x80;
	s6 =	simm.s32 $0x3;
	[dreg:$0x9] =	wrdreg s11  }
0x1f: {  	s11 =	sadd.s32 s20, s4;
	s20 =	sadd.s32 s10, s1;
	s25 =	sadd.s32 $0xFFFFFFE0, s2  }
0x20: {  	s28 =	sadd.s32 $0xFFFFFFE0, s9;
	[dreg:$0xe] =	wrdreg s25;
	s26 =	sadd.s32 $0xFFFFFFE0, s11  }
0x21: {  	v0 =	vimm.f32 $0.0e+00;
	s2 =	simm.s32 $0x180;
	s4 =	simm.s32 $0x4200;
	[dreg:$0xf] =	wrdreg s26  }
.LBB2_1:
0x22: {  	s9 =	simm.s32 $0x0;
	s10 =	simm.s32 $0x200  }
.LBB2_2:
0x23: {  	p0 =	sne.s32 s10, $0xFE00;
	[tilespmem:s9+$0x270] =	vst v0  }
0x24: {  	[tilespmem:s9+$0x200] =	vst v0  }
0x25: {  	[tilespmem:s9+$0x210] =	vst v0  }
.Ltmp0:
0x26: {  	[tilespmem:s9+$0x220] =	vst v0;
	(pc) =	sbr.rel @p0 .LBB2_2-.Ltmp0, $4  }
0x27: {  	[tilespmem:s9+$0x230] =	vst v0  }
0x28: {  	[tilespmem:s9+$0x240] =	vst v0  }
0x29: {  	[tilespmem:s9+$0x250] =	vst v0  }
0x2a: {  	[tilespmem:s9+$0x260] =	vst v0;
	s9 =	sshra.s32 s10, $0x2;
	s10 =	sadd.s32 $0x200, s10  }
0x2b: {  	[tilespmem:s9+$0x270] =	vst v0  }
0x2c: {  	[tilespmem:s9+$0x200] =	vst v0  }
0x2d: {  	[tilespmem:s9+$0x210] =	vst v0  }
0x2e: {  	[tilespmem:s9+$0x220] =	vst v0  }
0x2f: {  	[tilespmem:s9+$0x230] =	vst v0  }
0x30: {  	[tilespmem:s9+$0x240] =	vst v0  }
0x31: {  	[tilespmem:s9+$0x250] =	vst v0  }
0x32: {  	[tilespmem:s9+$0x260] =	vst v0;
	s9 =	simm.s32 $0x3  }
0x33: {  	[spmem:s18] =	stream.linear.scatter [tilespmem:s30], [sflag:$0x3], $0x4000, $0x38;
	[tilespmem:$0x1C200] =	vst v63  }
0x34: {  	_ =	swait.ge [sflag:s9], $0x4000  }
0x35: {  	[sflag:s9] =	ssyncset.done $0x0  }
0x36: {  	[sflag:s9] =	ssyncadd.s32 $0xFFFFC000  }
0x37: {  	[spmem:s19] =	stream.linear.scatter [tilespmem:s30], [sflag:$0x3], $0x4000, $0x38;
	[tilespmem:$0x1C200] =	vst v63  }
0x38: {  	_ =	swait.ge [sflag:s9], $0x4000  }
0x39: {  	[sflag:s9] =	ssyncset.done $0x0  }
0x3a: {  	[sflag:s9] =	ssyncadd.s32 $0xFFFFC000  }
0x3b: {  	[spmem:s20] =	stream.linear.scatter [tilespmem:s30], [sflag:$0x3], $0x4000, $0x38;
	[tilespmem:$0x1C200] =	vst v63  }
0x3c: {  	_ =	swait.ge [sflag:s9], $0x4000  }
0x3d: {  	[sflag:s9] =	ssyncset.done $0x0  }
0x3e: {  	[sflag:s9] =	ssyncadd.s32 $0xFFFFC000  }
0x3f: {  	[spmem:s21] =	stream.linear.scatter [tilespmem:s30], [sflag:$0x3], $0x4000, $0x38;
	[tilespmem:$0x1C200] =	vst v63  }
0x40: {  	_ =	swait.ge [sflag:s9], $0x4000  }
0x41: {  	[sflag:s9] =	ssyncset.done $0x0  }
0x42: {  	[sflag:s9] =	ssyncadd.s32 $0xFFFFC000  }
0x43: {  	[spmem:s22] =	stream.linear.scatter [tilespmem:s30], [sflag:$0x3], $0x4000, $0x38;
	[tilespmem:$0x1C200] =	vst v63  }
0x44: {  	_ =	swait.ge [sflag:s9], $0x4000  }
0x45: {  	[sflag:s9] =	ssyncset.done $0x0  }
0x46: {  	[sflag:s9] =	ssyncadd.s32 $0xFFFFC000  }
0x47: {  	[bflag:$0x0] =	sbarrier.arrive $0xFFFF  }
0x48: {  	s10 =	simm.s32 $0x0;
	s11 =	rddreg [dreg:$0x4]  }
0x49: {  	[tilespmem:s10], [sflag:$0x3] =	stream.linear.gather [hbm4b:s11+s10], $0x80, $0x38;
	[tilespmem:$0x1C200] =	vst v63  }
0x4a: {  	_ =	swait.ge [sflag:s9], $0x80  }
0x4b: {  	[sflag:s9] =	ssyncset.done $0x0  }
0x4c: {  	s23 =	rddreg [dreg:$0xc];
	[sflag:s9] =	ssyncadd.s32 $0xFFFFFF80  }
0x4d: {  	[tilespmem:s31], [sflag:$0x3] =	stream.linear.gather [hbm4b:s23+s10], $0x80, $0x38;
	[tilespmem:$0x1C200] =	vst v63  }
0x4e: {  	_ =	swait.ge [sflag:s9], $0x80  }
0x4f: {  	[sflag:s9] =	ssyncset.done $0x0  }
0x50: {  	[sflag:s9] =	ssyncadd.s32 $0xFFFFFF80  }
0x51: {  	[tilespmem:s30], [sflag:$0x1] =	stream.indirect.gather [hbm4b:s17+s0], $0x80, s10, s0, $0xb8;
	[tilespmem:$0x1C200] =	vst v63  }
0x52: {  	s25 =	rddreg [dreg:$0x5]  }
0x53: {  	[tilespmem:s0], [sflag:$0x3] =	stream.linear.gather [hbm4b:s25+s10], $0x80, $0x38;
	[tilespmem:$0x1C200] =	vst v63  }
0x54: {  	_ =	swait.ge [sflag:s9], $0x80  }
0x55: {  	[sflag:s9] =	ssyncset.done $0x0  }
0x56: {  	s26 =	rddreg [dreg:$0x6];
	[sflag:s9] =	ssyncadd.s32 $0xFFFFFF80  }
0x57: {  	[tilespmem:s2], [sflag:$0x3] =	stream.linear.gather [hbm4b:s26+s10], $0x80, $0x38;
	[tilespmem:$0x1C200] =	vst v63  }
0x58: {  	_ =	swait.ge [sflag:s9], $0x80  }
0x59: {  	[sflag:s9] =	ssyncset.done $0x0  }
0x5a: {  	[sflag:s9] =	ssyncadd.s32 $0xFFFFFF80  }
0x5b: {  	[tilespmem:s4], [sflag:$0x2] =	stream.indirect.gather [hbm4b:s17+s0], $0x80, s0, s0, $0xb8;
	[tilespmem:$0x1C200] =	vst v63  }
0x5c: {  	_ =	swait.ge [sflag:s5], $0x4000  }
0x5d: {  	[sflag:s5] =	ssyncset.done $0x0  }
0x5e: {  	[sflag:s5] =	ssyncadd.s32 $0xFFFFC000  }
0x5f: {  	[spmem:s1] =	stream.indirect.scatter.add.f32 [tilespmem:s30], [sflag:$0x3], $0x80, s31, s0, $0xb8;
	[tilespmem:$0x1C200] =	vst v63  }
0x60: {  	p0 =	sle.u32 s16, $0x2;
	_ =	swait.ge [sflag:s6], $0x4000  }
0x61: {  	s13 =	simm.s32 @!p0 $0x3;
	s10 =	rddreg [dreg:$0x3];
	[sflag:s6] =	ssyncset.done $0x0  }
0x62: {  	s11 =	simm.s32 @!p0 $0x0;
	[sflag:s6] =	ssyncadd.s32 $0xFFFFC000;
	s10 =	sadd.s32 @!p0 $0x0, s10  }
0x63: {  	[tilespmem:s11], [sflag:$0x3] =	stream.linear.gather @!p0 [hbm4b:s10+s11], $0x80, $0x38;
	[tilespmem:$0x1C200] =	vst v63  }
0x64: {  	_ =	swait.ge @!p0 [sflag:s13], $0x80  }
0x65: {  	[sflag:s13] =	ssyncset.done @!p0 $0x0  }
0x66: {  	s23 =	simm.s32 @!p0 $0x100;
	s10 =	sadd.s32 @!p0 $0x0, s12;
	[sflag:s13] =	ssyncadd.s32 @!p0 $0xFFFFFF80  }
0x67: {  	[tilespmem:s23], [sflag:$0x3] =	stream.linear.gather @!p0 [hbm4b:s10+s11], $0x80, $0x38;
	[tilespmem:$0x1C200] =	vst v63  }
0x68: {  	_ =	swait.ge @!p0 [sflag:s13], $0x80  }
0x69: {  	[sflag:s13] =	ssyncset.done @!p0 $0x0  }
0x6a: {  	s10 =	simm.s32 @!p0 $0x80;
	s23 =	simm.s32 @!p0 $0x200;
	[sflag:s13] =	ssyncadd.s32 @!p0 $0xFFFFFF80  }
0x6b: {  	[tilespmem:s23], [sflag:$0x1] =	stream.indirect.gather @!p0 [hbm4b:s17+s10], $0x80, s11, s10, $0xb8;
	[tilespmem:$0x1C200] =	vst v63  }
0x6c: {  	_ =	swait.ge [sflag:s7], $0x4000  }
0x6d: {  	[sflag:s7] =	ssyncset.done $0x0  }
0x6e: {  	[sflag:s7] =	ssyncadd.s32 $0xFFFFC000  }
0x6f: {  	[spmem:s1] =	stream.indirect.scatter.add.f32 [tilespmem:s4], [sflag:$0x3], $0x80, s2, s0, $0xb8;
	[tilespmem:$0x1C200] =	vst v63  }
0x70: {  	p1 =	sle.u32 s16, $0x3;
	_ =	swait.ge [sflag:s6], $0x4000  }
0x71: {  	s13 =	simm.s32 @!p1 $0x80;
	s10 =	sadd.s32 @!p1 $0x0, s15;
	[sflag:s6] =	ssyncset.done $0x0  }
0x72: {  	s11 =	simm.s32 @!p1 $0x0;
	s23 =	simm.s32 @!p1 $0x3;
	[sflag:s6] =	ssyncadd.s32 $0xFFFFC000  }
0x73: {  	[tilespmem:s13], [sflag:$0x3] =	stream.linear.gather @!p1 [hbm4b:s10+s11], $0x80, $0x38;
	[tilespmem:$0x1C200] =	vst v63  }
0x74: {  	p0 =	sne.s32 s24, $0x20;
	_ =	swait.ge @!p1 [sflag:s23], $0x80  }
.Ltmp1:
0x75: {  	[sflag:s23] =	ssyncset.done @!p1 $0x0;
	(pc) =	sbr.rel @!p0 .LBB2_5-.Ltmp1, $4  }
0x76: {  	s25 =	sadd.s32 @!p1 $0x0, s14;
	s10 =	simm.s32 @!p1 $0x180;
	[sflag:s23] =	ssyncadd.s32 @!p1 $0xFFFFFF80  }
0x77: {  	[tilespmem:s10], [sflag:$0x3] =	stream.linear.gather @!p1 [hbm4b:s25+s11], $0x80, $0x38;
	[tilespmem:$0x1C200] =	vst v63  }
0x78: {  	_ =	swait.ge @!p1 [sflag:s23], $0x80  }
0x79: {  	s10 =	simm.s32 $0x20;
	s25 =	simm.s32 @!p1 $0x4200;
	[sflag:s23] =	ssyncset.done @!p1 $0x0  }
.LBB2_4:
0x7a: {  	[sflag:s23] =	ssyncadd.s32 @!p1 $0xFFFFFF80  }
0x7b: {  	[tilespmem:s25], [sflag:$0x2] =	stream.indirect.gather @!p1 [hbm4b:s17+s13], $0x80, s13, s13, $0xb8;
	[tilespmem:$0x1C200] =	vst v63  }
0x7c: {  	_ =	swait.ge [sflag:s5], $0x4000  }
0x7d: {  	s9 =	sadd.s32 $0x2, s9;
	[sflag:s5] =	ssyncset.done $0x0  }
0x7e: {  	s26 =	sadd.s32 $0xFFFFFFFF, s9;
	[sflag:s5] =	ssyncadd.s32 $0xFFFFC000  }
0x7f: {  	[spmem:s1] =	stream.indirect.scatter.add.f32 [tilespmem:s30], [sflag:$0x3], $0x80, s31, s0, $0xb8;
	[tilespmem:$0x1C200] =	vst v63  }
0x80: {  	s11 =	smov.u32 s10;
	p1 =	sge.u32 s26, s16;
	_ =	swait.ge [sflag:s6], $0x4000  }
0x81: {  	s13 =	simm.s32 @!p1 $0x0;
	s23 =	rddreg [dreg:$0x3];
	[sflag:s6] =	ssyncset.done $0x0  }
0x82: {  	s25 =	simm.s32 @!p1 $0x3;
	[sflag:s6] =	ssyncadd.s32 $0xFFFFC000;
	s23 =	sadd.s32 @!p1 s11, s23  }
0x83: {  	[tilespmem:s13], [sflag:$0x3] =	stream.linear.gather @!p1 [hbm4b:s23+s13], $0x80, $0x38;
	[tilespmem:$0x1C200] =	vst v63  }
0x84: {  	_ =	swait.ge @!p1 [sflag:s25], $0x80  }
0x85: {  	[sflag:s25] =	ssyncset.done @!p1 $0x0  }
0x86: {  	s26 =	simm.s32 @!p1 $0x100;
	s23 =	sadd.s32 @!p1 s11, s12;
	[sflag:s25] =	ssyncadd.s32 @!p1 $0xFFFFFF80  }
0x87: {  	[tilespmem:s26], [sflag:$0x3] =	stream.linear.gather @!p1 [hbm4b:s23+s13], $0x80, $0x38;
	[tilespmem:$0x1C200] =	vst v63  }
0x88: {  	_ =	swait.ge @!p1 [sflag:s25], $0x80  }
0x89: {  	[sflag:s25] =	ssyncset.done @!p1 $0x0  }
0x8a: {  	s23 =	simm.s32 @!p1 $0x80;
	s26 =	simm.s32 @!p1 $0x200;
	[sflag:s25] =	ssyncadd.s32 @!p1 $0xFFFFFF80  }
0x8b: {  	[tilespmem:s26], [sflag:$0x1] =	stream.indirect.gather @!p1 [hbm4b:s17+s23], $0x80, s13, s23, $0xb8;
	[tilespmem:$0x1C200] =	vst v63  }
0x8c: {  	_ =	swait.ge [sflag:s7], $0x4000  }
0x8d: {  	[sflag:s7] =	ssyncset.done $0x0  }
0x8e: {  	[sflag:s7] =	ssyncadd.s32 $0xFFFFC000  }
0x8f: {  	[spmem:s1] =	stream.indirect.scatter.add.f32 [tilespmem:s4], [sflag:$0x3], $0x80, s2, s0, $0xb8;
	[tilespmem:$0x1C200] =	vst v63  }
0x90: {  	s10 =	sadd.s32 $0x20, s10;
	p1 =	sge.u32 s9, s16;
	_ =	swait.ge [sflag:s6], $0x4000  }
0x91: {  	s25 =	sadd.s32 @!p1 s11, s15;
	s13 =	simm.s32 @!p1 $0x80;
	[sflag:s6] =	ssyncset.done $0x0  }
0x92: {  	s26 =	simm.s32 @!p1 $0x0;
	s23 =	simm.s32 @!p1 $0x3;
	[sflag:s6] =	ssyncadd.s32 $0xFFFFC000  }
0x93: {  	[tilespmem:s13], [sflag:$0x3] =	stream.linear.gather @!p1 [hbm4b:s25+s26], $0x80, $0x38;
	[tilespmem:$0x1C200] =	vst v63  }
0x94: {  	p0 =	sne.s32 s24, s10;
	_ =	swait.ge @!p1 [sflag:s23], $0x80  }
.Ltmp2:
0x95: {  	[sflag:s23] =	ssyncset.done @!p1 $0x0;
	(pc) =	sbr.rel @p0 .LBB2_4-.Ltmp2, $4  }
0x96: {  	s11 =	sadd.s32 @!p1 s11, s14;
	s25 =	simm.s32 @!p1 $0x180;
	[sflag:s23] =	ssyncadd.s32 @!p1 $0xFFFFFF80  }
0x97: {  	[tilespmem:s25], [sflag:$0x3] =	stream.linear.gather @!p1 [hbm4b:s11+s26], $0x80, $0x38;
	[tilespmem:$0x1C200] =	vst v63  }
0x98: {  	_ =	swait.ge @!p1 [sflag:s23], $0x80  }
0x99: {  	s25 =	simm.s32 @!p1 $0x4200;
	[sflag:s23] =	ssyncset.done @!p1 $0x0  }
.LBB2_5:
0x9a: {  	[sflag:s23] =	ssyncadd.s32 @!p1 $0xFFFFFF80  }
0x9b: {  	[tilespmem:s25], [sflag:$0x2] =	stream.indirect.gather @!p1 [hbm4b:s17+s13], $0x80, s13, s13, $0xb8;
	[tilespmem:$0x1C200] =	vst v63  }
0x9c: {  	_ =	swait.ge [sflag:s5], $0x4000  }
0x9d: {  	[sflag:s5] =	ssyncset.done $0x0  }
0x9e: {  	s9 =	sadd.s32 $0x2, s9;
	[sflag:s5] =	ssyncadd.s32 $0xFFFFC000  }
0x9f: {  	[spmem:s1] =	stream.indirect.scatter.add.f32 [tilespmem:s30], [sflag:$0x3], $0x80, s31, s0, $0xb8;
	[tilespmem:$0x1C200] =	vst v63  }
0xa0: {  	s11 =	sadd.s32 $0xFFFFFFFF, s9;
	_ =	swait.ge [sflag:s6], $0x4000  }
0xa1: {  	p0 =	sge.u32 s11, s16;
	[sflag:s6] =	ssyncset.done $0x0  }
0xa2: {  	s11 =	sadd.s32 @!p0 s10, s29;
	s13 =	simm.s32 @!p0 $0x0;
	[sflag:s6] =	ssyncadd.s32 $0xFFFFC000  }
0xa3: {  	[tilespmem:s13], [sflag:$0x3] =	stream.linear.gather @!p0 [hbm4b:s11+s13], $0x80, $0x38;
	[tilespmem:$0x1C200] =	vst v63  }
0xa4: {  	s11 =	simm.s32 @!p0 $0x3  }
0xa5: {  	_ =	swait.ge @!p0 [sflag:s11], $0x80  }
0xa6: {  	[sflag:s11] =	ssyncset.done @!p0 $0x0  }
0xa7: {  	s23 =	sadd.s32 @!p0 s10, s28;
	s25 =	simm.s32 @!p0 $0x100;
	[sflag:s11] =	ssyncadd.s32 @!p0 $0xFFFFFF80  }
0xa8: {  	[tilespmem:s25], [sflag:$0x3] =	stream.linear.gather @!p0 [hbm4b:s23+s13], $0x80, $0x38;
	[tilespmem:$0x1C200] =	vst v63  }
0xa9: {  	_ =	swait.ge @!p0 [sflag:s11], $0x80  }
0xaa: {  	[sflag:s11] =	ssyncset.done @!p0 $0x0  }
0xab: {  	s23 =	simm.s32 @!p0 $0x200;
	[sflag:s11] =	ssyncadd.s32 @!p0 $0xFFFFFF80;
	s11 =	simm.s32 @!p0 $0x80  }
0xac: {  	[tilespmem:s23], [sflag:$0x1] =	stream.indirect.gather @!p0 [hbm4b:s17+s11], $0x80, s13, s11, $0xb8;
	[tilespmem:$0x1C200] =	vst v63  }
0xad: {  	_ =	swait.ge [sflag:s7], $0x4000  }
0xae: {  	[sflag:s7] =	ssyncset.done $0x0  }
0xaf: {  	[sflag:s7] =	ssyncadd.s32 $0xFFFFC000  }
0xb0: {  	[spmem:s1] =	stream.indirect.scatter.add.f32 [tilespmem:s4], [sflag:$0x3], $0x80, s2, s0, $0xb8;
	[tilespmem:$0x1C200] =	vst v63  }
0xb1: {  	p0 =	sge.u32 s9, s16;
	_ =	swait.ge [sflag:s6], $0x4000  }
0xb2: {  	s11 =	simm.s32 @!p0 $0x0;
	[sflag:s6] =	ssyncset.done $0x0;
	s9 =	rddreg [dreg:$0xf]  }
0xb3: {  	s13 =	simm.s32 @!p0 $0x80;
	[sflag:s6] =	ssyncadd.s32 $0xFFFFC000;
	s9 =	sadd.s32 @!p0 s10, s9  }
0xb4: {  	[tilespmem:s13], [sflag:$0x3] =	stream.linear.gather @!p0 [hbm4b:s9+s11], $0x80, $0x38;
	[tilespmem:$0x1C200] =	vst v63  }
0xb5: {  	s9 =	simm.s32 @!p0 $0x3  }
0xb6: {  	_ =	swait.ge @!p0 [sflag:s9], $0x80  }
0xb7: {  	[sflag:s9] =	ssyncset.done @!p0 $0x0;
	s23 =	rddreg [dreg:$0xe]  }
0xb8: {  	[sflag:s9] =	ssyncadd.s32 @!p0 $0xFFFFFF80;
	s10 =	sadd.s32 @!p0 s10, s23;
	s23 =	simm.s32 @!p0 $0x180  }
0xb9: {  	[tilespmem:s23], [sflag:$0x3] =	stream.linear.gather @!p0 [hbm4b:s10+s11], $0x80, $0x38;
	[tilespmem:$0x1C200] =	vst v63  }
0xba: {  	_ =	swait.ge @!p0 [sflag:s9], $0x80  }
0xbb: {  	[sflag:s9] =	ssyncset.done @!p0 $0x0  }
0xbc: {  	[sflag:s9] =	ssyncadd.s32 @!p0 $0xFFFFFF80;
	s9 =	simm.s32 @!p0 $0x4200  }
0xbd: {  	[tilespmem:s9], [sflag:$0x2] =	stream.indirect.gather @!p0 [hbm4b:s17+s13], $0x80, s13, s13, $0xb8;
	[tilespmem:$0x1C200] =	vst v63  }
0xbe: {  	[bflag:$0x0] =	sbarrier.arrive $0xFFFF  }
0xbf: {  	[tilespmem:s30], [sflag:$0x3] =	stream.linear.gather [spmem:s18], $0x4000, $0x38;
	[tilespmem:$0x1C200] =	vst v63  }
0xc0: {  	_ =	swait.ge [sflag:s6], $0x4000  }
0xc1: {  	[sflag:s6] =	ssyncset.done $0x0  }
0xc2: {  	s10 =	rddreg [dreg:$0x7];
	[sflag:s6] =	ssyncadd.s32 $0xFFFFC000  }
0xc3: {  	[hbm4b:s10+s3] =	stream.linear.scatter [tilespmem:s30], [sflag:$0x3], $0x4000, $0x38;
	[tilespmem:$0x1C200] =	vst v63  }
0xc4: {  	_ =	swait.ge [sflag:s6], $0x4000  }
0xc5: {  	[sflag:s6] =	ssyncset.done $0x0  }
0xc6: {  	[sflag:s6] =	ssyncadd.s32 $0xFFFFC000  }
0xc7: {  	[tilespmem:s30], [sflag:$0x3] =	stream.linear.gather [spmem:s19], $0x4000, $0x38;
	[tilespmem:$0x1C200] =	vst v63  }
0xc8: {  	_ =	swait.ge [sflag:s6], $0x4000  }
0xc9: {  	[sflag:s6] =	ssyncset.done $0x0  }
0xca: {  	s11 =	rddreg [dreg:$0x8];
	[sflag:s6] =	ssyncadd.s32 $0xFFFFC000  }
0xcb: {  	[hbm4b:s11+s3] =	stream.linear.scatter [tilespmem:s30], [sflag:$0x3], $0x4000, $0x38;
	[tilespmem:$0x1C200] =	vst v63  }
0xcc: {  	_ =	swait.ge [sflag:s6], $0x4000  }
0xcd: {  	[sflag:s6] =	ssyncset.done $0x0  }
0xce: {  	[sflag:s6] =	ssyncadd.s32 $0xFFFFC000  }
0xcf: {  	[tilespmem:s30], [sflag:$0x3] =	stream.linear.gather [spmem:s20], $0x4000, $0x38;
	[tilespmem:$0x1C200] =	vst v63  }
0xd0: {  	_ =	swait.ge [sflag:s6], $0x4000  }
0xd1: {  	[sflag:s6] =	ssyncset.done $0x0  }
0xd2: {  	s13 =	rddreg [dreg:$0x9];
	[sflag:s6] =	ssyncadd.s32 $0xFFFFC000  }
0xd3: {  	[hbm4b:s13+s3] =	stream.linear.scatter [tilespmem:s30], [sflag:$0x3], $0x4000, $0x38;
	[tilespmem:$0x1C200] =	vst v63  }
0xd4: {  	_ =	swait.ge [sflag:s6], $0x4000  }
0xd5: {  	[sflag:s6] =	ssyncset.done $0x0  }
0xd6: {  	[sflag:s6] =	ssyncadd.s32 $0xFFFFC000  }
0xd7: {  	[tilespmem:s30], [sflag:$0x3] =	stream.linear.gather [spmem:s21], $0x4000, $0x38;
	[tilespmem:$0x1C200] =	vst v63  }
0xd8: {  	_ =	swait.ge [sflag:s6], $0x4000  }
0xd9: {  	[sflag:s6] =	ssyncset.done $0x0  }
0xda: {  	s23 =	rddreg [dreg:$0xa];
	[sflag:s6] =	ssyncadd.s32 $0xFFFFC000  }
0xdb: {  	[hbm4b:s23+s3] =	stream.linear.scatter [tilespmem:s30], [sflag:$0x3], $0x4000, $0x38;
	[tilespmem:$0x1C200] =	vst v63  }
0xdc: {  	_ =	swait.ge [sflag:s6], $0x4000  }
0xdd: {  	[sflag:s6] =	ssyncset.done $0x0  }
0xde: {  	[sflag:s6] =	ssyncadd.s32 $0xFFFFC000  }
0xdf: {  	[tilespmem:s30], [sflag:$0x3] =	stream.linear.gather [spmem:s22], $0x4000, $0x38;
	[tilespmem:$0x1C200] =	vst v63  }
0xe0: {  	_ =	swait.ge [sflag:s6], $0x4000  }
0xe1: {  	[sflag:s6] =	ssyncset.done $0x0  }
0xe2: {  	s25 =	rddreg [dreg:$0xb];
	[sflag:s6] =	ssyncadd.s32 $0xFFFFC000  }
0xe3: {  	[hbm4b:s25+s3] =	stream.linear.scatter [tilespmem:s30], [sflag:$0x3], $0x4000, $0x38;
	[tilespmem:$0x1C200] =	vst v63  }
0xe4: {  	_ =	swait.ge [sflag:s6], $0x4000  }
0xe5: {  	s8 =	sadd.s32 $0x1, s8;
	s26 =	rddreg [dreg:$0xd]  }
0xe6: {  	p0 =	sne.s32 s8, s26  }
.Ltmp3:
0xe7: {  	_ = 	snop;
	(pc) =	sbr.rel @p0 .LBB2_1-.Ltmp3, $3  }
0xe8: {  	_ =	sdelay $0x1  }
0xe9: {  	[sflag:s6] =	ssyncset.done $0x0  }
0xea: {  	[sflag:s6] =	ssyncadd.s32 $0xFFFFC000  }
0xeb: {  	_ =	sfence.sel $0x180000  }
0xec: {  	[bflag:$0x0] =	sbarrier.arrive $0xFFFF  }
0xed: {  	_ =	strace $0x9000004A  }
0xee: {  	s0 =	stileid.u32;
	[bflag:$0x2] =	sbarrier.arrive $0xFFFF  }
0xef: {  	p0 =	sne.s32 s0, $0x0;
	s0 =	rddreg [dreg:$0x2]  }
0xf0: {  	s0 =	sadd.s32 @!p0 $0x100000, s0  }
0xf1: {  	[sflag:s0] =	ssyncadd.tile.s32 @!p0 $0x1;
	_ =	shalt  }
.Lfunc_end2:
_tile_overlayer_lowered:
.L_overlay_start_2:
0xf2: {  	(tag) =	ssettag $0x2  }
0xf3: {  	s0 =	rddreg [dreg:$0x0];
	s2 =	stileid.u32  }
0xf4: {  	s1 =	rddreg [dreg:$0x1];
	p0 =	sne.s32 s2, $0x0  }
0xf5: {  	s3 =	rddreg [dreg:$0x2];
	[bflag:$0x3] =	sbarrier.arrive $0xFFFF;
	s2 =	simm.s32 @!p0 $0x1C03  }
0xf6: {  	[timem:s3], [sflag:s2] =	dma.local @!p0 [hbm:s0], s1  }
0xf7: {  	s0 =	simm.s32 @!p0 $0x3  }
0xf8: {  	_ =	swait.ge @!p0 [sflag:s0], s1  }
0xf9: {  	s1 =	ssub.s32 @!p0 $0x0, s1;
	[sflag:s0] =	ssyncset.done @!p0 $0x0  }
0xfa: {  	[sflag:s0] =	ssyncadd.s32 @!p0 s1  }
0xfb: {  	[bflag:$0x3] =	sbarrier.arrive $0xFFFF  }
0xfc: {  	_ =	shalt  }

// kernel: kernel.14.cloned.1.call-start
scs
__scs_entry_jumppad:
0x0: {  	(pc) =	sbr.rel $0x88, $3  }
0x1: {  	(tag) =	ssettag $0x0;
	lr =	simm.s32 $0x1  }
0x2: {  	[smem:$0x3F93] =	sst lr;
	_ =	strace $0xD0000000  }
0x3: {  	_ = 	snop  }
0x4: {  	_ = 	snop  }
0x5: {  	_ = 	snop  }
0x6: {  	_ = 	snop  }
0x7: {  	_ = 	snop  }
__scs_overlays_trampoline_lowered:
0x8: {  	[smem:$0x3FA2] =	sst s0  }
0x9: {  	[smem:$0x3FA3] =	sst s1  }
0xa: {  	[smem:$0x3FA4] =	sst s2  }
0xb: {  	[smem:$0x3FA5] =	sst s3  }
0xc: {  	[smem:$0x3FA6] =	sst s4  }
0xd: {  	[smem:$0x3FA7] =	sst s5  }
0xe: {  	[smem:$0x3FA8] =	sst s6  }
0xf: {  	[smem:$0x3FA9] =	sst s7  }
0x10: {  	[smem:$0x3FAA] =	sst s8  }
0x11: {  	[smem:$0x3FAB] =	sst s9;
	s0 =	simm.s32 @!p0 $0x0  }
0x12: {  	s1 =	sld [smem:$0x3F91];
	s0 =	simm.s32 @p0 $0x1  }
0x13: {  	[smem:$0x3FAC] =	sst s0;
	s0 =	simm.s32 @!p1 $0x0  }
0x14: {  	s2 =	sld [smem:$0x3F90];
	s0 =	simm.s32 @p1 $0x1  }
0x15: {  	[smem:$0x3FAD] =	sst s0;
	s0 =	simm.s32 @!p2 $0x0  }
0x16: {  	s3 =	sld [smem:$0x3FDB];
	s0 =	simm.s32 @p2 $0x1  }
0x17: {  	s4 =	simm.s32 $0x1BF5;
	[smem:$0x3FAF] =	sst s0  }
0x18: {  	s0 =	sld [smem:$0x3F92];
	_ =	swait.ge [sflag:s4], $0x0  }
0x19: {  	s7 =	sld [smem:$0x3F93]  }
0x1a: {  	s8 =	sadd.s32 $0xFFFFE003, lr  }
0x1b: {  	s9 =	sadd.s32 $0xFFFFFEF7, lr;
	s5 =	simm.s32 $0xFFFFFFFF;
	p2 =	slt.u32 s8, $0xFFFFF086  }
0x1c: {  	p1 =	slt.u32 s9, $0xF7A;
	s5 =	simm.s32 @!p2 $0x0  }
0x1d: {  	s5 =	simm.s32 @p1 $0x1;
	p0 =	seq.s32 s7, s2  }
0x1e: {  	s7 =	smul.u32 @!p0 $0xF7A, s2;
	p2 =	seq.s32 @!p0 s5, $0x0  }
0x1f: {  	s9 =	smul.u32 $0xF7A, s1;
	s8 =	simm.s32 @!p0 $0x1BF5;
	p2 =	por !p2, p0  }
0x20: {  	[sflag:s8] =	ssyncset.s32 @!p0 $0xFFFFF086;
	s6 =	sadd.s32 @!p0 s3, s7;
	s7 =	simm.s32 @!p0 $0x108  }
0x21: {  	s3 =	sadd.s32 s3, s9;
	s6 =	sadd.s32 @!p0 $0x88, s6;
	s7 =	simm.s32 @p2 $0x1082  }
0x22: {  	[simem:s7], [sflag:s8] =	dma.local @!p0 [hbm:s6], $0xF7A  }
0x23: {  	s9 =	sor.u32 $0xD0000000, s2;
	s6 =	simm.s32 $0x108;
	_ =	swait.ge @!p0 [sflag:s8], $0x0  }
0x24: {  	s3 =	sadd.s32 $0x88, s3;
	s6 =	simm.s32 @!p1 $0x1082;
	[sflag:s4] =	ssyncset.s32 $0xFFFFF086  }
0x25: {  	[simem:s6], [sflag:s4] =	dma.local [hbm:s3], $0xF7A  }
0x26: {  	[smem:$0x3F93] =	sst s1;
	(tag) =	ssettag s2;
	_ =	strace s9  }
0x27: {  	s1 =	sld [smem:$0x3FA3]  }
0x28: {  	s2 =	sld [smem:$0x3FA4]  }
0x29: {  	s4 =	sld [smem:$0x3FA6]  }
0x2a: {  	p0 =	seq.s32 s5, $0x0;
	s5 =	sld [smem:$0x3FA7]  }
0x2b: {  	s6 =	sld [smem:$0x3FA8]  }
0x2c: {  	s7 =	sld [smem:$0x3FA9]  }
0x2d: {  	s3 =	simm.s32 $0x108;
	s8 =	sld [smem:$0x3FAA]  }
0x2e: {  	s3 =	simm.s32 @!p0 $0x1082;
	s9 =	sld [smem:$0x3FAB]  }
0x2f: {  	lr =	sadd.s32 s0, s3;
	s0 =	sld [smem:$0x3FA2]  }
0x30: {  	s3 =	sld [smem:$0x3FA5]  }
0x31: {  	[smem:$0x3FAE] =	sst s10  }
0x32: {  	s10 =	sld [smem:$0x3FAC];
	_ =	sdelay $0x3  }
0x33: {  	p0 =	seq.s32 s10, $0x1;
	s10 =	sld [smem:$0x3FAE];
	_ =	sdelay $0x3  }
0x34: {  	[smem:$0x3FAE] =	sst s10  }
0x35: {  	s10 =	sld [smem:$0x3FAD];
	_ =	sdelay $0x3  }
0x36: {  	p1 =	seq.s32 s10, $0x1;
	s10 =	sld [smem:$0x3FAE];
	_ =	sdelay $0x3  }
0x37: {  	[smem:$0x3FAE] =	sst s10  }
0x38: {  	s10 =	sld [smem:$0x3FAF]  }
0x39: {  	_ = 	snop;
	(pc) =	sbr.ind lr, $3  }
0x3a: {  	_ = 	snop  }
0x3b: {  	_ = 	snop  }
0x3c: {  	p2 =	seq.s32 s10, $0x1;
	s10 =	sld [smem:$0x3FAE]  }
0x3d: {  	_ =	shalt  }
0x3e: {  	_ =	shalt  }
0x3f: {  	_ =	shalt  }
0x40: {  	_ =	shalt  }
0x41: {  	_ =	shalt  }
0x42: {  	_ =	shalt  }
0x43: {  	_ =	shalt  }
0x44: {  	_ =	shalt  }
0x45: {  	_ =	shalt  }
0x46: {  	_ =	shalt  }
0x47: {  	_ =	shalt  }
0x48: {  	_ =	shalt  }
0x49: {  	_ =	shalt  }
0x4a: {  	_ =	shalt  }
0x4b: {  	_ =	shalt  }
0x4c: {  	_ =	shalt  }
0x4d: {  	_ =	shalt  }
0x4e: {  	_ =	shalt  }
0x4f: {  	_ =	shalt  }
0x50: {  	_ =	shalt  }
0x51: {  	_ =	shalt  }
0x52: {  	_ =	shalt  }
0x53: {  	_ =	shalt  }
0x54: {  	_ =	shalt  }
0x55: {  	_ =	shalt  }
0x56: {  	_ =	shalt  }
0x57: {  	_ =	shalt  }
0x58: {  	_ =	shalt  }
0x59: {  	_ =	shalt  }
0x5a: {  	_ =	shalt  }
0x5b: {  	_ =	shalt  }
0x5c: {  	_ =	shalt  }
0x5d: {  	_ =	shalt  }
0x5e: {  	_ =	shalt  }
0x5f: {  	_ =	shalt  }
0x60: {  	_ =	shalt  }
0x61: {  	_ =	shalt  }
0x62: {  	_ =	shalt  }
0x63: {  	_ =	shalt  }
0x64: {  	_ =	shalt  }
0x65: {  	_ =	shalt  }
0x66: {  	_ =	shalt  }
0x67: {  	_ =	shalt  }
0x68: {  	_ =	shalt  }
0x69: {  	_ =	shalt  }
0x6a: {  	_ =	shalt  }
0x6b: {  	_ =	shalt  }
0x6c: {  	_ =	shalt  }
0x6d: {  	_ =	shalt  }
0x6e: {  	_ =	shalt  }
0x6f: {  	_ =	shalt  }
0x70: {  	_ =	shalt  }
0x71: {  	_ =	shalt  }
0x72: {  	_ =	shalt  }
0x73: {  	_ =	shalt  }
0x74: {  	_ =	shalt  }
0x75: {  	_ =	shalt  }
0x76: {  	_ =	shalt  }
0x77: {  	_ =	shalt  }
0x78: {  	_ =	shalt  }
0x79: {  	_ =	shalt  }
0x7a: {  	_ =	shalt  }
0x7b: {  	_ =	shalt  }
0x7c: {  	_ =	shalt  }
0x7d: {  	_ =	shalt  }
0x7e: {  	_ =	shalt  }
0x7f: {  	_ =	shalt  }
0x80: {  	_ =	shalt  }
0x81: {  	_ =	shalt  }
0x82: {  	_ =	shalt  }
0x83: {  	_ =	shalt  }
0x84: {  	_ =	shalt  }
0x85: {  	_ =	shalt  }
0x86: {  	_ =	shalt  }
0x87: {  	_ =	shalt  }
.Lfunc_end0:
.L_simem_size_0:
called_computation.2_lowered:
.L_overlay_start_0:
0x88: {  	s2 =	sld [smem:$0x3FD9]  }
0x89: {  	s3 =	sld [smem:$0x3FFE];
	_ =	sdelay $0x1  }
0x8a: {  	s1 =	srdreg.scid  }
0x8b: {  	s0 =	sand.u32 $0x1, s1  }
0x8c: {  	s17 =	sshll.u32 s0, $0xA;
	s2 =	sadd.s32 s3, s2  }
0x8d: {  	s2 =	sadd.s32 s2, s17  }
0x8e: {  	[smem:$0x3FBA] =	sst s2  }
0x8f: {  	_ = 	snop  }
0x90: {  	s2 =	sld [smem:$0x3FD0];
	(tm) =	ssettm $0x1  }
0x91: {  	s18 =	sld [smem:$0x3FFB];
	_ =	sdelay $0x3  }
0x92: {  	_ =	strace s18  }
0x93: {  	s3 =	sld [smem:$0x3FFC];
	_ =	sdelay $0x3  }
0x94: {  	_ =	strace s3  }
0x95: {  	s3 =	sld [smem:$0x3FFD];
	_ =	sdelay $0x3  }
0x96: {  	_ =	strace s3  }
0x97: {  	_ =	strace $0x8FFFFFFF  }
0x98: {  	s19 =	sld [smem:$0x3FDB];
	_ =	sdelay $0x1  }
0x99: {  	s4 =	simm.s32 $_scs_section_size  }
0x9a: {  	s5 =	simm.s32 $_size__tile_overlayer_lowered;
	s6 =	simm.s32 $_tile_overlayer_lowered  }
0x9b: {  	s22 =	simm.s32 $0x1BFF;
	s21 =	sshll.u32 s6, $0x1;
	s3 =	sadd.s32 s4, s19  }
0x9c: {  	s7 =	simm.s32 $0x0;
	s20 =	sshll.u32 s5, $0x1;
	s5 =	sadd.s32 s21, s3  }
0x9d: {  	[timem:s7], [sflag:s22] =	dma.local [hbm:s5], s20  }
0x9e: {  	_ =	swait.ge [sflag:s22], s20  }
0x9f: {  	s4 =	ssub.s32 $0x0, s20;
	[sflag:s22] =	ssyncset.done $0x0  }
0xa0: {  	[sflag:s22] =	ssyncadd.s32 s4;
	_ =	sdelay $0x1  }
0xa1: {  	s23 =	simm.s32 $0x1B8B  }
0xa2: {  	_ =	swait.ge [sflag:s23], $0x1  }
0xa3: {  	[sflag:s23] =	ssyncset.done $0x0  }
0xa4: {  	s25 =	simm.s32 $0x1B8E;
	s24 =	sld [smem:$0x3FFE];
	[sflag:s23] =	ssyncadd.s32 $0xFFFFFFFF  }
0xa5: {  	s26 =	simm.s32 $execute0_lowered;
	[smem:$0x3FD2] =	sst s25  }
0xa6: {  	s5 =	sshll.u32 s26, $0x1;
	_ =	strace $0x8000004C;
	[dreg:$0x1] =	wrdreg $0xFFFFFFFF  }
0xa7: {  	s28 =	simm.s32 $_size_execute0_lowered;
	s3 =	sadd.s32 s3, s5;
	[dreg:$0x0] =	wrdreg $0x0  }
0xa8: {  	s5 =	sshll.u32 s28, $0x1;
	[dreg:$0x2] =	wrdreg s3  }
0xa9: {  	[dreg:$0x3] =	wrdreg s5  }
0xaa: {  	[dreg:$0x4] =	wrdreg $0xC0  }
0xab: {  	_ =	task [dreg:s7], $0x5FFFF  }
0xac: {  	[dreg:$0x1] =	wrdreg $0xFFFFFFFF  }
0xad: {  	[dreg:$0x0] =	wrdreg $0x60  }
0xae: {  	[dreg:$0x2] =	wrdreg s24  }
0xaf: {  	[dreg:$0x3] =	wrdreg s2  }
0xb0: {  	[dreg:$0x4] =	wrdreg $0x9  }
0xb1: {  	_ =	task.clear_ibuf [dreg:s7], $0x5FFFF;
	_ =	strace $0x9000004C  }
0xb2: {  	s29 =	simm.s32 $0x9;
	_ =	strace $0x8000004E  }
0xb3: {  	_ =	swait.ge [sflag:s29], $0x1  }
0xb4: {  	[sflag:s29] =	ssyncadd.s32 $0xFFFFFFFF  }
0xb5: {  	_ =	strace $0x9000004E  }
0xb6: {  	_ =	sfence  }
0xb7: {  	s30 =	sld [smem:$0x0];
	_ =	sdelay $0x2  }
0xb8: {  	s31 =	sshll.u32 s1, $0xD;
	s1 =	sshrl.u32 s1, $0x2  }
0xb9: {  	s3 =	sand.u32 $0x4000, s31;
	s1 =	sadd.s32 s1, s30  }
0xba: {  	s0 =	sor.u32 s3, s0;
	s1 =	sshll.u32 s1, $0x11  }
0xbb: {  	s0 =	sor.u32 s1, s0  }
0xbc: {  	s0 =	sadd.s32 $0x8F2B, s0  }
0xbd: {  	[sflag:s0] =	ssyncadd.remote.s32 $0x1  }
0xbe: {  	_ =	sfence.sel $0xFFFF  }
0xbf: {  	[dreg:$0x0] =	wrdreg $0xFFFFFFFF;
	(pc) =	sbr.abs _section_cstart, $3  }
0xc0: {  	[dreg:$0x1] =	wrdreg $0xFFFFFFFF  }
0xc1: {  	_ =	task.clear_ibuf [dreg:s7], $0x2FFFF;
	_ =	strace $0x9FFFFFFF  }
0xc2: {  	(tm) =	ssettm $0x7FFFFFFF  }
0xc3: {  	_ =	shalt  }
tec
execute0_lowered:
.L_overlay_start_1:
0x0: {  	(tag) =	ssettag $0x1  }
0x1: {  	s1 =	srdreg.scid  }
0x2: {  	s8 =	rddreg [dreg:$0x0];
	s0 =	stileid.u32;
	s14 =	sand.u32 $0x1, s1  }
0x3: {  	s13 =	rddreg [dreg:$0x1];
	s4 =	sshll.u32 s0, $0x9;
	s3 =	sshll.u32 s14, $0xD  }
0x4: {  	s2 =	simm.s32 $0x0;
	s1 =	rddreg [dreg:$0x2];
	s15 =	sor.u32 s4, s3  }
0x5: {  	[smem:$0x7FF] =	sst s2;
	s3 =	sshrl.u32 s15, $0x3  }
0x6: {  	_ =	strace $0x8000004D;
	s4 =	sadd.s32 s13, s3;
	s3 =	simm.s32 $0x2  }
0x7: {  	[tilespmem:s2], [sflag:$0x2] =	stream.linear.gather [hbm4b:s4+s2], $0x80, $0x38;
	[tilespmem:$0x4080] =	vst v63  }
0x8: {  	_ =	swait.ge [sflag:s3], $0x80  }
0x9: {  	s6 =	simm.s32 $0x80;
	[sflag:s3] =	ssyncset.done $0x0  }
0xa: {  	s7 =	simm.s32 $0x1;
	s5 =	sadd.s32 $0x3A00, s8;
	[sflag:s3] =	ssyncadd.s32 $0xFFFFFF80  }
0xb: {  	[tilespmem:s6], [sflag:$0x1] =	stream.indirect.gather [hbm4b:s5+s6], $0x80, s2, s6, $0xb8;
	[tilespmem:$0x4080] =	vst v63  }
0xc: {  	_ =	swait.ge [sflag:s7], $0x4000  }
0xd: {  	s16 =	sadd.s32 $0x2AC00, s8;
	s28 =	sshll.u32 s15, $0x4;
	[sflag:s7] =	ssyncset.done $0x0  }
0xe: {  	s8 =	sadd.s32 s16, s28;
	[sflag:s7] =	ssyncadd.s32 $0xFFFFC000  }
0xf: {  	[hbm4b:s8+s2] =	stream.linear.scatter [tilespmem:s6], [sflag:$0x2], $0x4000, $0x38;
	[tilespmem:$0x4080] =	vst v63  }
0x10: {  	s10 =	sor.u32 $0x80, s15;
	_ =	swait.ge [sflag:s3], $0x4000  }
0x11: {  	s9 =	sshrl.u32 s10, $0x3;
	[sflag:s3] =	ssyncset.done $0x0  }
0x12: {  	s9 =	sadd.s32 s13, s9;
	[sflag:s3] =	ssyncadd.s32 $0xFFFFC000  }
0x13: {  	[tilespmem:s2], [sflag:$0x2] =	stream.linear.gather [hbm4b:s9+s2], $0x80, $0x38;
	[tilespmem:$0x4080] =	vst v63  }
0x14: {  	_ =	swait.ge [sflag:s3], $0x80  }
0x15: {  	[sflag:s3] =	ssyncset.done $0x0  }
0x16: {  	[sflag:s3] =	ssyncadd.s32 $0xFFFFFF80  }
0x17: {  	[tilespmem:s6], [sflag:$0x1] =	stream.indirect.gather [hbm4b:s5+s6], $0x80, s2, s6, $0xb8;
	[tilespmem:$0x4080] =	vst v63  }
0x18: {  	_ =	swait.ge [sflag:s7], $0x4000  }
0x19: {  	s10 =	sshll.u32 s10, $0x4;
	[sflag:s7] =	ssyncset.done $0x0  }
0x1a: {  	s10 =	sadd.s32 s16, s10;
	[sflag:s7] =	ssyncadd.s32 $0xFFFFC000  }
0x1b: {  	[hbm4b:s10+s2] =	stream.linear.scatter [tilespmem:s6], [sflag:$0x2], $0x4000, $0x38;
	[tilespmem:$0x4080] =	vst v63  }
0x1c: {  	s12 =	sor.u32 $0x100, s15;
	_ =	swait.ge [sflag:s3], $0x4000  }
0x1d: {  	s11 =	sshrl.u32 s12, $0x3;
	[sflag:s3] =	ssyncset.done $0x0  }
0x1e: {  	s11 =	sadd.s32 s13, s11;
	[sflag:s3] =	ssyncadd.s32 $0xFFFFC000  }
0x1f: {  	[tilespmem:s2], [sflag:$0x2] =	stream.linear.gather [hbm4b:s11+s2], $0x80, $0x38;
	[tilespmem:$0x4080] =	vst v63  }
0x20: {  	_ =	swait.ge [sflag:s3], $0x80  }
0x21: {  	[sflag:s3] =	ssyncset.done $0x0  }
0x22: {  	[sflag:s3] =	ssyncadd.s32 $0xFFFFFF80  }
0x23: {  	[tilespmem:s6], [sflag:$0x1] =	stream.indirect.gather [hbm4b:s5+s6], $0x80, s2, s6, $0xb8;
	[tilespmem:$0x4080] =	vst v63  }
0x24: {  	_ =	swait.ge [sflag:s7], $0x4000  }
0x25: {  	s12 =	sshll.u32 s12, $0x4;
	[sflag:s7] =	ssyncset.done $0x0  }
0x26: {  	s12 =	sadd.s32 s16, s12;
	[sflag:s7] =	ssyncadd.s32 $0xFFFFC000  }
0x27: {  	[hbm4b:s12+s2] =	stream.linear.scatter [tilespmem:s6], [sflag:$0x2], $0x4000, $0x38;
	[tilespmem:$0x4080] =	vst v63  }
0x28: {  	s15 =	sor.u32 $0x180, s15;
	_ =	swait.ge [sflag:s3], $0x4000  }
0x29: {  	s17 =	sshrl.u32 s15, $0x3;
	[sflag:s3] =	ssyncset.done $0x0  }
0x2a: {  	s14 =	ssub.s32 $0x2, s14;
	s13 =	sadd.s32 s13, s17;
	[sflag:s3] =	ssyncadd.s32 $0xFFFFC000  }
0x2b: {  	[tilespmem:s2], [sflag:$0x2] =	stream.linear.gather [hbm4b:s13+s2], $0x80, $0x38;
	[tilespmem:$0x4080] =	vst v63  }
0x2c: {  	s29 =	sshrl.u32 s14, $0x1;
	_ =	swait.ge [sflag:s3], $0x80  }
0x2d: {  	s17 =	ssub.s32 s14, s29;
	[sflag:s3] =	ssyncset.done $0x0  }
0x2e: {  	s31 =	smax.u32 s17, $0x1;
	[sflag:s3] =	ssyncadd.s32 $0xFFFFFF80  }
0x2f: {  	[tilespmem:s6], [sflag:$0x1] =	stream.indirect.gather [hbm4b:s5+s6], $0x80, s2, s6, $0xb8;
	[tilespmem:$0x4080] =	vst v63  }
0x30: {  	p0 =	sne.s32 s31, $0x1;
	_ =	swait.ge [sflag:s7], $0x4000  }
.Ltmp0:
0x31: {  	s30 =	sshll.u32 s15, $0x4;
	[sflag:s7] =	ssyncset.done $0x0;
	(pc) =	sbr.rel @!p0 .LBB2_2-.Ltmp0, $4  }
0x32: {  	s14 =	sadd.s32 s16, s30;
	[sflag:s7] =	ssyncadd.s32 $0xFFFFC000  }
0x33: {  	[hbm4b:s14+s2] =	stream.linear.scatter [tilespmem:s6], [sflag:$0x2], $0x4000, $0x38;
	[tilespmem:$0x4080] =	vst v63  }
0x34: {  	_ =	swait.ge [sflag:s3], $0x4000  }
0x35: {  	s15 =	sadd.s32 $0xFFFFFFFF, s31;
	[sflag:s3] =	ssyncset.done $0x0  }
.LBB2_1:
0x36: {  	p0 =	sne.s32 s15, $0x1;
	s15 =	sadd.s32 $0xFFFFFFFF, s15;
	[sflag:s3] =	ssyncadd.s32 $0xFFFFC000  }
0x37: {  	[tilespmem:s2], [sflag:$0x2] =	stream.linear.gather [hbm4b:s4+s2], $0x80, $0x38;
	[tilespmem:$0x4080] =	vst v63  }
0x38: {  	_ =	swait.ge [sflag:s3], $0x80  }
0x39: {  	[sflag:s3] =	ssyncset.done $0x0  }
0x3a: {  	[sflag:s3] =	ssyncadd.s32 $0xFFFFFF80  }
0x3b: {  	[tilespmem:s6], [sflag:$0x1] =	stream.indirect.gather [hbm4b:s5+s6], $0x80, s2, s6, $0xb8;
	[tilespmem:$0x4080] =	vst v63  }
0x3c: {  	_ =	swait.ge [sflag:s7], $0x4000  }
0x3d: {  	[sflag:s7] =	ssyncset.done $0x0  }
0x3e: {  	[sflag:s7] =	ssyncadd.s32 $0xFFFFC000  }
0x3f: {  	[hbm4b:s8+s2] =	stream.linear.scatter [tilespmem:s6], [sflag:$0x2], $0x4000, $0x38;
	[tilespmem:$0x4080] =	vst v63  }
0x40: {  	_ =	swait.ge [sflag:s3], $0x4000  }
0x41: {  	[sflag:s3] =	ssyncset.done $0x0  }
0x42: {  	[sflag:s3] =	ssyncadd.s32 $0xFFFFC000  }
0x43: {  	[tilespmem:s2], [sflag:$0x2] =	stream.linear.gather [hbm4b:s9+s2], $0x80, $0x38;
	[tilespmem:$0x4080] =	vst v63  }
0x44: {  	_ =	swait.ge [sflag:s3], $0x80  }
0x45: {  	[sflag:s3] =	ssyncset.done $0x0  }
0x46: {  	[sflag:s3] =	ssyncadd.s32 $0xFFFFFF80  }
0x47: {  	[tilespmem:s6], [sflag:$0x1] =	stream.indirect.gather [hbm4b:s5+s6], $0x80, s2, s6, $0xb8;
	[tilespmem:$0x4080] =	vst v63  }
0x48: {  	_ =	swait.ge [sflag:s7], $0x4000  }
0x49: {  	[sflag:s7] =	ssyncset.done $0x0  }
0x4a: {  	[sflag:s7] =	ssyncadd.s32 $0xFFFFC000  }
0x4b: {  	[hbm4b:s10+s2] =	stream.linear.scatter [tilespmem:s6], [sflag:$0x2], $0x4000, $0x38;
	[tilespmem:$0x4080] =	vst v63  }
0x4c: {  	_ =	swait.ge [sflag:s3], $0x4000  }
0x4d: {  	[sflag:s3] =	ssyncset.done $0x0  }
0x4e: {  	[sflag:s3] =	ssyncadd.s32 $0xFFFFC000  }
0x4f: {  	[tilespmem:s2], [sflag:$0x2] =	stream.linear.gather [hbm4b:s11+s2], $0x80, $0x38;
	[tilespmem:$0x4080] =	vst v63  }
0x50: {  	_ =	swait.ge [sflag:s3], $0x80  }
0x51: {  	[sflag:s3] =	ssyncset.done $0x0  }
0x52: {  	[sflag:s3] =	ssyncadd.s32 $0xFFFFFF80  }
0x53: {  	[tilespmem:s6], [sflag:$0x1] =	stream.indirect.gather [hbm4b:s5+s6], $0x80, s2, s6, $0xb8;
	[tilespmem:$0x4080] =	vst v63  }
0x54: {  	_ =	swait.ge [sflag:s7], $0x4000  }
0x55: {  	[sflag:s7] =	ssyncset.done $0x0  }
0x56: {  	[sflag:s7] =	ssyncadd.s32 $0xFFFFC000  }
0x57: {  	[hbm4b:s12+s2] =	stream.linear.scatter [tilespmem:s6], [sflag:$0x2], $0x4000, $0x38;
	[tilespmem:$0x4080] =	vst v63  }
0x58: {  	_ =	swait.ge [sflag:s3], $0x4000  }
0x59: {  	[sflag:s3] =	ssyncset.done $0x0  }
0x5a: {  	[sflag:s3] =	ssyncadd.s32 $0xFFFFC000  }
0x5b: {  	[tilespmem:s2], [sflag:$0x2] =	stream.linear.gather [hbm4b:s13+s2], $0x80, $0x38;
	[tilespmem:$0x4080] =	vst v63  }
0x5c: {  	_ =	swait.ge [sflag:s3], $0x80  }
0x5d: {  	[sflag:s3] =	ssyncset.done $0x0  }
0x5e: {  	[sflag:s3] =	ssyncadd.s32 $0xFFFFFF80  }
0x5f: {  	[tilespmem:s6], [sflag:$0x1] =	stream.indirect.gather [hbm4b:s5+s6], $0x80, s2, s6, $0xb8;
	[tilespmem:$0x4080] =	vst v63  }
0x60: {  	_ =	swait.ge [sflag:s7], $0x4000  }
.Ltmp1:
0x61: {  	[sflag:s7] =	ssyncset.done $0x0;
	(pc) =	sbr.rel @p0 .LBB2_1-.Ltmp1, $4  }
0x62: {  	[sflag:s7] =	ssyncadd.s32 $0xFFFFC000  }
0x63: {  	[hbm4b:s14+s2] =	stream.linear.scatter [tilespmem:s6], [sflag:$0x2], $0x4000, $0x38;
	[tilespmem:$0x4080] =	vst v63  }
0x64: {  	_ =	swait.ge [sflag:s3], $0x4000  }
0x65: {  	[sflag:s3] =	ssyncset.done $0x0  }
.LBB2_2:
0x66: {  	[sflag:s3] =	ssyncadd.s32 $0xFFFFC000  }
0x67: {  	_ =	sfence.sel $0x180000  }
0x68: {  	[bflag:$0x0] =	sbarrier.arrive $0xFFFF  }
0x69: {  	p0 =	sne.s32 s0, $0x0;
	_ =	strace $0x9000004D  }
0x6a: {  	s0 =	sadd.s32 @!p0 $0x100000, s1;
	[bflag:$0x2] =	sbarrier.arrive $0xFFFF  }
0x6b: {  	[sflag:s0] =	ssyncadd.tile.s32 @!p0 $0x1;
	_ =	shalt  }
.Lfunc_end2:
_tile_overlayer_lowered:
.L_overlay_start_2:
0x6c: {  	(tag) =	ssettag $0x2  }
0x6d: {  	s0 =	rddreg [dreg:$0x0];
	s2 =	stileid.u32  }
0x6e: {  	s1 =	rddreg [dreg:$0x1];
	p0 =	sne.s32 s2, $0x0  }
0x6f: {  	s3 =	rddreg [dreg:$0x2];
	[bflag:$0x3] =	sbarrier.arrive $0xFFFF;
	s2 =	simm.s32 @!p0 $0x1C02  }
0x70: {  	[timem:s3], [sflag:s2] =	dma.local @!p0 [hbm:s0], s1  }
0x71: {  	s0 =	simm.s32 @!p0 $0x2  }
0x72: {  	_ =	swait.ge @!p0 [sflag:s0], s1  }
0x73: {  	s1 =	ssub.s32 @!p0 $0x0, s1;
	[sflag:s0] =	ssyncset.done @!p0 $0x0  }
0x74: {  	[sflag:s0] =	ssyncadd.s32 @!p0 s1  }
0x75: {  	[bflag:$0x3] =	sbarrier.arrive $0xFFFF  }
0x76: {  	_ =	shalt  }

// kernel: kernel.8.cloned.1.call-start
scs
__scs_entry_jumppad:
0x0: {  	(pc) =	sbr.rel $0x88, $3  }
0x1: {  	(tag) =	ssettag $0x0;
	lr =	simm.s32 $0x1  }
0x2: {  	[smem:$0x3F93] =	sst lr;
	_ =	strace $0xD0000000  }
0x3: {  	_ = 	snop  }
0x4: {  	_ = 	snop  }
0x5: {  	_ = 	snop  }
0x6: {  	_ = 	snop  }
0x7: {  	_ = 	snop  }
__scs_overlays_trampoline_lowered:
0x8: {  	[smem:$0x3FA2] =	sst s0  }
0x9: {  	[smem:$0x3FA3] =	sst s1  }
0xa: {  	[smem:$0x3FA4] =	sst s2  }
0xb: {  	[smem:$0x3FA5] =	sst s3  }
0xc: {  	[smem:$0x3FA6] =	sst s4  }
0xd: {  	[smem:$0x3FA7] =	sst s5  }
0xe: {  	[smem:$0x3FA8] =	sst s6  }
0xf: {  	[smem:$0x3FA9] =	sst s7  }
0x10: {  	[smem:$0x3FAA] =	sst s8  }
0x11: {  	[smem:$0x3FAB] =	sst s9;
	s0 =	simm.s32 @!p0 $0x0  }
0x12: {  	s1 =	sld [smem:$0x3F91];
	s0 =	simm.s32 @p0 $0x1  }
0x13: {  	[smem:$0x3FAC] =	sst s0;
	s0 =	simm.s32 @!p1 $0x0  }
0x14: {  	s2 =	sld [smem:$0x3F90];
	s0 =	simm.s32 @p1 $0x1  }
0x15: {  	[smem:$0x3FAD] =	sst s0;
	s0 =	simm.s32 @!p2 $0x0  }
0x16: {  	s3 =	sld [smem:$0x3FDB];
	s0 =	simm.s32 @p2 $0x1  }
0x17: {  	s4 =	simm.s32 $0x1BF5;
	[smem:$0x3FAF] =	sst s0  }
0x18: {  	s0 =	sld [smem:$0x3F92];
	_ =	swait.ge [sflag:s4], $0x0  }
0x19: {  	s7 =	sld [smem:$0x3F93]  }
0x1a: {  	s8 =	sadd.s32 $0xFFFFE003, lr  }
0x1b: {  	s9 =	sadd.s32 $0xFFFFFEF7, lr;
	s5 =	simm.s32 $0xFFFFFFFF;
	p2 =	slt.u32 s8, $0xFFFFF086  }
0x1c: {  	p1 =	slt.u32 s9, $0xF7A;
	s5 =	simm.s32 @!p2 $0x0  }
0x1d: {  	s5 =	simm.s32 @p1 $0x1;
	p0 =	seq.s32 s7, s2  }
0x1e: {  	s7 =	smul.u32 @!p0 $0xF7A, s2;
	p2 =	seq.s32 @!p0 s5, $0x0  }
0x1f: {  	s9 =	smul.u32 $0xF7A, s1;
	s8 =	simm.s32 @!p0 $0x1BF5;
	p2 =	por !p2, p0  }
0x20: {  	[sflag:s8] =	ssyncset.s32 @!p0 $0xFFFFF086;
	s6 =	sadd.s32 @!p0 s3, s7;
	s7 =	simm.s32 @!p0 $0x108  }
0x21: {  	s3 =	sadd.s32 s3, s9;
	s6 =	sadd.s32 @!p0 $0x88, s6;
	s7 =	simm.s32 @p2 $0x1082  }
0x22: {  	[simem:s7], [sflag:s8] =	dma.local @!p0 [hbm:s6], $0xF7A  }
0x23: {  	s9 =	sor.u32 $0xD0000000, s2;
	s6 =	simm.s32 $0x108;
	_ =	swait.ge @!p0 [sflag:s8], $0x0  }
0x24: {  	s3 =	sadd.s32 $0x88, s3;
	s6 =	simm.s32 @!p1 $0x1082;
	[sflag:s4] =	ssyncset.s32 $0xFFFFF086  }
0x25: {  	[simem:s6], [sflag:s4] =	dma.local [hbm:s3], $0xF7A  }
0x26: {  	[smem:$0x3F93] =	sst s1;
	(tag) =	ssettag s2;
	_ =	strace s9  }
0x27: {  	s1 =	sld [smem:$0x3FA3]  }
0x28: {  	s2 =	sld [smem:$0x3FA4]  }
0x29: {  	s4 =	sld [smem:$0x3FA6]  }
0x2a: {  	p0 =	seq.s32 s5, $0x0;
	s5 =	sld [smem:$0x3FA7]  }
0x2b: {  	s6 =	sld [smem:$0x3FA8]  }
0x2c: {  	s7 =	sld [smem:$0x3FA9]  }
0x2d: {  	s3 =	simm.s32 $0x108;
	s8 =	sld [smem:$0x3FAA]  }
0x2e: {  	s3 =	simm.s32 @!p0 $0x1082;
	s9 =	sld [smem:$0x3FAB]  }
0x2f: {  	lr =	sadd.s32 s0, s3;
	s0 =	sld [smem:$0x3FA2]  }
0x30: {  	s3 =	sld [smem:$0x3FA5]  }
0x31: {  	[smem:$0x3FAE] =	sst s10  }
0x32: {  	s10 =	sld [smem:$0x3FAC];
	_ =	sdelay $0x3  }
0x33: {  	p0 =	seq.s32 s10, $0x1;
	s10 =	sld [smem:$0x3FAE];
	_ =	sdelay $0x3  }
0x34: {  	[smem:$0x3FAE] =	sst s10  }
0x35: {  	s10 =	sld [smem:$0x3FAD];
	_ =	sdelay $0x3  }
0x36: {  	p1 =	seq.s32 s10, $0x1;
	s10 =	sld [smem:$0x3FAE];
	_ =	sdelay $0x3  }
0x37: {  	[smem:$0x3FAE] =	sst s10  }
0x38: {  	s10 =	sld [smem:$0x3FAF]  }
0x39: {  	_ = 	snop;
	(pc) =	sbr.ind lr, $3  }
0x3a: {  	_ = 	snop  }
0x3b: {  	_ = 	snop  }
0x3c: {  	p2 =	seq.s32 s10, $0x1;
	s10 =	sld [smem:$0x3FAE]  }
0x3d: {  	_ =	shalt  }
0x3e: {  	_ =	shalt  }
0x3f: {  	_ =	shalt  }
0x40: {  	_ =	shalt  }
0x41: {  	_ =	shalt  }
0x42: {  	_ =	shalt  }
0x43: {  	_ =	shalt  }
0x44: {  	_ =	shalt  }
0x45: {  	_ =	shalt  }
0x46: {  	_ =	shalt  }
0x47: {  	_ =	shalt  }
0x48: {  	_ =	shalt  }
0x49: {  	_ =	shalt  }
0x4a: {  	_ =	shalt  }
0x4b: {  	_ =	shalt  }
0x4c: {  	_ =	shalt  }
0x4d: {  	_ =	shalt  }
0x4e: {  	_ =	shalt  }
0x4f: {  	_ =	shalt  }
0x50: {  	_ =	shalt  }
0x51: {  	_ =	shalt  }
0x52: {  	_ =	shalt  }
0x53: {  	_ =	shalt  }
0x54: {  	_ =	shalt  }
0x55: {  	_ =	shalt  }
0x56: {  	_ =	shalt  }
0x57: {  	_ =	shalt  }
0x58: {  	_ =	shalt  }
0x59: {  	_ =	shalt  }
0x5a: {  	_ =	shalt  }
0x5b: {  	_ =	shalt  }
0x5c: {  	_ =	shalt  }
0x5d: {  	_ =	shalt  }
0x5e: {  	_ =	shalt  }
0x5f: {  	_ =	shalt  }
0x60: {  	_ =	shalt  }
0x61: {  	_ =	shalt  }
0x62: {  	_ =	shalt  }
0x63: {  	_ =	shalt  }
0x64: {  	_ =	shalt  }
0x65: {  	_ =	shalt  }
0x66: {  	_ =	shalt  }
0x67: {  	_ =	shalt  }
0x68: {  	_ =	shalt  }
0x69: {  	_ =	shalt  }
0x6a: {  	_ =	shalt  }
0x6b: {  	_ =	shalt  }
0x6c: {  	_ =	shalt  }
0x6d: {  	_ =	shalt  }
0x6e: {  	_ =	shalt  }
0x6f: {  	_ =	shalt  }
0x70: {  	_ =	shalt  }
0x71: {  	_ =	shalt  }
0x72: {  	_ =	shalt  }
0x73: {  	_ =	shalt  }
0x74: {  	_ =	shalt  }
0x75: {  	_ =	shalt  }
0x76: {  	_ =	shalt  }
0x77: {  	_ =	shalt  }
0x78: {  	_ =	shalt  }
0x79: {  	_ =	shalt  }
0x7a: {  	_ =	shalt  }
0x7b: {  	_ =	shalt  }
0x7c: {  	_ =	shalt  }
0x7d: {  	_ =	shalt  }
0x7e: {  	_ =	shalt  }
0x7f: {  	_ =	shalt  }
0x80: {  	_ =	shalt  }
0x81: {  	_ =	shalt  }
0x82: {  	_ =	shalt  }
0x83: {  	_ =	shalt  }
0x84: {  	_ =	shalt  }
0x85: {  	_ =	shalt  }
0x86: {  	_ =	shalt  }
0x87: {  	_ =	shalt  }
.Lfunc_end0:
.L_simem_size_0:
called_computation_lowered:
.L_overlay_start_0:
0x88: {  	s2 =	sld [smem:$0x3FD9]  }
0x89: {  	s3 =	sld [smem:$0x3FFE];
	_ =	sdelay $0x1  }
0x8a: {  	s1 =	srdreg.scid  }
0x8b: {  	s0 =	sand.u32 $0x1, s1  }
0x8c: {  	s17 =	sshll.u32 s0, $0xA;
	s2 =	sadd.s32 s3, s2  }
0x8d: {  	s2 =	sadd.s32 s2, s17  }
0x8e: {  	[smem:$0x3FBA] =	sst s2  }
0x8f: {  	_ = 	snop  }
0x90: {  	s2 =	sld [smem:$0x3FC9];
	(tm) =	ssettm $0x1  }
0x91: {  	s18 =	sld [smem:$0x3FFB];
	_ =	sdelay $0x3  }
0x92: {  	_ =	strace s18  }
0x93: {  	s3 =	sld [smem:$0x3FFC];
	_ =	sdelay $0x3  }
0x94: {  	_ =	strace s3  }
0x95: {  	s3 =	sld [smem:$0x3FFD];
	_ =	sdelay $0x3  }
0x96: {  	_ =	strace s3  }
0x97: {  	_ =	strace $0x8FFFFFFF  }
0x98: {  	s19 =	sld [smem:$0x3FDB];
	_ =	sdelay $0x1  }
0x99: {  	s4 =	simm.s32 $_scs_section_size  }
0x9a: {  	s5 =	simm.s32 $_size__tile_overlayer_lowered;
	s6 =	simm.s32 $_tile_overlayer_lowered  }
0x9b: {  	s22 =	simm.s32 $0x1BFF;
	s21 =	sshll.u32 s6, $0x1;
	s3 =	sadd.s32 s4, s19  }
0x9c: {  	s7 =	simm.s32 $0x0;
	s20 =	sshll.u32 s5, $0x1;
	s5 =	sadd.s32 s21, s3  }
0x9d: {  	[timem:s7], [sflag:s22] =	dma.local [hbm:s5], s20  }
0x9e: {  	_ =	swait.ge [sflag:s22], s20  }
0x9f: {  	s4 =	ssub.s32 $0x0, s20;
	[sflag:s22] =	ssyncset.done $0x0  }
0xa0: {  	[sflag:s22] =	ssyncadd.s32 s4;
	_ =	sdelay $0x1  }
0xa1: {  	s23 =	simm.s32 $0x1B8B  }
0xa2: {  	_ =	swait.ge [sflag:s23], $0x1  }
0xa3: {  	[sflag:s23] =	ssyncset.done $0x0  }
0xa4: {  	s25 =	simm.s32 $0x1B8E;
	s24 =	sld [smem:$0x3FFE];
	[sflag:s23] =	ssyncadd.s32 $0xFFFFFFFF  }
0xa5: {  	s26 =	simm.s32 $execute0_lowered;
	[smem:$0x3FD2] =	sst s25  }
0xa6: {  	s5 =	sshll.u32 s26, $0x1;
	_ =	strace $0x80000046;
	[dreg:$0x1] =	wrdreg $0xFFFFFFFF  }
0xa7: {  	s28 =	simm.s32 $_size_execute0_lowered;
	s3 =	sadd.s32 s3, s5;
	[dreg:$0x0] =	wrdreg $0x0  }
0xa8: {  	s5 =	sshll.u32 s28, $0x1;
	[dreg:$0x2] =	wrdreg s3  }
0xa9: {  	[dreg:$0x3] =	wrdreg s5  }
0xaa: {  	[dreg:$0x4] =	wrdreg $0xC0  }
0xab: {  	_ =	task [dreg:s7], $0x5FFFF  }
0xac: {  	[dreg:$0x1] =	wrdreg $0xFFFFFFFF  }
0xad: {  	[dreg:$0x0] =	wrdreg $0x60  }
0xae: {  	[dreg:$0x2] =	wrdreg s2  }
0xaf: {  	[dreg:$0x3] =	wrdreg s24  }
0xb0: {  	[dreg:$0x4] =	wrdreg $0x82000  }
0xb1: {  	[dreg:$0x5] =	wrdreg $0x9  }
0xb2: {  	_ =	task.clear_ibuf [dreg:s7], $0x6FFFF;
	_ =	strace $0x90000046  }
0xb3: {  	s29 =	simm.s32 $0x9;
	_ =	strace $0x80000048  }
0xb4: {  	_ =	swait.ge [sflag:s29], $0x1  }
0xb5: {  	[sflag:s29] =	ssyncadd.s32 $0xFFFFFFFF  }
0xb6: {  	_ =	strace $0x90000048  }
0xb7: {  	_ =	sfence  }
0xb8: {  	s30 =	sld [smem:$0x0];
	_ =	sdelay $0x2  }
0xb9: {  	s31 =	sshll.u32 s1, $0xD;
	s1 =	sshrl.u32 s1, $0x2  }
0xba: {  	s3 =	sand.u32 $0x4000, s31;
	s1 =	sadd.s32 s1, s30  }
0xbb: {  	s0 =	sor.u32 s3, s0;
	s1 =	sshll.u32 s1, $0x11  }
0xbc: {  	s0 =	sor.u32 s1, s0  }
0xbd: {  	s0 =	sadd.s32 $0x8F2B, s0  }
0xbe: {  	[sflag:s0] =	ssyncadd.remote.s32 $0x1  }
0xbf: {  	_ =	sfence.sel $0xFFFF  }
0xc0: {  	[dreg:$0x0] =	wrdreg $0xFFFFFFFF;
	(pc) =	sbr.abs _section_cstart, $3  }
0xc1: {  	[dreg:$0x1] =	wrdreg $0xFFFFFFFF  }
0xc2: {  	_ =	task.clear_ibuf [dreg:s7], $0x2FFFF;
	_ =	strace $0x9FFFFFFF  }
0xc3: {  	(tm) =	ssettm $0x7FFFFFFF  }
tec
execute0_lowered:
.L_overlay_start_1:
0x0: {  	(tag) =	ssettag $0x1  }
0x1: {  	s1 =	rddreg [dreg:$0x0]  }
0x2: {  	s0 =	rddreg [dreg:$0x1]  }
0x3: {  	s2 =	rddreg [dreg:$0x2];
	s3 =	simm.s32 $0x0  }
0x4: {  	s4 =	srdreg.scid;
	s11 =	stileid.u32;
	s28 =	simm.s32 $0x0  }
0x5: {  	[smem:$0x7FF] =	sst s3;
	s17 =	sadd.s32 $0xD800, s0;
	s6 =	smul.u32 $0x1B00, s11  }
0x6: {  	s4 =	sand.u32 $0x1, s4;
	s18 =	sadd.s32 $0x3A00, s0;
	s9 =	smul.u32 $0x3400, s11  }
0x7: {  	s8 =	sadd.s32 $0x17600, s0;
	s0 =	sadd.s32 $0x67600, s0;
	s10 =	smul.u32 $0x50000, s11  }
0x8: {  	s12 =	smul.u32 $0x14000, s11;
	_ =	strace $0x80000047;
	s5 =	ssub.s32 $0x2, s4  }
0x9: {  	p0 =	seq.s32 s4, $0x0;
	s4 =	smul.u32 $0x140000, s4;
	[dreg:$0x4] =	wrdreg s17  }
0xa: {  	[dreg:$0x5] =	wrdreg s18;
	s7 =	sshrl.u32 s5, $0x1;
	s9 =	sadd.s32 $0x1B000, s9  }
0xb: {  	s10 =	sshrl.u32 s10, $0x2;
	s24 =	sadd.s32 $0x4000, s12;
	s13 =	sadd.s32 $0x8000, s12  }
0xc: {  	s14 =	sadd.s32 $0xC000, s12;
	s15 =	sadd.s32 $0x10000, s12;
	s5 =	ssub.s32 s5, s7  }
0xd: {  	s9 =	smov.u32 @p0 s6;
	s11 =	sadd.s32 s24, s2;
	s3 =	sadd.s32 s13, s2  }
0xe: {  	s23 =	sadd.s32 s14, s2;
	s16 =	sadd.s32 s12, s4;
	s6 =	sadd.s32 s4, s24  }
0xf: {  	s12 =	sadd.s32 s15, s2;
	s13 =	sadd.s32 s4, s13;
	[dreg:$0x6] =	wrdreg s11  }
0x10: {  	s14 =	sadd.s32 s4, s14;
	s4 =	sadd.s32 s4, s15;
	[dreg:$0x7] =	wrdreg s23  }
0x11: {  	s16 =	sshrl.u32 s16, $0x3;
	s20 =	smax.u32 s5, $0x1;
	[dreg:$0x8] =	wrdreg s12  }
0x12: {  	s6 =	sshrl.u32 s6, $0x3;
	s19 =	sadd.s32 s0, s16;
	[dreg:$0x15] =	wrdreg s20  }
0x13: {  	s13 =	sshrl.u32 s13, $0x3;
	s25 =	sadd.s32 s0, s6;
	[dreg:$0x9] =	wrdreg s19  }
0x14: {  	s14 =	sshrl.u32 s14, $0x3;
	s26 =	sadd.s32 s0, s13;
	[dreg:$0xa] =	wrdreg s25  }
0x15: {  	s4 =	sshrl.u32 s4, $0x3;
	s29 =	sadd.s32 s0, s14;
	[dreg:$0xb] =	wrdreg s26  }
0x16: {  	s7 =	simm.s32 $0x36;
	s0 =	sadd.s32 s0, s4;
	[dreg:$0xc] =	wrdreg s29  }
0x17: {  	s10 =	sadd.s32 s10, s2;
	s30 =	sadd.s32 s8, s16;
	[dreg:$0xd] =	wrdreg s0  }
0x18: {  	s7 =	simm.s32 @!p0 $0x68;
	s31 =	sadd.s32 s8, s6;
	[dreg:$0xe] =	wrdreg s30  }
0x19: {  	s9 =	sshrl.u32 s9, $0x3;
	s6 =	sadd.s32 s8, s13;
	[dreg:$0xf] =	wrdreg s31  }
0x1a: {  	s13 =	sadd.s32 s8, s14;
	s14 =	sadd.s32 s8, s4;
	[dreg:$0x10] =	wrdreg s6  }
0x1b: {  	s15 =	sor.u32 $0x10, s9;
	s21 =	sadd.s32 $0x50, s9;
	[dreg:$0x11] =	wrdreg s13  }
0x1c: {  	s24 =	sadd.s32 $0x40, s9;
	s20 =	simm.s32 $0x80;
	[dreg:$0x12] =	wrdreg s14  }
0x1d: {  	s16 =	sadd.s32 s18, s15;
	s0 =	sadd.s32 s17, s15;
	s19 =	sshll.u32 s7, $0x4  }
0x1e: {  	s22 =	sadd.s32 s21, s18;
	s25 =	sadd.s32 s24, s18;
	s29 =	sadd.s32 s24, s17  }
0x1f: {  	s30 =	sadd.s32 s18, s9;
	s31 =	sadd.s32 s17, s9;
	[dreg:$0x13] =	wrdreg s16  }
0x20: {  	s13 =	sadd.s32 $0x30, s9;
	s24 =	simm.s32 $0x1;
	[dreg:$0x14] =	wrdreg s0  }
0x21: {  	s26 =	sadd.s32 $0xFFFFFFE0, s19;
	s0 =	sadd.s32 s21, s17;
	[dreg:$0x19] =	wrdreg s30  }
0x22: {  	s4 =	sadd.s32 $0xFFFFFFE0, s22;
	[dreg:$0x1a] =	wrdreg s31;
	s16 =	sadd.s32 s13, s18  }
0x23: {  	s17 =	simm.s32 $0x200;
	s19 =	simm.s32 $0x100;
	s21 =	simm.s32 $0x4200  }
0x24: {  	s22 =	simm.s32 $0x180;
	[dreg:$0x16] =	wrdreg s4;
	s0 =	sadd.s32 $0xFFFFFFE0, s0  }
0x25: {  	s4 =	sadd.s32 $0x20, s9;
	[dreg:$0x17] =	wrdreg s0;
	s0 =	sadd.s32 $0xFFFFFFE0, s25  }
0x26: {  	s15 =	sadd.s32 s4, s18;
	[dreg:$0x18] =	wrdreg s0;
	s0 =	sadd.s32 $0xFFFFFFE0, s29  }
0x27: {  	v0 =	vimm.f32 $0.0e+00;
	v1 =	vimm.f32 $1.000000000e+00;
	s18 =	simm.s32 $0x3;
	s25 =	simm.s32 $0x2;
	[dreg:$0x1b] =	wrdreg s0  }
.LBB2_1:
0x28: {  	s0 =	simm.s32 $0x0;
	s5 =	simm.s32 $0x200  }
.LBB2_2:
0x29: {  	p0 =	sne.s32 s5, $0xFE00;
	[tilespmem:s0+$0x270] =	vst v0  }
0x2a: {  	[tilespmem:s0+$0x200] =	vst v0  }
0x2b: {  	[tilespmem:s0+$0x210] =	vst v0  }
.Ltmp0:
0x2c: {  	[tilespmem:s0+$0x220] =	vst v0;
	(pc) =	sbr.rel @p0 .LBB2_2-.Ltmp0, $4  }
0x2d: {  	[tilespmem:s0+$0x230] =	vst v0  }
0x2e: {  	[tilespmem:s0+$0x240] =	vst v0  }
0x2f: {  	[tilespmem:s0+$0x250] =	vst v0  }
0x30: {  	[tilespmem:s0+$0x260] =	vst v0;
	s0 =	sshra.s32 s5, $0x2;
	s5 =	sadd.s32 $0x200, s5  }
0x31: {  	[tilespmem:s0+$0x270] =	vst v0  }
0x32: {  	[tilespmem:s0+$0x200] =	vst v0  }
0x33: {  	[tilespmem:s0+$0x210] =	vst v0  }
0x34: {  	[tilespmem:s0+$0x220] =	vst v0  }
0x35: {  	[tilespmem:s0+$0x230] =	vst v0  }
0x36: {  	[tilespmem:s0+$0x240] =	vst v0  }
0x37: {  	[tilespmem:s0+$0x250] =	vst v0  }
0x38: {  	[tilespmem:s0+$0x260] =	vst v0  }
0x39: {  	[spmem:s10] =	stream.linear.scatter [tilespmem:s17], [sflag:$0x3], $0x4000, $0x38;
	[tilespmem:$0x1C200] =	vst v63  }
0x3a: {  	_ =	swait.ge [sflag:s18], $0x4000  }
0x3b: {  	[sflag:s18] =	ssyncset.done $0x0  }
0x3c: {  	[sflag:s18] =	ssyncadd.s32 $0xFFFFC000  }
0x3d: {  	[spmem:s11] =	stream.linear.scatter [tilespmem:s17], [sflag:$0x3], $0x4000, $0x38;
	[tilespmem:$0x1C200] =	vst v63  }
0x3e: {  	_ =	swait.ge [sflag:s18], $0x4000  }
0x3f: {  	[sflag:s18] =	ssyncset.done $0x0  }
0x40: {  	[sflag:s18] =	ssyncadd.s32 $0xFFFFC000  }
0x41: {  	[spmem:s3] =	stream.linear.scatter [tilespmem:s17], [sflag:$0x3], $0x4000, $0x38;
	[tilespmem:$0x1C200] =	vst v63  }
0x42: {  	_ =	swait.ge [sflag:s18], $0x4000  }
0x43: {  	[sflag:s18] =	ssyncset.done $0x0  }
0x44: {  	[sflag:s18] =	ssyncadd.s32 $0xFFFFC000  }
0x45: {  	[spmem:s23] =	stream.linear.scatter [tilespmem:s17], [sflag:$0x3], $0x4000, $0x38;
	[tilespmem:$0x1C200] =	vst v63  }
0x46: {  	_ =	swait.ge [sflag:s18], $0x4000  }
0x47: {  	[sflag:s18] =	ssyncset.done $0x0  }
0x48: {  	[sflag:s18] =	ssyncadd.s32 $0xFFFFC000  }
0x49: {  	[spmem:s12] =	stream.linear.scatter [tilespmem:s17], [sflag:$0x3], $0x4000, $0x38;
	[tilespmem:$0x1C200] =	vst v63  }
0x4a: {  	_ =	swait.ge [sflag:s18], $0x4000  }
0x4b: {  	[sflag:s18] =	ssyncset.done $0x0  }
0x4c: {  	s0 =	simm.s32 $0x0;
	s5 =	simm.s32 $0x200;
	[sflag:s18] =	ssyncadd.s32 $0xFFFFC000  }
.LBB2_4:
0x4d: {  	p0 =	sne.s32 s5, $0xFE00;
	[tilespmem:s0+$0x4270] =	vst v1  }
0x4e: {  	[tilespmem:s0+$0x4200] =	vst v1  }
0x4f: {  	[tilespmem:s0+$0x4210] =	vst v1  }
.Ltmp1:
0x50: {  	[tilespmem:s0+$0x4220] =	vst v1;
	(pc) =	sbr.rel @p0 .LBB2_4-.Ltmp1, $4  }
0x51: {  	[tilespmem:s0+$0x4230] =	vst v1  }
0x52: {  	[tilespmem:s0+$0x4240] =	vst v1  }
0x53: {  	[tilespmem:s0+$0x4250] =	vst v1  }
0x54: {  	[tilespmem:s0+$0x4260] =	vst v1;
	s0 =	sshra.s32 s5, $0x2;
	s5 =	sadd.s32 $0x200, s5  }
0x55: {  	[tilespmem:s0+$0x4270] =	vst v1  }
0x56: {  	[tilespmem:s0+$0x4200] =	vst v1  }
0x57: {  	[tilespmem:s0+$0x4210] =	vst v1  }
0x58: {  	[tilespmem:s0+$0x4220] =	vst v1  }
0x59: {  	[tilespmem:s0+$0x4230] =	vst v1  }
0x5a: {  	[tilespmem:s0+$0x4240] =	vst v1  }
0x5b: {  	[tilespmem:s0+$0x4250] =	vst v1  }
0x5c: {  	[tilespmem:s0+$0x4260] =	vst v1  }
0x5d: {  	[bflag:$0x0] =	sbarrier.arrive $0xFFFF  }
0x5e: {  	s23 =	simm.s32 $0x0;
	s0 =	simm.s32 $0x3;
	s31 =	rddreg [dreg:$0x19]  }
0x5f: {  	[tilespmem:s19], [sflag:$0x3] =	stream.linear.gather [hbm4b:s31+s23], $0x80, $0x38;
	[tilespmem:$0x1C200] =	vst v63  }
0x60: {  	_ =	swait.ge [sflag:s0], $0x80  }
0x61: {  	[sflag:s0] =	ssyncset.done $0x0  }
0x62: {  	[sflag:s0] =	ssyncadd.s32 $0xFFFFFF80  }
0x63: {  	[spmem:s2] =	stream.indirect.scatter.add.f32 [tilespmem:s21], [sflag:$0x1], $0x80, s19, s20, $0xb8;
	[tilespmem:$0x1C200] =	vst v63  }
0x64: {  	s5 =	rddreg [dreg:$0x13]  }
0x65: {  	[tilespmem:s22], [sflag:$0x3] =	stream.linear.gather [hbm4b:s5+s23], $0x80, $0x38;
	[tilespmem:$0x1C200] =	vst v63  }
0x66: {  	_ =	swait.ge [sflag:s0], $0x80  }
0x67: {  	[sflag:s0] =	ssyncset.done $0x0  }
0x68: {  	[sflag:s0] =	ssyncadd.s32 $0xFFFFFF80  }
0x69: {  	[spmem:s2] =	stream.indirect.scatter.add.f32 [tilespmem:s21], [sflag:$0x2], $0x80, s22, s20, $0xb8;
	[tilespmem:$0x1C200] =	vst v63  }
0x6a: {  	p0 =	sle.u32 s7, $0x2;
	_ =	swait.ge [sflag:s24], $0x4000  }
0x6b: {  	s6 =	simm.s32 @!p0 $0x0;
	s8 =	simm.s32 @!p0 $0x100;
	[sflag:s24] =	ssyncset.done $0x0  }
0x6c: {  	s9 =	simm.s32 @!p0 $0x3;
	s5 =	sadd.s32 @!p0 $0x0, s15;
	[sflag:s24] =	ssyncadd.s32 $0xFFFFC000  }
0x6d: {  	[tilespmem:s8], [sflag:$0x3] =	stream.linear.gather @!p0 [hbm4b:s5+s6], $0x80, $0x38;
	[tilespmem:$0x1C200] =	vst v63  }
0x6e: {  	_ =	swait.ge @!p0 [sflag:s9], $0x80  }
0x6f: {  	[sflag:s9] =	ssyncset.done @!p0 $0x0  }
0x70: {  	s5 =	simm.s32 @!p0 $0x80;
	s6 =	simm.s32 @!p0 $0x4200;
	[sflag:s9] =	ssyncadd.s32 @!p0 $0xFFFFFF80  }
0x71: {  	[spmem:s2] =	stream.indirect.scatter.add.f32 @!p0 [tilespmem:s6], [sflag:$0x1], $0x80, s8, s5, $0xb8;
	[tilespmem:$0x1C200] =	vst v63  }
0x72: {  	s14 =	simm.s32 $0x1;
	p0 =	sle.u32 s7, $0x3  }
0x73: {  	p1 =	sne.s32 s26, $0x20;
	_ =	swait.ge [sflag:s25], $0x4000;
	s6 =	sadd.s32 @!p0 $0x0, s16  }
.Ltmp2:
0x74: {  	s5 =	simm.s32 @!p0 $0x180;
	[sflag:s25] =	ssyncset.done $0x0;
	(pc) =	sbr.rel @!p1 .LBB2_7-.Ltmp2, $4  }
0x75: {  	s9 =	simm.s32 @!p0 $0x0;
	s8 =	simm.s32 @!p0 $0x3;
	[sflag:s25] =	ssyncadd.s32 $0xFFFFC000  }
0x76: {  	[tilespmem:s5], [sflag:$0x3] =	stream.linear.gather @!p0 [hbm4b:s6+s9], $0x80, $0x38;
	[tilespmem:$0x1C200] =	vst v63  }
0x77: {  	s29 =	simm.s32 $0x20;
	s30 =	simm.s32 @!p0 $0x80;
	_ =	swait.ge @!p0 [sflag:s8], $0x80  }
0x78: {  	s6 =	simm.s32 $0x2;
	s9 =	simm.s32 @!p0 $0x4200;
	[sflag:s8] =	ssyncset.done @!p0 $0x0  }
.LBB2_6:
0x79: {  	s14 =	smov.u32 s6;
	s0 =	sadd.s32 $0x2, s0  }
0x7a: {  	[sflag:s8] =	ssyncadd.s32 @!p0 $0xFFFFFF80;
	s8 =	smov.u32 s29;
	s29 =	sadd.s32 $0x20, s29  }
0x7b: {  	[spmem:s2] =	stream.indirect.scatter.add.f32 @!p0 [tilespmem:s9], [sflag:$0x2], $0x80, s5, s30, $0xb8;
	[tilespmem:$0x1C200] =	vst v63  }
0x7c: {  	s5 =	sadd.s32 $0xFFFFFFFF, s0;
	p1 =	sne.s32 s26, s29;
	_ =	swait.ge [sflag:s24], $0x4000  }
0x7d: {  	p0 =	sge.u32 s5, s7;
	[sflag:s24] =	ssyncset.done $0x0  }
0x7e: {  	s5 =	sadd.s32 @!p0 s8, s15;
	s9 =	simm.s32 @!p0 $0x0;
	[sflag:s24] =	ssyncadd.s32 $0xFFFFC000  }
0x7f: {  	s30 =	simm.s32 @!p0 $0x100;
	s31 =	simm.s32 @!p0 $0x3  }
0x80: {  	[tilespmem:s30], [sflag:$0x3] =	stream.linear.gather @!p0 [hbm4b:s5+s9], $0x80, $0x38;
	[tilespmem:$0x1C200] =	vst v63  }
0x81: {  	_ =	swait.ge @!p0 [sflag:s31], $0x80  }
0x82: {  	s5 =	simm.s32 @!p0 $0x80;
	s9 =	simm.s32 @!p0 $0x4200;
	[sflag:s31] =	ssyncset.done @!p0 $0x0  }
0x83: {  	[sflag:s31] =	ssyncadd.s32 @!p0 $0xFFFFFF80  }
0x84: {  	[spmem:s2] =	stream.indirect.scatter.add.f32 @!p0 [tilespmem:s9], [sflag:$0x1], $0x80, s30, s5, $0xb8;
	[tilespmem:$0x1C200] =	vst v63  }
0x85: {  	p0 =	sge.u32 s0, s7  }
0x86: {  	_ =	swait.ge [sflag:s25], $0x4000;
	s9 =	sadd.s32 @!p0 s8, s16  }
.Ltmp3:
0x87: {  	s5 =	simm.s32 @!p0 $0x180;
	[sflag:s25] =	ssyncset.done $0x0;
	(pc) =	sbr.rel @p1 .LBB2_6-.Ltmp3, $4  }
0x88: {  	s30 =	simm.s32 @!p0 $0x0;
	s8 =	simm.s32 @!p0 $0x3;
	[sflag:s25] =	ssyncadd.s32 $0xFFFFC000  }
0x89: {  	[tilespmem:s5], [sflag:$0x3] =	stream.linear.gather @!p0 [hbm4b:s9+s30], $0x80, $0x38;
	[tilespmem:$0x1C200] =	vst v63  }
0x8a: {  	s6 =	sadd.s32 $0x1, s6;
	_ =	swait.ge @!p0 [sflag:s8], $0x80  }
0x8b: {  	s30 =	simm.s32 @!p0 $0x80;
	s9 =	simm.s32 @!p0 $0x4200;
	[sflag:s8] =	ssyncset.done @!p0 $0x0  }
.LBB2_7:
0x8c: {  	[sflag:s8] =	ssyncadd.s32 @!p0 $0xFFFFFF80;
	s12 =	sadd.s32 $0x2, s0  }
0x8d: {  	[spmem:s2] =	stream.indirect.scatter.add.f32 @!p0 [tilespmem:s9], [sflag:$0x2], $0x80, s5, s30, $0xb8;
	[tilespmem:$0x1C200] =	vst v63  }
0x8e: {  	s0 =	sadd.s32 $0xFFFFFFFF, s12  }
0x8f: {  	_ =	swait.ge [sflag:s24], $0x4000;
	p1 =	sge.u32 s0, s7  }
0x90: {  	[sflag:s24] =	ssyncset.done $0x0;
	s0 =	rddreg [dreg:$0x18];
	s6 =	simm.s32 @!p1 $0x0  }
0x91: {  	s8 =	simm.s32 @!p1 $0x100;
	[sflag:s24] =	ssyncadd.s32 $0xFFFFC000;
	s0 =	sadd.s32 @!p1 s29, s0  }
0x92: {  	[tilespmem:s8], [sflag:$0x3] =	stream.linear.gather @!p1 [hbm4b:s0+s6], $0x80, $0x38;
	[tilespmem:$0x1C200] =	vst v63  }
0x93: {  	s6 =	simm.s32 @!p1 $0x3  }
0x94: {  	_ =	swait.ge @!p1 [sflag:s6], $0x80  }
0x95: {  	[sflag:s6] =	ssyncset.done @!p1 $0x0  }
0x96: {  	s9 =	simm.s32 @!p1 $0x4200;
	[sflag:s6] =	ssyncadd.s32 @!p1 $0xFFFFFF80;
	s6 =	simm.s32 @!p1 $0x80  }
0x97: {  	[spmem:s2] =	stream.indirect.scatter.add.f32 @!p1 [tilespmem:s9], [sflag:$0x1], $0x80, s8, s6, $0xb8;
	[tilespmem:$0x1C200] =	vst v63  }
0x98: {  	p0 =	sge.u32 s12, s7;
	_ =	swait.ge [sflag:s25], $0x4000  }
0x99: {  	s6 =	simm.s32 @!p0 $0x180;
	[sflag:s25] =	ssyncset.done $0x0;
	s5 =	rddreg [dreg:$0x16]  }
0x9a: {  	[sflag:s25] =	ssyncadd.s32 $0xFFFFC000;
	s30 =	sadd.s32 @!p0 s29, s5;
	s5 =	simm.s32 @!p0 $0x0  }
0x9b: {  	[tilespmem:s6], [sflag:$0x3] =	stream.linear.gather @!p0 [hbm4b:s30+s5], $0x80, $0x38;
	[tilespmem:$0x1C200] =	vst v63  }
0x9c: {  	s5 =	simm.s32 @!p0 $0x3  }
0x9d: {  	_ =	swait.ge @!p0 [sflag:s5], $0x80  }
0x9e: {  	[sflag:s5] =	ssyncset.done @!p0 $0x0  }
0x9f: {  	s8 =	simm.s32 @!p0 $0x4200;
	[sflag:s5] =	ssyncadd.s32 @!p0 $0xFFFFFF80;
	s5 =	simm.s32 @!p0 $0x80  }
0xa0: {  	[spmem:s2] =	stream.indirect.scatter.add.f32 @!p0 [tilespmem:s8], [sflag:$0x2], $0x80, s6, s5, $0xb8;
	[tilespmem:$0x1C200] =	vst v63  }
0xa1: {  	[bflag:$0x0] =	sbarrier.arrive $0xFFFF  }
0xa2: {  	[tilespmem:s17], [sflag:$0x3] =	stream.linear.gather [spmem:s10], $0x4000, $0x38;
	[tilespmem:$0x1C200] =	vst v63  }
0xa3: {  	_ =	swait.ge [sflag:s18], $0x4000  }
0xa4: {  	[sflag:s18] =	ssyncset.done $0x0  }
0xa5: {  	s31 =	rddreg [dreg:$0x9];
	[sflag:s18] =	ssyncadd.s32 $0xFFFFC000  }
0xa6: {  	[hbm4b:s31+s23] =	stream.linear.scatter [tilespmem:s17], [sflag:$0x3], $0x4000, $0x38;
	[tilespmem:$0x1C200] =	vst v63  }
0xa7: {  	_ =	swait.ge [sflag:s18], $0x4000  }
0xa8: {  	[sflag:s18] =	ssyncset.done $0x0  }
0xa9: {  	[sflag:s18] =	ssyncadd.s32 $0xFFFFC000  }
0xaa: {  	[tilespmem:s17], [sflag:$0x3] =	stream.linear.gather [spmem:s11], $0x4000, $0x38;
	[tilespmem:$0x1C200] =	vst v63  }
0xab: {  	_ =	swait.ge [sflag:s18], $0x4000  }
0xac: {  	[sflag:s18] =	ssyncset.done $0x0  }
0xad: {  	s6 =	rddreg [dreg:$0xa];
	[sflag:s18] =	ssyncadd.s32 $0xFFFFC000  }
0xae: {  	[hbm4b:s6+s23] =	stream.linear.scatter [tilespmem:s17], [sflag:$0x3], $0x4000, $0x38;
	[tilespmem:$0x1C200] =	vst v63  }
0xaf: {  	_ =	swait.ge [sflag:s18], $0x4000  }
0xb0: {  	[sflag:s18] =	ssyncset.done $0x0  }
0xb1: {  	[sflag:s18] =	ssyncadd.s32 $0xFFFFC000  }
0xb2: {  	[tilespmem:s17], [sflag:$0x3] =	stream.linear.gather [spmem:s3], $0x4000, $0x38;
	[tilespmem:$0x1C200] =	vst v63  }
0xb3: {  	_ =	swait.ge [sflag:s18], $0x4000  }
0xb4: {  	[sflag:s18] =	ssyncset.done $0x0  }
0xb5: {  	s8 =	rddreg [dreg:$0xb];
	[sflag:s18] =	ssyncadd.s32 $0xFFFFC000  }
0xb6: {  	[hbm4b:s8+s23] =	stream.linear.scatter [tilespmem:s17], [sflag:$0x3], $0x4000, $0x38;
	[tilespmem:$0x1C200] =	vst v63  }
0xb7: {  	_ =	swait.ge [sflag:s18], $0x4000  }
0xb8: {  	[sflag:s18] =	ssyncset.done $0x0  }
0xb9: {  	s8 =	rddreg [dreg:$0x7];
	[sflag:s18] =	ssyncadd.s32 $0xFFFFC000  }
0xba: {  	[tilespmem:s17], [sflag:$0x3] =	stream.linear.gather [spmem:s8], $0x4000, $0x38;
	[tilespmem:$0x1C200] =	vst v63  }
0xbb: {  	_ =	swait.ge [sflag:s18], $0x4000  }
0xbc: {  	[sflag:s18] =	ssyncset.done $0x0  }
0xbd: {  	s9 =	rddreg [dreg:$0xc];
	[sflag:s18] =	ssyncadd.s32 $0xFFFFC000  }
0xbe: {  	[hbm4b:s9+s23] =	stream.linear.scatter [tilespmem:s17], [sflag:$0x3], $0x4000, $0x38;
	[tilespmem:$0x1C200] =	vst v63  }
0xbf: {  	_ =	swait.ge [sflag:s18], $0x4000  }
0xc0: {  	[sflag:s18] =	ssyncset.done $0x0  }
0xc1: {  	s9 =	rddreg [dreg:$0x8];
	[sflag:s18] =	ssyncadd.s32 $0xFFFFC000  }
0xc2: {  	[tilespmem:s17], [sflag:$0x3] =	stream.linear.gather [spmem:s9], $0x4000, $0x38;
	[tilespmem:$0x1C200] =	vst v63  }
0xc3: {  	_ =	swait.ge [sflag:s18], $0x4000  }
0xc4: {  	[sflag:s18] =	ssyncset.done $0x0  }
0xc5: {  	s31 =	rddreg [dreg:$0xd];
	[sflag:s18] =	ssyncadd.s32 $0xFFFFC000  }
0xc6: {  	[hbm4b:s31+s23] =	stream.linear.scatter [tilespmem:s17], [sflag:$0x3], $0x4000, $0x38;
	[tilespmem:$0x1C200] =	vst v63  }
0xc7: {  	_ =	swait.ge [sflag:s18], $0x4000  }
0xc8: {  	[sflag:s18] =	ssyncset.done $0x0  }
0xc9: {  	s12 =	smov.u32 s3;
	[sflag:s18] =	ssyncadd.s32 $0xFFFFC000  }
0xca: {  	s5 =	simm.s32 $0x0;
	s6 =	simm.s32 $0x200;
	[bflag:$0x0] =	sbarrier.arrive $0xFFFF  }
.LBB2_8:
0xcb: {  	p2 =	sne.s32 s6, $0xFE00;
	[tilespmem:s5+$0x270] =	vst v0  }
0xcc: {  	[tilespmem:s5+$0x200] =	vst v0  }
0xcd: {  	[tilespmem:s5+$0x210] =	vst v0  }
.Ltmp4:
0xce: {  	[tilespmem:s5+$0x220] =	vst v0;
	(pc) =	sbr.rel @p2 .LBB2_8-.Ltmp4, $4  }
0xcf: {  	[tilespmem:s5+$0x230] =	vst v0  }
0xd0: {  	[tilespmem:s5+$0x240] =	vst v0  }
0xd1: {  	[tilespmem:s5+$0x250] =	vst v0  }
0xd2: {  	[tilespmem:s5+$0x260] =	vst v0;
	s5 =	sshra.s32 s6, $0x2;
	s6 =	sadd.s32 $0x200, s6  }
0xd3: {  	[tilespmem:s5+$0x270] =	vst v0  }
0xd4: {  	[tilespmem:s5+$0x200] =	vst v0  }
0xd5: {  	[tilespmem:s5+$0x210] =	vst v0  }
0xd6: {  	[tilespmem:s5+$0x220] =	vst v0  }
0xd7: {  	[tilespmem:s5+$0x230] =	vst v0  }
0xd8: {  	[tilespmem:s5+$0x240] =	vst v0  }
0xd9: {  	[tilespmem:s5+$0x250] =	vst v0  }
0xda: {  	[tilespmem:s5+$0x260] =	vst v0;
	s5 =	simm.s32 $0x3  }
0xdb: {  	[spmem:s10] =	stream.linear.scatter [tilespmem:s17], [sflag:$0x3], $0x4000, $0x38;
	[tilespmem:$0x1C200] =	vst v63  }
0xdc: {  	_ =	swait.ge [sflag:s5], $0x4000  }
0xdd: {  	[sflag:s5] =	ssyncset.done $0x0  }
0xde: {  	[sflag:s5] =	ssyncadd.s32 $0xFFFFC000  }
0xdf: {  	[spmem:s11] =	stream.linear.scatter [tilespmem:s17], [sflag:$0x3], $0x4000, $0x38;
	[tilespmem:$0x1C200] =	vst v63  }
0xe0: {  	_ =	swait.ge [sflag:s5], $0x4000  }
0xe1: {  	[sflag:s5] =	ssyncset.done $0x0  }
0xe2: {  	[sflag:s5] =	ssyncadd.s32 $0xFFFFC000  }
0xe3: {  	[spmem:s12] =	stream.linear.scatter [tilespmem:s17], [sflag:$0x3], $0x4000, $0x38;
	[tilespmem:$0x1C200] =	vst v63  }
0xe4: {  	_ =	swait.ge [sflag:s5], $0x4000  }
0xe5: {  	[sflag:s5] =	ssyncset.done $0x0  }
0xe6: {  	[sflag:s5] =	ssyncadd.s32 $0xFFFFC000  }
0xe7: {  	[spmem:s8] =	stream.linear.scatter [tilespmem:s17], [sflag:$0x3], $0x4000, $0x38;
	[tilespmem:$0x1C200] =	vst v63  }
0xe8: {  	_ =	swait.ge [sflag:s5], $0x4000  }
0xe9: {  	[sflag:s5] =	ssyncset.done $0x0  }
0xea: {  	[sflag:s5] =	ssyncadd.s32 $0xFFFFC000  }
0xeb: {  	[spmem:s9] =	stream.linear.scatter [tilespmem:s17], [sflag:$0x3], $0x4000, $0x38;
	[tilespmem:$0x1C200] =	vst v63  }
0xec: {  	_ =	swait.ge [sflag:s5], $0x4000  }
0xed: {  	[sflag:s5] =	ssyncset.done $0x0  }
0xee: {  	[sflag:s5] =	ssyncadd.s32 $0xFFFFC000  }
0xef: {  	[bflag:$0x0] =	sbarrier.arrive $0xFFFF  }
0xf0: {  	s6 =	simm.s32 $0x0;
	s9 =	rddreg [dreg:$0x1a]  }
0xf1: {  	[tilespmem:s6], [sflag:$0x3] =	stream.linear.gather [hbm4b:s9+s6], $0x80, $0x38;
	[tilespmem:$0x1C200] =	vst v63  }
0xf2: {  	_ =	swait.ge [sflag:s5], $0x80  }
0xf3: {  	[sflag:s5] =	ssyncset.done $0x0  }
0xf4: {  	s3 =	smov.u32 s10;
	s10 =	rddreg [dreg:$0x19];
	[sflag:s5] =	ssyncadd.s32 $0xFFFFFF80  }
0xf5: {  	[tilespmem:s19], [sflag:$0x3] =	stream.linear.gather [hbm4b:s10+s6], $0x80, $0x38;
	[tilespmem:$0x1C200] =	vst v63  }
0xf6: {  	_ =	swait.ge [sflag:s5], $0x80  }
0xf7: {  	[sflag:s5] =	ssyncset.done $0x0  }
0xf8: {  	[sflag:s5] =	ssyncadd.s32 $0xFFFFFF80  }
0xf9: {  	[tilespmem:s17], [sflag:$0x1] =	stream.indirect.gather [hbm4b:s1+s20], $0x80, s6, s20, $0xb8;
	[tilespmem:$0x1C200] =	vst v63  }
0xfa: {  	s11 =	rddreg [dreg:$0x14]  }
0xfb: {  	[tilespmem:s20], [sflag:$0x3] =	stream.linear.gather [hbm4b:s11+s6], $0x80, $0x38;
	[tilespmem:$0x1C200] =	vst v63  }
0xfc: {  	_ =	swait.ge [sflag:s5], $0x80  }
0xfd: {  	[sflag:s5] =	ssyncset.done $0x0  }
0xfe: {  	s23 =	rddreg [dreg:$0x13];
	[sflag:s5] =	ssyncadd.s32 $0xFFFFFF80  }
0xff: {  	[tilespmem:s22], [sflag:$0x3] =	stream.linear.gather [hbm4b:s23+s6], $0x80, $0x38;
	[tilespmem:$0x1C200] =	vst v63  }
0x100: {  	_ =	swait.ge [sflag:s5], $0x80  }
0x101: {  	[sflag:s5] =	ssyncset.done $0x0  }
0x102: {  	[sflag:s5] =	ssyncadd.s32 $0xFFFFFF80  }
0x103: {  	[tilespmem:s21], [sflag:$0x2] =	stream.indirect.gather [hbm4b:s1+s20], $0x80, s20, s20, $0xb8;
	[tilespmem:$0x1C200] =	vst v63  }
0x104: {  	_ =	swait.ge [sflag:s24], $0x4000  }
0x105: {  	[sflag:s24] =	ssyncset.done $0x0  }
0x106: {  	[sflag:s24] =	ssyncadd.s32 $0xFFFFC000  }
0x107: {  	[spmem:s2] =	stream.indirect.scatter.add.f32 [tilespmem:s17], [sflag:$0x3], $0x80, s19, s20, $0xb8;
	[tilespmem:$0x1C200] =	vst v63  }
0x108: {  	p2 =	sle.u32 s7, $0x2;
	_ =	swait.ge [sflag:s18], $0x4000  }
0x109: {  	s8 =	simm.s32 @!p2 $0x3;
	[sflag:s18] =	ssyncset.done $0x0;
	s10 =	rddreg [dreg:$0x4]  }
0x10a: {  	s6 =	simm.s32 @!p2 $0x0;
	s5 =	sadd.s32 @!p2 s10, s4;
	[sflag:s18] =	ssyncadd.s32 $0xFFFFC000  }
0x10b: {  	[tilespmem:s6], [sflag:$0x3] =	stream.linear.gather @!p2 [hbm4b:s5+s6], $0x80, $0x38;
	[tilespmem:$0x1C200] =	vst v63  }
0x10c: {  	_ =	swait.ge @!p2 [sflag:s8], $0x80  }
0x10d: {  	[sflag:s8] =	ssyncset.done @!p2 $0x0;
	s11 =	rddreg [dreg:$0x5]  }
0x10e: {  	s9 =	simm.s32 @!p2 $0x100;
	s5 =	sadd.s32 @!p2 s11, s4;
	[sflag:s8] =	ssyncadd.s32 @!p2 $0xFFFFFF80  }
0x10f: {  	[tilespmem:s9], [sflag:$0x3] =	stream.linear.gather @!p2 [hbm4b:s5+s6], $0x80, $0x38;
	[tilespmem:$0x1C200] =	vst v63  }
0x110: {  	_ =	swait.ge @!p2 [sflag:s8], $0x80  }
0x111: {  	[sflag:s8] =	ssyncset.done @!p2 $0x0  }
0x112: {  	s5 =	simm.s32 @!p2 $0x80;
	s9 =	simm.s32 @!p2 $0x200;
	[sflag:s8] =	ssyncadd.s32 @!p2 $0xFFFFFF80  }
0x113: {  	[tilespmem:s9], [sflag:$0x1] =	stream.indirect.gather @!p2 [hbm4b:s1+s5], $0x80, s6, s5, $0xb8;
	[tilespmem:$0x1C200] =	vst v63  }
0x114: {  	_ =	swait.ge [sflag:s25], $0x4000  }
0x115: {  	[sflag:s25] =	ssyncset.done $0x0  }
0x116: {  	[sflag:s25] =	ssyncadd.s32 $0xFFFFC000  }
0x117: {  	[spmem:s2] =	stream.indirect.scatter.add.f32 [tilespmem:s21], [sflag:$0x3], $0x80, s22, s20, $0xb8;
	[tilespmem:$0x1C200] =	vst v63  }
0x118: {  	p3 =	sle.u32 s7, $0x3;
	s14 =	sadd.s32 $0xFFFFFFFF, s14;
	_ =	swait.ge [sflag:s18], $0x4000  }
0x119: {  	s8 =	simm.s32 @!p3 $0x3;
	s6 =	sadd.s32 @!p3 s10, s13;
	[sflag:s18] =	ssyncset.done $0x0  }
0x11a: {  	s5 =	simm.s32 @!p3 $0x80;
	s9 =	simm.s32 @!p3 $0x0;
	[sflag:s18] =	ssyncadd.s32 $0xFFFFC000  }
0x11b: {  	[tilespmem:s5], [sflag:$0x3] =	stream.linear.gather @!p3 [hbm4b:s6+s9], $0x80, $0x38;
	[tilespmem:$0x1C200] =	vst v63  }
0x11c: {  	p2 =	sne.s32 s14, $0x0;
	_ =	swait.ge @!p3 [sflag:s8], $0x80  }
.Ltmp5:
0x11d: {  	[sflag:s8] =	ssyncset.done @!p3 $0x0;
	(pc) =	sbr.rel @!p2 .LBB2_11-.Ltmp5, $4  }
0x11e: {  	s23 =	sadd.s32 @!p3 s11, s13;
	s6 =	simm.s32 @!p3 $0x180;
	[sflag:s8] =	ssyncadd.s32 @!p3 $0xFFFFFF80  }
0x11f: {  	[tilespmem:s6], [sflag:$0x3] =	stream.linear.gather @!p3 [hbm4b:s23+s9], $0x80, $0x38;
	[tilespmem:$0x1C200] =	vst v63  }
0x120: {  	s31 =	sadd.s32 $0x20, s10;
	s23 =	simm.s32 $0x5;
	_ =	swait.ge @!p3 [sflag:s8], $0x80  }
0x121: {  	s9 =	simm.s32 @!p3 $0x4200;
	s6 =	smov.u32 s11;
	[sflag:s8] =	ssyncset.done @!p3 $0x0  }
.LBB2_10:
0x122: {  	s14 =	sadd.s32 $0xFFFFFFFF, s14;
	[sflag:s8] =	ssyncadd.s32 @!p3 $0xFFFFFF80;
	s6 =	sadd.s32 $0x20, s6  }
0x123: {  	[tilespmem:s9], [sflag:$0x2] =	stream.indirect.gather @!p3 [hbm4b:s1+s5], $0x80, s5, s5, $0xb8;
	[tilespmem:$0x1C200] =	vst v63  }
0x124: {  	p2 =	sne.s32 s14, $0x0;
	_ =	swait.ge [sflag:s24], $0x4000  }
0x125: {  	[sflag:s24] =	ssyncset.done $0x0  }
0x126: {  	s5 =	sadd.s32 $0xFFFFFFFF, s23;
	[sflag:s24] =	ssyncadd.s32 $0xFFFFC000  }
0x127: {  	[spmem:s2] =	stream.indirect.scatter.add.f32 [tilespmem:s17], [sflag:$0x3], $0x80, s19, s20, $0xb8;
	[tilespmem:$0x1C200] =	vst v63  }
0x128: {  	p3 =	sge.u32 s5, s7;
	_ =	swait.ge [sflag:s18], $0x4000  }
0x129: {  	s5 =	sadd.s32 @!p3 s31, s4;
	s8 =	simm.s32 @!p3 $0x0;
	[sflag:s18] =	ssyncset.done $0x0  }
0x12a: {  	s9 =	simm.s32 @!p3 $0x3;
	[sflag:s18] =	ssyncadd.s32 $0xFFFFC000  }
0x12b: {  	[tilespmem:s8], [sflag:$0x3] =	stream.linear.gather @!p3 [hbm4b:s5+s8], $0x80, $0x38;
	[tilespmem:$0x1C200] =	vst v63  }
0x12c: {  	_ =	swait.ge @!p3 [sflag:s9], $0x80  }
0x12d: {  	s10 =	simm.s32 @!p3 $0x100;
	s5 =	sadd.s32 @!p3 s6, s4;
	[sflag:s9] =	ssyncset.done @!p3 $0x0  }
0x12e: {  	[sflag:s9] =	ssyncadd.s32 @!p3 $0xFFFFFF80  }
0x12f: {  	[tilespmem:s10], [sflag:$0x3] =	stream.linear.gather @!p3 [hbm4b:s5+s8], $0x80, $0x38;
	[tilespmem:$0x1C200] =	vst v63  }
0x130: {  	_ =	swait.ge @!p3 [sflag:s9], $0x80  }
0x131: {  	s5 =	simm.s32 @!p3 $0x80;
	s10 =	simm.s32 @!p3 $0x200;
	[sflag:s9] =	ssyncset.done @!p3 $0x0  }
0x132: {  	[sflag:s9] =	ssyncadd.s32 @!p3 $0xFFFFFF80  }
0x133: {  	[tilespmem:s10], [sflag:$0x1] =	stream.indirect.gather @!p3 [hbm4b:s1+s5], $0x80, s8, s5, $0xb8;
	[tilespmem:$0x1C200] =	vst v63  }
0x134: {  	_ =	swait.ge [sflag:s25], $0x4000  }
0x135: {  	[sflag:s25] =	ssyncset.done $0x0  }
0x136: {  	[sflag:s25] =	ssyncadd.s32 $0xFFFFC000  }
0x137: {  	[spmem:s2] =	stream.indirect.scatter.add.f32 [tilespmem:s21], [sflag:$0x3], $0x80, s22, s20, $0xb8;
	[tilespmem:$0x1C200] =	vst v63  }
0x138: {  	p3 =	sge.u32 s23, s7;
	_ =	swait.ge [sflag:s18], $0x4000  }
0x139: {  	s9 =	sadd.s32 @!p3 s31, s13;
	s5 =	simm.s32 @!p3 $0x80;
	[sflag:s18] =	ssyncset.done $0x0  }
0x13a: {  	s10 =	simm.s32 @!p3 $0x0;
	s8 =	simm.s32 @!p3 $0x3;
	[sflag:s18] =	ssyncadd.s32 $0xFFFFC000  }
0x13b: {  	[tilespmem:s5], [sflag:$0x3] =	stream.linear.gather @!p3 [hbm4b:s9+s10], $0x80, $0x38;
	[tilespmem:$0x1C200] =	vst v63  }
0x13c: {  	s9 =	simm.s32 @!p3 $0x180;
	_ =	swait.ge @!p3 [sflag:s8], $0x80  }
.Ltmp6:
0x13d: {  	s11 =	sadd.s32 @!p3 s6, s13;
	[sflag:s8] =	ssyncset.done @!p3 $0x0;
	(pc) =	sbr.rel @p2 .LBB2_10-.Ltmp6, $4  }
0x13e: {  	[sflag:s8] =	ssyncadd.s32 @!p3 $0xFFFFFF80  }
0x13f: {  	[tilespmem:s9], [sflag:$0x3] =	stream.linear.gather @!p3 [hbm4b:s11+s10], $0x80, $0x38;
	[tilespmem:$0x1C200] =	vst v63  }
0x140: {  	s23 =	sadd.s32 $0x2, s23;
	_ =	swait.ge @!p3 [sflag:s8], $0x80  }
0x141: {  	s31 =	sadd.s32 $0x20, s31;
	s9 =	simm.s32 @!p3 $0x4200;
	[sflag:s8] =	ssyncset.done @!p3 $0x0  }
.LBB2_11:
0x142: {  	[sflag:s8] =	ssyncadd.s32 @!p3 $0xFFFFFF80  }
0x143: {  	[tilespmem:s9], [sflag:$0x2] =	stream.indirect.gather @!p3 [hbm4b:s1+s5], $0x80, s5, s5, $0xb8;
	[tilespmem:$0x1C200] =	vst v63  }
0x144: {  	_ =	swait.ge [sflag:s24], $0x4000  }
0x145: {  	[sflag:s24] =	ssyncset.done $0x0  }
0x146: {  	[sflag:s24] =	ssyncadd.s32 $0xFFFFC000  }
0x147: {  	[spmem:s2] =	stream.indirect.scatter.add.f32 [tilespmem:s17], [sflag:$0x3], $0x80, s19, s20, $0xb8;
	[tilespmem:$0x1C200] =	vst v63  }
0x148: {  	_ =	swait.ge [sflag:s18], $0x4000  }
0x149: {  	[sflag:s18] =	ssyncset.done $0x0;
	s5 =	rddreg [dreg:$0x1b]  }
0x14a: {  	s6 =	simm.s32 @!p1 $0x0;
	[sflag:s18] =	ssyncadd.s32 $0xFFFFC000;
	s5 =	sadd.s32 @!p1 s29, s5  }
0x14b: {  	[tilespmem:s6], [sflag:$0x3] =	stream.linear.gather @!p1 [hbm4b:s5+s6], $0x80, $0x38;
	[tilespmem:$0x1C200] =	vst v63  }
0x14c: {  	s5 =	simm.s32 @!p1 $0x3  }
0x14d: {  	_ =	swait.ge @!p1 [sflag:s5], $0x80  }
0x14e: {  	[sflag:s5] =	ssyncset.done @!p1 $0x0  }
0x14f: {  	s8 =	simm.s32 @!p1 $0x100;
	[sflag:s5] =	ssyncadd.s32 @!p1 $0xFFFFFF80  }
0x150: {  	[tilespmem:s8], [sflag:$0x3] =	stream.linear.gather @!p1 [hbm4b:s0+s6], $0x80, $0x38;
	[tilespmem:$0x1C200] =	vst v63  }
0x151: {  	_ =	swait.ge @!p1 [sflag:s5], $0x80  }
0x152: {  	[sflag:s5] =	ssyncset.done @!p1 $0x0  }
0x153: {  	s0 =	simm.s32 @!p1 $0x80;
	[sflag:s5] =	ssyncadd.s32 @!p1 $0xFFFFFF80;
	s5 =	simm.s32 @!p1 $0x200  }
0x154: {  	[tilespmem:s5], [sflag:$0x1] =	stream.indirect.gather @!p1 [hbm4b:s1+s0], $0x80, s6, s0, $0xb8;
	[tilespmem:$0x1C200] =	vst v63  }
0x155: {  	_ =	swait.ge [sflag:s25], $0x4000  }
0x156: {  	[sflag:s25] =	ssyncset.done $0x0  }
0x157: {  	[sflag:s25] =	ssyncadd.s32 $0xFFFFC000  }
0x158: {  	[spmem:s2] =	stream.indirect.scatter.add.f32 [tilespmem:s21], [sflag:$0x3], $0x80, s22, s20, $0xb8;
	[tilespmem:$0x1C200] =	vst v63  }
0x159: {  	_ =	swait.ge [sflag:s18], $0x4000  }
0x15a: {  	s5 =	simm.s32 @!p0 $0x0;
	[sflag:s18] =	ssyncset.done $0x0;
	s0 =	rddreg [dreg:$0x17]  }
0x15b: {  	s6 =	simm.s32 @!p0 $0x80;
	[sflag:s18] =	ssyncadd.s32 $0xFFFFC000;
	s0 =	sadd.s32 @!p0 s29, s0  }
0x15c: {  	[tilespmem:s6], [sflag:$0x3] =	stream.linear.gather @!p0 [hbm4b:s0+s5], $0x80, $0x38;
	[tilespmem:$0x1C200] =	vst v63  }
0x15d: {  	s0 =	simm.s32 @!p0 $0x3  }
0x15e: {  	_ =	swait.ge @!p0 [sflag:s0], $0x80  }
0x15f: {  	[sflag:s0] =	ssyncset.done @!p0 $0x0  }
0x160: {  	s8 =	simm.s32 @!p0 $0x180;
	[sflag:s0] =	ssyncadd.s32 @!p0 $0xFFFFFF80  }
0x161: {  	[tilespmem:s8], [sflag:$0x3] =	stream.linear.gather @!p0 [hbm4b:s30+s5], $0x80, $0x38;
	[tilespmem:$0x1C200] =	vst v63  }
0x162: {  	_ =	swait.ge @!p0 [sflag:s0], $0x80  }
0x163: {  	[sflag:s0] =	ssyncset.done @!p0 $0x0  }
0x164: {  	[sflag:s0] =	ssyncadd.s32 @!p0 $0xFFFFFF80;
	s0 =	simm.s32 @!p0 $0x4200  }
0x165: {  	[tilespmem:s0], [sflag:$0x2] =	stream.indirect.gather @!p0 [hbm4b:s1+s6], $0x80, s6, s6, $0xb8;
	[tilespmem:$0x1C200] =	vst v63  }
0x166: {  	[bflag:$0x0] =	sbarrier.arrive $0xFFFF  }
0x167: {  	[tilespmem:s17], [sflag:$0x3] =	stream.linear.gather [spmem:s3], $0x4000, $0x38;
	[tilespmem:$0x1C200] =	vst v63  }
0x168: {  	_ =	swait.ge [sflag:s18], $0x4000  }
0x169: {  	[sflag:s18] =	ssyncset.done $0x0  }
0x16a: {  	s9 =	simm.s32 $0x0;
	s11 =	rddreg [dreg:$0xe];
	[sflag:s18] =	ssyncadd.s32 $0xFFFFC000  }
0x16b: {  	[hbm4b:s11+s9] =	stream.linear.scatter [tilespmem:s17], [sflag:$0x3], $0x4000, $0x38;
	[tilespmem:$0x1C200] =	vst v63  }
0x16c: {  	_ =	swait.ge [sflag:s18], $0x4000  }
0x16d: {  	[sflag:s18] =	ssyncset.done $0x0  }
0x16e: {  	s11 =	rddreg [dreg:$0x6];
	[sflag:s18] =	ssyncadd.s32 $0xFFFFC000  }
0x16f: {  	[tilespmem:s17], [sflag:$0x3] =	stream.linear.gather [spmem:s11], $0x4000, $0x38;
	[tilespmem:$0x1C200] =	vst v63  }
0x170: {  	_ =	swait.ge [sflag:s18], $0x4000  }
0x171: {  	[sflag:s18] =	ssyncset.done $0x0  }
0x172: {  	s14 =	rddreg [dreg:$0xf];
	[sflag:s18] =	ssyncadd.s32 $0xFFFFC000  }
0x173: {  	[hbm4b:s14+s9] =	stream.linear.scatter [tilespmem:s17], [sflag:$0x3], $0x4000, $0x38;
	[tilespmem:$0x1C200] =	vst v63  }
0x174: {  	_ =	swait.ge [sflag:s18], $0x4000  }
0x175: {  	[sflag:s18] =	ssyncset.done $0x0  }
0x176: {  	[sflag:s18] =	ssyncadd.s32 $0xFFFFC000  }
0x177: {  	[tilespmem:s17], [sflag:$0x3] =	stream.linear.gather [spmem:s12], $0x4000, $0x38;
	[tilespmem:$0x1C200] =	vst v63  }
0x178: {  	_ =	swait.ge [sflag:s18], $0x4000  }
0x179: {  	[sflag:s18] =	ssyncset.done $0x0  }
0x17a: {  	s23 =	rddreg [dreg:$0x10];
	[sflag:s18] =	ssyncadd.s32 $0xFFFFC000  }
0x17b: {  	[hbm4b:s23+s9] =	stream.linear.scatter [tilespmem:s17], [sflag:$0x3], $0x4000, $0x38;
	[tilespmem:$0x1C200] =	vst v63  }
0x17c: {  	_ =	swait.ge [sflag:s18], $0x4000  }
0x17d: {  	[sflag:s18] =	ssyncset.done $0x0  }
0x17e: {  	s23 =	rddreg [dreg:$0x7];
	[sflag:s18] =	ssyncadd.s32 $0xFFFFC000  }
0x17f: {  	[tilespmem:s17], [sflag:$0x3] =	stream.linear.gather [spmem:s23], $0x4000, $0x38;
	[tilespmem:$0x1C200] =	vst v63  }
0x180: {  	_ =	swait.ge [sflag:s18], $0x4000  }
0x181: {  	[sflag:s18] =	ssyncset.done $0x0  }
0x182: {  	s29 =	rddreg [dreg:$0x11];
	[sflag:s18] =	ssyncadd.s32 $0xFFFFC000  }
0x183: {  	[hbm4b:s29+s9] =	stream.linear.scatter [tilespmem:s17], [sflag:$0x3], $0x4000, $0x38;
	[tilespmem:$0x1C200] =	vst v63  }
0x184: {  	_ =	swait.ge [sflag:s18], $0x4000  }
0x185: {  	s10 =	smov.u32 s3;
	[sflag:s18] =	ssyncset.done $0x0  }
0x186: {  	s3 =	smov.u32 s12;
	s12 =	rddreg [dreg:$0x8];
	[sflag:s18] =	ssyncadd.s32 $0xFFFFC000  }
0x187: {  	[tilespmem:s17], [sflag:$0x3] =	stream.linear.gather [spmem:s12], $0x4000, $0x38;
	[tilespmem:$0x1C200] =	vst v63  }
0x188: {  	_ =	swait.ge [sflag:s18], $0x4000  }
0x189: {  	[sflag:s18] =	ssyncset.done $0x0  }
0x18a: {  	s30 =	rddreg [dreg:$0x12];
	[sflag:s18] =	ssyncadd.s32 $0xFFFFC000  }
0x18b: {  	[hbm4b:s30+s9] =	stream.linear.scatter [tilespmem:s17], [sflag:$0x3], $0x4000, $0x38;
	[tilespmem:$0x1C200] =	vst v63  }
0x18c: {  	_ =	swait.ge [sflag:s18], $0x4000  }
0x18d: {  	s28 =	sadd.s32 $0x1, s28;
	s31 =	rddreg [dreg:$0x15]  }
0x18e: {  	p0 =	sne.s32 s28, s31  }
.Ltmp7:
0x18f: {  	_ = 	snop;
	(pc) =	sbr.rel @p0 .LBB2_1-.Ltmp7, $3  }
0x190: {  	_ =	sdelay $0x1  }
0x191: {  	[sflag:s18] =	ssyncset.done $0x0  }
0x192: {  	[sflag:s18] =	ssyncadd.s32 $0xFFFFC000  }
0x193: {  	_ =	sfence.sel $0x180000  }
0x194: {  	[bflag:$0x0] =	sbarrier.arrive $0xFFFF  }
0x195: {  	_ =	strace $0x90000047  }
0x196: {  	s0 =	stileid.u32;
	[bflag:$0x2] =	sbarrier.arrive $0xFFFF  }
0x197: {  	p0 =	sne.s32 s0, $0x0;
	s0 =	rddreg [dreg:$0x3]  }
0x198: {  	s0 =	sadd.s32 @!p0 $0x100000, s0  }
0x199: {  	[sflag:s0] =	ssyncadd.tile.s32 @!p0 $0x1;
	_ =	shalt  }
.Lfunc_end2:
_tile_overlayer_lowered:
.L_overlay_start_2:
0x19a: {  	(tag) =	ssettag $0x2  }
0x19b: {  	s0 =	rddreg [dreg:$0x0];
	s2 =	stileid.u32  }
0x19c: {  	s1 =	rddreg [dreg:$0x1];
	p0 =	sne.s32 s2, $0x0  }
0x19d: {  	s3 =	rddreg [dreg:$0x2];
	[bflag:$0x3] =	sbarrier.arrive $0xFFFF;
	s2 =	simm.s32 @!p0 $0x1C03  }
0x19e: {  	[timem:s3], [sflag:s2] =	dma.local @!p0 [hbm:s0], s1  }
0x19f: {  	s0 =	simm.s32 @!p0 $0x3  }
0x1a0: {  	_ =	swait.ge @!p0 [sflag:s0], s1  }
0x1a1: {  	s1 =	ssub.s32 @!p0 $0x0, s1;
	[sflag:s0] =	ssyncset.done @!p0 $0x0  }
0x1a2: {  	[sflag:s0] =	ssyncadd.s32 @!p0 s1  }
0x1a3: {  	[bflag:$0x3] =	sbarrier.arrive $0xFFFF  }
0x1a4: {  	_ =	shalt  }

</sc_bundles>
